<compile_context>
chip_gen: v7x
topology: tpu7x:2x2x1
jax: 0.10.2.dev20260603
libtpu: 0.0.44.dev20260713+nightly
codegen_flags: <defaults>
</compile_context>

<pallas_src>
import functools

import jax
import jax.numpy as jnp
from jax import lax
from jax.experimental import pallas as pl
from jax.experimental.pallas import tpu as pltpu
from jax.experimental.pallas import tpu_sc as plsc

_NUM_CLASSES = 100000
_FEAT_DIM = 64
_BATCH = 16384
_LAMBDA_C = 0.003

_NC = 2
_NS = 16
_NL = 16
_NW = _NC * _NS
_B_PER_W = _BATCH // _NW
_GROUPS = _FEAT_DIM // _NL
_CHUNK = 128
_NCHUNK = _B_PER_W // _CHUNK

_TBLK = 128
_OROWS = _TBLK // 2
_NBLK = _NUM_CLASSES // _TBLK
_REM = _NUM_CLASSES - _NBLK * _TBLK
_TROWS = (_NUM_CLASSES + _TBLK - 1) // _TBLK * _OROWS
_LAST_SLOT = _NBLK // _NW
_REM_WID = _NBLK - _LAST_SLOT * _NW


def _relayout(centers_t, tail16):
    mesh = plsc.VectorSubcoreMesh(core_axis_name="c", subcore_axis_name="s")

    @functools.partial(
        pl.kernel,
        mesh=mesh,
        out_type=jax.ShapeDtypeStruct((_TROWS, _TBLK), jnp.float32),
        compiler_params=pltpu.CompilerParams(needs_layout_passes=False),
        scratch_types=[
            pltpu.VMEM((_FEAT_DIM, _TBLK), jnp.float32),
            pltpu.VMEM((_FEAT_DIM, _TBLK), jnp.float32),
            pltpu.VMEM((_OROWS, _TBLK), jnp.float32),
            pltpu.VMEM((_OROWS, _TBLK), jnp.float32),
            pltpu.SemaphoreType.DMA,
            pltpu.SemaphoreType.DMA,
            pltpu.SemaphoreType.DMA,
            pltpu.SemaphoreType.DMA,
        ],
    )
    def k(tab_hbm, tail_hbm, out_hbm, in0, in1, ob0, ob1, sin0, sin1, sout0, sout1):
        wid = lax.axis_index("s") * _NC + lax.axis_index("c")
        ins = (in0, in1)
        obs = (ob0, ob1)
        sins = (sin0, sin1)
        souts = (sout0, sout1)
        lane = lax.iota(jnp.int32, _NL)
        perms = tuple((lane + i) & (_NL - 1) for i in range(_NL))
        r2s = tuple(p >> 1 for p in perms)
        c2s = tuple((p & 1) * _FEAT_DIM + lane for p in perms)

        def start_in(slot, b):
            bid = slot * _NW + wid
            pltpu.async_copy(
                tab_hbm.at[:, pl.ds(bid * _TBLK, _TBLK)], ins[b], sins[b])

        def wait_in(b):
            pltpu.make_async_copy(
                tab_hbm.at[:, pl.ds(0, _TBLK)], ins[b], sins[b]).wait()

        def start_out(slot, b):
            bid = slot * _NW + wid
            pltpu.async_copy(
                obs[b], out_hbm.at[pl.ds(bid * _OROWS, _OROWS), :], souts[b])

        def wait_out(b):
            pltpu.make_async_copy(
                obs[b], out_hbm.at[pl.ds(0, _OROWS), :], souts[b]).wait()

        def transpose(b):
            ib, ob = ins[b], obs[b]

            @plsc.parallel_loop(0, _GROUPS * (_TBLK // _NL), unroll=2)
            def _(x):
                dbase = (x >> 3) * _NL
                jbase = (x & 7) * _NL
                jhalf = (x & 7) * (_NL // 2)
                dlane = lane + dbase
                for i in range(_NL):
                    cols = perms[i] + jbase
                    v = plsc.load_gather(ib, [dlane, cols])
                    rows2 = r2s[i] + jhalf
                    cols2 = c2s[i] + dbase
                    plsc.store_scatter(ob, [rows2, cols2], v)

        start_in(0, 0)
        start_in(1, 1)

        @pl.loop(0, _LAST_SLOT, step=2)
        def _(s):
            for b in (0, 1):
                t = s + b
                wait_in(b)

                @pl.when((t + 2) * _NW + wid < _NBLK)
                def _():
                    start_in(t + 2, b)

                @pl.when(s > 0)
                def _():
                    wait_out(b)

                transpose(b)
                start_out(t, b)

        @pl.when(_LAST_SLOT * _NW + wid < _NBLK)
        def _():
            wait_in(0)
            wait_out(0)
            transpose(0)
            start_out(_LAST_SLOT, 0)

        wait_out(0)
        wait_out(1)

        @pl.when(wid == _REM_WID)
        def _():
            pltpu.sync_copy(tail_hbm, ob1.at[pl.ds(0, _REM // 2), :])
            pltpu.sync_copy(
                ob1.at[pl.ds(0, _REM // 2), :],
                out_hbm.at[pl.ds(_NBLK * _OROWS, _REM // 2), :])

    return k(centers_t, tail16)


def _partials(features, labels, table):
    mesh = plsc.VectorSubcoreMesh(core_axis_name="c", subcore_axis_name="s")

    @functools.partial(
        pl.kernel,
        mesh=mesh,
        out_type=jax.ShapeDtypeStruct((_NW, _NL), jnp.float32),
        compiler_params=pltpu.CompilerParams(needs_layout_passes=False),
        scratch_types=[
            pltpu.VMEM((_B_PER_W,), jnp.int32),
            pltpu.VMEM((_B_PER_W,), jnp.int32),
            pltpu.VMEM((_B_PER_W,), jnp.int32),
            pltpu.VMEM((_B_PER_W, _FEAT_DIM), jnp.float32),
            pltpu.VMEM((_CHUNK, 2 * _FEAT_DIM), jnp.float32),
            pltpu.VMEM((_CHUNK, 2 * _FEAT_DIM), jnp.float32),
            pltpu.VMEM((_NL,), jnp.float32),
            pltpu.SemaphoreType.DMA,
            pltpu.SemaphoreType.DMA,
            pltpu.SemaphoreType.DMA,
        ],
    )
    def k(feat_hbm, idx_hbm, table_hbm, out_hbm,
          idx_v, idx2_v, off_v, feat_v, rows0_v, rows1_v, acc_v,
          gsem0, gsem1, fsem):
        wid = lax.axis_index("s") * _NC + lax.axis_index("c")
        base = wid * _B_PER_W
        fcopy = pltpu.async_copy(
            feat_hbm.at[pl.ds(base, _B_PER_W), :], feat_v, fsem)
        pltpu.sync_copy(idx_hbm.at[pl.ds(base, _B_PER_W)], idx_v)

        @pl.loop(0, _B_PER_W, step=_NL)
        def _(r0):
            lab = idx_v[pl.ds(r0, _NL)]
            idx2_v[pl.ds(r0, _NL)] = lab >> 1
            off_v[pl.ds(r0, _NL)] = (lab & 1) * _FEAT_DIM

        rows_bufs = (rows0_v, rows1_v)
        gsems = (gsem0, gsem1)

        def gather(c):
            return pltpu.async_copy(
                table_hbm.at[idx2_v.at[pl.ds(c * _CHUNK, _CHUNK)]],
                rows_bufs[c % 2], gsems[c % 2])

        pending = gather(0)
        fcopy.wait()
        accs = tuple(jnp.zeros((_NL,), jnp.float32) for _ in range(_GROUPS))
        lane = lax.iota(jnp.int32, _NL)
        for c in range(_NCHUNK):
            pending.wait()
            if c + 1 < _NCHUNK:
                pending = gather(c + 1)
            rows_v = rows_bufs[c % 2]
            rbase = c * _CHUNK

            @plsc.parallel_loop(0, _CHUNK, unroll=2, carry=accs)
            def body(r, accs, rows_v=rows_v, rbase=rbase):
                rvec = jnp.full((_NL,), r, jnp.int32)
                colbase = plsc.load_gather(
                    off_v, [jnp.full((_NL,), rbase + r, jnp.int32)]) + lane
                out = []
                for g in range(_GROUPS):
                    f = feat_v[rbase + r, pl.ds(g * _NL, _NL)]
                    cc = plsc.load_gather(rows_v, [rvec, colbase + g * _NL])
                    d = f - cc
                    out.append(accs[g] + d * d)
                return tuple(out)

            accs = body
        acc_v[...] = accs[0] + accs[1] + accs[2] + accs[3]
        pltpu.sync_copy(acc_v, out_hbm.at[wid])

    return k(features, labels, table)


@jax.jit
def kernel(features, labels, centers):
    idx = labels.astype(jnp.int32)
    tail16 = centers[_NBLK * _TBLK:].reshape(_REM // 2, _TBLK)
    table = _relayout(centers.T, tail16)
    parts = _partials(features, idx, table)
    return (_LAMBDA_C / features.shape[0]) * jnp.sum(parts)

# --- scband reference (transcript-rebuilt; emitter-appended) ---
"""Pipeline reference for scband-center-loss-35562329211348 (READ-ONLY COPY).

The authoritative reference and input builder live on the scoring server;
editing this copy changes nothing except your own understanding.
"""

import jax, jax.numpy as jnp
import numpy as np

NUM_CLASSES = 100000
FEAT_DIM = 64
BATCH = 16384
LAMBDA_C = 0.003


def setup_inputs(seed: int = 0) -> dict:
    key = jax.random.key(seed)
    k1, k2, k3 = jax.random.split(key, 3)
    features = jax.random.normal(k1, (BATCH, FEAT_DIM), dtype=jnp.float32)
    labels = jax.random.randint(k2, (BATCH,), 0, NUM_CLASSES, dtype=jnp.int64)
    # xavier_uniform init for centers: bound = sqrt(6/(fan_in+fan_out))
    bound = float(np.sqrt(6.0 / (NUM_CLASSES + FEAT_DIM)))
    centers = jax.random.uniform(k3, (NUM_CLASSES, FEAT_DIM), dtype=jnp.float32, minval=-bound, maxval=bound)
    return {"features": features, "labels": labels, "centers": centers}


def reference(features, labels, centers):
    batch_size = features.shape[0]
    centers_batch = jnp.take(centers, labels, axis=0)  # gather [B, feat_dim]
    loss = jnp.sum((features - centers_batch) ** 2) / batch_size
    return LAMBDA_C * loss

if __name__ == "__main__":
    import jax
    _d = setup_inputs()
    print(jax.jit(kernel)(*tuple(_d.values())))

</pallas_src>

<mosaic_0001>
#map = affine_map<(d0, d1) -> (0, 0)>
#map1 = affine_map<(d0, d1) -> (0)>
module attributes {stable_mosaic.version = 14 : i64} {
  func.func @k(%arg0: i32, %arg1: i32, %arg2: memref<16384x64xf32, #tpu.memory_space<hbm>>, %arg3: memref<16384xi32, #tpu.memory_space<hbm>>, %arg4: memref<50048x128xf32, #tpu.memory_space<hbm>>, %arg5: memref<32x16xf32, #tpu.memory_space<hbm>>, %arg6: memref<512xi32, #tpu.memory_space<vmem>>, %arg7: memref<512xi32, #tpu.memory_space<vmem>>, %arg8: memref<512xi32, #tpu.memory_space<vmem>>, %arg9: memref<512x64xf32, #tpu.memory_space<vmem>>, %arg10: memref<128x128xf32, #tpu.memory_space<vmem>>, %arg11: memref<128x128xf32, #tpu.memory_space<vmem>>, %arg12: memref<16xf32, #tpu.memory_space<vmem>>, %arg13: memref<!tpu.dma_semaphore, #tpu.memory_space<semaphore_mem>>, %arg14: memref<!tpu.dma_semaphore, #tpu.memory_space<semaphore_mem>>, %arg15: memref<!tpu.dma_semaphore, #tpu.memory_space<semaphore_mem>>) attributes {dimension_semantics = [#tpu.dimension_semantics<core_parallel>, #tpu.dimension_semantics<subcore_parallel>], iteration_bounds = array<i64: 2, 16>, scalar_prefetch = 0 : i64, scratch_operands = 10 : i64, tpu.core_type = #tpu.core_type<sc_vector_subcore>, window_params = [{transform_indices = #map}, {transform_indices = #map1}, {transform_indices = #map}, {transform_indices = #map}]} {
    %mul3A = arith.constant 2 : i32
    %mul3A_0 = arith.muli %arg1, %mul3A : i32
    %add3A = arith.addi %mul3A_0, %arg0 : i32
    %mul3A_1 = arith.constant 512 : i32
    %mul3A_2 = arith.muli %add3A, %mul3A_1 : i32
    %dma_start3A = arith.constant 0 : i32
    %dma_start3A_3 = tpu.memref_slice %arg2[%mul3A_2, %dma_start3A] : memref<16384x64xf32, #tpu.memory_space<hbm>> -> memref<512x64xf32, #tpu.memory_space<hbm>>
    %dma_start3A_4 = arith.constant 0 : i32
    %dma_start3A_5 = tpu.memref_slice %arg2[%mul3A_2, %dma_start3A_4] : memref<16384x64xf32, #tpu.memory_space<hbm>> -> memref<512x64xf32, #tpu.memory_space<hbm>>
    tpu.enqueue_dma source(%dma_start3A_5 : memref<512x64xf32, #tpu.memory_space<hbm>>) target(%arg9 : memref<512x64xf32, #tpu.memory_space<vmem>>) target_semaphore(%arg15 : memref<!tpu.dma_semaphore, #tpu.memory_space<semaphore_mem>>)
    "tpu.region"() ({
      %run_scoped3A = tpu.sem_alloc : memref<!tpu.dma_semaphore, #tpu.memory_space<semaphore_mem>>
      %dma_start3A_79 = tpu.memref_slice %arg3[%mul3A_2] : memref<16384xi32, #tpu.memory_space<hbm>> -> memref<512xi32, #tpu.memory_space<hbm>>
      %dma_start3A_80 = tpu.memref_slice %arg3[%mul3A_2] : memref<16384xi32, #tpu.memory_space<hbm>> -> memref<512xi32, #tpu.memory_space<hbm>>
      tpu.enqueue_dma source(%dma_start3A_80 : memref<512xi32, #tpu.memory_space<hbm>>) target(%arg6 : memref<512xi32, #tpu.memory_space<vmem>>) target_semaphore(%run_scoped3A : memref<!tpu.dma_semaphore, #tpu.memory_space<semaphore_mem>>)
      %dma_wait3A_81 = tpu.memref_slice %arg3[%mul3A_2] : memref<16384xi32, #tpu.memory_space<hbm>> -> memref<512xi32, #tpu.memory_space<hbm>>
      %dma_wait3A_82 = tpu.memref_slice %arg3[%mul3A_2] : memref<16384xi32, #tpu.memory_space<hbm>> -> memref<512xi32, #tpu.memory_space<hbm>>
      tpu.wait_dma2 semaphore(%run_scoped3A : memref<!tpu.dma_semaphore, #tpu.memory_space<semaphore_mem>>) src(%dma_wait3A_82 : memref<512xi32, #tpu.memory_space<hbm>>) dst(%arg6 : memref<512xi32, #tpu.memory_space<vmem>>)
      tpu.yield
    }) : () -> ()
    %scan3A = arith.constant 0 : i32
    %scan3A_6 = arith.constant 32 : i32
    %scan3A_7 = arith.addi %scan3A, %scan3A_6 : i32
    %scan3A_8 = arith.constant 1 : i32
    scf.for %scan3A_79 = %scan3A to %scan3A_7 step %scan3A_8  : i32 {
      %mul3A_80 = arith.constant 16 : i32
      %mul3A_81 = arith.muli %scan3A_79, %mul3A_80 : i32
      %add3A_82 = arith.constant 0 : i32
      %add3A_83 = arith.addi %add3A_82, %mul3A_81 : i32
      %get3A = arith.index_cast %add3A_83 : i32 to index
      %get3A_84 = tpu.vector_load %arg6[%get3A] {strides = array<i32>} : memref<512xi32, #tpu.memory_space<vmem>>, vector<16xi32>,
      %shift_right_arithmetic3A = arith.constant 1 : i32
      %shift_right_arithmetic3A_85 = vector.broadcast %shift_right_arithmetic3A : i32 to vector<16xi32>
      %shift_right_arithmetic3A_86 = arith.shrsi %get3A_84, %shift_right_arithmetic3A_85 : vector<16xi32>
      %swap3A_87 = arith.index_cast %add3A_83 : i32 to index
      %swap3A_88 = tpu.vector_load %arg7[%swap3A_87] {strides = array<i32>} : memref<512xi32, #tpu.memory_space<vmem>>, vector<16xi32>,
      tpu.vector_store %arg7[%swap3A_87], %shift_right_arithmetic3A_86 {strides = array<i32>} : memref<512xi32, #tpu.memory_space<vmem>>, vector<16xi32>,
      %and3A = arith.constant 1 : i32
      %and3A_89 = vector.broadcast %and3A : i32 to vector<16xi32>
      %and3A_90 = arith.andi %get3A_84, %and3A_89 : vector<16xi32>
      %mul3A_91 = arith.constant 64 : i32
      %mul3A_92 = vector.broadcast %mul3A_91 : i32 to vector<16xi32>
      %mul3A_93 = arith.muli %and3A_90, %mul3A_92 : vector<16xi32>
      %swap3A_94 = arith.index_cast %add3A_83 : i32 to index
      %swap3A_95 = tpu.vector_load %arg8[%swap3A_94] {strides = array<i32>} : memref<512xi32, #tpu.memory_space<vmem>>, vector<16xi32>,
      tpu.vector_store %arg8[%swap3A_94], %mul3A_93 {strides = array<i32>} : memref<512xi32, #tpu.memory_space<vmem>>, vector<16xi32>,
    }
    %scan3A_9 = arith.constant 32 : i32
    %dma_start3A_10 = arith.constant 0 : i32
    %dma_start3A_11 = tpu.memref_slice %arg7[%dma_start3A_10] : memref<512xi32, #tpu.memory_space<vmem>> -> memref<128xi32, #tpu.memory_space<vmem>>
    %dma_start3A_12 = arith.constant 0 : i32
    %dma_start3A_13 = arith.constant 0 : i32
    %dma_start3A_14 = tpu.memref_slice %arg4[%dma_start3A_12, %dma_start3A_13] : memref<50048x128xf32, #tpu.memory_space<hbm>> -> memref<50048x128xf32, #tpu.memory_space<hbm>>
    tpu.enqueue_indirect_dma source(%dma_start3A_14 : memref<50048x128xf32, #tpu.memory_space<hbm>>) target(%arg10 : memref<128x128xf32, #tpu.memory_space<vmem>>) offsets(%dma_start3A_11 : memref<128xi32, #tpu.memory_space<vmem>>) semaphore(%arg13 : memref<!tpu.dma_semaphore, #tpu.memory_space<semaphore_mem>>)
    %dma_wait3A = arith.constant 0 : i32
    %dma_wait3A_15 = tpu.memref_slice %arg2[%mul3A_2, %dma_wait3A] : memref<16384x64xf32, #tpu.memory_space<hbm>> -> memref<512x64xf32, #tpu.memory_space<hbm>>
    %dma_wait3A_16 = arith.constant 0 : i32
    %dma_wait3A_17 = tpu.memref_slice %arg2[%mul3A_2, %dma_wait3A_16] : memref<16384x64xf32, #tpu.memory_space<hbm>> -> memref<512x64xf32, #tpu.memory_space<hbm>>
    tpu.wait_dma2 semaphore(%arg15 : memref<!tpu.dma_semaphore, #tpu.memory_space<semaphore_mem>>) src(%dma_wait3A_17 : memref<512x64xf32, #tpu.memory_space<hbm>>) dst(%arg9 : memref<512x64xf32, #tpu.memory_space<vmem>>)
    %broadcast_in_dim3A = arith.constant 0.000000e+00 : f32
    %broadcast_in_dim3A_18 = vector.broadcast %broadcast_in_dim3A : f32 to vector<16xf32>
    %broadcast_in_dim3A_19 = arith.constant 0.000000e+00 : f32
    %broadcast_in_dim3A_20 = vector.broadcast %broadcast_in_dim3A_19 : f32 to vector<16xf32>
    %broadcast_in_dim3A_21 = arith.constant 0.000000e+00 : f32
    %broadcast_in_dim3A_22 = vector.broadcast %broadcast_in_dim3A_21 : f32 to vector<16xf32>
    %broadcast_in_dim3A_23 = arith.constant 0.000000e+00 : f32
    %broadcast_in_dim3A_24 = vector.broadcast %broadcast_in_dim3A_23 : f32 to vector<16xf32>
    %iota3A = tpu.iota {dimensions = array<i32: 0>} : vector<16xi32>
    %dma_wait3A_25 = arith.constant 0 : i32
    %dma_wait3A_26 = tpu.memref_slice %arg7[%dma_wait3A_25] : memref<512xi32, #tpu.memory_space<vmem>> -> memref<128xi32, #tpu.memory_space<vmem>>
    %dma_wait3A_27 = arith.constant 0 : i32
    %dma_wait3A_28 = arith.constant 0 : i32
    %dma_wait3A_29 = tpu.memref_slice %arg4[%dma_wait3A_27, %dma_wait3A_28] : memref<50048x128xf32, #tpu.memory_space<hbm>> -> memref<50048x128xf32, #tpu.memory_space<hbm>>
    tpu.wait_indirect_dma semaphore(%arg13 : memref<!tpu.dma_semaphore, #tpu.memory_space<semaphore_mem>>) src(%dma_wait3A_29 : memref<50048x128xf32, #tpu.memory_space<hbm>>) dst(%arg10 : memref<128x128xf32, #tpu.memory_space<vmem>>)
    %dma_start3A_30 = arith.constant 128 : i32
    %dma_start3A_31 = tpu.memref_slice %arg7[%dma_start3A_30] : memref<512xi32, #tpu.memory_space<vmem>> -> memref<128xi32, #tpu.memory_space<vmem>>
    %dma_start3A_32 = arith.constant 0 : i32
    %dma_start3A_33 = arith.constant 0 : i32
    %dma_start3A_34 = tpu.memref_slice %arg4[%dma_start3A_32, %dma_start3A_33] : memref<50048x128xf32, #tpu.memory_space<hbm>> -> memref<50048x128xf32, #tpu.memory_space<hbm>>
    tpu.enqueue_indirect_dma source(%dma_start3A_34 : memref<50048x128xf32, #tpu.memory_space<hbm>>) target(%arg11 : memref<128x128xf32, #tpu.memory_space<vmem>>) offsets(%dma_start3A_31 : memref<128xi32, #tpu.memory_space<vmem>>) semaphore(%arg14 : memref<!tpu.dma_semaphore, #tpu.memory_space<semaphore_mem>>)
    %parallel_loop3A = arith.constant 0 : i32
    %parallel_loop3A_35 = arith.constant 128 : i32
    %parallel_loop3A_36 = arith.constant 1 : i32
    %parallel_loop3A_37:4 = scf.for %parallel_loop3A_79 = %parallel_loop3A to %parallel_loop3A_35 step %parallel_loop3A_36 iter_args(%parallel_loop3A_80 = %broadcast_in_dim3A_18, %parallel_loop3A_81 = %broadcast_in_dim3A_20, %parallel_loop3A_82 = %broadcast_in_dim3A_22, %parallel_loop3A_83 = %broadcast_in_dim3A_24) -> (vector<16xf32>, vector<16xf32>, vector<16xf32>, vector<16xf32>)  : i32 {
      %parallel_loop3A_84 = vector.broadcast %parallel_loop3A_79 : i32 to vector<16xi32>
      %parallel_loop3A_85 = arith.constant 0 : i32
      %parallel_loop3A_86 = arith.addi %parallel_loop3A_85, %parallel_loop3A_79 : i32
      %parallel_loop3A_87 = vector.broadcast %parallel_loop3A_86 : i32 to vector<16xi32>
      %parallel_loop3A_88 = tpu.vector_load_idx %arg8[%parallel_loop3A_87] : memref<512xi32, #tpu.memory_space<vmem>>[vector<16xi32>], vector<16xi32>,
      %parallel_loop3A_89 = arith.addi %parallel_loop3A_88, %iota3A : vector<16xi32>
      %parallel_loop3A_90 = arith.constant 0 : i32
      %parallel_loop3A_91 = arith.addi %parallel_loop3A_90, %parallel_loop3A_79 : i32
      %parallel_loop3A_92 = arith.index_cast %parallel_loop3A_91 : i32 to index
      %parallel_loop3A_93 = arith.constant 0 : index
      %parallel_loop3A_94 = tpu.vector_load %arg9[%parallel_loop3A_92, %parallel_loop3A_93] {strides = array<i32>} : memref<512x64xf32, #tpu.memory_space<vmem>>, vector<16xf32>,
      %parallel_loop3A_95 = arith.constant 0 : i32
      %parallel_loop3A_96 = vector.broadcast %parallel_loop3A_95 : i32 to vector<16xi32>
      %parallel_loop3A_97 = arith.addi %parallel_loop3A_89, %parallel_loop3A_96 : vector<16xi32>
      %parallel_loop3A_98 = tpu.vector_load_idx %arg10[%parallel_loop3A_84, %parallel_loop3A_97] : memref<128x128xf32, #tpu.memory_space<vmem>>[vector<16xi32>, vector<16xi32>], vector<16xf32>,
      %parallel_loop3A_99 = arith.subf %parallel_loop3A_94, %parallel_loop3A_98 : vector<16xf32>
      %parallel_loop3A_100 = arith.mulf %parallel_loop3A_99, %parallel_loop3A_99 : vector<16xf32>
      %parallel_loop3A_101 = arith.addf %parallel_loop3A_80, %parallel_loop3A_100 : vector<16xf32>
      %parallel_loop3A_102 = arith.constant 0 : i32
      %parallel_loop3A_103 = arith.addi %parallel_loop3A_102, %parallel_loop3A_79 : i32
      %parallel_loop3A_104 = arith.index_cast %parallel_loop3A_103 : i32 to index
      %parallel_loop3A_105 = arith.constant 16 : index
      %parallel_loop3A_106 = tpu.vector_load %arg9[%parallel_loop3A_104, %parallel_loop3A_105] {strides = array<i32>} : memref<512x64xf32, #tpu.memory_space<vmem>>, vector<16xf32>,
      %parallel_loop3A_107 = arith.constant 16 : i32
      %parallel_loop3A_108 = vector.broadcast %parallel_loop3A_107 : i32 to vector<16xi32>
      %parallel_loop3A_109 = arith.addi %parallel_loop3A_89, %parallel_loop3A_108 : vector<16xi32>
      %parallel_loop3A_110 = tpu.vector_load_idx %arg10[%parallel_loop3A_84, %parallel_loop3A_109] : memref<128x128xf32, #tpu.memory_space<vmem>>[vector<16xi32>, vector<16xi32>], vector<16xf32>,
      %parallel_loop3A_111 = arith.subf %parallel_loop3A_106, %parallel_loop3A_110 : vector<16xf32>
      %parallel_loop3A_112 = arith.mulf %parallel_loop3A_111, %parallel_loop3A_111 : vector<16xf32>
      %parallel_loop3A_113 = arith.addf %parallel_loop3A_81, %parallel_loop3A_112 : vector<16xf32>
      %parallel_loop3A_114 = arith.constant 0 : i32
      %parallel_loop3A_115 = arith.addi %parallel_loop3A_114, %parallel_loop3A_79 : i32
      %parallel_loop3A_116 = arith.index_cast %parallel_loop3A_115 : i32 to index
      %parallel_loop3A_117 = arith.constant 32 : index
      %parallel_loop3A_118 = tpu.vector_load %arg9[%parallel_loop3A_116, %parallel_loop3A_117] {strides = array<i32>} : memref<512x64xf32, #tpu.memory_space<vmem>>, vector<16xf32>,
      %parallel_loop3A_119 = arith.constant 32 : i32
      %parallel_loop3A_120 = vector.broadcast %parallel_loop3A_119 : i32 to vector<16xi32>
      %parallel_loop3A_121 = arith.addi %parallel_loop3A_89, %parallel_loop3A_120 : vector<16xi32>
      %parallel_loop3A_122 = tpu.vector_load_idx %arg10[%parallel_loop3A_84, %parallel_loop3A_121] : memref<128x128xf32, #tpu.memory_space<vmem>>[vector<16xi32>, vector<16xi32>], vector<16xf32>,
      %parallel_loop3A_123 = arith.subf %parallel_loop3A_118, %parallel_loop3A_122 : vector<16xf32>
      %parallel_loop3A_124 = arith.mulf %parallel_loop3A_123, %parallel_loop3A_123 : vector<16xf32>
      %parallel_loop3A_125 = arith.addf %parallel_loop3A_82, %parallel_loop3A_124 : vector<16xf32>
      %parallel_loop3A_126 = arith.constant 0 : i32
      %parallel_loop3A_127 = arith.addi %parallel_loop3A_126, %parallel_loop3A_79 : i32
      %parallel_loop3A_128 = arith.index_cast %parallel_loop3A_127 : i32 to index
      %parallel_loop3A_129 = arith.constant 48 : index
      %parallel_loop3A_130 = tpu.vector_load %arg9[%parallel_loop3A_128, %parallel_loop3A_129] {strides = array<i32>} : memref<512x64xf32, #tpu.memory_space<vmem>>, vector<16xf32>,
      %parallel_loop3A_131 = arith.constant 48 : i32
      %parallel_loop3A_132 = vector.broadcast %parallel_loop3A_131 : i32 to vector<16xi32>
      %parallel_loop3A_133 = arith.addi %parallel_loop3A_89, %parallel_loop3A_132 : vector<16xi32>
      %parallel_loop3A_134 = tpu.vector_load_idx %arg10[%parallel_loop3A_84, %parallel_loop3A_133] : memref<128x128xf32, #tpu.memory_space<vmem>>[vector<16xi32>, vector<16xi32>], vector<16xf32>,
      %parallel_loop3A_135 = arith.subf %parallel_loop3A_130, %parallel_loop3A_134 : vector<16xf32>
      %parallel_loop3A_136 = arith.mulf %parallel_loop3A_135, %parallel_loop3A_135 : vector<16xf32>
      %parallel_loop3A_137 = arith.addf %parallel_loop3A_83, %parallel_loop3A_136 : vector<16xf32>
      scf.yield %parallel_loop3A_101, %parallel_loop3A_113, %parallel_loop3A_125, %parallel_loop3A_137 : vector<16xf32>, vector<16xf32>, vector<16xf32>, vector<16xf32>
    } {sc.loop_unroll_factor = 2 : i64, sc.parallel_access}
    %dma_wait3A_38 = arith.constant 128 : i32
    %dma_wait3A_39 = tpu.memref_slice %arg7[%dma_wait3A_38] : memref<512xi32, #tpu.memory_space<vmem>> -> memref<128xi32, #tpu.memory_space<vmem>>
    %dma_wait3A_40 = arith.constant 0 : i32
    %dma_wait3A_41 = arith.constant 0 : i32
    %dma_wait3A_42 = tpu.memref_slice %arg4[%dma_wait3A_40, %dma_wait3A_41] : memref<50048x128xf32, #tpu.memory_space<hbm>> -> memref<50048x128xf32, #tpu.memory_space<hbm>>
    tpu.wait_indirect_dma semaphore(%arg14 : memref<!tpu.dma_semaphore, #tpu.memory_space<semaphore_mem>>) src(%dma_wait3A_42 : memref<50048x128xf32, #tpu.memory_space<hbm>>) dst(%arg11 : memref<128x128xf32, #tpu.memory_space<vmem>>)
    %dma_start3A_43 = arith.constant 256 : i32
    %dma_start3A_44 = tpu.memref_slice %arg7[%dma_start3A_43] : memref<512xi32, #tpu.memory_space<vmem>> -> memref<128xi32, #tpu.memory_space<vmem>>
    %dma_start3A_45 = arith.constant 0 : i32
    %dma_start3A_46 = arith.constant 0 : i32
    %dma_start3A_47 = tpu.memref_slice %arg4[%dma_start3A_45, %dma_start3A_46] : memref<50048x128xf32, #tpu.memory_space<hbm>> -> memref<50048x128xf32, #tpu.memory_space<hbm>>
    tpu.enqueue_indirect_dma source(%dma_start3A_47 : memref<50048x128xf32, #tpu.memory_space<hbm>>) target(%arg10 : memref<128x128xf32, #tpu.memory_space<vmem>>) offsets(%dma_start3A_44 : memref<128xi32, #tpu.memory_space<vmem>>) semaphore(%arg13 : memref<!tpu.dma_semaphore, #tpu.memory_space<semaphore_mem>>)
    %parallel_loop3A_48 = arith.constant 0 : i32
    %parallel_loop3A_49 = arith.constant 128 : i32
    %parallel_loop3A_50 = arith.constant 1 : i32
    %parallel_loop3A_51:4 = scf.for %parallel_loop3A_79 = %parallel_loop3A_48 to %parallel_loop3A_49 step %parallel_loop3A_50 iter_args(%parallel_loop3A_80 = %parallel_loop3A_37#0, %parallel_loop3A_81 = %parallel_loop3A_37#1, %parallel_loop3A_82 = %parallel_loop3A_37#2, %parallel_loop3A_83 = %parallel_loop3A_37#3) -> (vector<16xf32>, vector<16xf32>, vector<16xf32>, vector<16xf32>)  : i32 {
      %parallel_loop3A_84 = vector.broadcast %parallel_loop3A_79 : i32 to vector<16xi32>
      %parallel_loop3A_85 = arith.constant 128 : i32
      %parallel_loop3A_86 = arith.addi %parallel_loop3A_85, %parallel_loop3A_79 : i32
      %parallel_loop3A_87 = vector.broadcast %parallel_loop3A_86 : i32 to vector<16xi32>
      %parallel_loop3A_88 = tpu.vector_load_idx %arg8[%parallel_loop3A_87] : memref<512xi32, #tpu.memory_space<vmem>>[vector<16xi32>], vector<16xi32>,
      %parallel_loop3A_89 = arith.addi %parallel_loop3A_88, %iota3A : vector<16xi32>
      %parallel_loop3A_90 = arith.constant 128 : i32
      %parallel_loop3A_91 = arith.addi %parallel_loop3A_90, %parallel_loop3A_79 : i32
      %parallel_loop3A_92 = arith.index_cast %parallel_loop3A_91 : i32 to index
      %parallel_loop3A_93 = arith.constant 0 : index
      %parallel_loop3A_94 = tpu.vector_load %arg9[%parallel_loop3A_92, %parallel_loop3A_93] {strides = array<i32>} : memref<512x64xf32, #tpu.memory_space<vmem>>, vector<16xf32>,
      %parallel_loop3A_95 = arith.constant 0 : i32
      %parallel_loop3A_96 = vector.broadcast %parallel_loop3A_95 : i32 to vector<16xi32>
      %parallel_loop3A_97 = arith.addi %parallel_loop3A_89, %parallel_loop3A_96 : vector<16xi32>
      %parallel_loop3A_98 = tpu.vector_load_idx %arg11[%parallel_loop3A_84, %parallel_loop3A_97] : memref<128x128xf32, #tpu.memory_space<vmem>>[vector<16xi32>, vector<16xi32>], vector<16xf32>,
      %parallel_loop3A_99 = arith.subf %parallel_loop3A_94, %parallel_loop3A_98 : vector<16xf32>
      %parallel_loop3A_100 = arith.mulf %parallel_loop3A_99, %parallel_loop3A_99 : vector<16xf32>
      %parallel_loop3A_101 = arith.addf %parallel_loop3A_80, %parallel_loop3A_100 : vector<16xf32>
      %parallel_loop3A_102 = arith.constant 128 : i32
      %parallel_loop3A_103 = arith.addi %parallel_loop3A_102, %parallel_loop3A_79 : i32
      %parallel_loop3A_104 = arith.index_cast %parallel_loop3A_103 : i32 to index
      %parallel_loop3A_105 = arith.constant 16 : index
      %parallel_loop3A_106 = tpu.vector_load %arg9[%parallel_loop3A_104, %parallel_loop3A_105] {strides = array<i32>} : memref<512x64xf32, #tpu.memory_space<vmem>>, vector<16xf32>,
      %parallel_loop3A_107 = arith.constant 16 : i32
      %parallel_loop3A_108 = vector.broadcast %parallel_loop3A_107 : i32 to vector<16xi32>
      %parallel_loop3A_109 = arith.addi %parallel_loop3A_89, %parallel_loop3A_108 : vector<16xi32>
      %parallel_loop3A_110 = tpu.vector_load_idx %arg11[%parallel_loop3A_84, %parallel_loop3A_109] : memref<128x128xf32, #tpu.memory_space<vmem>>[vector<16xi32>, vector<16xi32>], vector<16xf32>,
      %parallel_loop3A_111 = arith.subf %parallel_loop3A_106, %parallel_loop3A_110 : vector<16xf32>
      %parallel_loop3A_112 = arith.mulf %parallel_loop3A_111, %parallel_loop3A_111 : vector<16xf32>
      %parallel_loop3A_113 = arith.addf %parallel_loop3A_81, %parallel_loop3A_112 : vector<16xf32>
      %parallel_loop3A_114 = arith.constant 128 : i32
      %parallel_loop3A_115 = arith.addi %parallel_loop3A_114, %parallel_loop3A_79 : i32
      %parallel_loop3A_116 = arith.index_cast %parallel_loop3A_115 : i32 to index
      %parallel_loop3A_117 = arith.constant 32 : index
      %parallel_loop3A_118 = tpu.vector_load %arg9[%parallel_loop3A_116, %parallel_loop3A_117] {strides = array<i32>} : memref<512x64xf32, #tpu.memory_space<vmem>>, vector<16xf32>,
      %parallel_loop3A_119 = arith.constant 32 : i32
      %parallel_loop3A_120 = vector.broadcast %parallel_loop3A_119 : i32 to vector<16xi32>
      %parallel_loop3A_121 = arith.addi %parallel_loop3A_89, %parallel_loop3A_120 : vector<16xi32>
      %parallel_loop3A_122 = tpu.vector_load_idx %arg11[%parallel_loop3A_84, %parallel_loop3A_121] : memref<128x128xf32, #tpu.memory_space<vmem>>[vector<16xi32>, vector<16xi32>], vector<16xf32>,
      %parallel_loop3A_123 = arith.subf %parallel_loop3A_118, %parallel_loop3A_122 : vector<16xf32>
      %parallel_loop3A_124 = arith.mulf %parallel_loop3A_123, %parallel_loop3A_123 : vector<16xf32>
      %parallel_loop3A_125 = arith.addf %parallel_loop3A_82, %parallel_loop3A_124 : vector<16xf32>
      %parallel_loop3A_126 = arith.constant 128 : i32
      %parallel_loop3A_127 = arith.addi %parallel_loop3A_126, %parallel_loop3A_79 : i32
      %parallel_loop3A_128 = arith.index_cast %parallel_loop3A_127 : i32 to index
      %parallel_loop3A_129 = arith.constant 48 : index
      %parallel_loop3A_130 = tpu.vector_load %arg9[%parallel_loop3A_128, %parallel_loop3A_129] {strides = array<i32>} : memref<512x64xf32, #tpu.memory_space<vmem>>, vector<16xf32>,
      %parallel_loop3A_131 = arith.constant 48 : i32
      %parallel_loop3A_132 = vector.broadcast %parallel_loop3A_131 : i32 to vector<16xi32>
      %parallel_loop3A_133 = arith.addi %parallel_loop3A_89, %parallel_loop3A_132 : vector<16xi32>
      %parallel_loop3A_134 = tpu.vector_load_idx %arg11[%parallel_loop3A_84, %parallel_loop3A_133] : memref<128x128xf32, #tpu.memory_space<vmem>>[vector<16xi32>, vector<16xi32>], vector<16xf32>,
      %parallel_loop3A_135 = arith.subf %parallel_loop3A_130, %parallel_loop3A_134 : vector<16xf32>
      %parallel_loop3A_136 = arith.mulf %parallel_loop3A_135, %parallel_loop3A_135 : vector<16xf32>
      %parallel_loop3A_137 = arith.addf %parallel_loop3A_83, %parallel_loop3A_136 : vector<16xf32>
      scf.yield %parallel_loop3A_101, %parallel_loop3A_113, %parallel_loop3A_125, %parallel_loop3A_137 : vector<16xf32>, vector<16xf32>, vector<16xf32>, vector<16xf32>
    } {sc.loop_unroll_factor = 2 : i64, sc.parallel_access}
    %dma_wait3A_52 = arith.constant 256 : i32
    %dma_wait3A_53 = tpu.memref_slice %arg7[%dma_wait3A_52] : memref<512xi32, #tpu.memory_space<vmem>> -> memref<128xi32, #tpu.memory_space<vmem>>
    %dma_wait3A_54 = arith.constant 0 : i32
    %dma_wait3A_55 = arith.constant 0 : i32
    %dma_wait3A_56 = tpu.memref_slice %arg4[%dma_wait3A_54, %dma_wait3A_55] : memref<50048x128xf32, #tpu.memory_space<hbm>> -> memref<50048x128xf32, #tpu.memory_space<hbm>>
    tpu.wait_indirect_dma semaphore(%arg13 : memref<!tpu.dma_semaphore, #tpu.memory_space<semaphore_mem>>) src(%dma_wait3A_56 : memref<50048x128xf32, #tpu.memory_space<hbm>>) dst(%arg10 : memref<128x128xf32, #tpu.memory_space<vmem>>)
    %dma_start3A_57 = arith.constant 384 : i32
    %dma_start3A_58 = tpu.memref_slice %arg7[%dma_start3A_57] : memref<512xi32, #tpu.memory_space<vmem>> -> memref<128xi32, #tpu.memory_space<vmem>>
    %dma_start3A_59 = arith.constant 0 : i32
    %dma_start3A_60 = arith.constant 0 : i32
    %dma_start3A_61 = tpu.memref_slice %arg4[%dma_start3A_59, %dma_start3A_60] : memref<50048x128xf32, #tpu.memory_space<hbm>> -> memref<50048x128xf32, #tpu.memory_space<hbm>>
    tpu.enqueue_indirect_dma source(%dma_start3A_61 : memref<50048x128xf32, #tpu.memory_space<hbm>>) target(%arg11 : memref<128x128xf32, #tpu.memory_space<vmem>>) offsets(%dma_start3A_58 : memref<128xi32, #tpu.memory_space<vmem>>) semaphore(%arg14 : memref<!tpu.dma_semaphore, #tpu.memory_space<semaphore_mem>>)
    %parallel_loop3A_62 = arith.constant 0 : i32
    %parallel_loop3A_63 = arith.constant 128 : i32
    %parallel_loop3A_64 = arith.constant 1 : i32
    %parallel_loop3A_65:4 = scf.for %parallel_loop3A_79 = %parallel_loop3A_62 to %parallel_loop3A_63 step %parallel_loop3A_64 iter_args(%parallel_loop3A_80 = %parallel_loop3A_51#0, %parallel_loop3A_81 = %parallel_loop3A_51#1, %parallel_loop3A_82 = %parallel_loop3A_51#2, %parallel_loop3A_83 = %parallel_loop3A_51#3) -> (vector<16xf32>, vector<16xf32>, vector<16xf32>, vector<16xf32>)  : i32 {
      %parallel_loop3A_84 = vector.broadcast %parallel_loop3A_79 : i32 to vector<16xi32>
      %parallel_loop3A_85 = arith.constant 256 : i32
      %parallel_loop3A_86 = arith.addi %parallel_loop3A_85, %parallel_loop3A_79 : i32
      %parallel_loop3A_87 = vector.broadcast %parallel_loop3A_86 : i32 to vector<16xi32>
      %parallel_loop3A_88 = tpu.vector_load_idx %arg8[%parallel_loop3A_87] : memref<512xi32, #tpu.memory_space<vmem>>[vector<16xi32>], vector<16xi32>,
      %parallel_loop3A_89 = arith.addi %parallel_loop3A_88, %iota3A : vector<16xi32>
      %parallel_loop3A_90 = arith.constant 256 : i32
      %parallel_loop3A_91 = arith.addi %parallel_loop3A_90, %parallel_loop3A_79 : i32
      %parallel_loop3A_92 = arith.index_cast %parallel_loop3A_91 : i32 to index
      %parallel_loop3A_93 = arith.constant 0 : index
      %parallel_loop3A_94 = tpu.vector_load %arg9[%parallel_loop3A_92, %parallel_loop3A_93] {strides = array<i32>} : memref<512x64xf32, #tpu.memory_space<vmem>>, vector<16xf32>,
      %parallel_loop3A_95 = arith.constant 0 : i32
      %parallel_loop3A_96 = vector.broadcast %parallel_loop3A_95 : i32 to vector<16xi32>
      %parallel_loop3A_97 = arith.addi %parallel_loop3A_89, %parallel_loop3A_96 : vector<16xi32>
      %parallel_loop3A_98 = tpu.vector_load_idx %arg10[%parallel_loop3A_84, %parallel_loop3A_97] : memref<128x128xf32, #tpu.memory_space<vmem>>[vector<16xi32>, vector<16xi32>], vector<16xf32>,
      %parallel_loop3A_99 = arith.subf %parallel_loop3A_94, %parallel_loop3A_98 : vector<16xf32>
      %parallel_loop3A_100 = arith.mulf %parallel_loop3A_99, %parallel_loop3A_99 : vector<16xf32>
      %parallel_loop3A_101 = arith.addf %parallel_loop3A_80, %parallel_loop3A_100 : vector<16xf32>
      %parallel_loop3A_102 = arith.constant 256 : i32
      %parallel_loop3A_103 = arith.addi %parallel_loop3A_102, %parallel_loop3A_79 : i32
      %parallel_loop3A_104 = arith.index_cast %parallel_loop3A_103 : i32 to index
      %parallel_loop3A_105 = arith.constant 16 : index
      %parallel_loop3A_106 = tpu.vector_load %arg9[%parallel_loop3A_104, %parallel_loop3A_105] {strides = array<i32>} : memref<512x64xf32, #tpu.memory_space<vmem>>, vector<16xf32>,
      %parallel_loop3A_107 = arith.constant 16 : i32
      %parallel_loop3A_108 = vector.broadcast %parallel_loop3A_107 : i32 to vector<16xi32>
      %parallel_loop3A_109 = arith.addi %parallel_loop3A_89, %parallel_loop3A_108 : vector<16xi32>
      %parallel_loop3A_110 = tpu.vector_load_idx %arg10[%parallel_loop3A_84, %parallel_loop3A_109] : memref<128x128xf32, #tpu.memory_space<vmem>>[vector<16xi32>, vector<16xi32>], vector<16xf32>,
      %parallel_loop3A_111 = arith.subf %parallel_loop3A_106, %parallel_loop3A_110 : vector<16xf32>
      %parallel_loop3A_112 = arith.mulf %parallel_loop3A_111, %parallel_loop3A_111 : vector<16xf32>
      %parallel_loop3A_113 = arith.addf %parallel_loop3A_81, %parallel_loop3A_112 : vector<16xf32>
      %parallel_loop3A_114 = arith.constant 256 : i32
      %parallel_loop3A_115 = arith.addi %parallel_loop3A_114, %parallel_loop3A_79 : i32
      %parallel_loop3A_116 = arith.index_cast %parallel_loop3A_115 : i32 to index
      %parallel_loop3A_117 = arith.constant 32 : index
      %parallel_loop3A_118 = tpu.vector_load %arg9[%parallel_loop3A_116, %parallel_loop3A_117] {strides = array<i32>} : memref<512x64xf32, #tpu.memory_space<vmem>>, vector<16xf32>,
      %parallel_loop3A_119 = arith.constant 32 : i32
      %parallel_loop3A_120 = vector.broadcast %parallel_loop3A_119 : i32 to vector<16xi32>
      %parallel_loop3A_121 = arith.addi %parallel_loop3A_89, %parallel_loop3A_120 : vector<16xi32>
      %parallel_loop3A_122 = tpu.vector_load_idx %arg10[%parallel_loop3A_84, %parallel_loop3A_121] : memref<128x128xf32, #tpu.memory_space<vmem>>[vector<16xi32>, vector<16xi32>], vector<16xf32>,
      %parallel_loop3A_123 = arith.subf %parallel_loop3A_118, %parallel_loop3A_122 : vector<16xf32>
      %parallel_loop3A_124 = arith.mulf %parallel_loop3A_123, %parallel_loop3A_123 : vector<16xf32>
      %parallel_loop3A_125 = arith.addf %parallel_loop3A_82, %parallel_loop3A_124 : vector<16xf32>
      %parallel_loop3A_126 = arith.constant 256 : i32
      %parallel_loop3A_127 = arith.addi %parallel_loop3A_126, %parallel_loop3A_79 : i32
      %parallel_loop3A_128 = arith.index_cast %parallel_loop3A_127 : i32 to index
      %parallel_loop3A_129 = arith.constant 48 : index
      %parallel_loop3A_130 = tpu.vector_load %arg9[%parallel_loop3A_128, %parallel_loop3A_129] {strides = array<i32>} : memref<512x64xf32, #tpu.memory_space<vmem>>, vector<16xf32>,
      %parallel_loop3A_131 = arith.constant 48 : i32
      %parallel_loop3A_132 = vector.broadcast %parallel_loop3A_131 : i32 to vector<16xi32>
      %parallel_loop3A_133 = arith.addi %parallel_loop3A_89, %parallel_loop3A_132 : vector<16xi32>
      %parallel_loop3A_134 = tpu.vector_load_idx %arg10[%parallel_loop3A_84, %parallel_loop3A_133] : memref<128x128xf32, #tpu.memory_space<vmem>>[vector<16xi32>, vector<16xi32>], vector<16xf32>,
      %parallel_loop3A_135 = arith.subf %parallel_loop3A_130, %parallel_loop3A_134 : vector<16xf32>
      %parallel_loop3A_136 = arith.mulf %parallel_loop3A_135, %parallel_loop3A_135 : vector<16xf32>
      %parallel_loop3A_137 = arith.addf %parallel_loop3A_83, %parallel_loop3A_136 : vector<16xf32>
      scf.yield %parallel_loop3A_101, %parallel_loop3A_113, %parallel_loop3A_125, %parallel_loop3A_137 : vector<16xf32>, vector<16xf32>, vector<16xf32>, vector<16xf32>
    } {sc.loop_unroll_factor = 2 : i64, sc.parallel_access}
    %dma_wait3A_66 = arith.constant 384 : i32
    %dma_wait3A_67 = tpu.memref_slice %arg7[%dma_wait3A_66] : memref<512xi32, #tpu.memory_space<vmem>> -> memref<128xi32, #tpu.memory_space<vmem>>
    %dma_wait3A_68 = arith.constant 0 : i32
    %dma_wait3A_69 = arith.constant 0 : i32
    %dma_wait3A_70 = tpu.memref_slice %arg4[%dma_wait3A_68, %dma_wait3A_69] : memref<50048x128xf32, #tpu.memory_space<hbm>> -> memref<50048x128xf32, #tpu.memory_space<hbm>>
    tpu.wait_indirect_dma semaphore(%arg14 : memref<!tpu.dma_semaphore, #tpu.memory_space<semaphore_mem>>) src(%dma_wait3A_70 : memref<50048x128xf32, #tpu.memory_space<hbm>>) dst(%arg11 : memref<128x128xf32, #tpu.memory_space<vmem>>)
    %parallel_loop3A_71 = arith.constant 0 : i32
    %parallel_loop3A_72 = arith.constant 128 : i32
    %parallel_loop3A_73 = arith.constant 1 : i32
    %parallel_loop3A_74:4 = scf.for %parallel_loop3A_79 = %parallel_loop3A_71 to %parallel_loop3A_72 step %parallel_loop3A_73 iter_args(%parallel_loop3A_80 = %parallel_loop3A_65#0, %parallel_loop3A_81 = %parallel_loop3A_65#1, %parallel_loop3A_82 = %parallel_loop3A_65#2, %parallel_loop3A_83 = %parallel_loop3A_65#3) -> (vector<16xf32>, vector<16xf32>, vector<16xf32>, vector<16xf32>)  : i32 {
      %parallel_loop3A_84 = vector.broadcast %parallel_loop3A_79 : i32 to vector<16xi32>
      %parallel_loop3A_85 = arith.constant 384 : i32
      %parallel_loop3A_86 = arith.addi %parallel_loop3A_85, %parallel_loop3A_79 : i32
      %parallel_loop3A_87 = vector.broadcast %parallel_loop3A_86 : i32 to vector<16xi32>
      %parallel_loop3A_88 = tpu.vector_load_idx %arg8[%parallel_loop3A_87] : memref<512xi32, #tpu.memory_space<vmem>>[vector<16xi32>], vector<16xi32>,
      %parallel_loop3A_89 = arith.addi %parallel_loop3A_88, %iota3A : vector<16xi32>
      %parallel_loop3A_90 = arith.constant 384 : i32
      %parallel_loop3A_91 = arith.addi %parallel_loop3A_90, %parallel_loop3A_79 : i32
      %parallel_loop3A_92 = arith.index_cast %parallel_loop3A_91 : i32 to index
      %parallel_loop3A_93 = arith.constant 0 : index
      %parallel_loop3A_94 = tpu.vector_load %arg9[%parallel_loop3A_92, %parallel_loop3A_93] {strides = array<i32>} : memref<512x64xf32, #tpu.memory_space<vmem>>, vector<16xf32>,
      %parallel_loop3A_95 = arith.constant 0 : i32
      %parallel_loop3A_96 = vector.broadcast %parallel_loop3A_95 : i32 to vector<16xi32>
      %parallel_loop3A_97 = arith.addi %parallel_loop3A_89, %parallel_loop3A_96 : vector<16xi32>
      %parallel_loop3A_98 = tpu.vector_load_idx %arg11[%parallel_loop3A_84, %parallel_loop3A_97] : memref<128x128xf32, #tpu.memory_space<vmem>>[vector<16xi32>, vector<16xi32>], vector<16xf32>,
      %parallel_loop3A_99 = arith.subf %parallel_loop3A_94, %parallel_loop3A_98 : vector<16xf32>
      %parallel_loop3A_100 = arith.mulf %parallel_loop3A_99, %parallel_loop3A_99 : vector<16xf32>
      %parallel_loop3A_101 = arith.addf %parallel_loop3A_80, %parallel_loop3A_100 : vector<16xf32>
      %parallel_loop3A_102 = arith.constant 384 : i32
      %parallel_loop3A_103 = arith.addi %parallel_loop3A_102, %parallel_loop3A_79 : i32
      %parallel_loop3A_104 = arith.index_cast %parallel_loop3A_103 : i32 to index
      %parallel_loop3A_105 = arith.constant 16 : index
      %parallel_loop3A_106 = tpu.vector_load %arg9[%parallel_loop3A_104, %parallel_loop3A_105] {strides = array<i32>} : memref<512x64xf32, #tpu.memory_space<vmem>>, vector<16xf32>,
      %parallel_loop3A_107 = arith.constant 16 : i32
      %parallel_loop3A_108 = vector.broadcast %parallel_loop3A_107 : i32 to vector<16xi32>
      %parallel_loop3A_109 = arith.addi %parallel_loop3A_89, %parallel_loop3A_108 : vector<16xi32>
      %parallel_loop3A_110 = tpu.vector_load_idx %arg11[%parallel_loop3A_84, %parallel_loop3A_109] : memref<128x128xf32, #tpu.memory_space<vmem>>[vector<16xi32>, vector<16xi32>], vector<16xf32>,
      %parallel_loop3A_111 = arith.subf %parallel_loop3A_106, %parallel_loop3A_110 : vector<16xf32>
      %parallel_loop3A_112 = arith.mulf %parallel_loop3A_111, %parallel_loop3A_111 : vector<16xf32>
      %parallel_loop3A_113 = arith.addf %parallel_loop3A_81, %parallel_loop3A_112 : vector<16xf32>
      %parallel_loop3A_114 = arith.constant 384 : i32
      %parallel_loop3A_115 = arith.addi %parallel_loop3A_114, %parallel_loop3A_79 : i32
      %parallel_loop3A_116 = arith.index_cast %parallel_loop3A_115 : i32 to index
      %parallel_loop3A_117 = arith.constant 32 : index
      %parallel_loop3A_118 = tpu.vector_load %arg9[%parallel_loop3A_116, %parallel_loop3A_117] {strides = array<i32>} : memref<512x64xf32, #tpu.memory_space<vmem>>, vector<16xf32>,
      %parallel_loop3A_119 = arith.constant 32 : i32
      %parallel_loop3A_120 = vector.broadcast %parallel_loop3A_119 : i32 to vector<16xi32>
      %parallel_loop3A_121 = arith.addi %parallel_loop3A_89, %parallel_loop3A_120 : vector<16xi32>
      %parallel_loop3A_122 = tpu.vector_load_idx %arg11[%parallel_loop3A_84, %parallel_loop3A_121] : memref<128x128xf32, #tpu.memory_space<vmem>>[vector<16xi32>, vector<16xi32>], vector<16xf32>,
      %parallel_loop3A_123 = arith.subf %parallel_loop3A_118, %parallel_loop3A_122 : vector<16xf32>
      %parallel_loop3A_124 = arith.mulf %parallel_loop3A_123, %parallel_loop3A_123 : vector<16xf32>
      %parallel_loop3A_125 = arith.addf %parallel_loop3A_82, %parallel_loop3A_124 : vector<16xf32>
      %parallel_loop3A_126 = arith.constant 384 : i32
      %parallel_loop3A_127 = arith.addi %parallel_loop3A_126, %parallel_loop3A_79 : i32
      %parallel_loop3A_128 = arith.index_cast %parallel_loop3A_127 : i32 to index
      %parallel_loop3A_129 = arith.constant 48 : index
      %parallel_loop3A_130 = tpu.vector_load %arg9[%parallel_loop3A_128, %parallel_loop3A_129] {strides = array<i32>} : memref<512x64xf32, #tpu.memory_space<vmem>>, vector<16xf32>,
      %parallel_loop3A_131 = arith.constant 48 : i32
      %parallel_loop3A_132 = vector.broadcast %parallel_loop3A_131 : i32 to vector<16xi32>
      %parallel_loop3A_133 = arith.addi %parallel_loop3A_89, %parallel_loop3A_132 : vector<16xi32>
      %parallel_loop3A_134 = tpu.vector_load_idx %arg11[%parallel_loop3A_84, %parallel_loop3A_133] : memref<128x128xf32, #tpu.memory_space<vmem>>[vector<16xi32>, vector<16xi32>], vector<16xf32>,
      %parallel_loop3A_135 = arith.subf %parallel_loop3A_130, %parallel_loop3A_134 : vector<16xf32>
      %parallel_loop3A_136 = arith.mulf %parallel_loop3A_135, %parallel_loop3A_135 : vector<16xf32>
      %parallel_loop3A_137 = arith.addf %parallel_loop3A_83, %parallel_loop3A_136 : vector<16xf32>
      scf.yield %parallel_loop3A_101, %parallel_loop3A_113, %parallel_loop3A_125, %parallel_loop3A_137 : vector<16xf32>, vector<16xf32>, vector<16xf32>, vector<16xf32>
    } {sc.loop_unroll_factor = 2 : i64, sc.parallel_access}
    %add3A_75 = arith.addf %parallel_loop3A_74#0, %parallel_loop3A_74#1 : vector<16xf32>
    %add3A_76 = arith.addf %add3A_75, %parallel_loop3A_74#2 : vector<16xf32>
    %add3A_77 = arith.addf %add3A_76, %parallel_loop3A_74#3 : vector<16xf32>
    %swap3A = arith.constant 0 : index
    %swap3A_78 = tpu.vector_load %arg12[%swap3A] {strides = array<i32>} : memref<16xf32, #tpu.memory_space<vmem>>, vector<16xf32>,
    tpu.vector_store %arg12[%swap3A], %add3A_77 {strides = array<i32>} : memref<16xf32, #tpu.memory_space<vmem>>, vector<16xf32>,
    "tpu.region"() ({
      %run_scoped3A = tpu.sem_alloc : memref<!tpu.dma_semaphore, #tpu.memory_space<semaphore_mem>>
      %dma_start3A_79 = arith.constant 0 : i32
      %dma_start3A_80 = tpu.memref_slice %arg5[%add3A, %dma_start3A_79] : memref<32x16xf32, #tpu.memory_space<hbm>> -> memref<1x16xf32, #tpu.memory_space<hbm>>
      %dma_start3A_81 = tpu.memref_squeeze %dma_start3A_80 : memref<1x16xf32, #tpu.memory_space<hbm>> -> memref<16xf32, #tpu.memory_space<hbm>>
      %dma_start3A_82 = arith.constant 0 : i32
      %dma_start3A_83 = tpu.memref_slice %arg5[%add3A, %dma_start3A_82] : memref<32x16xf32, #tpu.memory_space<hbm>> -> memref<1x16xf32, #tpu.memory_space<hbm>>
      %dma_start3A_84 = tpu.memref_squeeze %dma_start3A_83 : memref<1x16xf32, #tpu.memory_space<hbm>> -> memref<16xf32, #tpu.memory_space<hbm>>
      tpu.enqueue_dma source(%arg12 : memref<16xf32, #tpu.memory_space<vmem>>) target(%dma_start3A_84 : memref<16xf32, #tpu.memory_space<hbm>>) target_semaphore(%run_scoped3A : memref<!tpu.dma_semaphore, #tpu.memory_space<semaphore_mem>>)
      %dma_wait3A_85 = arith.constant 0 : i32
      %dma_wait3A_86 = tpu.memref_slice %arg5[%add3A, %dma_wait3A_85] : memref<32x16xf32, #tpu.memory_space<hbm>> -> memref<1x16xf32, #tpu.memory_space<hbm>>
      %dma_wait3A_87 = tpu.memref_squeeze %dma_wait3A_86 : memref<1x16xf32, #tpu.memory_space<hbm>> -> memref<16xf32, #tpu.memory_space<hbm>>
      %dma_wait3A_88 = arith.constant 0 : i32
      %dma_wait3A_89 = tpu.memref_slice %arg5[%add3A, %dma_wait3A_88] : memref<32x16xf32, #tpu.memory_space<hbm>> -> memref<1x16xf32, #tpu.memory_space<hbm>>
      %dma_wait3A_90 = tpu.memref_squeeze %dma_wait3A_89 : memref<1x16xf32, #tpu.memory_space<hbm>> -> memref<16xf32, #tpu.memory_space<hbm>>
      tpu.wait_dma2 semaphore(%run_scoped3A : memref<!tpu.dma_semaphore, #tpu.memory_space<semaphore_mem>>) src(%arg12 : memref<16xf32, #tpu.memory_space<vmem>>) dst(%dma_wait3A_90 : memref<16xf32, #tpu.memory_space<hbm>>)
      tpu.yield
    }) : () -> ()
    return
  }
}

#map = affine_map<(d0, d1) -> (0, 0)>
module attributes {stable_mosaic.version = 14 : i64} {
  func.func @k(%arg0: i32, %arg1: i32, %arg2: memref<64x100000xf32, #tpu.memory_space<hbm>>, %arg3: memref<16x128xf32, #tpu.memory_space<hbm>>, %arg4: memref<50048x128xf32, #tpu.memory_space<hbm>>, %arg5: memref<64x128xf32, #tpu.memory_space<vmem>>, %arg6: memref<64x128xf32, #tpu.memory_space<vmem>>, %arg7: memref<64x128xf32, #tpu.memory_space<vmem>>, %arg8: memref<64x128xf32, #tpu.memory_space<vmem>>, %arg9: memref<!tpu.dma_semaphore, #tpu.memory_space<semaphore_mem>>, %arg10: memref<!tpu.dma_semaphore, #tpu.memory_space<semaphore_mem>>, %arg11: memref<!tpu.dma_semaphore, #tpu.memory_space<semaphore_mem>>, %arg12: memref<!tpu.dma_semaphore, #tpu.memory_space<semaphore_mem>>) attributes {dimension_semantics = [#tpu.dimension_semantics<core_parallel>, #tpu.dimension_semantics<subcore_parallel>], iteration_bounds = array<i64: 2, 16>, scalar_prefetch = 0 : i64, scratch_operands = 8 : i64, tpu.core_type = #tpu.core_type<sc_vector_subcore>, window_params = [{transform_indices = #map}, {transform_indices = #map}, {transform_indices = #map}]} {
    %mul3A = arith.constant 2 : i32
    %mul3A_0 = arith.muli %arg1, %mul3A : i32
    %add3A = arith.addi %mul3A_0, %arg0 : i32
    %iota3A = tpu.iota {dimensions = array<i32: 0>} : vector<16xi32>
    %add3A_1 = arith.constant 0 : i32
    %add3A_2 = vector.broadcast %add3A_1 : i32 to vector<16xi32>
    %add3A_3 = arith.addi %iota3A, %add3A_2 : vector<16xi32>
    %and3A = arith.constant 15 : i32
    %and3A_4 = vector.broadcast %and3A : i32 to vector<16xi32>
    %and3A_5 = arith.andi %add3A_3, %and3A_4 : vector<16xi32>
    %add3A_6 = arith.constant 1 : i32
    %add3A_7 = vector.broadcast %add3A_6 : i32 to vector<16xi32>
    %add3A_8 = arith.addi %iota3A, %add3A_7 : vector<16xi32>
    %and3A_9 = arith.constant 15 : i32
    %and3A_10 = vector.broadcast %and3A_9 : i32 to vector<16xi32>
    %and3A_11 = arith.andi %add3A_8, %and3A_10 : vector<16xi32>
    %add3A_12 = arith.constant 2 : i32
    %add3A_13 = vector.broadcast %add3A_12 : i32 to vector<16xi32>
    %add3A_14 = arith.addi %iota3A, %add3A_13 : vector<16xi32>
    %and3A_15 = arith.constant 15 : i32
    %and3A_16 = vector.broadcast %and3A_15 : i32 to vector<16xi32>
    %and3A_17 = arith.andi %add3A_14, %and3A_16 : vector<16xi32>
    %add3A_18 = arith.constant 3 : i32
    %add3A_19 = vector.broadcast %add3A_18 : i32 to vector<16xi32>
    %add3A_20 = arith.addi %iota3A, %add3A_19 : vector<16xi32>
    %and3A_21 = arith.constant 15 : i32
    %and3A_22 = vector.broadcast %and3A_21 : i32 to vector<16xi32>
    %and3A_23 = arith.andi %add3A_20, %and3A_22 : vector<16xi32>
    %add3A_24 = arith.constant 4 : i32
    %add3A_25 = vector.broadcast %add3A_24 : i32 to vector<16xi32>
    %add3A_26 = arith.addi %iota3A, %add3A_25 : vector<16xi32>
    %and3A_27 = arith.constant 15 : i32
    %and3A_28 = vector.broadcast %and3A_27 : i32 to vector<16xi32>
    %and3A_29 = arith.andi %add3A_26, %and3A_28 : vector<16xi32>
    %add3A_30 = arith.constant 5 : i32
    %add3A_31 = vector.broadcast %add3A_30 : i32 to vector<16xi32>
    %add3A_32 = arith.addi %iota3A, %add3A_31 : vector<16xi32>
    %and3A_33 = arith.constant 15 : i32
    %and3A_34 = vector.broadcast %and3A_33 : i32 to vector<16xi32>
    %and3A_35 = arith.andi %add3A_32, %and3A_34 : vector<16xi32>
    %add3A_36 = arith.constant 6 : i32
    %add3A_37 = vector.broadcast %add3A_36 : i32 to vector<16xi32>
    %add3A_38 = arith.addi %iota3A, %add3A_37 : vector<16xi32>
    %and3A_39 = arith.constant 15 : i32
    %and3A_40 = vector.broadcast %and3A_39 : i32 to vector<16xi32>
    %and3A_41 = arith.andi %add3A_38, %and3A_40 : vector<16xi32>
    %add3A_42 = arith.constant 7 : i32
    %add3A_43 = vector.broadcast %add3A_42 : i32 to vector<16xi32>
    %add3A_44 = arith.addi %iota3A, %add3A_43 : vector<16xi32>
    %and3A_45 = arith.constant 15 : i32
    %and3A_46 = vector.broadcast %and3A_45 : i32 to vector<16xi32>
    %and3A_47 = arith.andi %add3A_44, %and3A_46 : vector<16xi32>
    %add3A_48 = arith.constant 8 : i32
    %add3A_49 = vector.broadcast %add3A_48 : i32 to vector<16xi32>
    %add3A_50 = arith.addi %iota3A, %add3A_49 : vector<16xi32>
    %and3A_51 = arith.constant 15 : i32
    %and3A_52 = vector.broadcast %and3A_51 : i32 to vector<16xi32>
    %and3A_53 = arith.andi %add3A_50, %and3A_52 : vector<16xi32>
    %add3A_54 = arith.constant 9 : i32
    %add3A_55 = vector.broadcast %add3A_54 : i32 to vector<16xi32>
    %add3A_56 = arith.addi %iota3A, %add3A_55 : vector<16xi32>
    %and3A_57 = arith.constant 15 : i32
    %and3A_58 = vector.broadcast %and3A_57 : i32 to vector<16xi32>
    %and3A_59 = arith.andi %add3A_56, %and3A_58 : vector<16xi32>
    %add3A_60 = arith.constant 10 : i32
    %add3A_61 = vector.broadcast %add3A_60 : i32 to vector<16xi32>
    %add3A_62 = arith.addi %iota3A, %add3A_61 : vector<16xi32>
    %and3A_63 = arith.constant 15 : i32
    %and3A_64 = vector.broadcast %and3A_63 : i32 to vector<16xi32>
    %and3A_65 = arith.andi %add3A_62, %and3A_64 : vector<16xi32>
    %add3A_66 = arith.constant 11 : i32
    %add3A_67 = vector.broadcast %add3A_66 : i32 to vector<16xi32>
    %add3A_68 = arith.addi %iota3A, %add3A_67 : vector<16xi32>
    %and3A_69 = arith.constant 15 : i32
    %and3A_70 = vector.broadcast %and3A_69 : i32 to vector<16xi32>
    %and3A_71 = arith.andi %add3A_68, %and3A_70 : vector<16xi32>
    %add3A_72 = arith.constant 12 : i32
    %add3A_73 = vector.broadcast %add3A_72 : i32 to vector<16xi32>
    %add3A_74 = arith.addi %iota3A, %add3A_73 : vector<16xi32>
    %and3A_75 = arith.constant 15 : i32
    %and3A_76 = vector.broadcast %and3A_75 : i32 to vector<16xi32>
    %and3A_77 = arith.andi %add3A_74, %and3A_76 : vector<16xi32>
    %add3A_78 = arith.constant 13 : i32
    %add3A_79 = vector.broadcast %add3A_78 : i32 to vector<16xi32>
    %add3A_80 = arith.addi %iota3A, %add3A_79 : vector<16xi32>
    %and3A_81 = arith.constant 15 : i32
    %and3A_82 = vector.broadcast %and3A_81 : i32 to vector<16xi32>
    %and3A_83 = arith.andi %add3A_80, %and3A_82 : vector<16xi32>
    %add3A_84 = arith.constant 14 : i32
    %add3A_85 = vector.broadcast %add3A_84 : i32 to vector<16xi32>
    %add3A_86 = arith.addi %iota3A, %add3A_85 : vector<16xi32>
    %and3A_87 = arith.constant 15 : i32
    %and3A_88 = vector.broadcast %and3A_87 : i32 to vector<16xi32>
    %and3A_89 = arith.andi %add3A_86, %and3A_88 : vector<16xi32>
    %add3A_90 = arith.constant 15 : i32
    %add3A_91 = vector.broadcast %add3A_90 : i32 to vector<16xi32>
    %add3A_92 = arith.addi %iota3A, %add3A_91 : vector<16xi32>
    %and3A_93 = arith.constant 15 : i32
    %and3A_94 = vector.broadcast %and3A_93 : i32 to vector<16xi32>
    %and3A_95 = arith.andi %add3A_92, %and3A_94 : vector<16xi32>
    %shift_right_arithmetic3A = arith.constant 1 : i32
    %shift_right_arithmetic3A_96 = vector.broadcast %shift_right_arithmetic3A : i32 to vector<16xi32>
    %shift_right_arithmetic3A_97 = arith.shrsi %and3A_5, %shift_right_arithmetic3A_96 : vector<16xi32>
    %shift_right_arithmetic3A_98 = arith.constant 1 : i32
    %shift_right_arithmetic3A_99 = vector.broadcast %shift_right_arithmetic3A_98 : i32 to vector<16xi32>
    %shift_right_arithmetic3A_100 = arith.shrsi %and3A_11, %shift_right_arithmetic3A_99 : vector<16xi32>
    %shift_right_arithmetic3A_101 = arith.constant 1 : i32
    %shift_right_arithmetic3A_102 = vector.broadcast %shift_right_arithmetic3A_101 : i32 to vector<16xi32>
    %shift_right_arithmetic3A_103 = arith.shrsi %and3A_17, %shift_right_arithmetic3A_102 : vector<16xi32>
    %shift_right_arithmetic3A_104 = arith.constant 1 : i32
    %shift_right_arithmetic3A_105 = vector.broadcast %shift_right_arithmetic3A_104 : i32 to vector<16xi32>
    %shift_right_arithmetic3A_106 = arith.shrsi %and3A_23, %shift_right_arithmetic3A_105 : vector<16xi32>
    %shift_right_arithmetic3A_107 = arith.constant 1 : i32
    %shift_right_arithmetic3A_108 = vector.broadcast %shift_right_arithmetic3A_107 : i32 to vector<16xi32>
    %shift_right_arithmetic3A_109 = arith.shrsi %and3A_29, %shift_right_arithmetic3A_108 : vector<16xi32>
    %shift_right_arithmetic3A_110 = arith.constant 1 : i32
    %shift_right_arithmetic3A_111 = vector.broadcast %shift_right_arithmetic3A_110 : i32 to vector<16xi32>
    %shift_right_arithmetic3A_112 = arith.shrsi %and3A_35, %shift_right_arithmetic3A_111 : vector<16xi32>
    %shift_right_arithmetic3A_113 = arith.constant 1 : i32
    %shift_right_arithmetic3A_114 = vector.broadcast %shift_right_arithmetic3A_113 : i32 to vector<16xi32>
    %shift_right_arithmetic3A_115 = arith.shrsi %and3A_41, %shift_right_arithmetic3A_114 : vector<16xi32>
    %shift_right_arithmetic3A_116 = arith.constant 1 : i32
    %shift_right_arithmetic3A_117 = vector.broadcast %shift_right_arithmetic3A_116 : i32 to vector<16xi32>
    %shift_right_arithmetic3A_118 = arith.shrsi %and3A_47, %shift_right_arithmetic3A_117 : vector<16xi32>
    %shift_right_arithmetic3A_119 = arith.constant 1 : i32
    %shift_right_arithmetic3A_120 = vector.broadcast %shift_right_arithmetic3A_119 : i32 to vector<16xi32>
    %shift_right_arithmetic3A_121 = arith.shrsi %and3A_53, %shift_right_arithmetic3A_120 : vector<16xi32>
    %shift_right_arithmetic3A_122 = arith.constant 1 : i32
    %shift_right_arithmetic3A_123 = vector.broadcast %shift_right_arithmetic3A_122 : i32 to vector<16xi32>
    %shift_right_arithmetic3A_124 = arith.shrsi %and3A_59, %shift_right_arithmetic3A_123 : vector<16xi32>
    %shift_right_arithmetic3A_125 = arith.constant 1 : i32
    %shift_right_arithmetic3A_126 = vector.broadcast %shift_right_arithmetic3A_125 : i32 to vector<16xi32>
    %shift_right_arithmetic3A_127 = arith.shrsi %and3A_65, %shift_right_arithmetic3A_126 : vector<16xi32>
    %shift_right_arithmetic3A_128 = arith.constant 1 : i32
    %shift_right_arithmetic3A_129 = vector.broadcast %shift_right_arithmetic3A_128 : i32 to vector<16xi32>
    %shift_right_arithmetic3A_130 = arith.shrsi %and3A_71, %shift_right_arithmetic3A_129 : vector<16xi32>
    %shift_right_arithmetic3A_131 = arith.constant 1 : i32
    %shift_right_arithmetic3A_132 = vector.broadcast %shift_right_arithmetic3A_131 : i32 to vector<16xi32>
    %shift_right_arithmetic3A_133 = arith.shrsi %and3A_77, %shift_right_arithmetic3A_132 : vector<16xi32>
    %shift_right_arithmetic3A_134 = arith.constant 1 : i32
    %shift_right_arithmetic3A_135 = vector.broadcast %shift_right_arithmetic3A_134 : i32 to vector<16xi32>
    %shift_right_arithmetic3A_136 = arith.shrsi %and3A_83, %shift_right_arithmetic3A_135 : vector<16xi32>
    %shift_right_arithmetic3A_137 = arith.constant 1 : i32
    %shift_right_arithmetic3A_138 = vector.broadcast %shift_right_arithmetic3A_137 : i32 to vector<16xi32>
    %shift_right_arithmetic3A_139 = arith.shrsi %and3A_89, %shift_right_arithmetic3A_138 : vector<16xi32>
    %shift_right_arithmetic3A_140 = arith.constant 1 : i32
    %shift_right_arithmetic3A_141 = vector.broadcast %shift_right_arithmetic3A_140 : i32 to vector<16xi32>
    %shift_right_arithmetic3A_142 = arith.shrsi %and3A_95, %shift_right_arithmetic3A_141 : vector<16xi32>
    %and3A_143 = arith.constant 1 : i32
    %and3A_144 = vector.broadcast %and3A_143 : i32 to vector<16xi32>
    %and3A_145 = arith.andi %and3A_5, %and3A_144 : vector<16xi32>
    %mul3A_146 = arith.constant 64 : i32
    %mul3A_147 = vector.broadcast %mul3A_146 : i32 to vector<16xi32>
    %mul3A_148 = arith.muli %and3A_145, %mul3A_147 : vector<16xi32>
    %add3A_149 = arith.addi %mul3A_148, %iota3A : vector<16xi32>
    %and3A_150 = arith.constant 1 : i32
    %and3A_151 = vector.broadcast %and3A_150 : i32 to vector<16xi32>
    %and3A_152 = arith.andi %and3A_11, %and3A_151 : vector<16xi32>
    %mul3A_153 = arith.constant 64 : i32
    %mul3A_154 = vector.broadcast %mul3A_153 : i32 to vector<16xi32>
    %mul3A_155 = arith.muli %and3A_152, %mul3A_154 : vector<16xi32>
    %add3A_156 = arith.addi %mul3A_155, %iota3A : vector<16xi32>
    %and3A_157 = arith.constant 1 : i32
    %and3A_158 = vector.broadcast %and3A_157 : i32 to vector<16xi32>
    %and3A_159 = arith.andi %and3A_17, %and3A_158 : vector<16xi32>
    %mul3A_160 = arith.constant 64 : i32
    %mul3A_161 = vector.broadcast %mul3A_160 : i32 to vector<16xi32>
    %mul3A_162 = arith.muli %and3A_159, %mul3A_161 : vector<16xi32>
    %add3A_163 = arith.addi %mul3A_162, %iota3A : vector<16xi32>
    %and3A_164 = arith.constant 1 : i32
    %and3A_165 = vector.broadcast %and3A_164 : i32 to vector<16xi32>
    %and3A_166 = arith.andi %and3A_23, %and3A_165 : vector<16xi32>
    %mul3A_167 = arith.constant 64 : i32
    %mul3A_168 = vector.broadcast %mul3A_167 : i32 to vector<16xi32>
    %mul3A_169 = arith.muli %and3A_166, %mul3A_168 : vector<16xi32>
    %add3A_170 = arith.addi %mul3A_169, %iota3A : vector<16xi32>
    %and3A_171 = arith.constant 1 : i32
    %and3A_172 = vector.broadcast %and3A_171 : i32 to vector<16xi32>
    %and3A_173 = arith.andi %and3A_29, %and3A_172 : vector<16xi32>
    %mul3A_174 = arith.constant 64 : i32
    %mul3A_175 = vector.broadcast %mul3A_174 : i32 to vector<16xi32>
    %mul3A_176 = arith.muli %and3A_173, %mul3A_175 : vector<16xi32>
    %add3A_177 = arith.addi %mul3A_176, %iota3A : vector<16xi32>
    %and3A_178 = arith.constant 1 : i32
    %and3A_179 = vector.broadcast %and3A_178 : i32 to vector<16xi32>
    %and3A_180 = arith.andi %and3A_35, %and3A_179 : vector<16xi32>
    %mul3A_181 = arith.constant 64 : i32
    %mul3A_182 = vector.broadcast %mul3A_181 : i32 to vector<16xi32>
    %mul3A_183 = arith.muli %and3A_180, %mul3A_182 : vector<16xi32>
    %add3A_184 = arith.addi %mul3A_183, %iota3A : vector<16xi32>
    %and3A_185 = arith.constant 1 : i32
    %and3A_186 = vector.broadcast %and3A_185 : i32 to vector<16xi32>
    %and3A_187 = arith.andi %and3A_41, %and3A_186 : vector<16xi32>
    %mul3A_188 = arith.constant 64 : i32
    %mul3A_189 = vector.broadcast %mul3A_188 : i32 to vector<16xi32>
    %mul3A_190 = arith.muli %and3A_187, %mul3A_189 : vector<16xi32>
    %add3A_191 = arith.addi %mul3A_190, %iota3A : vector<16xi32>
    %and3A_192 = arith.constant 1 : i32
    %and3A_193 = vector.broadcast %and3A_192 : i32 to vector<16xi32>
    %and3A_194 = arith.andi %and3A_47, %and3A_193 : vector<16xi32>
    %mul3A_195 = arith.constant 64 : i32
    %mul3A_196 = vector.broadcast %mul3A_195 : i32 to vector<16xi32>
    %mul3A_197 = arith.muli %and3A_194, %mul3A_196 : vector<16xi32>
    %add3A_198 = arith.addi %mul3A_197, %iota3A : vector<16xi32>
    %and3A_199 = arith.constant 1 : i32
    %and3A_200 = vector.broadcast %and3A_199 : i32 to vector<16xi32>
    %and3A_201 = arith.andi %and3A_53, %and3A_200 : vector<16xi32>
    %mul3A_202 = arith.constant 64 : i32
    %mul3A_203 = vector.broadcast %mul3A_202 : i32 to vector<16xi32>
    %mul3A_204 = arith.muli %and3A_201, %mul3A_203 : vector<16xi32>
    %add3A_205 = arith.addi %mul3A_204, %iota3A : vector<16xi32>
    %and3A_206 = arith.constant 1 : i32
    %and3A_207 = vector.broadcast %and3A_206 : i32 to vector<16xi32>
    %and3A_208 = arith.andi %and3A_59, %and3A_207 : vector<16xi32>
    %mul3A_209 = arith.constant 64 : i32
    %mul3A_210 = vector.broadcast %mul3A_209 : i32 to vector<16xi32>
    %mul3A_211 = arith.muli %and3A_208, %mul3A_210 : vector<16xi32>
    %add3A_212 = arith.addi %mul3A_211, %iota3A : vector<16xi32>
    %and3A_213 = arith.constant 1 : i32
    %and3A_214 = vector.broadcast %and3A_213 : i32 to vector<16xi32>
    %and3A_215 = arith.andi %and3A_65, %and3A_214 : vector<16xi32>
    %mul3A_216 = arith.constant 64 : i32
    %mul3A_217 = vector.broadcast %mul3A_216 : i32 to vector<16xi32>
    %mul3A_218 = arith.muli %and3A_215, %mul3A_217 : vector<16xi32>
    %add3A_219 = arith.addi %mul3A_218, %iota3A : vector<16xi32>
    %and3A_220 = arith.constant 1 : i32
    %and3A_221 = vector.broadcast %and3A_220 : i32 to vector<16xi32>
    %and3A_222 = arith.andi %and3A_71, %and3A_221 : vector<16xi32>
    %mul3A_223 = arith.constant 64 : i32
    %mul3A_224 = vector.broadcast %mul3A_223 : i32 to vector<16xi32>
    %mul3A_225 = arith.muli %and3A_222, %mul3A_224 : vector<16xi32>
    %add3A_226 = arith.addi %mul3A_225, %iota3A : vector<16xi32>
    %and3A_227 = arith.constant 1 : i32
    %and3A_228 = vector.broadcast %and3A_227 : i32 to vector<16xi32>
    %and3A_229 = arith.andi %and3A_77, %and3A_228 : vector<16xi32>
    %mul3A_230 = arith.constant 64 : i32
    %mul3A_231 = vector.broadcast %mul3A_230 : i32 to vector<16xi32>
    %mul3A_232 = arith.muli %and3A_229, %mul3A_231 : vector<16xi32>
    %add3A_233 = arith.addi %mul3A_232, %iota3A : vector<16xi32>
    %and3A_234 = arith.constant 1 : i32
    %and3A_235 = vector.broadcast %and3A_234 : i32 to vector<16xi32>
    %and3A_236 = arith.andi %and3A_83, %and3A_235 : vector<16xi32>
    %mul3A_237 = arith.constant 64 : i32
    %mul3A_238 = vector.broadcast %mul3A_237 : i32 to vector<16xi32>
    %mul3A_239 = arith.muli %and3A_236, %mul3A_238 : vector<16xi32>
    %add3A_240 = arith.addi %mul3A_239, %iota3A : vector<16xi32>
    %and3A_241 = arith.constant 1 : i32
    %and3A_242 = vector.broadcast %and3A_241 : i32 to vector<16xi32>
    %and3A_243 = arith.andi %and3A_89, %and3A_242 : vector<16xi32>
    %mul3A_244 = arith.constant 64 : i32
    %mul3A_245 = vector.broadcast %mul3A_244 : i32 to vector<16xi32>
    %mul3A_246 = arith.muli %and3A_243, %mul3A_245 : vector<16xi32>
    %add3A_247 = arith.addi %mul3A_246, %iota3A : vector<16xi32>
    %and3A_248 = arith.constant 1 : i32
    %and3A_249 = vector.broadcast %and3A_248 : i32 to vector<16xi32>
    %and3A_250 = arith.andi %and3A_95, %and3A_249 : vector<16xi32>
    %mul3A_251 = arith.constant 64 : i32
    %mul3A_252 = vector.broadcast %mul3A_251 : i32 to vector<16xi32>
    %mul3A_253 = arith.muli %and3A_250, %mul3A_252 : vector<16xi32>
    %add3A_254 = arith.addi %mul3A_253, %iota3A : vector<16xi32>
    %add3A_255 = arith.constant 0 : i32
    %add3A_256 = arith.addi %add3A_255, %add3A : i32
    %mul3A_257 = arith.constant 128 : i32
    %mul3A_258 = arith.muli %add3A_256, %mul3A_257 : i32
    %dma_start3A = arith.constant 0 : i32
    %dma_start3A_259 = tpu.memref_slice %arg2[%dma_start3A, %mul3A_258] : memref<64x100000xf32, #tpu.memory_space<hbm>> -> memref<64x128xf32, #tpu.memory_space<hbm>>
    %dma_start3A_260 = arith.constant 0 : i32
    %dma_start3A_261 = tpu.memref_slice %arg2[%dma_start3A_260, %mul3A_258] : memref<64x100000xf32, #tpu.memory_space<hbm>> -> memref<64x128xf32, #tpu.memory_space<hbm>>
    tpu.enqueue_dma source(%dma_start3A_261 : memref<64x128xf32, #tpu.memory_space<hbm>>) target(%arg5 : memref<64x128xf32, #tpu.memory_space<vmem>>) target_semaphore(%arg9 : memref<!tpu.dma_semaphore, #tpu.memory_space<semaphore_mem>>)
    %add3A_262 = arith.constant 32 : i32
    %add3A_263 = arith.addi %add3A_262, %add3A : i32
    %mul3A_264 = arith.constant 128 : i32
    %mul3A_265 = arith.muli %add3A_263, %mul3A_264 : i32
    %dma_start3A_266 = arith.constant 0 : i32
    %dma_start3A_267 = tpu.memref_slice %arg2[%dma_start3A_266, %mul3A_265] : memref<64x100000xf32, #tpu.memory_space<hbm>> -> memref<64x128xf32, #tpu.memory_space<hbm>>
    %dma_start3A_268 = arith.constant 0 : i32
    %dma_start3A_269 = tpu.memref_slice %arg2[%dma_start3A_268, %mul3A_265] : memref<64x100000xf32, #tpu.memory_space<hbm>> -> memref<64x128xf32, #tpu.memory_space<hbm>>
    tpu.enqueue_dma source(%dma_start3A_269 : memref<64x128xf32, #tpu.memory_space<hbm>>) target(%arg6 : memref<64x128xf32, #tpu.memory_space<vmem>>) target_semaphore(%arg10 : memref<!tpu.dma_semaphore, #tpu.memory_space<semaphore_mem>>)
    %scan3A = arith.constant 0 : i32
    %scan3A_270 = arith.constant 12 : i32
    %scan3A_271 = arith.addi %scan3A, %scan3A_270 : i32
    %scan3A_272 = arith.constant 1 : i32
    scf.for %scan3A_293 = %scan3A to %scan3A_271 step %scan3A_272  : i32 {
      %mul3A_294 = arith.constant 2 : i32
      %mul3A_295 = arith.muli %scan3A_293, %mul3A_294 : i32
      %add3A_296 = arith.constant 0 : i32
      %add3A_297 = arith.addi %add3A_296, %mul3A_295 : i32
      %add3A_298 = arith.constant 0 : i32
      %add3A_299 = arith.addi %add3A_297, %add3A_298 : i32
      %dma_wait3A_300 = arith.constant 0 : i32
      %dma_wait3A_301 = arith.constant 0 : i32
      %dma_wait3A_302 = tpu.memref_slice %arg2[%dma_wait3A_300, %dma_wait3A_301] : memref<64x100000xf32, #tpu.memory_space<hbm>> -> memref<64x128xf32, #tpu.memory_space<hbm>>
      %dma_wait3A_303 = arith.constant 0 : i32
      %dma_wait3A_304 = arith.constant 0 : i32
      %dma_wait3A_305 = tpu.memref_slice %arg2[%dma_wait3A_303, %dma_wait3A_304] : memref<64x100000xf32, #tpu.memory_space<hbm>> -> memref<64x128xf32, #tpu.memory_space<hbm>>
      tpu.wait_dma2 semaphore(%arg9 : memref<!tpu.dma_semaphore, #tpu.memory_space<semaphore_mem>>) src(%dma_wait3A_305 : memref<64x128xf32, #tpu.memory_space<hbm>>) dst(%arg5 : memref<64x128xf32, #tpu.memory_space<vmem>>)
      %add3A_306 = arith.constant 2 : i32
      %add3A_307 = arith.addi %add3A_299, %add3A_306 : i32
      %mul3A_308 = arith.constant 32 : i32
      %mul3A_309 = arith.muli %add3A_307, %mul3A_308 : i32
      %add3A_310 = arith.addi %mul3A_309, %add3A : i32
      %lt3A_311 = arith.constant 781 : i32
      %lt3A_312 = arith.cmpi slt, %add3A_310, %lt3A_311 : i32
      %convert_element_type3A_313 = arith.extui %lt3A_312 : i1 to i32
      %cond3A_314 = arith.constant 0 : i32
      %cond3A_315 = arith.cmpi ne, %convert_element_type3A_313, %cond3A_314 : i32
      scf.if %cond3A_315 {
        %add3A_366 = arith.constant 2 : i32
        %add3A_367 = arith.addi %add3A_299, %add3A_366 : i32
        %mul3A_368 = arith.constant 32 : i32
        %mul3A_369 = arith.muli %add3A_367, %mul3A_368 : i32
        %add3A_370 = arith.addi %mul3A_369, %add3A : i32
        %mul3A_371 = arith.constant 128 : i32
        %mul3A_372 = arith.muli %add3A_370, %mul3A_371 : i32
        %dma_start3A_373 = arith.constant 0 : i32
        %dma_start3A_374 = tpu.memref_slice %arg2[%dma_start3A_373, %mul3A_372] : memref<64x100000xf32, #tpu.memory_space<hbm>> -> memref<64x128xf32, #tpu.memory_space<hbm>>
        %dma_start3A_375 = arith.constant 0 : i32
        %dma_start3A_376 = tpu.memref_slice %arg2[%dma_start3A_375, %mul3A_372] : memref<64x100000xf32, #tpu.memory_space<hbm>> -> memref<64x128xf32, #tpu.memory_space<hbm>>
        tpu.enqueue_dma source(%dma_start3A_376 : memref<64x128xf32, #tpu.memory_space<hbm>>) target(%arg5 : memref<64x128xf32, #tpu.memory_space<vmem>>) target_semaphore(%arg9 : memref<!tpu.dma_semaphore, #tpu.memory_space<semaphore_mem>>)
      } else {
      }
      %gt3A = arith.constant 0 : i32
      %gt3A_316 = arith.cmpi sgt, %add3A_297, %gt3A : i32
      %convert_element_type3A_317 = arith.extui %gt3A_316 : i1 to i32
      %cond3A_318 = arith.constant 0 : i32
      %cond3A_319 = arith.cmpi ne, %convert_element_type3A_317, %cond3A_318 : i32
      scf.if %cond3A_319 {
        %dma_wait3A_366 = arith.constant 0 : i32
        %dma_wait3A_367 = arith.constant 0 : i32
        %dma_wait3A_368 = tpu.memref_slice %arg4[%dma_wait3A_366, %dma_wait3A_367] : memref<50048x128xf32, #tpu.memory_space<hbm>> -> memref<64x128xf32, #tpu.memory_space<hbm>>
        %dma_wait3A_369 = arith.constant 0 : i32
        %dma_wait3A_370 = arith.constant 0 : i32
        %dma_wait3A_371 = tpu.memref_slice %arg4[%dma_wait3A_369, %dma_wait3A_370] : memref<50048x128xf32, #tpu.memory_space<hbm>> -> memref<64x128xf32, #tpu.memory_space<hbm>>
        tpu.wait_dma2 semaphore(%arg11 : memref<!tpu.dma_semaphore, #tpu.memory_space<semaphore_mem>>) src(%arg7 : memref<64x128xf32, #tpu.memory_space<vmem>>) dst(%dma_wait3A_371 : memref<64x128xf32, #tpu.memory_space<hbm>>)
      } else {
      }
      %parallel_loop3A = arith.constant 0 : i32
      %parallel_loop3A_320 = arith.constant 32 : i32
      %parallel_loop3A_321 = arith.constant 1 : i32
      scf.for %parallel_loop3A_366 = %parallel_loop3A to %parallel_loop3A_320 step %parallel_loop3A_321  : i32 {
        %parallel_loop3A_367 = arith.constant 3 : i32
        %parallel_loop3A_368 = arith.shrsi %parallel_loop3A_366, %parallel_loop3A_367 : i32
        %parallel_loop3A_369 = arith.constant 16 : i32
        %parallel_loop3A_370 = arith.muli %parallel_loop3A_368, %parallel_loop3A_369 : i32
        %parallel_loop3A_371 = arith.constant 7 : i32
        %parallel_loop3A_372 = arith.andi %parallel_loop3A_366, %parallel_loop3A_371 : i32
        %parallel_loop3A_373 = arith.constant 16 : i32
        %parallel_loop3A_374 = arith.muli %parallel_loop3A_372, %parallel_loop3A_373 : i32
        %parallel_loop3A_375 = arith.constant 7 : i32
        %parallel_loop3A_376 = arith.andi %parallel_loop3A_366, %parallel_loop3A_375 : i32
        %parallel_loop3A_377 = arith.constant 8 : i32
        %parallel_loop3A_378 = arith.muli %parallel_loop3A_376, %parallel_loop3A_377 : i32
        %parallel_loop3A_379 = vector.broadcast %parallel_loop3A_370 : i32 to vector<16xi32>
        %parallel_loop3A_380 = arith.addi %iota3A, %parallel_loop3A_379 : vector<16xi32>
        %parallel_loop3A_381 = vector.broadcast %parallel_loop3A_374 : i32 to vector<16xi32>
        %parallel_loop3A_382 = arith.addi %and3A_5, %parallel_loop3A_381 : vector<16xi32>
        %parallel_loop3A_383 = tpu.vector_load_idx %arg5[%parallel_loop3A_380, %parallel_loop3A_382] : memref<64x128xf32, #tpu.memory_space<vmem>>[vector<16xi32>, vector<16xi32>], vector<16xf32>,
        %parallel_loop3A_384 = vector.broadcast %parallel_loop3A_378 : i32 to vector<16xi32>
        %parallel_loop3A_385 = arith.addi %shift_right_arithmetic3A_97, %parallel_loop3A_384 : vector<16xi32>
        %parallel_loop3A_386 = vector.broadcast %parallel_loop3A_370 : i32 to vector<16xi32>
        %parallel_loop3A_387 = arith.addi %add3A_149, %parallel_loop3A_386 : vector<16xi32>
        tpu.vector_store_idx %arg7[%parallel_loop3A_385, %parallel_loop3A_387], %parallel_loop3A_383 : memref<64x128xf32, #tpu.memory_space<vmem>>[vector<16xi32>, vector<16xi32>], vector<16xf32>,
        %parallel_loop3A_388 = vector.broadcast %parallel_loop3A_374 : i32 to vector<16xi32>
        %parallel_loop3A_389 = arith.addi %and3A_11, %parallel_loop3A_388 : vector<16xi32>
        %parallel_loop3A_390 = tpu.vector_load_idx %arg5[%parallel_loop3A_380, %parallel_loop3A_389] : memref<64x128xf32, #tpu.memory_space<vmem>>[vector<16xi32>, vector<16xi32>], vector<16xf32>,
        %parallel_loop3A_391 = vector.broadcast %parallel_loop3A_378 : i32 to vector<16xi32>
        %parallel_loop3A_392 = arith.addi %shift_right_arithmetic3A_100, %parallel_loop3A_391 : vector<16xi32>
        %parallel_loop3A_393 = vector.broadcast %parallel_loop3A_370 : i32 to vector<16xi32>
        %parallel_loop3A_394 = arith.addi %add3A_156, %parallel_loop3A_393 : vector<16xi32>
        tpu.vector_store_idx %arg7[%parallel_loop3A_392, %parallel_loop3A_394], %parallel_loop3A_390 : memref<64x128xf32, #tpu.memory_space<vmem>>[vector<16xi32>, vector<16xi32>], vector<16xf32>,
        %parallel_loop3A_395 = vector.broadcast %parallel_loop3A_374 : i32 to vector<16xi32>
        %parallel_loop3A_396 = arith.addi %and3A_17, %parallel_loop3A_395 : vector<16xi32>
        %parallel_loop3A_397 = tpu.vector_load_idx %arg5[%parallel_loop3A_380, %parallel_loop3A_396] : memref<64x128xf32, #tpu.memory_space<vmem>>[vector<16xi32>, vector<16xi32>], vector<16xf32>,
        %parallel_loop3A_398 = vector.broadcast %parallel_loop3A_378 : i32 to vector<16xi32>
        %parallel_loop3A_399 = arith.addi %shift_right_arithmetic3A_103, %parallel_loop3A_398 : vector<16xi32>
        %parallel_loop3A_400 = vector.broadcast %parallel_loop3A_370 : i32 to vector<16xi32>
        %parallel_loop3A_401 = arith.addi %add3A_163, %parallel_loop3A_400 : vector<16xi32>
        tpu.vector_store_idx %arg7[%parallel_loop3A_399, %parallel_loop3A_401], %parallel_loop3A_397 : memref<64x128xf32, #tpu.memory_space<vmem>>[vector<16xi32>, vector<16xi32>], vector<16xf32>,
        %parallel_loop3A_402 = vector.broadcast %parallel_loop3A_374 : i32 to vector<16xi32>
        %parallel_loop3A_403 = arith.addi %and3A_23, %parallel_loop3A_402 : vector<16xi32>
        %parallel_loop3A_404 = tpu.vector_load_idx %arg5[%parallel_loop3A_380, %parallel_loop3A_403] : memref<64x128xf32, #tpu.memory_space<vmem>>[vector<16xi32>, vector<16xi32>], vector<16xf32>,
        %parallel_loop3A_405 = vector.broadcast %parallel_loop3A_378 : i32 to vector<16xi32>
        %parallel_loop3A_406 = arith.addi %shift_right_arithmetic3A_106, %parallel_loop3A_405 : vector<16xi32>
        %parallel_loop3A_407 = vector.broadcast %parallel_loop3A_370 : i32 to vector<16xi32>
        %parallel_loop3A_408 = arith.addi %add3A_170, %parallel_loop3A_407 : vector<16xi32>
        tpu.vector_store_idx %arg7[%parallel_loop3A_406, %parallel_loop3A_408], %parallel_loop3A_404 : memref<64x128xf32, #tpu.memory_space<vmem>>[vector<16xi32>, vector<16xi32>], vector<16xf32>,
        %parallel_loop3A_409 = vector.broadcast %parallel_loop3A_374 : i32 to vector<16xi32>
        %parallel_loop3A_410 = arith.addi %and3A_29, %parallel_loop3A_409 : vector<16xi32>
        %parallel_loop3A_411 = tpu.vector_load_idx %arg5[%parallel_loop3A_380, %parallel_loop3A_410] : memref<64x128xf32, #tpu.memory_space<vmem>>[vector<16xi32>, vector<16xi32>], vector<16xf32>,
        %parallel_loop3A_412 = vector.broadcast %parallel_loop3A_378 : i32 to vector<16xi32>
        %parallel_loop3A_413 = arith.addi %shift_right_arithmetic3A_109, %parallel_loop3A_412 : vector<16xi32>
        %parallel_loop3A_414 = vector.broadcast %parallel_loop3A_370 : i32 to vector<16xi32>
        %parallel_loop3A_415 = arith.addi %add3A_177, %parallel_loop3A_414 : vector<16xi32>
        tpu.vector_store_idx %arg7[%parallel_loop3A_413, %parallel_loop3A_415], %parallel_loop3A_411 : memref<64x128xf32, #tpu.memory_space<vmem>>[vector<16xi32>, vector<16xi32>], vector<16xf32>,
        %parallel_loop3A_416 = vector.broadcast %parallel_loop3A_374 : i32 to vector<16xi32>
        %parallel_loop3A_417 = arith.addi %and3A_35, %parallel_loop3A_416 : vector<16xi32>
        %parallel_loop3A_418 = tpu.vector_load_idx %arg5[%parallel_loop3A_380, %parallel_loop3A_417] : memref<64x128xf32, #tpu.memory_space<vmem>>[vector<16xi32>, vector<16xi32>], vector<16xf32>,
        %parallel_loop3A_419 = vector.broadcast %parallel_loop3A_378 : i32 to vector<16xi32>
        %parallel_loop3A_420 = arith.addi %shift_right_arithmetic3A_112, %parallel_loop3A_419 : vector<16xi32>
        %parallel_loop3A_421 = vector.broadcast %parallel_loop3A_370 : i32 to vector<16xi32>
        %parallel_loop3A_422 = arith.addi %add3A_184, %parallel_loop3A_421 : vector<16xi32>
        tpu.vector_store_idx %arg7[%parallel_loop3A_420, %parallel_loop3A_422], %parallel_loop3A_418 : memref<64x128xf32, #tpu.memory_space<vmem>>[vector<16xi32>, vector<16xi32>], vector<16xf32>,
        %parallel_loop3A_423 = vector.broadcast %parallel_loop3A_374 : i32 to vector<16xi32>
        %parallel_loop3A_424 = arith.addi %and3A_41, %parallel_loop3A_423 : vector<16xi32>
        %parallel_loop3A_425 = tpu.vector_load_idx %arg5[%parallel_loop3A_380, %parallel_loop3A_424] : memref<64x128xf32, #tpu.memory_space<vmem>>[vector<16xi32>, vector<16xi32>], vector<16xf32>,
        %parallel_loop3A_426 = vector.broadcast %parallel_loop3A_378 : i32 to vector<16xi32>
        %parallel_loop3A_427 = arith.addi %shift_right_arithmetic3A_115, %parallel_loop3A_426 : vector<16xi32>
        %parallel_loop3A_428 = vector.broadcast %parallel_loop3A_370 : i32 to vector<16xi32>
        %parallel_loop3A_429 = arith.addi %add3A_191, %parallel_loop3A_428 : vector<16xi32>
        tpu.vector_store_idx %arg7[%parallel_loop3A_427, %parallel_loop3A_429], %parallel_loop3A_425 : memref<64x128xf32, #tpu.memory_space<vmem>>[vector<16xi32>, vector<16xi32>], vector<16xf32>,
        %parallel_loop3A_430 = vector.broadcast %parallel_loop3A_374 : i32 to vector<16xi32>
        %parallel_loop3A_431 = arith.addi %and3A_47, %parallel_loop3A_430 : vector<16xi32>
        %parallel_loop3A_432 = tpu.vector_load_idx %arg5[%parallel_loop3A_380, %parallel_loop3A_431] : memref<64x128xf32, #tpu.memory_space<vmem>>[vector<16xi32>, vector<16xi32>], vector<16xf32>,
        %parallel_loop3A_433 = vector.broadcast %parallel_loop3A_378 : i32 to vector<16xi32>
        %parallel_loop3A_434 = arith.addi %shift_right_arithmetic3A_118, %parallel_loop3A_433 : vector<16xi32>
        %parallel_loop3A_435 = vector.broadcast %parallel_loop3A_370 : i32 to vector<16xi32>
        %parallel_loop3A_436 = arith.addi %add3A_198, %parallel_loop3A_435 : vector<16xi32>
        tpu.vector_store_idx %arg7[%parallel_loop3A_434, %parallel_loop3A_436], %parallel_loop3A_432 : memref<64x128xf32, #tpu.memory_space<vmem>>[vector<16xi32>, vector<16xi32>], vector<16xf32>,
        %parallel_loop3A_437 = vector.broadcast %parallel_loop3A_374 : i32 to vector<16xi32>
        %parallel_loop3A_438 = arith.addi %and3A_53, %parallel_loop3A_437 : vector<16xi32>
        %parallel_loop3A_439 = tpu.vector_load_idx %arg5[%parallel_loop3A_380, %parallel_loop3A_438] : memref<64x128xf32, #tpu.memory_space<vmem>>[vector<16xi32>, vector<16xi32>], vector<16xf32>,
        %parallel_loop3A_440 = vector.broadcast %parallel_loop3A_378 : i32 to vector<16xi32>
        %parallel_loop3A_441 = arith.addi %shift_right_arithmetic3A_121, %parallel_loop3A_440 : vector<16xi32>
        %parallel_loop3A_442 = vector.broadcast %parallel_loop3A_370 : i32 to vector<16xi32>
        %parallel_loop3A_443 = arith.addi %add3A_205, %parallel_loop3A_442 : vector<16xi32>
        tpu.vector_store_idx %arg7[%parallel_loop3A_441, %parallel_loop3A_443], %parallel_loop3A_439 : memref<64x128xf32, #tpu.memory_space<vmem>>[vector<16xi32>, vector<16xi32>], vector<16xf32>,
        %parallel_loop3A_444 = vector.broadcast %parallel_loop3A_374 : i32 to vector<16xi32>
        %parallel_loop3A_445 = arith.addi %and3A_59, %parallel_loop3A_444 : vector<16xi32>
        %parallel_loop3A_446 = tpu.vector_load_idx %arg5[%parallel_loop3A_380, %parallel_loop3A_445] : memref<64x128xf32, #tpu.memory_space<vmem>>[vector<16xi32>, vector<16xi32>], vector<16xf32>,
        %parallel_loop3A_447 = vector.broadcast %parallel_loop3A_378 : i32 to vector<16xi32>
        %parallel_loop3A_448 = arith.addi %shift_right_arithmetic3A_124, %parallel_loop3A_447 : vector<16xi32>
        %parallel_loop3A_449 = vector.broadcast %parallel_loop3A_370 : i32 to vector<16xi32>
        %parallel_loop3A_450 = arith.addi %add3A_212, %parallel_loop3A_449 : vector<16xi32>
        tpu.vector_store_idx %arg7[%parallel_loop3A_448, %parallel_loop3A_450], %parallel_loop3A_446 : memref<64x128xf32, #tpu.memory_space<vmem>>[vector<16xi32>, vector<16xi32>], vector<16xf32>,
        %parallel_loop3A_451 = vector.broadcast %parallel_loop3A_374 : i32 to vector<16xi32>
        %parallel_loop3A_452 = arith.addi %and3A_65, %parallel_loop3A_451 : vector<16xi32>
        %parallel_loop3A_453 = tpu.vector_load_idx %arg5[%parallel_loop3A_380, %parallel_loop3A_452] : memref<64x128xf32, #tpu.memory_space<vmem>>[vector<16xi32>, vector<16xi32>], vector<16xf32>,
        %parallel_loop3A_454 = vector.broadcast %parallel_loop3A_378 : i32 to vector<16xi32>
        %parallel_loop3A_455 = arith.addi %shift_right_arithmetic3A_127, %parallel_loop3A_454 : vector<16xi32>
        %parallel_loop3A_456 = vector.broadcast %parallel_loop3A_370 : i32 to vector<16xi32>
        %parallel_loop3A_457 = arith.addi %add3A_219, %parallel_loop3A_456 : vector<16xi32>
        tpu.vector_store_idx %arg7[%parallel_loop3A_455, %parallel_loop3A_457], %parallel_loop3A_453 : memref<64x128xf32, #tpu.memory_space<vmem>>[vector<16xi32>, vector<16xi32>], vector<16xf32>,
        %parallel_loop3A_458 = vector.broadcast %parallel_loop3A_374 : i32 to vector<16xi32>
        %parallel_loop3A_459 = arith.addi %and3A_71, %parallel_loop3A_458 : vector<16xi32>
        %parallel_loop3A_460 = tpu.vector_load_idx %arg5[%parallel_loop3A_380, %parallel_loop3A_459] : memref<64x128xf32, #tpu.memory_space<vmem>>[vector<16xi32>, vector<16xi32>], vector<16xf32>,
        %parallel_loop3A_461 = vector.broadcast %parallel_loop3A_378 : i32 to vector<16xi32>
        %parallel_loop3A_462 = arith.addi %shift_right_arithmetic3A_130, %parallel_loop3A_461 : vector<16xi32>
        %parallel_loop3A_463 = vector.broadcast %parallel_loop3A_370 : i32 to vector<16xi32>
        %parallel_loop3A_464 = arith.addi %add3A_226, %parallel_loop3A_463 : vector<16xi32>
        tpu.vector_store_idx %arg7[%parallel_loop3A_462, %parallel_loop3A_464], %parallel_loop3A_460 : memref<64x128xf32, #tpu.memory_space<vmem>>[vector<16xi32>, vector<16xi32>], vector<16xf32>,
        %parallel_loop3A_465 = vector.broadcast %parallel_loop3A_374 : i32 to vector<16xi32>
        %parallel_loop3A_466 = arith.addi %and3A_77, %parallel_loop3A_465 : vector<16xi32>
        %parallel_loop3A_467 = tpu.vector_load_idx %arg5[%parallel_loop3A_380, %parallel_loop3A_466] : memref<64x128xf32, #tpu.memory_space<vmem>>[vector<16xi32>, vector<16xi32>], vector<16xf32>,
        %parallel_loop3A_468 = vector.broadcast %parallel_loop3A_378 : i32 to vector<16xi32>
        %parallel_loop3A_469 = arith.addi %shift_right_arithmetic3A_133, %parallel_loop3A_468 : vector<16xi32>
        %parallel_loop3A_470 = vector.broadcast %parallel_loop3A_370 : i32 to vector<16xi32>
        %parallel_loop3A_471 = arith.addi %add3A_233, %parallel_loop3A_470 : vector<16xi32>
        tpu.vector_store_idx %arg7[%parallel_loop3A_469, %parallel_loop3A_471], %parallel_loop3A_467 : memref<64x128xf32, #tpu.memory_space<vmem>>[vector<16xi32>, vector<16xi32>], vector<16xf32>,
        %parallel_loop3A_472 = vector.broadcast %parallel_loop3A_374 : i32 to vector<16xi32>
        %parallel_loop3A_473 = arith.addi %and3A_83, %parallel_loop3A_472 : vector<16xi32>
        %parallel_loop3A_474 = tpu.vector_load_idx %arg5[%parallel_loop3A_380, %parallel_loop3A_473] : memref<64x128xf32, #tpu.memory_space<vmem>>[vector<16xi32>, vector<16xi32>], vector<16xf32>,
        %parallel_loop3A_475 = vector.broadcast %parallel_loop3A_378 : i32 to vector<16xi32>
        %parallel_loop3A_476 = arith.addi %shift_right_arithmetic3A_136, %parallel_loop3A_475 : vector<16xi32>
        %parallel_loop3A_477 = vector.broadcast %parallel_loop3A_370 : i32 to vector<16xi32>
        %parallel_loop3A_478 = arith.addi %add3A_240, %parallel_loop3A_477 : vector<16xi32>
        tpu.vector_store_idx %arg7[%parallel_loop3A_476, %parallel_loop3A_478], %parallel_loop3A_474 : memref<64x128xf32, #tpu.memory_space<vmem>>[vector<16xi32>, vector<16xi32>], vector<16xf32>,
        %parallel_loop3A_479 = vector.broadcast %parallel_loop3A_374 : i32 to vector<16xi32>
        %parallel_loop3A_480 = arith.addi %and3A_89, %parallel_loop3A_479 : vector<16xi32>
        %parallel_loop3A_481 = tpu.vector_load_idx %arg5[%parallel_loop3A_380, %parallel_loop3A_480] : memref<64x128xf32, #tpu.memory_space<vmem>>[vector<16xi32>, vector<16xi32>], vector<16xf32>,
        %parallel_loop3A_482 = vector.broadcast %parallel_loop3A_378 : i32 to vector<16xi32>
        %parallel_loop3A_483 = arith.addi %shift_right_arithmetic3A_139, %parallel_loop3A_482 : vector<16xi32>
        %parallel_loop3A_484 = vector.broadcast %parallel_loop3A_370 : i32 to vector<16xi32>
        %parallel_loop3A_485 = arith.addi %add3A_247, %parallel_loop3A_484 : vector<16xi32>
        tpu.vector_store_idx %arg7[%parallel_loop3A_483, %parallel_loop3A_485], %parallel_loop3A_481 : memref<64x128xf32, #tpu.memory_space<vmem>>[vector<16xi32>, vector<16xi32>], vector<16xf32>,
        %parallel_loop3A_486 = vector.broadcast %parallel_loop3A_374 : i32 to vector<16xi32>
        %parallel_loop3A_487 = arith.addi %and3A_95, %parallel_loop3A_486 : vector<16xi32>
        %parallel_loop3A_488 = tpu.vector_load_idx %arg5[%parallel_loop3A_380, %parallel_loop3A_487] : memref<64x128xf32, #tpu.memory_space<vmem>>[vector<16xi32>, vector<16xi32>], vector<16xf32>,
        %parallel_loop3A_489 = vector.broadcast %parallel_loop3A_378 : i32 to vector<16xi32>
        %parallel_loop3A_490 = arith.addi %shift_right_arithmetic3A_142, %parallel_loop3A_489 : vector<16xi32>
        %parallel_loop3A_491 = vector.broadcast %parallel_loop3A_370 : i32 to vector<16xi32>
        %parallel_loop3A_492 = arith.addi %add3A_254, %parallel_loop3A_491 : vector<16xi32>
        tpu.vector_store_idx %arg7[%parallel_loop3A_490, %parallel_loop3A_492], %parallel_loop3A_488 : memref<64x128xf32, #tpu.memory_space<vmem>>[vector<16xi32>, vector<16xi32>], vector<16xf32>,
      } {sc.loop_unroll_factor = 2 : i64, sc.parallel_access}
      %mul3A_322 = arith.constant 32 : i32
      %mul3A_323 = arith.muli %add3A_299, %mul3A_322 : i32
      %add3A_324 = arith.addi %mul3A_323, %add3A : i32
      %mul3A_325 = arith.constant 64 : i32
      %mul3A_326 = arith.muli %add3A_324, %mul3A_325 : i32
      %dma_start3A_327 = arith.constant 0 : i32
      %dma_start3A_328 = tpu.memref_slice %arg4[%mul3A_326, %dma_start3A_327] : memref<50048x128xf32, #tpu.memory_space<hbm>> -> memref<64x128xf32, #tpu.memory_space<hbm>>
      %dma_start3A_329 = arith.constant 0 : i32
      %dma_start3A_330 = tpu.memref_slice %arg4[%mul3A_326, %dma_start3A_329] : memref<50048x128xf32, #tpu.memory_space<hbm>> -> memref<64x128xf32, #tpu.memory_space<hbm>>
      tpu.enqueue_dma source(%arg7 : memref<64x128xf32, #tpu.memory_space<vmem>>) target(%dma_start3A_330 : memref<64x128xf32, #tpu.memory_space<hbm>>) target_semaphore(%arg11 : memref<!tpu.dma_semaphore, #tpu.memory_space<semaphore_mem>>)
      %add3A_331 = arith.constant 1 : i32
      %add3A_332 = arith.addi %add3A_297, %add3A_331 : i32
      %dma_wait3A_333 = arith.constant 0 : i32
      %dma_wait3A_334 = arith.constant 0 : i32
      %dma_wait3A_335 = tpu.memref_slice %arg2[%dma_wait3A_333, %dma_wait3A_334] : memref<64x100000xf32, #tpu.memory_space<hbm>> -> memref<64x128xf32, #tpu.memory_space<hbm>>
      %dma_wait3A_336 = arith.constant 0 : i32
      %dma_wait3A_337 = arith.constant 0 : i32
      %dma_wait3A_338 = tpu.memref_slice %arg2[%dma_wait3A_336, %dma_wait3A_337] : memref<64x100000xf32, #tpu.memory_space<hbm>> -> memref<64x128xf32, #tpu.memory_space<hbm>>
      tpu.wait_dma2 semaphore(%arg10 : memref<!tpu.dma_semaphore, #tpu.memory_space<semaphore_mem>>) src(%dma_wait3A_338 : memref<64x128xf32, #tpu.memory_space<hbm>>) dst(%arg6 : memref<64x128xf32, #tpu.memory_space<vmem>>)
      %add3A_339 = arith.constant 2 : i32
      %add3A_340 = arith.addi %add3A_332, %add3A_339 : i32
      %mul3A_341 = arith.constant 32 : i32
      %mul3A_342 = arith.muli %add3A_340, %mul3A_341 : i32
      %add3A_343 = arith.addi %mul3A_342, %add3A : i32
      %lt3A_344 = arith.constant 781 : i32
      %lt3A_345 = arith.cmpi slt, %add3A_343, %lt3A_344 : i32
      %convert_element_type3A_346 = arith.extui %lt3A_345 : i1 to i32
      %cond3A_347 = arith.constant 0 : i32
      %cond3A_348 = arith.cmpi ne, %convert_element_type3A_346, %cond3A_347 : i32
      scf.if %cond3A_348 {
        %add3A_366 = arith.constant 2 : i32
        %add3A_367 = arith.addi %add3A_332, %add3A_366 : i32
        %mul3A_368 = arith.constant 32 : i32
        %mul3A_369 = arith.muli %add3A_367, %mul3A_368 : i32
        %add3A_370 = arith.addi %mul3A_369, %add3A : i32
        %mul3A_371 = arith.constant 128 : i32
        %mul3A_372 = arith.muli %add3A_370, %mul3A_371 : i32
        %dma_start3A_373 = arith.constant 0 : i32
        %dma_start3A_374 = tpu.memref_slice %arg2[%dma_start3A_373, %mul3A_372] : memref<64x100000xf32, #tpu.memory_space<hbm>> -> memref<64x128xf32, #tpu.memory_space<hbm>>
        %dma_start3A_375 = arith.constant 0 : i32
        %dma_start3A_376 = tpu.memref_slice %arg2[%dma_start3A_375, %mul3A_372] : memref<64x100000xf32, #tpu.memory_space<hbm>> -> memref<64x128xf32, #tpu.memory_space<hbm>>
        tpu.enqueue_dma source(%dma_start3A_376 : memref<64x128xf32, #tpu.memory_space<hbm>>) target(%arg6 : memref<64x128xf32, #tpu.memory_space<vmem>>) target_semaphore(%arg10 : memref<!tpu.dma_semaphore, #tpu.memory_space<semaphore_mem>>)
      } else {
      }
      %gt3A_349 = arith.constant 0 : i32
      %gt3A_350 = arith.cmpi sgt, %add3A_297, %gt3A_349 : i32
      %convert_element_type3A_351 = arith.extui %gt3A_350 : i1 to i32
      %cond3A_352 = arith.constant 0 : i32
      %cond3A_353 = arith.cmpi ne, %convert_element_type3A_351, %cond3A_352 : i32
      scf.if %cond3A_353 {
        %dma_wait3A_366 = arith.constant 0 : i32
        %dma_wait3A_367 = arith.constant 0 : i32
        %dma_wait3A_368 = tpu.memref_slice %arg4[%dma_wait3A_366, %dma_wait3A_367] : memref<50048x128xf32, #tpu.memory_space<hbm>> -> memref<64x128xf32, #tpu.memory_space<hbm>>
        %dma_wait3A_369 = arith.constant 0 : i32
        %dma_wait3A_370 = arith.constant 0 : i32
        %dma_wait3A_371 = tpu.memref_slice %arg4[%dma_wait3A_369, %dma_wait3A_370] : memref<50048x128xf32, #tpu.memory_space<hbm>> -> memref<64x128xf32, #tpu.memory_space<hbm>>
        tpu.wait_dma2 semaphore(%arg12 : memref<!tpu.dma_semaphore, #tpu.memory_space<semaphore_mem>>) src(%arg8 : memref<64x128xf32, #tpu.memory_space<vmem>>) dst(%dma_wait3A_371 : memref<64x128xf32, #tpu.memory_space<hbm>>)
      } else {
      }
      %parallel_loop3A_354 = arith.constant 0 : i32
      %parallel_loop3A_355 = arith.constant 32 : i32
      %parallel_loop3A_356 = arith.constant 1 : i32
      scf.for %parallel_loop3A_366 = %parallel_loop3A_354 to %parallel_loop3A_355 step %parallel_loop3A_356  : i32 {
        %parallel_loop3A_367 = arith.constant 3 : i32
        %parallel_loop3A_368 = arith.shrsi %parallel_loop3A_366, %parallel_loop3A_367 : i32
        %parallel_loop3A_369 = arith.constant 16 : i32
        %parallel_loop3A_370 = arith.muli %parallel_loop3A_368, %parallel_loop3A_369 : i32
        %parallel_loop3A_371 = arith.constant 7 : i32
        %parallel_loop3A_372 = arith.andi %parallel_loop3A_366, %parallel_loop3A_371 : i32
        %parallel_loop3A_373 = arith.constant 16 : i32
        %parallel_loop3A_374 = arith.muli %parallel_loop3A_372, %parallel_loop3A_373 : i32
        %parallel_loop3A_375 = arith.constant 7 : i32
        %parallel_loop3A_376 = arith.andi %parallel_loop3A_366, %parallel_loop3A_375 : i32
        %parallel_loop3A_377 = arith.constant 8 : i32
        %parallel_loop3A_378 = arith.muli %parallel_loop3A_376, %parallel_loop3A_377 : i32
        %parallel_loop3A_379 = vector.broadcast %parallel_loop3A_370 : i32 to vector<16xi32>
        %parallel_loop3A_380 = arith.addi %iota3A, %parallel_loop3A_379 : vector<16xi32>
        %parallel_loop3A_381 = vector.broadcast %parallel_loop3A_374 : i32 to vector<16xi32>
        %parallel_loop3A_382 = arith.addi %and3A_5, %parallel_loop3A_381 : vector<16xi32>
        %parallel_loop3A_383 = tpu.vector_load_idx %arg6[%parallel_loop3A_380, %parallel_loop3A_382] : memref<64x128xf32, #tpu.memory_space<vmem>>[vector<16xi32>, vector<16xi32>], vector<16xf32>,
        %parallel_loop3A_384 = vector.broadcast %parallel_loop3A_378 : i32 to vector<16xi32>
        %parallel_loop3A_385 = arith.addi %shift_right_arithmetic3A_97, %parallel_loop3A_384 : vector<16xi32>
        %parallel_loop3A_386 = vector.broadcast %parallel_loop3A_370 : i32 to vector<16xi32>
        %parallel_loop3A_387 = arith.addi %add3A_149, %parallel_loop3A_386 : vector<16xi32>
        tpu.vector_store_idx %arg8[%parallel_loop3A_385, %parallel_loop3A_387], %parallel_loop3A_383 : memref<64x128xf32, #tpu.memory_space<vmem>>[vector<16xi32>, vector<16xi32>], vector<16xf32>,
        %parallel_loop3A_388 = vector.broadcast %parallel_loop3A_374 : i32 to vector<16xi32>
        %parallel_loop3A_389 = arith.addi %and3A_11, %parallel_loop3A_388 : vector<16xi32>
        %parallel_loop3A_390 = tpu.vector_load_idx %arg6[%parallel_loop3A_380, %parallel_loop3A_389] : memref<64x128xf32, #tpu.memory_space<vmem>>[vector<16xi32>, vector<16xi32>], vector<16xf32>,
        %parallel_loop3A_391 = vector.broadcast %parallel_loop3A_378 : i32 to vector<16xi32>
        %parallel_loop3A_392 = arith.addi %shift_right_arithmetic3A_100, %parallel_loop3A_391 : vector<16xi32>
        %parallel_loop3A_393 = vector.broadcast %parallel_loop3A_370 : i32 to vector<16xi32>
        %parallel_loop3A_394 = arith.addi %add3A_156, %parallel_loop3A_393 : vector<16xi32>
        tpu.vector_store_idx %arg8[%parallel_loop3A_392, %parallel_loop3A_394], %parallel_loop3A_390 : memref<64x128xf32, #tpu.memory_space<vmem>>[vector<16xi32>, vector<16xi32>], vector<16xf32>,
        %parallel_loop3A_395 = vector.broadcast %parallel_loop3A_374 : i32 to vector<16xi32>
        %parallel_loop3A_396 = arith.addi %and3A_17, %parallel_loop3A_395 : vector<16xi32>
        %parallel_loop3A_397 = tpu.vector_load_idx %arg6[%parallel_loop3A_380, %parallel_loop3A_396] : memref<64x128xf32, #tpu.memory_space<vmem>>[vector<16xi32>, vector<16xi32>], vector<16xf32>,
        %parallel_loop3A_398 = vector.broadcast %parallel_loop3A_378 : i32 to vector<16xi32>
        %parallel_loop3A_399 = arith.addi %shift_right_arithmetic3A_103, %parallel_loop3A_398 : vector<16xi32>
        %parallel_loop3A_400 = vector.broadcast %parallel_loop3A_370 : i32 to vector<16xi32>
        %parallel_loop3A_401 = arith.addi %add3A_163, %parallel_loop3A_400 : vector<16xi32>
        tpu.vector_store_idx %arg8[%parallel_loop3A_399, %parallel_loop3A_401], %parallel_loop3A_397 : memref<64x128xf32, #tpu.memory_space<vmem>>[vector<16xi32>, vector<16xi32>], vector<16xf32>,
        %parallel_loop3A_402 = vector.broadcast %parallel_loop3A_374 : i32 to vector<16xi32>
        %parallel_loop3A_403 = arith.addi %and3A_23, %parallel_loop3A_402 : vector<16xi32>
        %parallel_loop3A_404 = tpu.vector_load_idx %arg6[%parallel_loop3A_380, %parallel_loop3A_403] : memref<64x128xf32, #tpu.memory_space<vmem>>[vector<16xi32>, vector<16xi32>], vector<16xf32>,
        %parallel_loop3A_405 = vector.broadcast %parallel_loop3A_378 : i32 to vector<16xi32>
        %parallel_loop3A_406 = arith.addi %shift_right_arithmetic3A_106, %parallel_loop3A_405 : vector<16xi32>
        %parallel_loop3A_407 = vector.broadcast %parallel_loop3A_370 : i32 to vector<16xi32>
        %parallel_loop3A_408 = arith.addi %add3A_170, %parallel_loop3A_407 : vector<16xi32>
        tpu.vector_store_idx %arg8[%parallel_loop3A_406, %parallel_loop3A_408], %parallel_loop3A_404 : memref<64x128xf32, #tpu.memory_space<vmem>>[vector<16xi32>, vector<16xi32>], vector<16xf32>,
        %parallel_loop3A_409 = vector.broadcast %parallel_loop3A_374 : i32 to vector<16xi32>
        %parallel_loop3A_410 = arith.addi %and3A_29, %parallel_loop3A_409 : vector<16xi32>
        %parallel_loop3A_411 = tpu.vector_load_idx %arg6[%parallel_loop3A_380, %parallel_loop3A_410] : memref<64x128xf32, #tpu.memory_space<vmem>>[vector<16xi32>, vector<16xi32>], vector<16xf32>,
        %parallel_loop3A_412 = vector.broadcast %parallel_loop3A_378 : i32 to vector<16xi32>
        %parallel_loop3A_413 = arith.addi %shift_right_arithmetic3A_109, %parallel_loop3A_412 : vector<16xi32>
        %parallel_loop3A_414 = vector.broadcast %parallel_loop3A_370 : i32 to vector<16xi32>
        %parallel_loop3A_415 = arith.addi %add3A_177, %parallel_loop3A_414 : vector<16xi32>
        tpu.vector_store_idx %arg8[%parallel_loop3A_413, %parallel_loop3A_415], %parallel_loop3A_411 : memref<64x128xf32, #tpu.memory_space<vmem>>[vector<16xi32>, vector<16xi32>], vector<16xf32>,
        %parallel_loop3A_416 = vector.broadcast %parallel_loop3A_374 : i32 to vector<16xi32>
        %parallel_loop3A_417 = arith.addi %and3A_35, %parallel_loop3A_416 : vector<16xi32>
        %parallel_loop3A_418 = tpu.vector_load_idx %arg6[%parallel_loop3A_380, %parallel_loop3A_417] : memref<64x128xf32, #tpu.memory_space<vmem>>[vector<16xi32>, vector<16xi32>], vector<16xf32>,
        %parallel_loop3A_419 = vector.broadcast %parallel_loop3A_378 : i32 to vector<16xi32>
        %parallel_loop3A_420 = arith.addi %shift_right_arithmetic3A_112, %parallel_loop3A_419 : vector<16xi32>
        %parallel_loop3A_421 = vector.broadcast %parallel_loop3A_370 : i32 to vector<16xi32>
        %parallel_loop3A_422 = arith.addi %add3A_184, %parallel_loop3A_421 : vector<16xi32>
        tpu.vector_store_idx %arg8[%parallel_loop3A_420, %parallel_loop3A_422], %parallel_loop3A_418 : memref<64x128xf32, #tpu.memory_space<vmem>>[vector<16xi32>, vector<16xi32>], vector<16xf32>,
        %parallel_loop3A_423 = vector.broadcast %parallel_loop3A_374 : i32 to vector<16xi32>
        %parallel_loop3A_424 = arith.addi %and3A_41, %parallel_loop3A_423 : vector<16xi32>
        %parallel_loop3A_425 = tpu.vector_load_idx %arg6[%parallel_loop3A_380, %parallel_loop3A_424] : memref<64x128xf32, #tpu.memory_space<vmem>>[vector<16xi32>, vector<16xi32>], vector<16xf32>,
        %parallel_loop3A_426 = vector.broadcast %parallel_loop3A_378 : i32 to vector<16xi32>
        %parallel_loop3A_427 = arith.addi %shift_right_arithmetic3A_115, %parallel_loop3A_426 : vector<16xi32>
        %parallel_loop3A_428 = vector.broadcast %parallel_loop3A_370 : i32 to vector<16xi32>
        %parallel_loop3A_429 = arith.addi %add3A_191, %parallel_loop3A_428 : vector<16xi32>
        tpu.vector_store_idx %arg8[%parallel_loop3A_427, %parallel_loop3A_429], %parallel_loop3A_425 : memref<64x128xf32, #tpu.memory_space<vmem>>[vector<16xi32>, vector<16xi32>], vector<16xf32>,
        %parallel_loop3A_430 = vector.broadcast %parallel_loop3A_374 : i32 to vector<16xi32>
        %parallel_loop3A_431 = arith.addi %and3A_47, %parallel_loop3A_430 : vector<16xi32>
        %parallel_loop3A_432 = tpu.vector_load_idx %arg6[%parallel_loop3A_380, %parallel_loop3A_431] : memref<64x128xf32, #tpu.memory_space<vmem>>[vector<16xi32>, vector<16xi32>], vector<16xf32>,
        %parallel_loop3A_433 = vector.broadcast %parallel_loop3A_378 : i32 to vector<16xi32>
        %parallel_loop3A_434 = arith.addi %shift_right_arithmetic3A_118, %parallel_loop3A_433 : vector<16xi32>
        %parallel_loop3A_435 = vector.broadcast %parallel_loop3A_370 : i32 to vector<16xi32>
        %parallel_loop3A_436 = arith.addi %add3A_198, %parallel_loop3A_435 : vector<16xi32>
        tpu.vector_store_idx %arg8[%parallel_loop3A_434, %parallel_loop3A_436], %parallel_loop3A_432 : memref<64x128xf32, #tpu.memory_space<vmem>>[vector<16xi32>, vector<16xi32>], vector<16xf32>,
        %parallel_loop3A_437 = vector.broadcast %parallel_loop3A_374 : i32 to vector<16xi32>
        %parallel_loop3A_438 = arith.addi %and3A_53, %parallel_loop3A_437 : vector<16xi32>
        %parallel_loop3A_439 = tpu.vector_load_idx %arg6[%parallel_loop3A_380, %parallel_loop3A_438] : memref<64x128xf32, #tpu.memory_space<vmem>>[vector<16xi32>, vector<16xi32>], vector<16xf32>,
        %parallel_loop3A_440 = vector.broadcast %parallel_loop3A_378 : i32 to vector<16xi32>
        %parallel_loop3A_441 = arith.addi %shift_right_arithmetic3A_121, %parallel_loop3A_440 : vector<16xi32>
        %parallel_loop3A_442 = vector.broadcast %parallel_loop3A_370 : i32 to vector<16xi32>
        %parallel_loop3A_443 = arith.addi %add3A_205, %parallel_loop3A_442 : vector<16xi32>
        tpu.vector_store_idx %arg8[%parallel_loop3A_441, %parallel_loop3A_443], %parallel_loop3A_439 : memref<64x128xf32, #tpu.memory_space<vmem>>[vector<16xi32>, vector<16xi32>], vector<16xf32>,
        %parallel_loop3A_444 = vector.broadcast %parallel_loop3A_374 : i32 to vector<16xi32>
        %parallel_loop3A_445 = arith.addi %and3A_59, %parallel_loop3A_444 : vector<16xi32>
        %parallel_loop3A_446 = tpu.vector_load_idx %arg6[%parallel_loop3A_380, %parallel_loop3A_445] : memref<64x128xf32, #tpu.memory_space<vmem>>[vector<16xi32>, vector<16xi32>], vector<16xf32>,
        %parallel_loop3A_447 = vector.broadcast %parallel_loop3A_378 : i32 to vector<16xi32>
        %parallel_loop3A_448 = arith.addi %shift_right_arithmetic3A_124, %parallel_loop3A_447 : vector<16xi32>
        %parallel_loop3A_449 = vector.broadcast %parallel_loop3A_370 : i32 to vector<16xi32>
        %parallel_loop3A_450 = arith.addi %add3A_212, %parallel_loop3A_449 : vector<16xi32>
        tpu.vector_store_idx %arg8[%parallel_loop3A_448, %parallel_loop3A_450], %parallel_loop3A_446 : memref<64x128xf32, #tpu.memory_space<vmem>>[vector<16xi32>, vector<16xi32>], vector<16xf32>,
        %parallel_loop3A_451 = vector.broadcast %parallel_loop3A_374 : i32 to vector<16xi32>
        %parallel_loop3A_452 = arith.addi %and3A_65, %parallel_loop3A_451 : vector<16xi32>
        %parallel_loop3A_453 = tpu.vector_load_idx %arg6[%parallel_loop3A_380, %parallel_loop3A_452] : memref<64x128xf32, #tpu.memory_space<vmem>>[vector<16xi32>, vector<16xi32>], vector<16xf32>,
        %parallel_loop3A_454 = vector.broadcast %parallel_loop3A_378 : i32 to vector<16xi32>
        %parallel_loop3A_455 = arith.addi %shift_right_arithmetic3A_127, %parallel_loop3A_454 : vector<16xi32>
        %parallel_loop3A_456 = vector.broadcast %parallel_loop3A_370 : i32 to vector<16xi32>
        %parallel_loop3A_457 = arith.addi %add3A_219, %parallel_loop3A_456 : vector<16xi32>
        tpu.vector_store_idx %arg8[%parallel_loop3A_455, %parallel_loop3A_457], %parallel_loop3A_453 : memref<64x128xf32, #tpu.memory_space<vmem>>[vector<16xi32>, vector<16xi32>], vector<16xf32>,
        %parallel_loop3A_458 = vector.broadcast %parallel_loop3A_374 : i32 to vector<16xi32>
        %parallel_loop3A_459 = arith.addi %and3A_71, %parallel_loop3A_458 : vector<16xi32>
        %parallel_loop3A_460 = tpu.vector_load_idx %arg6[%parallel_loop3A_380, %parallel_loop3A_459] : memref<64x128xf32, #tpu.memory_space<vmem>>[vector<16xi32>, vector<16xi32>], vector<16xf32>,
        %parallel_loop3A_461 = vector.broadcast %parallel_loop3A_378 : i32 to vector<16xi32>
        %parallel_loop3A_462 = arith.addi %shift_right_arithmetic3A_130, %parallel_loop3A_461 : vector<16xi32>
        %parallel_loop3A_463 = vector.broadcast %parallel_loop3A_370 : i32 to vector<16xi32>
        %parallel_loop3A_464 = arith.addi %add3A_226, %parallel_loop3A_463 : vector<16xi32>
        tpu.vector_store_idx %arg8[%parallel_loop3A_462, %parallel_loop3A_464], %parallel_loop3A_460 : memref<64x128xf32, #tpu.memory_space<vmem>>[vector<16xi32>, vector<16xi32>], vector<16xf32>,
        %parallel_loop3A_465 = vector.broadcast %parallel_loop3A_374 : i32 to vector<16xi32>
        %parallel_loop3A_466 = arith.addi %and3A_77, %parallel_loop3A_465 : vector<16xi32>
        %parallel_loop3A_467 = tpu.vector_load_idx %arg6[%parallel_loop3A_380, %parallel_loop3A_466] : memref<64x128xf32, #tpu.memory_space<vmem>>[vector<16xi32>, vector<16xi32>], vector<16xf32>,
        %parallel_loop3A_468 = vector.broadcast %parallel_loop3A_378 : i32 to vector<16xi32>
        %parallel_loop3A_469 = arith.addi %shift_right_arithmetic3A_133, %parallel_loop3A_468 : vector<16xi32>
        %parallel_loop3A_470 = vector.broadcast %parallel_loop3A_370 : i32 to vector<16xi32>
        %parallel_loop3A_471 = arith.addi %add3A_233, %parallel_loop3A_470 : vector<16xi32>
        tpu.vector_store_idx %arg8[%parallel_loop3A_469, %parallel_loop3A_471], %parallel_loop3A_467 : memref<64x128xf32, #tpu.memory_space<vmem>>[vector<16xi32>, vector<16xi32>], vector<16xf32>,
        %parallel_loop3A_472 = vector.broadcast %parallel_loop3A_374 : i32 to vector<16xi32>
        %parallel_loop3A_473 = arith.addi %and3A_83, %parallel_loop3A_472 : vector<16xi32>
        %parallel_loop3A_474 = tpu.vector_load_idx %arg6[%parallel_loop3A_380, %parallel_loop3A_473] : memref<64x128xf32, #tpu.memory_space<vmem>>[vector<16xi32>, vector<16xi32>], vector<16xf32>,
        %parallel_loop3A_475 = vector.broadcast %parallel_loop3A_378 : i32 to vector<16xi32>
        %parallel_loop3A_476 = arith.addi %shift_right_arithmetic3A_136, %parallel_loop3A_475 : vector<16xi32>
        %parallel_loop3A_477 = vector.broadcast %parallel_loop3A_370 : i32 to vector<16xi32>
        %parallel_loop3A_478 = arith.addi %add3A_240, %parallel_loop3A_477 : vector<16xi32>
        tpu.vector_store_idx %arg8[%parallel_loop3A_476, %parallel_loop3A_478], %parallel_loop3A_474 : memref<64x128xf32, #tpu.memory_space<vmem>>[vector<16xi32>, vector<16xi32>], vector<16xf32>,
        %parallel_loop3A_479 = vector.broadcast %parallel_loop3A_374 : i32 to vector<16xi32>
        %parallel_loop3A_480 = arith.addi %and3A_89, %parallel_loop3A_479 : vector<16xi32>
        %parallel_loop3A_481 = tpu.vector_load_idx %arg6[%parallel_loop3A_380, %parallel_loop3A_480] : memref<64x128xf32, #tpu.memory_space<vmem>>[vector<16xi32>, vector<16xi32>], vector<16xf32>,
        %parallel_loop3A_482 = vector.broadcast %parallel_loop3A_378 : i32 to vector<16xi32>
        %parallel_loop3A_483 = arith.addi %shift_right_arithmetic3A_139, %parallel_loop3A_482 : vector<16xi32>
        %parallel_loop3A_484 = vector.broadcast %parallel_loop3A_370 : i32 to vector<16xi32>
        %parallel_loop3A_485 = arith.addi %add3A_247, %parallel_loop3A_484 : vector<16xi32>
        tpu.vector_store_idx %arg8[%parallel_loop3A_483, %parallel_loop3A_485], %parallel_loop3A_481 : memref<64x128xf32, #tpu.memory_space<vmem>>[vector<16xi32>, vector<16xi32>], vector<16xf32>,
        %parallel_loop3A_486 = vector.broadcast %parallel_loop3A_374 : i32 to vector<16xi32>
        %parallel_loop3A_487 = arith.addi %and3A_95, %parallel_loop3A_486 : vector<16xi32>
        %parallel_loop3A_488 = tpu.vector_load_idx %arg6[%parallel_loop3A_380, %parallel_loop3A_487] : memref<64x128xf32, #tpu.memory_space<vmem>>[vector<16xi32>, vector<16xi32>], vector<16xf32>,
        %parallel_loop3A_489 = vector.broadcast %parallel_loop3A_378 : i32 to vector<16xi32>
        %parallel_loop3A_490 = arith.addi %shift_right_arithmetic3A_142, %parallel_loop3A_489 : vector<16xi32>
        %parallel_loop3A_491 = vector.broadcast %parallel_loop3A_370 : i32 to vector<16xi32>
        %parallel_loop3A_492 = arith.addi %add3A_254, %parallel_loop3A_491 : vector<16xi32>
        tpu.vector_store_idx %arg8[%parallel_loop3A_490, %parallel_loop3A_492], %parallel_loop3A_488 : memref<64x128xf32, #tpu.memory_space<vmem>>[vector<16xi32>, vector<16xi32>], vector<16xf32>,
      } {sc.loop_unroll_factor = 2 : i64, sc.parallel_access}
      %mul3A_357 = arith.constant 32 : i32
      %mul3A_358 = arith.muli %add3A_332, %mul3A_357 : i32
      %add3A_359 = arith.addi %mul3A_358, %add3A : i32
      %mul3A_360 = arith.constant 64 : i32
      %mul3A_361 = arith.muli %add3A_359, %mul3A_360 : i32
      %dma_start3A_362 = arith.constant 0 : i32
      %dma_start3A_363 = tpu.memref_slice %arg4[%mul3A_361, %dma_start3A_362] : memref<50048x128xf32, #tpu.memory_space<hbm>> -> memref<64x128xf32, #tpu.memory_space<hbm>>
      %dma_start3A_364 = arith.constant 0 : i32
      %dma_start3A_365 = tpu.memref_slice %arg4[%mul3A_361, %dma_start3A_364] : memref<50048x128xf32, #tpu.memory_space<hbm>> -> memref<64x128xf32, #tpu.memory_space<hbm>>
      tpu.enqueue_dma source(%arg8 : memref<64x128xf32, #tpu.memory_space<vmem>>) target(%dma_start3A_365 : memref<64x128xf32, #tpu.memory_space<hbm>>) target_semaphore(%arg12 : memref<!tpu.dma_semaphore, #tpu.memory_space<semaphore_mem>>)
    }
    %scan3A_273 = arith.constant 12 : i32
    %add3A_274 = arith.constant 768 : i32
    %add3A_275 = arith.addi %add3A_274, %add3A : i32
    %lt3A = arith.constant 781 : i32
    %lt3A_276 = arith.cmpi slt, %add3A_275, %lt3A : i32
    %convert_element_type3A = arith.extui %lt3A_276 : i1 to i32
    %cond3A = arith.constant 0 : i32
    %cond3A_277 = arith.cmpi ne, %convert_element_type3A, %cond3A : i32
    scf.if %cond3A_277 {
      %dma_wait3A_293 = arith.constant 0 : i32
      %dma_wait3A_294 = arith.constant 0 : i32
      %dma_wait3A_295 = tpu.memref_slice %arg2[%dma_wait3A_293, %dma_wait3A_294] : memref<64x100000xf32, #tpu.memory_space<hbm>> -> memref<64x128xf32, #tpu.memory_space<hbm>>
      %dma_wait3A_296 = arith.constant 0 : i32
      %dma_wait3A_297 = arith.constant 0 : i32
      %dma_wait3A_298 = tpu.memref_slice %arg2[%dma_wait3A_296, %dma_wait3A_297] : memref<64x100000xf32, #tpu.memory_space<hbm>> -> memref<64x128xf32, #tpu.memory_space<hbm>>
      tpu.wait_dma2 semaphore(%arg9 : memref<!tpu.dma_semaphore, #tpu.memory_space<semaphore_mem>>) src(%dma_wait3A_298 : memref<64x128xf32, #tpu.memory_space<hbm>>) dst(%arg5 : memref<64x128xf32, #tpu.memory_space<vmem>>)
      %dma_wait3A_299 = arith.constant 0 : i32
      %dma_wait3A_300 = arith.constant 0 : i32
      %dma_wait3A_301 = tpu.memref_slice %arg4[%dma_wait3A_299, %dma_wait3A_300] : memref<50048x128xf32, #tpu.memory_space<hbm>> -> memref<64x128xf32, #tpu.memory_space<hbm>>
      %dma_wait3A_302 = arith.constant 0 : i32
      %dma_wait3A_303 = arith.constant 0 : i32
      %dma_wait3A_304 = tpu.memref_slice %arg4[%dma_wait3A_302, %dma_wait3A_303] : memref<50048x128xf32, #tpu.memory_space<hbm>> -> memref<64x128xf32, #tpu.memory_space<hbm>>
      tpu.wait_dma2 semaphore(%arg11 : memref<!tpu.dma_semaphore, #tpu.memory_space<semaphore_mem>>) src(%arg7 : memref<64x128xf32, #tpu.memory_space<vmem>>) dst(%dma_wait3A_304 : memref<64x128xf32, #tpu.memory_space<hbm>>)
      %parallel_loop3A = arith.constant 0 : i32
      %parallel_loop3A_305 = arith.constant 32 : i32
      %parallel_loop3A_306 = arith.constant 1 : i32
      scf.for %parallel_loop3A_315 = %parallel_loop3A to %parallel_loop3A_305 step %parallel_loop3A_306  : i32 {
        %parallel_loop3A_316 = arith.constant 3 : i32
        %parallel_loop3A_317 = arith.shrsi %parallel_loop3A_315, %parallel_loop3A_316 : i32
        %parallel_loop3A_318 = arith.constant 16 : i32
        %parallel_loop3A_319 = arith.muli %parallel_loop3A_317, %parallel_loop3A_318 : i32
        %parallel_loop3A_320 = arith.constant 7 : i32
        %parallel_loop3A_321 = arith.andi %parallel_loop3A_315, %parallel_loop3A_320 : i32
        %parallel_loop3A_322 = arith.constant 16 : i32
        %parallel_loop3A_323 = arith.muli %parallel_loop3A_321, %parallel_loop3A_322 : i32
        %parallel_loop3A_324 = arith.constant 7 : i32
        %parallel_loop3A_325 = arith.andi %parallel_loop3A_315, %parallel_loop3A_324 : i32
        %parallel_loop3A_326 = arith.constant 8 : i32
        %parallel_loop3A_327 = arith.muli %parallel_loop3A_325, %parallel_loop3A_326 : i32
        %parallel_loop3A_328 = vector.broadcast %parallel_loop3A_319 : i32 to vector<16xi32>
        %parallel_loop3A_329 = arith.addi %iota3A, %parallel_loop3A_328 : vector<16xi32>
        %parallel_loop3A_330 = vector.broadcast %parallel_loop3A_323 : i32 to vector<16xi32>
        %parallel_loop3A_331 = arith.addi %and3A_5, %parallel_loop3A_330 : vector<16xi32>
        %parallel_loop3A_332 = tpu.vector_load_idx %arg5[%parallel_loop3A_329, %parallel_loop3A_331] : memref<64x128xf32, #tpu.memory_space<vmem>>[vector<16xi32>, vector<16xi32>], vector<16xf32>,
        %parallel_loop3A_333 = vector.broadcast %parallel_loop3A_327 : i32 to vector<16xi32>
        %parallel_loop3A_334 = arith.addi %shift_right_arithmetic3A_97, %parallel_loop3A_333 : vector<16xi32>
        %parallel_loop3A_335 = vector.broadcast %parallel_loop3A_319 : i32 to vector<16xi32>
        %parallel_loop3A_336 = arith.addi %add3A_149, %parallel_loop3A_335 : vector<16xi32>
        tpu.vector_store_idx %arg7[%parallel_loop3A_334, %parallel_loop3A_336], %parallel_loop3A_332 : memref<64x128xf32, #tpu.memory_space<vmem>>[vector<16xi32>, vector<16xi32>], vector<16xf32>,
        %parallel_loop3A_337 = vector.broadcast %parallel_loop3A_323 : i32 to vector<16xi32>
        %parallel_loop3A_338 = arith.addi %and3A_11, %parallel_loop3A_337 : vector<16xi32>
        %parallel_loop3A_339 = tpu.vector_load_idx %arg5[%parallel_loop3A_329, %parallel_loop3A_338] : memref<64x128xf32, #tpu.memory_space<vmem>>[vector<16xi32>, vector<16xi32>], vector<16xf32>,
        %parallel_loop3A_340 = vector.broadcast %parallel_loop3A_327 : i32 to vector<16xi32>
        %parallel_loop3A_341 = arith.addi %shift_right_arithmetic3A_100, %parallel_loop3A_340 : vector<16xi32>
        %parallel_loop3A_342 = vector.broadcast %parallel_loop3A_319 : i32 to vector<16xi32>
        %parallel_loop3A_343 = arith.addi %add3A_156, %parallel_loop3A_342 : vector<16xi32>
        tpu.vector_store_idx %arg7[%parallel_loop3A_341, %parallel_loop3A_343], %parallel_loop3A_339 : memref<64x128xf32, #tpu.memory_space<vmem>>[vector<16xi32>, vector<16xi32>], vector<16xf32>,
        %parallel_loop3A_344 = vector.broadcast %parallel_loop3A_323 : i32 to vector<16xi32>
        %parallel_loop3A_345 = arith.addi %and3A_17, %parallel_loop3A_344 : vector<16xi32>
        %parallel_loop3A_346 = tpu.vector_load_idx %arg5[%parallel_loop3A_329, %parallel_loop3A_345] : memref<64x128xf32, #tpu.memory_space<vmem>>[vector<16xi32>, vector<16xi32>], vector<16xf32>,
        %parallel_loop3A_347 = vector.broadcast %parallel_loop3A_327 : i32 to vector<16xi32>
        %parallel_loop3A_348 = arith.addi %shift_right_arithmetic3A_103, %parallel_loop3A_347 : vector<16xi32>
        %parallel_loop3A_349 = vector.broadcast %parallel_loop3A_319 : i32 to vector<16xi32>
        %parallel_loop3A_350 = arith.addi %add3A_163, %parallel_loop3A_349 : vector<16xi32>
        tpu.vector_store_idx %arg7[%parallel_loop3A_348, %parallel_loop3A_350], %parallel_loop3A_346 : memref<64x128xf32, #tpu.memory_space<vmem>>[vector<16xi32>, vector<16xi32>], vector<16xf32>,
        %parallel_loop3A_351 = vector.broadcast %parallel_loop3A_323 : i32 to vector<16xi32>
        %parallel_loop3A_352 = arith.addi %and3A_23, %parallel_loop3A_351 : vector<16xi32>
        %parallel_loop3A_353 = tpu.vector_load_idx %arg5[%parallel_loop3A_329, %parallel_loop3A_352] : memref<64x128xf32, #tpu.memory_space<vmem>>[vector<16xi32>, vector<16xi32>], vector<16xf32>,
        %parallel_loop3A_354 = vector.broadcast %parallel_loop3A_327 : i32 to vector<16xi32>
        %parallel_loop3A_355 = arith.addi %shift_right_arithmetic3A_106, %parallel_loop3A_354 : vector<16xi32>
        %parallel_loop3A_356 = vector.broadcast %parallel_loop3A_319 : i32 to vector<16xi32>
        %parallel_loop3A_357 = arith.addi %add3A_170, %parallel_loop3A_356 : vector<16xi32>
        tpu.vector_store_idx %arg7[%parallel_loop3A_355, %parallel_loop3A_357], %parallel_loop3A_353 : memref<64x128xf32, #tpu.memory_space<vmem>>[vector<16xi32>, vector<16xi32>], vector<16xf32>,
        %parallel_loop3A_358 = vector.broadcast %parallel_loop3A_323 : i32 to vector<16xi32>
        %parallel_loop3A_359 = arith.addi %and3A_29, %parallel_loop3A_358 : vector<16xi32>
        %parallel_loop3A_360 = tpu.vector_load_idx %arg5[%parallel_loop3A_329, %parallel_loop3A_359] : memref<64x128xf32, #tpu.memory_space<vmem>>[vector<16xi32>, vector<16xi32>], vector<16xf32>,
        %parallel_loop3A_361 = vector.broadcast %parallel_loop3A_327 : i32 to vector<16xi32>
        %parallel_loop3A_362 = arith.addi %shift_right_arithmetic3A_109, %parallel_loop3A_361 : vector<16xi32>
        %parallel_loop3A_363 = vector.broadcast %parallel_loop3A_319 : i32 to vector<16xi32>
        %parallel_loop3A_364 = arith.addi %add3A_177, %parallel_loop3A_363 : vector<16xi32>
        tpu.vector_store_idx %arg7[%parallel_loop3A_362, %parallel_loop3A_364], %parallel_loop3A_360 : memref<64x128xf32, #tpu.memory_space<vmem>>[vector<16xi32>, vector<16xi32>], vector<16xf32>,
        %parallel_loop3A_365 = vector.broadcast %parallel_loop3A_323 : i32 to vector<16xi32>
        %parallel_loop3A_366 = arith.addi %and3A_35, %parallel_loop3A_365 : vector<16xi32>
        %parallel_loop3A_367 = tpu.vector_load_idx %arg5[%parallel_loop3A_329, %parallel_loop3A_366] : memref<64x128xf32, #tpu.memory_space<vmem>>[vector<16xi32>, vector<16xi32>], vector<16xf32>,
        %parallel_loop3A_368 = vector.broadcast %parallel_loop3A_327 : i32 to vector<16xi32>
        %parallel_loop3A_369 = arith.addi %shift_right_arithmetic3A_112, %parallel_loop3A_368 : vector<16xi32>
        %parallel_loop3A_370 = vector.broadcast %parallel_loop3A_319 : i32 to vector<16xi32>
        %parallel_loop3A_371 = arith.addi %add3A_184, %parallel_loop3A_370 : vector<16xi32>
        tpu.vector_store_idx %arg7[%parallel_loop3A_369, %parallel_loop3A_371], %parallel_loop3A_367 : memref<64x128xf32, #tpu.memory_space<vmem>>[vector<16xi32>, vector<16xi32>], vector<16xf32>,
        %parallel_loop3A_372 = vector.broadcast %parallel_loop3A_323 : i32 to vector<16xi32>
        %parallel_loop3A_373 = arith.addi %and3A_41, %parallel_loop3A_372 : vector<16xi32>
        %parallel_loop3A_374 = tpu.vector_load_idx %arg5[%parallel_loop3A_329, %parallel_loop3A_373] : memref<64x128xf32, #tpu.memory_space<vmem>>[vector<16xi32>, vector<16xi32>], vector<16xf32>,
        %parallel_loop3A_375 = vector.broadcast %parallel_loop3A_327 : i32 to vector<16xi32>
        %parallel_loop3A_376 = arith.addi %shift_right_arithmetic3A_115, %parallel_loop3A_375 : vector<16xi32>
        %parallel_loop3A_377 = vector.broadcast %parallel_loop3A_319 : i32 to vector<16xi32>
        %parallel_loop3A_378 = arith.addi %add3A_191, %parallel_loop3A_377 : vector<16xi32>
        tpu.vector_store_idx %arg7[%parallel_loop3A_376, %parallel_loop3A_378], %parallel_loop3A_374 : memref<64x128xf32, #tpu.memory_space<vmem>>[vector<16xi32>, vector<16xi32>], vector<16xf32>,
        %parallel_loop3A_379 = vector.broadcast %parallel_loop3A_323 : i32 to vector<16xi32>
        %parallel_loop3A_380 = arith.addi %and3A_47, %parallel_loop3A_379 : vector<16xi32>
        %parallel_loop3A_381 = tpu.vector_load_idx %arg5[%parallel_loop3A_329, %parallel_loop3A_380] : memref<64x128xf32, #tpu.memory_space<vmem>>[vector<16xi32>, vector<16xi32>], vector<16xf32>,
        %parallel_loop3A_382 = vector.broadcast %parallel_loop3A_327 : i32 to vector<16xi32>
        %parallel_loop3A_383 = arith.addi %shift_right_arithmetic3A_118, %parallel_loop3A_382 : vector<16xi32>
        %parallel_loop3A_384 = vector.broadcast %parallel_loop3A_319 : i32 to vector<16xi32>
        %parallel_loop3A_385 = arith.addi %add3A_198, %parallel_loop3A_384 : vector<16xi32>
        tpu.vector_store_idx %arg7[%parallel_loop3A_383, %parallel_loop3A_385], %parallel_loop3A_381 : memref<64x128xf32, #tpu.memory_space<vmem>>[vector<16xi32>, vector<16xi32>], vector<16xf32>,
        %parallel_loop3A_386 = vector.broadcast %parallel_loop3A_323 : i32 to vector<16xi32>
        %parallel_loop3A_387 = arith.addi %and3A_53, %parallel_loop3A_386 : vector<16xi32>
        %parallel_loop3A_388 = tpu.vector_load_idx %arg5[%parallel_loop3A_329, %parallel_loop3A_387] : memref<64x128xf32, #tpu.memory_space<vmem>>[vector<16xi32>, vector<16xi32>], vector<16xf32>,
        %parallel_loop3A_389 = vector.broadcast %parallel_loop3A_327 : i32 to vector<16xi32>
        %parallel_loop3A_390 = arith.addi %shift_right_arithmetic3A_121, %parallel_loop3A_389 : vector<16xi32>
        %parallel_loop3A_391 = vector.broadcast %parallel_loop3A_319 : i32 to vector<16xi32>
        %parallel_loop3A_392 = arith.addi %add3A_205, %parallel_loop3A_391 : vector<16xi32>
        tpu.vector_store_idx %arg7[%parallel_loop3A_390, %parallel_loop3A_392], %parallel_loop3A_388 : memref<64x128xf32, #tpu.memory_space<vmem>>[vector<16xi32>, vector<16xi32>], vector<16xf32>,
        %parallel_loop3A_393 = vector.broadcast %parallel_loop3A_323 : i32 to vector<16xi32>
        %parallel_loop3A_394 = arith.addi %and3A_59, %parallel_loop3A_393 : vector<16xi32>
        %parallel_loop3A_395 = tpu.vector_load_idx %arg5[%parallel_loop3A_329, %parallel_loop3A_394] : memref<64x128xf32, #tpu.memory_space<vmem>>[vector<16xi32>, vector<16xi32>], vector<16xf32>,
        %parallel_loop3A_396 = vector.broadcast %parallel_loop3A_327 : i32 to vector<16xi32>
        %parallel_loop3A_397 = arith.addi %shift_right_arithmetic3A_124, %parallel_loop3A_396 : vector<16xi32>
        %parallel_loop3A_398 = vector.broadcast %parallel_loop3A_319 : i32 to vector<16xi32>
        %parallel_loop3A_399 = arith.addi %add3A_212, %parallel_loop3A_398 : vector<16xi32>
        tpu.vector_store_idx %arg7[%parallel_loop3A_397, %parallel_loop3A_399], %parallel_loop3A_395 : memref<64x128xf32, #tpu.memory_space<vmem>>[vector<16xi32>, vector<16xi32>], vector<16xf32>,
        %parallel_loop3A_400 = vector.broadcast %parallel_loop3A_323 : i32 to vector<16xi32>
        %parallel_loop3A_401 = arith.addi %and3A_65, %parallel_loop3A_400 : vector<16xi32>
        %parallel_loop3A_402 = tpu.vector_load_idx %arg5[%parallel_loop3A_329, %parallel_loop3A_401] : memref<64x128xf32, #tpu.memory_space<vmem>>[vector<16xi32>, vector<16xi32>], vector<16xf32>,
        %parallel_loop3A_403 = vector.broadcast %parallel_loop3A_327 : i32 to vector<16xi32>
        %parallel_loop3A_404 = arith.addi %shift_right_arithmetic3A_127, %parallel_loop3A_403 : vector<16xi32>
        %parallel_loop3A_405 = vector.broadcast %parallel_loop3A_319 : i32 to vector<16xi32>
        %parallel_loop3A_406 = arith.addi %add3A_219, %parallel_loop3A_405 : vector<16xi32>
        tpu.vector_store_idx %arg7[%parallel_loop3A_404, %parallel_loop3A_406], %parallel_loop3A_402 : memref<64x128xf32, #tpu.memory_space<vmem>>[vector<16xi32>, vector<16xi32>], vector<16xf32>,
        %parallel_loop3A_407 = vector.broadcast %parallel_loop3A_323 : i32 to vector<16xi32>
        %parallel_loop3A_408 = arith.addi %and3A_71, %parallel_loop3A_407 : vector<16xi32>
        %parallel_loop3A_409 = tpu.vector_load_idx %arg5[%parallel_loop3A_329, %parallel_loop3A_408] : memref<64x128xf32, #tpu.memory_space<vmem>>[vector<16xi32>, vector<16xi32>], vector<16xf32>,
        %parallel_loop3A_410 = vector.broadcast %parallel_loop3A_327 : i32 to vector<16xi32>
        %parallel_loop3A_411 = arith.addi %shift_right_arithmetic3A_130, %parallel_loop3A_410 : vector<16xi32>
        %parallel_loop3A_412 = vector.broadcast %parallel_loop3A_319 : i32 to vector<16xi32>
        %parallel_loop3A_413 = arith.addi %add3A_226, %parallel_loop3A_412 : vector<16xi32>
        tpu.vector_store_idx %arg7[%parallel_loop3A_411, %parallel_loop3A_413], %parallel_loop3A_409 : memref<64x128xf32, #tpu.memory_space<vmem>>[vector<16xi32>, vector<16xi32>], vector<16xf32>,
        %parallel_loop3A_414 = vector.broadcast %parallel_loop3A_323 : i32 to vector<16xi32>
        %parallel_loop3A_415 = arith.addi %and3A_77, %parallel_loop3A_414 : vector<16xi32>
        %parallel_loop3A_416 = tpu.vector_load_idx %arg5[%parallel_loop3A_329, %parallel_loop3A_415] : memref<64x128xf32, #tpu.memory_space<vmem>>[vector<16xi32>, vector<16xi32>], vector<16xf32>,
        %parallel_loop3A_417 = vector.broadcast %parallel_loop3A_327 : i32 to vector<16xi32>
        %parallel_loop3A_418 = arith.addi %shift_right_arithmetic3A_133, %parallel_loop3A_417 : vector<16xi32>
        %parallel_loop3A_419 = vector.broadcast %parallel_loop3A_319 : i32 to vector<16xi32>
        %parallel_loop3A_420 = arith.addi %add3A_233, %parallel_loop3A_419 : vector<16xi32>
        tpu.vector_store_idx %arg7[%parallel_loop3A_418, %parallel_loop3A_420], %parallel_loop3A_416 : memref<64x128xf32, #tpu.memory_space<vmem>>[vector<16xi32>, vector<16xi32>], vector<16xf32>,
        %parallel_loop3A_421 = vector.broadcast %parallel_loop3A_323 : i32 to vector<16xi32>
        %parallel_loop3A_422 = arith.addi %and3A_83, %parallel_loop3A_421 : vector<16xi32>
        %parallel_loop3A_423 = tpu.vector_load_idx %arg5[%parallel_loop3A_329, %parallel_loop3A_422] : memref<64x128xf32, #tpu.memory_space<vmem>>[vector<16xi32>, vector<16xi32>], vector<16xf32>,
        %parallel_loop3A_424 = vector.broadcast %parallel_loop3A_327 : i32 to vector<16xi32>
        %parallel_loop3A_425 = arith.addi %shift_right_arithmetic3A_136, %parallel_loop3A_424 : vector<16xi32>
        %parallel_loop3A_426 = vector.broadcast %parallel_loop3A_319 : i32 to vector<16xi32>
        %parallel_loop3A_427 = arith.addi %add3A_240, %parallel_loop3A_426 : vector<16xi32>
        tpu.vector_store_idx %arg7[%parallel_loop3A_425, %parallel_loop3A_427], %parallel_loop3A_423 : memref<64x128xf32, #tpu.memory_space<vmem>>[vector<16xi32>, vector<16xi32>], vector<16xf32>,
        %parallel_loop3A_428 = vector.broadcast %parallel_loop3A_323 : i32 to vector<16xi32>
        %parallel_loop3A_429 = arith.addi %and3A_89, %parallel_loop3A_428 : vector<16xi32>
        %parallel_loop3A_430 = tpu.vector_load_idx %arg5[%parallel_loop3A_329, %parallel_loop3A_429] : memref<64x128xf32, #tpu.memory_space<vmem>>[vector<16xi32>, vector<16xi32>], vector<16xf32>,
        %parallel_loop3A_431 = vector.broadcast %parallel_loop3A_327 : i32 to vector<16xi32>
        %parallel_loop3A_432 = arith.addi %shift_right_arithmetic3A_139, %parallel_loop3A_431 : vector<16xi32>
        %parallel_loop3A_433 = vector.broadcast %parallel_loop3A_319 : i32 to vector<16xi32>
        %parallel_loop3A_434 = arith.addi %add3A_247, %parallel_loop3A_433 : vector<16xi32>
        tpu.vector_store_idx %arg7[%parallel_loop3A_432, %parallel_loop3A_434], %parallel_loop3A_430 : memref<64x128xf32, #tpu.memory_space<vmem>>[vector<16xi32>, vector<16xi32>], vector<16xf32>,
        %parallel_loop3A_435 = vector.broadcast %parallel_loop3A_323 : i32 to vector<16xi32>
        %parallel_loop3A_436 = arith.addi %and3A_95, %parallel_loop3A_435 : vector<16xi32>
        %parallel_loop3A_437 = tpu.vector_load_idx %arg5[%parallel_loop3A_329, %parallel_loop3A_436] : memref<64x128xf32, #tpu.memory_space<vmem>>[vector<16xi32>, vector<16xi32>], vector<16xf32>,
        %parallel_loop3A_438 = vector.broadcast %parallel_loop3A_327 : i32 to vector<16xi32>
        %parallel_loop3A_439 = arith.addi %shift_right_arithmetic3A_142, %parallel_loop3A_438 : vector<16xi32>
        %parallel_loop3A_440 = vector.broadcast %parallel_loop3A_319 : i32 to vector<16xi32>
        %parallel_loop3A_441 = arith.addi %add3A_254, %parallel_loop3A_440 : vector<16xi32>
        tpu.vector_store_idx %arg7[%parallel_loop3A_439, %parallel_loop3A_441], %parallel_loop3A_437 : memref<64x128xf32, #tpu.memory_space<vmem>>[vector<16xi32>, vector<16xi32>], vector<16xf32>,
      } {sc.loop_unroll_factor = 2 : i64, sc.parallel_access}
      %add3A_307 = arith.constant 768 : i32
      %add3A_308 = arith.addi %add3A_307, %add3A : i32
      %mul3A_309 = arith.constant 64 : i32
      %mul3A_310 = arith.muli %add3A_308, %mul3A_309 : i32
      %dma_start3A_311 = arith.constant 0 : i32
      %dma_start3A_312 = tpu.memref_slice %arg4[%mul3A_310, %dma_start3A_311] : memref<50048x128xf32, #tpu.memory_space<hbm>> -> memref<64x128xf32, #tpu.memory_space<hbm>>
      %dma_start3A_313 = arith.constant 0 : i32
      %dma_start3A_314 = tpu.memref_slice %arg4[%mul3A_310, %dma_start3A_313] : memref<50048x128xf32, #tpu.memory_space<hbm>> -> memref<64x128xf32, #tpu.memory_space<hbm>>
      tpu.enqueue_dma source(%arg7 : memref<64x128xf32, #tpu.memory_space<vmem>>) target(%dma_start3A_314 : memref<64x128xf32, #tpu.memory_space<hbm>>) target_semaphore(%arg11 : memref<!tpu.dma_semaphore, #tpu.memory_space<semaphore_mem>>)
    } else {
    }
    %dma_wait3A = arith.constant 0 : i32
    %dma_wait3A_278 = arith.constant 0 : i32
    %dma_wait3A_279 = tpu.memref_slice %arg4[%dma_wait3A, %dma_wait3A_278] : memref<50048x128xf32, #tpu.memory_space<hbm>> -> memref<64x128xf32, #tpu.memory_space<hbm>>
    %dma_wait3A_280 = arith.constant 0 : i32
    %dma_wait3A_281 = arith.constant 0 : i32
    %dma_wait3A_282 = tpu.memref_slice %arg4[%dma_wait3A_280, %dma_wait3A_281] : memref<50048x128xf32, #tpu.memory_space<hbm>> -> memref<64x128xf32, #tpu.memory_space<hbm>>
    tpu.wait_dma2 semaphore(%arg11 : memref<!tpu.dma_semaphore, #tpu.memory_space<semaphore_mem>>) src(%arg7 : memref<64x128xf32, #tpu.memory_space<vmem>>) dst(%dma_wait3A_282 : memref<64x128xf32, #tpu.memory_space<hbm>>)
    %dma_wait3A_283 = arith.constant 0 : i32
    %dma_wait3A_284 = arith.constant 0 : i32
    %dma_wait3A_285 = tpu.memref_slice %arg4[%dma_wait3A_283, %dma_wait3A_284] : memref<50048x128xf32, #tpu.memory_space<hbm>> -> memref<64x128xf32, #tpu.memory_space<hbm>>
    %dma_wait3A_286 = arith.constant 0 : i32
    %dma_wait3A_287 = arith.constant 0 : i32
    %dma_wait3A_288 = tpu.memref_slice %arg4[%dma_wait3A_286, %dma_wait3A_287] : memref<50048x128xf32, #tpu.memory_space<hbm>> -> memref<64x128xf32, #tpu.memory_space<hbm>>
    tpu.wait_dma2 semaphore(%arg12 : memref<!tpu.dma_semaphore, #tpu.memory_space<semaphore_mem>>) src(%arg8 : memref<64x128xf32, #tpu.memory_space<vmem>>) dst(%dma_wait3A_288 : memref<64x128xf32, #tpu.memory_space<hbm>>)
    %eq3A = arith.constant 13 : i32
    %eq3A_289 = arith.cmpi eq, %add3A, %eq3A : i32
    %convert_element_type3A_290 = arith.extui %eq3A_289 : i1 to i32
    %cond3A_291 = arith.constant 0 : i32
    %cond3A_292 = arith.cmpi ne, %convert_element_type3A_290, %cond3A_291 : i32
    scf.if %cond3A_292 {
      "tpu.region"() ({
        %run_scoped3A = tpu.sem_alloc : memref<!tpu.dma_semaphore, #tpu.memory_space<semaphore_mem>>
        %dma_start3A_293 = arith.constant 0 : i32
        %dma_start3A_294 = arith.constant 0 : i32
        %dma_start3A_295 = tpu.memref_slice %arg8[%dma_start3A_293, %dma_start3A_294] : memref<64x128xf32, #tpu.memory_space<vmem>> -> memref<16x128xf32, #tpu.memory_space<vmem>>
        %dma_start3A_296 = arith.constant 0 : i32
        %dma_start3A_297 = arith.constant 0 : i32
        %dma_start3A_298 = tpu.memref_slice %arg8[%dma_start3A_296, %dma_start3A_297] : memref<64x128xf32, #tpu.memory_space<vmem>> -> memref<16x128xf32, #tpu.memory_space<vmem>>
        tpu.enqueue_dma source(%arg3 : memref<16x128xf32, #tpu.memory_space<hbm>>) target(%dma_start3A_298 : memref<16x128xf32, #tpu.memory_space<vmem>>) target_semaphore(%run_scoped3A : memref<!tpu.dma_semaphore, #tpu.memory_space<semaphore_mem>>)
        %dma_wait3A_299 = arith.constant 0 : i32
        %dma_wait3A_300 = arith.constant 0 : i32
        %dma_wait3A_301 = tpu.memref_slice %arg8[%dma_wait3A_299, %dma_wait3A_300] : memref<64x128xf32, #tpu.memory_space<vmem>> -> memref<16x128xf32, #tpu.memory_space<vmem>>
        %dma_wait3A_302 = arith.constant 0 : i32
        %dma_wait3A_303 = arith.constant 0 : i32
        %dma_wait3A_304 = tpu.memref_slice %arg8[%dma_wait3A_302, %dma_wait3A_303] : memref<64x128xf32, #tpu.memory_space<vmem>> -> memref<16x128xf32, #tpu.memory_space<vmem>>
        tpu.wait_dma2 semaphore(%run_scoped3A : memref<!tpu.dma_semaphore, #tpu.memory_space<semaphore_mem>>) src(%arg3 : memref<16x128xf32, #tpu.memory_space<hbm>>) dst(%dma_wait3A_304 : memref<16x128xf32, #tpu.memory_space<vmem>>)
        tpu.yield
      }) : () -> ()
      "tpu.region"() ({
        %run_scoped3A = tpu.sem_alloc : memref<!tpu.dma_semaphore, #tpu.memory_space<semaphore_mem>>
        %dma_start3A_293 = arith.constant 0 : i32
        %dma_start3A_294 = arith.constant 0 : i32
        %dma_start3A_295 = tpu.memref_slice %arg8[%dma_start3A_293, %dma_start3A_294] : memref<64x128xf32, #tpu.memory_space<vmem>> -> memref<16x128xf32, #tpu.memory_space<vmem>>
        %dma_start3A_296 = arith.constant 49984 : i32
        %dma_start3A_297 = arith.constant 0 : i32
        %dma_start3A_298 = tpu.memref_slice %arg4[%dma_start3A_296, %dma_start3A_297] : memref<50048x128xf32, #tpu.memory_space<hbm>> -> memref<16x128xf32, #tpu.memory_space<hbm>>
        %dma_start3A_299 = arith.constant 49984 : i32
        %dma_start3A_300 = arith.constant 0 : i32
        %dma_start3A_301 = tpu.memref_slice %arg4[%dma_start3A_299, %dma_start3A_300] : memref<50048x128xf32, #tpu.memory_space<hbm>> -> memref<16x128xf32, #tpu.memory_space<hbm>>
        %dma_start3A_302 = arith.constant 0 : i32
        %dma_start3A_303 = arith.constant 0 : i32
        %dma_start3A_304 = tpu.memref_slice %arg8[%dma_start3A_302, %dma_start3A_303] : memref<64x128xf32, #tpu.memory_space<vmem>> -> memref<16x128xf32, #tpu.memory_space<vmem>>
        tpu.enqueue_dma source(%dma_start3A_304 : memref<16x128xf32, #tpu.memory_space<vmem>>) target(%dma_start3A_301 : memref<16x128xf32, #tpu.memory_space<hbm>>) target_semaphore(%run_scoped3A : memref<!tpu.dma_semaphore, #tpu.memory_space<semaphore_mem>>)
        %dma_wait3A_305 = arith.constant 0 : i32
        %dma_wait3A_306 = arith.constant 0 : i32
        %dma_wait3A_307 = tpu.memref_slice %arg8[%dma_wait3A_305, %dma_wait3A_306] : memref<64x128xf32, #tpu.memory_space<vmem>> -> memref<16x128xf32, #tpu.memory_space<vmem>>
        %dma_wait3A_308 = arith.constant 49984 : i32
        %dma_wait3A_309 = arith.constant 0 : i32
        %dma_wait3A_310 = tpu.memref_slice %arg4[%dma_wait3A_308, %dma_wait3A_309] : memref<50048x128xf32, #tpu.memory_space<hbm>> -> memref<16x128xf32, #tpu.memory_space<hbm>>
        %dma_wait3A_311 = arith.constant 49984 : i32
        %dma_wait3A_312 = arith.constant 0 : i32
        %dma_wait3A_313 = tpu.memref_slice %arg4[%dma_wait3A_311, %dma_wait3A_312] : memref<50048x128xf32, #tpu.memory_space<hbm>> -> memref<16x128xf32, #tpu.memory_space<hbm>>
        %dma_wait3A_314 = arith.constant 0 : i32
        %dma_wait3A_315 = arith.constant 0 : i32
        %dma_wait3A_316 = tpu.memref_slice %arg8[%dma_wait3A_314, %dma_wait3A_315] : memref<64x128xf32, #tpu.memory_space<vmem>> -> memref<16x128xf32, #tpu.memory_space<vmem>>
        tpu.wait_dma2 semaphore(%run_scoped3A : memref<!tpu.dma_semaphore, #tpu.memory_space<semaphore_mem>>) src(%dma_wait3A_316 : memref<16x128xf32, #tpu.memory_space<vmem>>) dst(%dma_wait3A_313 : memref<16x128xf32, #tpu.memory_space<hbm>>)
        tpu.yield
      }) : () -> ()
    } else {
    }
    return
  }
}

</mosaic_0001>

<sc_bundles>
// kernel: kernel.4.cloned.1.call-start
scs
__scs_entry_jumppad:
0x0: {  	(pc) =	sbr.rel $0x88, $3  }
0x1: {  	(tag) =	ssettag $0x0;
	lr =	simm.s32 $0x1  }
0x2: {  	[smem:$0x3F9E] =	sst lr;
	_ =	strace $0xD0000000  }
0x3: {  	_ = 	snop  }
0x4: {  	_ = 	snop  }
0x5: {  	_ = 	snop  }
0x6: {  	_ = 	snop  }
0x7: {  	_ = 	snop  }
__scs_overlays_trampoline_lowered:
0x8: {  	[smem:$0x3FAD] =	sst s0  }
0x9: {  	[smem:$0x3FAE] =	sst s1  }
0xa: {  	[smem:$0x3FAF] =	sst s2  }
0xb: {  	[smem:$0x3FB0] =	sst s3  }
0xc: {  	[smem:$0x3FB1] =	sst s4  }
0xd: {  	[smem:$0x3FB2] =	sst s5  }
0xe: {  	[smem:$0x3FB3] =	sst s6  }
0xf: {  	[smem:$0x3FB4] =	sst s7  }
0x10: {  	[smem:$0x3FB5] =	sst s8  }
0x11: {  	[smem:$0x3FB6] =	sst s9;
	s0 =	simm.s32 @!p0 $0x0  }
0x12: {  	s1 =	sld [smem:$0x3F9C];
	s0 =	simm.s32 @p0 $0x1  }
0x13: {  	[smem:$0x3FB7] =	sst s0;
	s0 =	simm.s32 @!p1 $0x0  }
0x14: {  	s2 =	sld [smem:$0x3F9B];
	s0 =	simm.s32 @p1 $0x1  }
0x15: {  	[smem:$0x3FB8] =	sst s0;
	s0 =	simm.s32 @!p2 $0x0  }
0x16: {  	s3 =	sld [smem:$0x3FDB];
	s0 =	simm.s32 @p2 $0x1  }
0x17: {  	s4 =	simm.s32 $0x1BF5;
	[smem:$0x3FBA] =	sst s0  }
0x18: {  	s0 =	sld [smem:$0x3F9D];
	_ =	swait.ge [sflag:s4], $0x0  }
0x19: {  	s7 =	sld [smem:$0x3F9E]  }
0x1a: {  	s8 =	sadd.s32 $0xFFFFE003, lr  }
0x1b: {  	s9 =	sadd.s32 $0xFFFFFEF7, lr;
	s5 =	simm.s32 $0xFFFFFFFF;
	p2 =	slt.u32 s8, $0xFFFFF086  }
0x1c: {  	p1 =	slt.u32 s9, $0xF7A;
	s5 =	simm.s32 @!p2 $0x0  }
0x1d: {  	s5 =	simm.s32 @p1 $0x1;
	p0 =	seq.s32 s7, s2  }
0x1e: {  	s7 =	smul.u32 @!p0 $0xF7A, s2;
	p2 =	seq.s32 @!p0 s5, $0x0  }
0x1f: {  	s9 =	smul.u32 $0xF7A, s1;
	s8 =	simm.s32 @!p0 $0x1BF5;
	p2 =	por !p2, p0  }
0x20: {  	[sflag:s8] =	ssyncset.s32 @!p0 $0xFFFFF086;
	s6 =	sadd.s32 @!p0 s3, s7;
	s7 =	simm.s32 @!p0 $0x108  }
0x21: {  	s3 =	sadd.s32 s3, s9;
	s6 =	sadd.s32 @!p0 $0x88, s6;
	s7 =	simm.s32 @p2 $0x1082  }
0x22: {  	[simem:s7], [sflag:s8] =	dma.local @!p0 [hbm:s6], $0xF7A  }
0x23: {  	s9 =	sor.u32 $0xD0000000, s2;
	s6 =	simm.s32 $0x108;
	_ =	swait.ge @!p0 [sflag:s8], $0x0  }
0x24: {  	s3 =	sadd.s32 $0x88, s3;
	s6 =	simm.s32 @!p1 $0x1082;
	[sflag:s4] =	ssyncset.s32 $0xFFFFF086  }
0x25: {  	[simem:s6], [sflag:s4] =	dma.local [hbm:s3], $0xF7A  }
0x26: {  	[smem:$0x3F9E] =	sst s1;
	(tag) =	ssettag s2;
	_ =	strace s9  }
0x27: {  	s1 =	sld [smem:$0x3FAE]  }
0x28: {  	s2 =	sld [smem:$0x3FAF]  }
0x29: {  	s4 =	sld [smem:$0x3FB1]  }
0x2a: {  	p0 =	seq.s32 s5, $0x0;
	s5 =	sld [smem:$0x3FB2]  }
0x2b: {  	s6 =	sld [smem:$0x3FB3]  }
0x2c: {  	s7 =	sld [smem:$0x3FB4]  }
0x2d: {  	s3 =	simm.s32 $0x108;
	s8 =	sld [smem:$0x3FB5]  }
0x2e: {  	s3 =	simm.s32 @!p0 $0x1082;
	s9 =	sld [smem:$0x3FB6]  }
0x2f: {  	lr =	sadd.s32 s0, s3;
	s0 =	sld [smem:$0x3FAD]  }
0x30: {  	s3 =	sld [smem:$0x3FB0]  }
0x31: {  	[smem:$0x3FB9] =	sst s10  }
0x32: {  	s10 =	sld [smem:$0x3FB7];
	_ =	sdelay $0x3  }
0x33: {  	p0 =	seq.s32 s10, $0x1;
	s10 =	sld [smem:$0x3FB9];
	_ =	sdelay $0x3  }
0x34: {  	[smem:$0x3FB9] =	sst s10  }
0x35: {  	s10 =	sld [smem:$0x3FB8];
	_ =	sdelay $0x3  }
0x36: {  	p1 =	seq.s32 s10, $0x1;
	s10 =	sld [smem:$0x3FB9];
	_ =	sdelay $0x3  }
0x37: {  	[smem:$0x3FB9] =	sst s10  }
0x38: {  	s10 =	sld [smem:$0x3FBA]  }
0x39: {  	_ = 	snop;
	(pc) =	sbr.ind lr, $3  }
0x3a: {  	_ = 	snop  }
0x3b: {  	_ = 	snop  }
0x3c: {  	p2 =	seq.s32 s10, $0x1;
	s10 =	sld [smem:$0x3FB9]  }
0x3d: {  	_ =	shalt  }
0x3e: {  	_ =	shalt  }
0x3f: {  	_ =	shalt  }
0x40: {  	_ =	shalt  }
0x41: {  	_ =	shalt  }
0x42: {  	_ =	shalt  }
0x43: {  	_ =	shalt  }
0x44: {  	_ =	shalt  }
0x45: {  	_ =	shalt  }
0x46: {  	_ =	shalt  }
0x47: {  	_ =	shalt  }
0x48: {  	_ =	shalt  }
0x49: {  	_ =	shalt  }
0x4a: {  	_ =	shalt  }
0x4b: {  	_ =	shalt  }
0x4c: {  	_ =	shalt  }
0x4d: {  	_ =	shalt  }
0x4e: {  	_ =	shalt  }
0x4f: {  	_ =	shalt  }
0x50: {  	_ =	shalt  }
0x51: {  	_ =	shalt  }
0x52: {  	_ =	shalt  }
0x53: {  	_ =	shalt  }
0x54: {  	_ =	shalt  }
0x55: {  	_ =	shalt  }
0x56: {  	_ =	shalt  }
0x57: {  	_ =	shalt  }
0x58: {  	_ =	shalt  }
0x59: {  	_ =	shalt  }
0x5a: {  	_ =	shalt  }
0x5b: {  	_ =	shalt  }
0x5c: {  	_ =	shalt  }
0x5d: {  	_ =	shalt  }
0x5e: {  	_ =	shalt  }
0x5f: {  	_ =	shalt  }
0x60: {  	_ =	shalt  }
0x61: {  	_ =	shalt  }
0x62: {  	_ =	shalt  }
0x63: {  	_ =	shalt  }
0x64: {  	_ =	shalt  }
0x65: {  	_ =	shalt  }
0x66: {  	_ =	shalt  }
0x67: {  	_ =	shalt  }
0x68: {  	_ =	shalt  }
0x69: {  	_ =	shalt  }
0x6a: {  	_ =	shalt  }
0x6b: {  	_ =	shalt  }
0x6c: {  	_ =	shalt  }
0x6d: {  	_ =	shalt  }
0x6e: {  	_ =	shalt  }
0x6f: {  	_ =	shalt  }
0x70: {  	_ =	shalt  }
0x71: {  	_ =	shalt  }
0x72: {  	_ =	shalt  }
0x73: {  	_ =	shalt  }
0x74: {  	_ =	shalt  }
0x75: {  	_ =	shalt  }
0x76: {  	_ =	shalt  }
0x77: {  	_ =	shalt  }
0x78: {  	_ =	shalt  }
0x79: {  	_ =	shalt  }
0x7a: {  	_ =	shalt  }
0x7b: {  	_ =	shalt  }
0x7c: {  	_ =	shalt  }
0x7d: {  	_ =	shalt  }
0x7e: {  	_ =	shalt  }
0x7f: {  	_ =	shalt  }
0x80: {  	_ =	shalt  }
0x81: {  	_ =	shalt  }
0x82: {  	_ =	shalt  }
0x83: {  	_ =	shalt  }
0x84: {  	_ =	shalt  }
0x85: {  	_ =	shalt  }
0x86: {  	_ =	shalt  }
0x87: {  	_ =	shalt  }
.Lfunc_end0:
.L_simem_size_0:
called_computation_lowered:
.L_overlay_start_0:
0x88: {  	s2 =	sld [smem:$0x3FD9]  }
0x89: {  	s3 =	sld [smem:$0x3FFE];
	_ =	sdelay $0x1  }
0x8a: {  	s1 =	srdreg.scid  }
0x8b: {  	s0 =	sand.u32 $0x1, s1  }
0x8c: {  	s17 =	sshll.u32 s0, $0xA;
	s2 =	sadd.s32 s3, s2  }
0x8d: {  	s2 =	sadd.s32 s2, s17  }
0x8e: {  	[smem:$0x3FC5] =	sst s2  }
0x8f: {  	_ = 	snop  }
0x90: {  	s2 =	sld [smem:$0x3FC7];
	(tm) =	ssettm $0x1  }
0x91: {  	s18 =	sld [smem:$0x3FFB];
	_ =	sdelay $0x3  }
0x92: {  	_ =	strace s18  }
0x93: {  	s3 =	sld [smem:$0x3FFC];
	_ =	sdelay $0x3  }
0x94: {  	_ =	strace s3  }
0x95: {  	s3 =	sld [smem:$0x3FFD];
	_ =	sdelay $0x3  }
0x96: {  	_ =	strace s3  }
0x97: {  	_ =	strace $0x8FFFFFFF  }
0x98: {  	s19 =	sld [smem:$0x3FDB];
	_ =	sdelay $0x1  }
0x99: {  	s4 =	simm.s32 $_scs_section_size  }
0x9a: {  	s5 =	simm.s32 $_size__tile_overlayer_lowered;
	s6 =	simm.s32 $_tile_overlayer_lowered  }
0x9b: {  	s22 =	simm.s32 $0x1BFF;
	s21 =	sshll.u32 s6, $0x1;
	s3 =	sadd.s32 s4, s19  }
0x9c: {  	s7 =	simm.s32 $0x0;
	s20 =	sshll.u32 s5, $0x1;
	s5 =	sadd.s32 s21, s3  }
0x9d: {  	[timem:s7], [sflag:s22] =	dma.local [hbm:s5], s20  }
0x9e: {  	_ =	swait.ge [sflag:s22], s20  }
0x9f: {  	s4 =	ssub.s32 $0x0, s20;
	[sflag:s22] =	ssyncset.done $0x0  }
0xa0: {  	[sflag:s22] =	ssyncadd.s32 s4;
	_ =	sdelay $0x1  }
0xa1: {  	s23 =	simm.s32 $0x1B8B  }
0xa2: {  	_ =	swait.ge [sflag:s23], $0x1  }
0xa3: {  	[sflag:s23] =	ssyncset.done $0x0  }
0xa4: {  	s25 =	simm.s32 $0x1B8E;
	s24 =	sld [smem:$0x3FFE];
	[sflag:s23] =	ssyncadd.s32 $0xFFFFFFFF  }
0xa5: {  	s26 =	simm.s32 $execute0_lowered;
	[smem:$0x3FD2] =	sst s25  }
0xa6: {  	s5 =	sshll.u32 s26, $0x1;
	_ =	strace $0x80000046;
	[dreg:$0x1] =	wrdreg $0xFFFFFFFF  }
0xa7: {  	s28 =	simm.s32 $_size_execute0_lowered;
	s3 =	sadd.s32 s3, s5;
	[dreg:$0x0] =	wrdreg $0x0  }
0xa8: {  	s5 =	sshll.u32 s28, $0x1;
	[dreg:$0x2] =	wrdreg s3  }
0xa9: {  	[dreg:$0x3] =	wrdreg s5  }
0xaa: {  	[dreg:$0x4] =	wrdreg $0xC0  }
0xab: {  	_ =	task [dreg:s7], $0x5FFFF  }
0xac: {  	[dreg:$0x1] =	wrdreg $0xFFFFFFFF  }
0xad: {  	[dreg:$0x0] =	wrdreg $0x60  }
0xae: {  	[dreg:$0x2] =	wrdreg s2  }
0xaf: {  	[dreg:$0x3] =	wrdreg s24  }
0xb0: {  	[dreg:$0x4] =	wrdreg $0x9  }
0xb1: {  	_ =	task.clear_ibuf [dreg:s7], $0x5FFFF;
	_ =	strace $0x90000046  }
0xb2: {  	s29 =	simm.s32 $0x9;
	_ =	strace $0x80000048  }
0xb3: {  	_ =	swait.ge [sflag:s29], $0x1  }
0xb4: {  	[sflag:s29] =	ssyncadd.s32 $0xFFFFFFFF  }
0xb5: {  	_ =	strace $0x90000048  }
0xb6: {  	_ =	sfence  }
0xb7: {  	s30 =	sld [smem:$0x0];
	_ =	sdelay $0x2  }
0xb8: {  	s31 =	sshll.u32 s1, $0xD;
	s1 =	sshrl.u32 s1, $0x2  }
0xb9: {  	s3 =	sand.u32 $0x4000, s31;
	s1 =	sadd.s32 s1, s30  }
0xba: {  	s0 =	sor.u32 s3, s0;
	s1 =	sshll.u32 s1, $0x11  }
0xbb: {  	s0 =	sor.u32 s1, s0  }
0xbc: {  	s0 =	sadd.s32 $0x8F2B, s0  }
0xbd: {  	[sflag:s0] =	ssyncadd.remote.s32 $0x1  }
0xbe: {  	_ =	sfence.sel $0xFFFF  }
0xbf: {  	[dreg:$0x0] =	wrdreg $0xFFFFFFFF;
	(pc) =	sbr.abs _section_cstart, $3  }
0xc0: {  	[dreg:$0x1] =	wrdreg $0xFFFFFFFF  }
0xc1: {  	_ =	task.clear_ibuf [dreg:s7], $0x2FFFF;
	_ =	strace $0x9FFFFFFF  }
0xc2: {  	(tm) =	ssettm $0x7FFFFFFF  }
0xc3: {  	_ =	shalt  }
tec
execute0_lowered:
.L_overlay_start_1:
0x0: {  	(tag) =	ssettag $0x1  }
0x1: {  	v0 =	vimm.s32 $0x380;
	vm6 =	vcmask $0xB04;
	vm4 =	vcmask $0x130C  }
0x2: {  	vm3 =	vcmask $0x1B14;
	vm2 =	vcmask $0x231C;
	vm0 =	vcmask $0x2B24  }
0x3: {  	v14 =	vlaneseq.u32;
	vm1 =	vcmask $0x332C;
	v1 =	vimm.s32 $0x300  }
0x4: {  	vm7 =	vcmask $0x700;
	vm5 =	vcmask $0x3B34;
	vm12 =	vcmask $0xF08  }
0x5: {  	vm8 =	vcmask $0x1710;
	vm9 =	vcmask $0x1F18;
	vm10 =	vcmask $0x2720  }
0x6: {  	vm11 =	vcmask $0x2F28;
	vm13 =	vcmask $0x3730;
	v16 =	vimm.s32 $0x43024100  }
0x7: {  	v17 =	vimm.s32 $0xFEDCBA9;
	v18 =	vimm.s32 $0x87654321;
	v19 =	vimm.s32 $0x47064504  }
0x8: {  	vm15 =	vcmask $0x1F10;
	v23 =	vimm.s32 $0xA9876543;
	v25 =	vimm.s32 $0x6543210F  }
0x9: {  	v26 =	vimm.s32 $0xEDCBA987;
	v32 =	vimm.s32 $0xFEDCBA98;
	v33 =	vimm.s32 $0x76543210  }
0xa: {  	v0 =	vsel vm6, $0x0, v0;
	v2 =	vsel vm7, $0x380, v1;
	v1 =	vsel vm6, $0x380, v1  }
0xb: {  	v17 =	vunpack.c.l.s4.s8 v17;
	v18 =	vunpack.c.l.s4.s8 v18;
	v16 =	vunpack.c.0.s8.s32 v16  }
0xc: {  	v19 =	vunpack.c.0.s8.s32 v19;
	v0 =	vsel vm4, $0x80, v0;
	v1 =	vsel vm4, $0x0, v1  }
0xd: {  	v2 =	vsel vm12, $0x0, v2;
	v0 =	vsel vm3, $0x100, v0;
	v1 =	vsel vm3, $0x80, v1  }
0xe: {  	v2 =	vsel vm8, $0x80, v2;
	v0 =	vsel vm2, $0x180, v0;
	v1 =	vsel vm2, $0x100, v1  }
0xf: {  	v2 =	vsel vm9, $0x100, v2;
	v0 =	vsel vm0, $0x200, v0;
	v1 =	vsel vm0, $0x180, v1  }
0x10: {  	v2 =	vsel vm10, $0x180, v2;
	v0 =	vsel vm1, $0x280, v0;
	v1 =	vsel vm1, $0x200, v1  }
0x11: {  	v48 =	vsel vm5, $0x300, v0;
	v0 =	vsel vm11, $0x200, v2;
	v2 =	vimm.s32 $0x280  }
0x12: {  	v43 =	vsel vm5, $0x280, v1;
	v56 =	vsel vm13, $0x280, v0;
	v0 =	vsel vm7, $0x300, v2  }
0x13: {  	v1 =	vsel vm6, $0x300, v2;
	v2 =	vimm.s32 $0x200;
	v0 =	vsel vm12, $0x380, v0  }
0x14: {  	v1 =	vsel vm4, $0x380, v1;
	v4 =	vsel vm7, $0x280, v2;
	v0 =	vsel vm8, $0x0, v0  }
0x15: {  	v1 =	vsel vm3, $0x0, v1;
	v4 =	vsel vm12, $0x300, v4;
	v0 =	vsel vm9, $0x80, v0  }
0x16: {  	v1 =	vsel vm2, $0x80, v1;
	v4 =	vsel vm8, $0x380, v4;
	v0 =	vsel vm10, $0x100, v0  }
0x17: {  	v1 =	vsel vm0, $0x100, v1;
	v5 =	vsel vm9, $0x0, v4;
	v0 =	vsel vm11, $0x180, v0  }
0x18: {  	v59 =	vsel vm13, $0x200, v0;
	v0 =	vsel vm1, $0x180, v1;
	v1 =	vsel vm10, $0x80, v5  }
0x19: {  	v58 =	vsel vm5, $0x200, v0;
	v0 =	vsel vm11, $0x100, v1;
	v1 =	vsel vm6, $0x280, v2  }
0x1a: {  	v60 =	vmul.u32 $0x80, v14;
	v55 =	vsel vm13, $0x180, v0;
	v0 =	vsel vm4, $0x300, v1  }
0x1b: {  	v23 =	vunpack.c.l.s4.s8 v23;
	v1 =	vimm.s32 $0x180;
	v0 =	vsel vm3, $0x380, v0  }
0x1c: {  	v2 =	vsel vm7, $0x200, v1;
	v1 =	vsel vm6, $0x200, v1;
	v0 =	vsel vm2, $0x0, v0  }
0x1d: {  	v2 =	vsel vm12, $0x280, v2;
	v1 =	vsel vm4, $0x280, v1;
	v0 =	vsel vm0, $0x80, v0  }
0x1e: {  	v2 =	vsel vm8, $0x300, v2;
	v1 =	vsel vm3, $0x300, v1;
	v0 =	vsel vm1, $0x100, v0  }
0x1f: {  	v2 =	vsel vm9, $0x380, v2;
	v1 =	vsel vm2, $0x380, v1;
	v0 =	vsel vm5, $0x180, v0  }
0x20: {  	v25 =	vunpack.c.l.s4.s8 v25;
	v1 =	vsel vm0, $0x0, v1;
	[tilespmem:$0x1FE10] =	vst v0;
	v0 =	vsel vm10, $0x0, v2  }
0x21: {  	v1 =	vsel vm1, $0x80, v1;
	v2 =	vimm.s32 $0x100;
	v0 =	vsel vm11, $0x80, v0  }
0x22: {  	v13 =	vsel vm5, $0x100, v1;
	v12 =	vsel vm13, $0x100, v0;
	v0 =	vsel vm7, $0x180, v2  }
0x23: {  	v1 =	vsel vm6, $0x180, v2;
	v2 =	vimm.s32 $0x80;
	v0 =	vsel vm12, $0x200, v0  }
0x24: {  	v1 =	vsel vm4, $0x200, v1;
	v10 =	vsel vm7, $0x100, v2;
	v0 =	vsel vm8, $0x280, v0  }
0x25: {  	v1 =	vsel vm3, $0x280, v1;
	v10 =	vsel vm12, $0x180, v10;
	v0 =	vsel vm9, $0x300, v0  }
0x26: {  	v1 =	vsel vm2, $0x300, v1;
	v10 =	vsel vm8, $0x200, v10;
	v0 =	vsel vm10, $0x380, v0  }
0x27: {  	v1 =	vsel vm0, $0x380, v1;
	v11 =	vsel vm9, $0x280, v10;
	v0 =	vsel vm11, $0x0, v0  }
0x28: {  	v10 =	vsel vm13, $0x80, v0;
	v0 =	vsel vm1, $0x0, v1;
	v1 =	vsel vm10, $0x300, v11  }
0x29: {  	v26 =	vunpack.c.l.s4.s8 v26;
	v8 =	vsel vm5, $0x80, v0;
	v0 =	vsel vm11, $0x380, v1  }
0x2a: {  	v32 =	vunpack.c.l.s4.s8 v32;
	v9 =	vsel vm13, $0x0, v0;
	v0 =	vsel vm6, $0x100, v2  }
0x2b: {  	v18 =	vunpack.c.0.s8.s32 v18;
	v1 =	vimm.s32 $0x0;
	v0 =	vsel vm4, $0x180, v0  }
0x2c: {  	v2 =	vsel vm7, $0x80, v1;
	v1 =	vsel vm6, $0x80, v1;
	v0 =	vsel vm3, $0x200, v0  }
0x2d: {  	v16 =	vsel vm15, v19, v16;
	v1 =	vsel vm4, $0x100, v1;
	v0 =	vsel vm2, $0x280, v0  }
0x2e: {  	v2 =	vsel vm12, $0x100, v2;
	v1 =	vsel vm3, $0x180, v1;
	v0 =	vsel vm0, $0x300, v0  }
0x2f: {  	v2 =	vsel vm8, $0x180, v2;
	v1 =	vsel vm2, $0x200, v1;
	v0 =	vsel vm1, $0x380, v0  }
0x30: {  	v2 =	vsel vm9, $0x200, v2;
	v1 =	vsel vm0, $0x280, v1;
	v0 =	vsel vm5, $0x0, v0  }
0x31: {  	s0 =	rddreg [dreg:$0x0];
	s3 =	simm.s32 $0x0;
	v19 =	vimm.s32 $0xF4E0D4C;
	v2 =	vsel vm10, $0x280, v2;
	[tilespmem:$0x1FE20] =	vst v0;
	v0 =	vsel vm1, $0x300, v1  }
0x32: {  	[smem:$0x7FF] =	sst s3;
	v1 =	vimm.s32 $0x4F0E4D0C;
	v7 =	vsel vm5, $0x380, v0;
	v0 =	vimm.s32 $0x4B0A4908  }
0x33: {  	s1 =	rddreg [dreg:$0x1];
	v2 =	vsel vm11, $0x300, v2;
	v1 =	vunpack.c.0.s8.s32 v1;
	_ =	strace $0x80000047;
	[tilespmem:$0x1FE70] =	vst v55;
	v0 =	vunpack.c.0.s8.s32 v0  }
0x34: {  	v22 =	vunpack.c.0.s8.s32 v19;
	v6 =	vsel vm13, $0x380, v2;
	v2 =	vshrl.u32 v14, $0x1;
	[tilespmem:$0x1FE90] =	vst v48  }
0x35: {  	[tilespmem:$0x1FEA0] =	vst v59;
	v0 =	vsel vm15, v1, v0;
	v1 =	vunpack.c.0.s8.s32 v17;
	v17 =	vimm.s32 $0xB4A0948  }
0x36: {  	v3 =	vmul.u32 $0x80, v2;
	v2 =	vimm.s32 $0x3420140;
	[tilespmem:$0x1FEB0] =	vst v58;
	v21 =	vunpack.c.0.s8.s32 v17  }
0x37: {  	[tilespmem:$0x1FEC0] =	vst v60;
	v63 =	vcombine.low v16, v0;
	v16 =	vimm.s32 $0x7460544;
	v20 =	vcombine.low v18, v1  }
0x38: {  	v2 =	vunpack.c.0.s8.s32 v2;
	[tilespmem:$0x1FED0] =	vst v43;
	v16 =	vunpack.c.0.s8.s32 v16;
	v0 =	vsel vm15, v22, v21  }
0x39: {  	[tilespmem:$0x1FEF0] =	vst v56;
	v21 =	vimm.s32 $0x98765432;
	v22 =	vimm.s32 $0x210FEDCB;
	v5 =	vand.u32 $0xF, v20  }
0x3a: {  	[tilespmem:$0x1FF40] =	vst v9;
	v20 =	vimm.s32 $0x10FEDCBA;
	v21 =	vunpack.c.l.s4.s8 v21;
	v22 =	vunpack.c.l.s4.s8 v22  }
0x3b: {  	v29 =	vunpack.c.0.s8.s32 v23;
	[tilespmem:$0x1FF50] =	vst v8;
	v2 =	vsel vm15, v16, v2;
	v20 =	vunpack.c.l.s4.s8 v20  }
0x3c: {  	[tilespmem:$0x1FFA0] =	vst v6;
	v27 =	vunpack.c.0.s8.s32 v21;
	v28 =	vunpack.c.0.s8.s32 v22;
	v21 =	vimm.s32 $0x3210FEDC  }
0x3d: {  	[tilespmem:$0x1FFD0] =	vst v10;
	v22 =	vimm.s32 $0xBA987654;
	v20 =	vunpack.c.0.s8.s32 v20;
	v21 =	vunpack.c.l.s4.s8 v21  }
0x3e: {  	[tilespmem:$0x1FFE0] =	vst v12;
	v1 =	vcombine.low v1, v18;
	v57 =	vcombine.low v2, v0;
	v22 =	vunpack.c.l.s4.s8 v22  }
0x3f: {  	[tilespmem:$0x1FFF0] =	vst v13;
	v23 =	vcombine.low v29, v28;
	v16 =	vcombine.low v27, v20;
	v30 =	vunpack.c.0.s8.s32 v21  }
0x40: {  	[tilespmem:$0x1FF70] =	vst v3;
	v21 =	vimm.s32 $0x43210FED;
	v31 =	vunpack.c.0.s8.s32 v22;
	v22 =	vimm.s32 $0xCBA98765  }
0x41: {  	[tilespmem:$0x1FFB0] =	vst v7;
	v24 =	vunpack.c.l.s4.s8 v21;
	v0 =	vunpack.c.l.s4.s8 v22;
	v21 =	vand.u32 $0xF, v23  }
0x42: {  	[tilespmem:$0x1FF10] =	vst v63;
	v23 =	vimm.s32 $0x543210FE;
	v17 =	vand.u32 $0xF, v16;
	v2 =	vcombine.low v31, v30  }
0x43: {  	[tilespmem:$0x1FF80] =	vst v5;
	v23 =	vunpack.c.l.s4.s8 v23;
	v16 =	vunpack.c.0.s8.s32 v24;
	v0 =	vunpack.c.0.s8.s32 v0  }
0x44: {  	s4 =	srdreg.scid;
	[tilespmem:$0x1FF20] =	vst v57;
	v18 =	vcombine.low v28, v29;
	v24 =	vimm.s32 $0xDCBA9876;
	v2 =	vand.u32 $0xF, v2  }
0x45: {  	s2 =	stileid.u32;
	s15 =	simm.s32 $0x400;
	s16 =	simm.s32 $0xC3800;
	v24 =	vunpack.c.l.s4.s8 v24;
	v34 =	vunpack.c.0.s8.s32 v23;
	[tilespmem:$0x1FE30] =	vst v2;
	v2 =	vcombine.low v0, v16  }
0x46: {  	s17 =	simm.s32 $0x2000;
	s18 =	simm.s32 $0x1;
	s19 =	simm.s32 $0x4000;
	v61 =	vunpack.c.0.s8.s32 v25;
	v36 =	vunpack.c.0.s8.s32 v26;
	v28 =	vand.u32 $0xF, v18;
	[tilespmem:$0x1FE80] =	vst v21  }
0x47: {  	s20 =	simm.s32 $0x2;
	s21 =	simm.s32 $0x6000;
	s22 =	simm.s32 $0x3;
	[tilespmem:$0x1FF30] =	vst v28;
	v0 =	vcombine.low v16, v0;
	v35 =	vunpack.c.0.s8.s32 v24;
	v2 =	vand.u32 $0xF, v2  }
0x48: {  	s24 =	simm.s32 $0x0;
	s4 =	sand.u32 $0x1, s4;
	s5 =	sshll.u32 s2, $0x1;
	v16 =	vand.u32 $0xF, v1;
	[tilespmem:$0x1FE40] =	vst v2;
	v2 =	vcombine.low v20, v27;
	v20 =	vcombine.low v30, v31  }
0x49: {  	s11 =	sadd.s32 $0x8800, s1;
	s13 =	sadd.s32 $0xC3C00, s1;
	s6 =	ssub.s32 $0x2, s4;
	[tilespmem:$0x1FEE0] =	vst v17;
	v24 =	vunpack.c.l.s4.s8 v33;
	v62 =	vcombine.low v35, v34;
	v1 =	vcombine.low v34, v35;
	v34 =	vmovc v16  }
0x4a: {  	s23 =	sor.u32 s4, s5;
	s4 =	sadd.s32 $0x600, s1;
	s5 =	sadd.s32 $0x800, s1;
	v25 =	vunpack.c.0.s8.s32 v32;
	[tilespmem:$0x1FF60] =	vst v34;
	v22 =	vand.u32 $0xF, v2;
	v2 =	vand.u32 $0xF, v20  }
.Ltmp0:
0x4b: {  	s7 =	sshrl.u32 s6, $0x1;
	s8 =	sshll.u32 s23, $0x7;
	v26 =	vunpack.c.0.s8.s32 v24;
	v24 =	vand.u32 $0xF, v1;
	[tilespmem:$0x1FE50] =	vst v2;
	(pc) =	sbr.rel .LBB2_1-.Ltmp0, $4  }
0x4c: {  	s9 =	sor.u32 $0x40, s23;
	s10 =	sor.u32 $0x60, s23;
	p0 =	sgt.u32 s23, $0xC;
	v37 =	vcombine.low v36, v61;
	v25 =	vand.u32 $0xF, v25;
	[tilespmem:$0x1FF00] =	vst v24  }
0x4d: {  	p1 =	sne.s32 s23, $0xD;
	s14 =	ssub.s32 s6, s7;
	s7 =	sshll.u32 s23, $0xA;
	v16 =	vcombine.low v61, v36;
	v41 =	vcombine.low v25, v26;
	v26 =	vand.u32 $0xF, v62;
	[tilespmem:$0x1FF90] =	vst v22  }
0x4e: {  	s6 =	sadd.s32 s0, s8;
	s23 =	simm.s32 $0x4;
	s12 =	sadd.s32 s7, s5;
	[tilespmem:$0x1FFC0] =	vst v26  }
0x4f: {  	s8 =	sadd.s32 $0x1000, s6;
	s14 =	smax.u32 s14, $0x1;
	s12 =	sadd.s32 $0xC0000, s12;
	v23 =	vand.u32 $0xF, v37;
	v29 =	vand.u32 $0xF, v0;
	v25 =	vand.u32 $0xF, v16;
	[tilespmem:$0x1FE60] =	vst v41  }
.LBB2_11:
0x50: {  	_ =	swait.ge [sflag:s22], $0x2000  }
0x51: {  	[sflag:s22] =	ssyncset.done $0x0  }
0x52: {  	[sflag:s22] =	ssyncadd.s32 $0xFFFFE000  }
0x53: {  	_ =	swait.ge [sflag:s23], $0x2000  }
0x54: {  	s1 =	simm.s32 @!p1 $0x0;
	[sflag:s23] =	ssyncset.done $0x0  }
0x55: {  	s25 =	simm.s32 @!p1 $0x6000;
	s26 =	simm.s32 @!p1 $0x5;
	[sflag:s23] =	ssyncadd.s32 $0xFFFFE000  }
0x56: {  	[tilespmem:s25], [sflag:$0x5] =	stream.linear.gather @!p1 [hbm4b:s4+s1], $0x800, $0x38;
	[tilespmem:$0x8000] =	vst v63  }
0x57: {  	s24 =	sadd.s32 $0x1, s24;
	_ =	swait.ge @!p1 [sflag:s26], $0x800  }
0x58: {  	p2 =	sne.s32 s24, s14;
	[sflag:s26] =	ssyncset.done @!p1 $0x0  }
.Ltmp1:
0x59: {  	[sflag:s26] =	ssyncadd.s32 @!p1 $0xFFFFF800;
	(pc) =	sbr.rel @!p2 .LBB2_12-.Ltmp1, $4  }
0x5a: {  	[hbm4b:s13+s1] =	stream.linear.scatter @!p1 [tilespmem:s25], [sflag:$0x5], $0x800, $0x38;
	[tilespmem:$0x8000] =	vst v63  }
0x5b: {  	_ =	swait.ge @!p1 [sflag:s26], $0x800  }
0x5c: {  	[sflag:s26] =	ssyncset.done @!p1 $0x0  }
0x5d: {  	[sflag:s26] =	ssyncadd.s32 @!p1 $0xFFFFF800  }
.LBB2_1:
0x5e: {  	[tilespmem:s3], [sflag:$0x1] =	stream.strided.gather [hbm4b:s6+s15], $0x2000, s16, s15, $0x38;
	[tilespmem:$0x8000] =	vst v63  }
0x5f: {  	s25 =	simm.s32 $0x0  }
0x60: {  	v27 =	vld [tilespmem:$0x1FE10];
	[tilespmem:s17], [sflag:$0x2] =	stream.strided.gather [hbm4b:s8+s15], $0x2000, s16, s15, $0x38  }
.LBB2_2:
0x61: {  	s26 =	sshll.u32 s25, $0x6  }
0x62: {  	_ =	swait.ge [sflag:s18], $0x2000;
	s1 =	sadd.s32 s9, s26  }
0x63: {  	s31 =	simm.s32 $0x0;
	[sflag:s18] =	ssyncset.done $0x0;
	p2 =	sgt.u32 s1, $0x30C  }
0x64: {  	[sflag:s18] =	ssyncadd.s32 $0xFFFFE000;
	s1 =	sshll.u32 @!p2 s1, $0x7;
	s28 =	simm.s32 @!p2 $0x400  }
0x65: {  	s29 =	simm.s32 @!p2 $0xC3800;
	s30 =	simm.s32 @!p2 $0x0;
	s1 =	sadd.s32 @!p2 s0, s1  }
0x66: {  	[tilespmem:s30], [sflag:$0x1] =	stream.strided.gather @!p2 [hbm4b:s1+s28], $0x2000, s29, s28, $0x38;
	[tilespmem:$0x8000] =	vst v63  }
0x67: {  	s1 =	sand.u32 $0x30, s31  }
0x68: {  	s28 =	simm.s32 $0x0;
	v0 =	vmov s1  }
0x69: {  	s28 =	sand.u32 $0x6, s28;
	v0 =	vshll.u32 v0, $0x7  }
0x6a: {  	s29 =	sshll.u32 s28, $0x4;
	s30 =	sor.u32 $0x1, s28;
	v0 =	vor.u32 v60, v0  }
0x6b: {  	v50 =	vor.u32 s29, v0;
	s29 =	sshll.u32 s30, $0x4  }
0x6c: {  	p2 =	seq.s32 s25, $0x0;
	v1 =	vor.u32 v14, v50;
	v52 =	vor.u32 s29, v0  }
0x6d: {  	s31 =	simm.s32 @!p2 $0x3;
	s28 =	sshll.u32 s28, $0x3;
	v2 =	vor.u32 v14, v52  }
0x6e: {  	_ =	swait.ge @!p2 [sflag:s31], $0x2000;
	v0 =	vmov s28;
	s28 =	sshll.u32 s30, $0x3  }
0x6f: {  	[sflag:s31] =	ssyncset.done @!p2 $0x0;
	v49 =	vshll.u32 v0, $0x7;
	v0 =	vmov s28  }
0x70: {  	v51 =	vor.u32 s1, v63;
	[sflag:s31] =	ssyncadd.s32 @!p2 $0xFFFFE000;
	v16 =	vor.u32 v3, v49;
	v47 =	vshll.u32 v0, $0x7  }
0x71: {  	v0 =	vld.idx.msk [tilespmem:v1+s3+$0x0], $0xffff;
	v1 =	vor.u32 v51, v16;
	v16 =	vor.u32 v3, v47  }
0x72: {  	v18 =	vor.u32 v5, v50;
	v2 =	vld.idx.msk [tilespmem:v2+s3+$0x0], $0xffff;
	v16 =	vor.u32 v51, v16  }
0x73: {  	v20 =	vor.u32 v5, v52;
	_ =	sdelay $0x2  }
0x74: {  	v54 =	vor.u32 s1, v57;
	[tilespmem:v1+s19+$0x0] =	vst.idx.msk $0xffff, v0;
	v0 =	vor.u32 v7, v49  }
0x75: {  	v1 =	vld.idx.msk [tilespmem:v18+s3+$0x0], $0xffff;
	v0 =	vor.u32 v54, v0;
	[tilespmem:v16+s19+$0x0] =	vst.idx.msk $0xffff, v2;
	v2 =	vor.u32 v7, v47  }
0x76: {  	v16 =	vor.u32 v17, v50;
	v18 =	vld.idx.msk [tilespmem:v20+s3+$0x0], $0xffff;
	v2 =	vor.u32 v54, v2  }
0x77: {  	v20 =	vor.u32 v17, v52;
	_ =	sdelay $0x2  }
0x78: {  	[tilespmem:v0+s19+$0x0] =	vst.idx.msk $0xffff, v1  }
0x79: {  	v0 =	vor.u32 v6, v49;
	v1 =	vld.idx.msk [tilespmem:v16+s3+$0x0], $0xffff;
	[tilespmem:v2+s19+$0x0] =	vst.idx.msk $0xffff, v18  }
0x7a: {  	v0 =	vor.u32 v51, v0;
	v2 =	vor.u32 v6, v47;
	v18 =	vld.idx.msk [tilespmem:v20+s3+$0x0], $0xffff  }
0x7b: {  	v16 =	vor.u32 v21, v50;
	v2 =	vor.u32 v51, v2;
	v31 =	vld [tilespmem:$0x1FE20];
	_ =	sdelay $0x1  }
0x7c: {  	v20 =	vor.u32 v21, v52;
	_ =	sdelay $0x1  }
0x7d: {  	[tilespmem:v0+s19+$0x0] =	vst.idx.msk $0xffff, v1  }
0x7e: {  	v35 =	vor.u32 v31, v49;
	v0 =	vld.idx.msk [tilespmem:v16+s3+$0x0], $0xffff;
	[tilespmem:v2+s19+$0x0] =	vst.idx.msk $0xffff, v18  }
0x7f: {  	v2 =	vor.u32 v31, v47;
	v1 =	vor.u32 v54, v35;
	v33 =	vld [tilespmem:$0x1FE30]  }
0x80: {  	v18 =	vld.idx.msk [tilespmem:v20+s3+$0x0], $0xffff;
	v2 =	vor.u32 v54, v2;
	_ =	sdelay $0x3  }
0x81: {  	[tilespmem:v1+s19+$0x0] =	vst.idx.msk $0xffff, v0  }
0x82: {  	v16 =	vor.u32 v33, v50;
	[tilespmem:v2+s19+$0x0] =	vst.idx.msk $0xffff, v18  }
0x83: {  	v11 =	vmov v34;
	v20 =	vor.u32 v33, v52;
	v34 =	vld [tilespmem:$0x1FE40];
	_ =	sdelay $0x2  }
0x84: {  	v0 =	vor.u32 v9, v49  }
0x85: {  	v2 =	vor.u32 v9, v47;
	v0 =	vor.u32 v51, v0;
	v1 =	vld.idx.msk [tilespmem:v16+s3+$0x0], $0xffff  }
0x86: {  	v2 =	vor.u32 v51, v2;
	v18 =	vld.idx.msk [tilespmem:v20+s3+$0x0], $0xffff;
	v16 =	vor.u32 v34, v50  }
0x87: {  	v20 =	vor.u32 v34, v52;
	_ =	sdelay $0x1  }
0x88: {  	s30 =	simm.s32 $0x4  }
0x89: {  	s1 =	sand.u32 $0x30, s30;
	[tilespmem:v0+s19+$0x0] =	vst.idx.msk $0xffff, v1;
	v0 =	vor.u32 v8, v49  }
0x8a: {  	s28 =	simm.s32 $0x2;
	v62 =	vor.u32 v8, v47;
	[tilespmem:v2+s19+$0x0] =	vst.idx.msk $0xffff, v18;
	v1 =	vld.idx.msk [tilespmem:v16+s3+$0x0], $0xffff;
	v0 =	vor.u32 v54, v0;
	v16 =	vmov s1  }
0x8b: {  	s28 =	sand.u32 $0x6, s28;
	v18 =	vor.u32 v54, v62;
	v20 =	vld.idx.msk [tilespmem:v20+s3+$0x0], $0xffff;
	v2 =	vshll.u32 v16, $0x7  }
0x8c: {  	s29 =	sshll.u32 s28, $0x4;
	v16 =	vor.u32 v26, v50;
	v2 =	vor.u32 v60, v2  }
0x8d: {  	v36 =	vor.u32 v26, v52;
	v37 =	vor.u32 s29, v2  }
0x8e: {  	v39 =	vor.u32 v14, v37  }
0x8f: {  	s31 =	sor.u32 $0x1, s28;
	s28 =	sshll.u32 s28, $0x3;
	[tilespmem:v0+s19+$0x0] =	vst.idx.msk $0xffff, v1  }
0x90: {  	v38 =	vor.u32 s1, v63;
	v0 =	vor.u32 v10, v49;
	v1 =	vmov s28;
	[tilespmem:v18+s19+$0x0] =	vst.idx.msk $0xffff, v20  }
0x91: {  	s29 =	sshll.u32 s31, $0x4;
	v16 =	vld.idx.msk [tilespmem:v16+s3+$0x0], $0xffff;
	v0 =	vor.u32 v51, v0;
	v40 =	vshll.u32 v1, $0x7;
	v1 =	vor.u32 v10, v47  }
0x92: {  	v35 =	vor.u32 s29, v2;
	v20 =	vld.idx.msk [tilespmem:v36+s3+$0x0], $0xffff;
	v1 =	vor.u32 v51, v1;
	v4 =	vor.u32 v3, v40  }
0x93: {  	v2 =	vor.u32 v14, v35;
	v44 =	vor.u32 v38, v4;
	v42 =	vld.idx.msk [tilespmem:v39+s3+$0x0], $0xffff  }
0x94: {  	s28 =	sshll.u32 s31, $0x3  }
0x95: {  	v41 =	vmov s28  }
0x96: {  	v18 =	vor.u32 v23, v50;
	v39 =	vshll.u32 v41, $0x7;
	[tilespmem:v0+s19+$0x0] =	vst.idx.msk $0xffff, v16  }
0x97: {  	v53 =	vor.u32 v5, v37;
	v61 =	vor.u32 v3, v39;
	[tilespmem:v1+s19+$0x0] =	vst.idx.msk $0xffff, v20  }
0x98: {  	v32 =	vor.u32 v23, v52;
	v2 =	vld.idx.msk [tilespmem:v2+s3+$0x0], $0xffff;
	v0 =	vor.u32 v38, v61;
	[tilespmem:v44+s19+$0x0] =	vst.idx.msk $0xffff, v42  }
0x99: {  	v45 =	vor.u32 v13, v49;
	v16 =	vor.u32 v5, v35;
	v15 =	vld [tilespmem:$0x1FE60]  }
0x9a: {  	v45 =	vor.u32 v54, v45  }
0x9b: {  	v36 =	vor.u32 s1, v57;
	v4 =	vor.u32 v7, v40;
	v18 =	vld.idx.msk [tilespmem:v18+s3+$0x0], $0xffff;
	v1 =	vor.u32 v13, v47  }
0x9c: {  	v1 =	vor.u32 v54, v1;
	v42 =	vor.u32 v36, v4;
	v41 =	vld.idx.msk [tilespmem:v53+s3+$0x0], $0xffff  }
0x9d: {  	v20 =	vld.idx.msk [tilespmem:v32+s3+$0x0], $0xffff;
	[tilespmem:v0+s19+$0x0] =	vst.idx.msk $0xffff, v2;
	v0 =	vor.u32 v7, v39;
	v2 =	vor.u32 v17, v37  }
0x9e: {  	v16 =	vld.idx.msk [tilespmem:v16+s3+$0x0], $0xffff;
	v0 =	vor.u32 v36, v0;
	v32 =	vor.u32 v15, v50  }
0x9f: {  	v53 =	vor.u32 v15, v52  }
0xa0: {  	v4 =	vor.u32 v12, v47;
	[tilespmem:v45+s19+$0x0] =	vst.idx.msk $0xffff, v18;
	v18 =	vor.u32 v17, v35  }
0xa1: {  	v62 =	vmov v43;
	v43 =	vor.u32 v51, v4;
	v4 =	vor.u32 v6, v40;
	[tilespmem:v42+s19+$0x0] =	vst.idx.msk $0xffff, v41  }
0xa2: {  	v61 =	vor.u32 v12, v49;
	v44 =	vor.u32 v38, v4;
	[tilespmem:v1+s19+$0x0] =	vst.idx.msk $0xffff, v20;
	v2 =	vld.idx.msk [tilespmem:v2+s3+$0x0], $0xffff  }
0xa3: {  	v4 =	vor.u32 v48, v47;
	v20 =	vor.u32 v51, v61;
	[tilespmem:v0+s19+$0x0] =	vst.idx.msk $0xffff, v16;
	v1 =	vld.idx.msk [tilespmem:v32+s3+$0x0], $0xffff  }
0xa4: {  	v0 =	vor.u32 v6, v39;
	v16 =	vor.u32 v21, v37;
	v32 =	vld.idx.msk [tilespmem:v53+s3+$0x0], $0xffff;
	[tilespmem:$0x1FE00] =	vst v4  }
0xa5: {  	v41 =	vor.u32 v11, v50;
	v0 =	vor.u32 v38, v0;
	v18 =	vld.idx.msk [tilespmem:v18+s3+$0x0], $0xffff  }
0xa6: {  	v46 =	vor.u32 v11, v52  }
0xa7: {  	v61 =	vmov v48;
	v48 =	vor.u32 v31, v40;
	[tilespmem:v44+s19+$0x0] =	vst.idx.msk $0xffff, v2  }
0xa8: {  	v48 =	vor.u32 v36, v48;
	v53 =	vor.u32 v21, v35;
	[tilespmem:v20+s19+$0x0] =	vst.idx.msk $0xffff, v1  }
0xa9: {  	v16 =	vld.idx.msk [tilespmem:v16+s3+$0x0], $0xffff;
	v1 =	vor.u32 v27, v49;
	[tilespmem:v43+s19+$0x0] =	vst.idx.msk $0xffff, v32;
	v32 =	vor.u32 v27, v47  }
0xaa: {  	v20 =	vld.idx.msk [tilespmem:v41+s3+$0x0], $0xffff;
	v1 =	vor.u32 v54, v1;
	[tilespmem:v0+s19+$0x0] =	vst.idx.msk $0xffff, v18;
	v18 =	vor.u32 v33, v37  }
0xab: {  	v2 =	vor.u32 v22, v50;
	v42 =	vld.idx.msk [tilespmem:v46+s3+$0x0], $0xffff;
	v43 =	vor.u32 v54, v32  }
0xac: {  	v4 =	vor.u32 v22, v52  }
0xad: {  	v19 =	vmov v55;
	v0 =	vor.u32 v31, v39  }
0xae: {  	v53 =	vld.idx.msk [tilespmem:v53+s3+$0x0], $0xffff;
	v0 =	vor.u32 v36, v0;
	[tilespmem:v48+s19+$0x0] =	vst.idx.msk $0xffff, v16;
	v48 =	vor.u32 v9, v40  }
0xaf: {  	v45 =	vor.u32 v55, v49;
	v46 =	vor.u32 v38, v48;
	[tilespmem:v1+s19+$0x0] =	vst.idx.msk $0xffff, v20;
	v18 =	vld.idx.msk [tilespmem:v18+s3+$0x0], $0xffff  }
0xb0: {  	s28 =	simm.s32 $0x4;
	v45 =	vor.u32 v51, v45;
	v1 =	vor.u32 v19, v47;
	[tilespmem:v43+s19+$0x0] =	vst.idx.msk $0xffff, v42;
	v2 =	vld.idx.msk [tilespmem:v2+s3+$0x0], $0xffff  }
0xb1: {  	s30 =	sand.u32 $0x6, s28;
	v1 =	vor.u32 v51, v1;
	v20 =	vld.idx.msk [tilespmem:v4+s3+$0x0], $0xffff  }
0xb2: {  	s31 =	sshll.u32 s30, $0x3  }
0xb3: {  	v32 =	vor.u32 v55, v40;
	[tilespmem:v0+s19+$0x0] =	vst.idx.msk $0xffff, v53;
	v4 =	vmov s31  }
0xb4: {  	v55 =	vor.u32 v33, v35;
	v42 =	vshll.u32 v4, $0x7;
	v4 =	vor.u32 v58, v47;
	[tilespmem:v46+s19+$0x0] =	vst.idx.msk $0xffff, v18  }
0xb5: {  	v48 =	vor.u32 v34, v37;
	[tilespmem:v45+s19+$0x0] =	vst.idx.msk $0xffff, v2  }
0xb6: {  	v16 =	vor.u32 v28, v50;
	[tilespmem:v1+s19+$0x0] =	vst.idx.msk $0xffff, v20  }
0xb7: {  	v43 =	vor.u32 v28, v52;
	v1 =	vor.u32 v54, v4;
	v4 =	vmov v27;
	v27 =	vld [tilespmem:$0x1FE50]  }
0xb8: {  	v30 =	vmov v59;
	v0 =	vor.u32 v9, v39  }
0xb9: {  	v59 =	vor.u32 v59, v49;
	v53 =	vld.idx.msk [tilespmem:v55+s3+$0x0], $0xffff;
	v0 =	vor.u32 v38, v0;
	v18 =	vor.u32 v8, v40  }
0xba: {  	v55 =	vor.u32 v34, v35;
	v2 =	vor.u32 v58, v49;
	v46 =	vld.idx.msk [tilespmem:v48+s3+$0x0], $0xffff;
	v18 =	vor.u32 v36, v18  }
0xbb: {  	s29 =	simm.s32 $0x8;
	v41 =	vor.u32 v61, v39;
	v44 =	vor.u32 v38, v32;
	v16 =	vld.idx.msk [tilespmem:v16+s3+$0x0], $0xffff;
	v2 =	vor.u32 v54, v2  }
0xbc: {  	s1 =	sand.u32 $0x30, s29;
	v32 =	vmov v56;
	v56 =	vor.u32 v62, v49;
	v43 =	vld.idx.msk [tilespmem:v43+s3+$0x0], $0xffff;
	v20 =	vor.u32 v27, v50  }
0xbd: {  	v45 =	vmov s1;
	v58 =	vor.u32 v8, v39;
	v48 =	vor.u32 v27, v52  }
0xbe: {  	[tilespmem:v0+s19+$0x0] =	vst.idx.msk $0xffff, v53;
	v0 =	vshll.u32 v45, $0x7;
	v53 =	vor.u32 v26, v37;
	v58 =	vor.u32 v36, v58  }
0xbf: {  	s31 =	sshll.u32 s30, $0x4;
	v55 =	vld.idx.msk [tilespmem:v55+s3+$0x0], $0xffff;
	v0 =	vor.u32 v60, v0;
	v60 =	vor.u32 v30, v47;
	[tilespmem:v18+s19+$0x0] =	vst.idx.msk $0xffff, v46  }
0xc0: {  	s30 =	sor.u32 $0x1, s30;
	v45 =	vor.u32 s31, v0;
	v46 =	vor.u32 v10, v39;
	v27 =	vmov v61;
	[tilespmem:v2+s19+$0x0] =	vst.idx.msk $0xffff, v16  }
0xc1: {  	s31 =	sshll.u32 s30, $0x3;
	v61 =	vor.u32 v26, v35;
	[tilespmem:v1+s19+$0x0] =	vst.idx.msk $0xffff, v43;
	v16 =	vld.idx.msk [tilespmem:v20+s3+$0x0], $0xffff;
	v20 =	vor.u32 v51, v59  }
0xc2: {  	s30 =	sshll.u32 s30, $0x4;
	v2 =	vor.u32 v51, v60;
	v1 =	vmov s31;
	v59 =	vor.u32 v14, v45;
	v18 =	vld.idx.msk [tilespmem:v48+s3+$0x0], $0xffff  }
0xc3: {  	v43 =	vor.u32 s30, v0;
	v0 =	vor.u32 v29, v50;
	v48 =	vor.u32 v10, v40  }
0xc4: {  	[tilespmem:v58+s19+$0x0] =	vst.idx.msk $0xffff, v55;
	v60 =	vor.u32 v38, v48;
	v48 =	vshll.u32 v1, $0x7;
	v1 =	vor.u32 v14, v43  }
0xc5: {  	v53 =	vld.idx.msk [tilespmem:v53+s3+$0x0], $0xffff;
	v55 =	vor.u32 v29, v52;
	v58 =	vor.u32 v62, v47;
	v62 =	vor.u32 v38, v46  }
0xc6: {  	v46 =	vor.u32 s1, v63;
	v61 =	vld.idx.msk [tilespmem:v61+s3+$0x0], $0xffff;
	[tilespmem:v20+s19+$0x0] =	vst.idx.msk $0xffff, v16;
	v20 =	vor.u32 v3, v42  }
0xc7: {  	v59 =	vld.idx.msk [tilespmem:v59+s3+$0x0], $0xffff;
	[tilespmem:v2+s19+$0x0] =	vst.idx.msk $0xffff, v18;
	v18 =	vor.u32 v46, v20  }
0xc8: {  	v56 =	vor.u32 v54, v56;
	v16 =	vor.u32 v23, v37;
	v20 =	vor.u32 v3, v48;
	v0 =	vld.idx.msk [tilespmem:v0+s3+$0x0], $0xffff  }
0xc9: {  	v30 =	vor.u32 v27, v49;
	v2 =	vor.u32 v23, v35;
	v1 =	vld.idx.msk [tilespmem:v1+s3+$0x0], $0xffff;
	v20 =	vor.u32 v46, v20  }
0xca: {  	v58 =	vor.u32 v54, v58;
	[tilespmem:v60+s19+$0x0] =	vst.idx.msk $0xffff, v53;
	v60 =	vor.u32 v5, v45  }
0xcb: {  	[tilespmem:v62+s19+$0x0] =	vst.idx.msk $0xffff, v61;
	v61 =	vor.u32 v13, v40;
	v62 =	vor.u32 v32, v49;
	v55 =	vld.idx.msk [tilespmem:v55+s3+$0x0], $0xffff  }
0xcc: {  	v49 =	vor.u32 s1, v57;
	v61 =	vor.u32 v36, v61;
	[tilespmem:v18+s19+$0x0] =	vst.idx.msk $0xffff, v59;
	v18 =	vor.u32 v24, v50  }
0xcd: {  	v16 =	vld.idx.msk [tilespmem:v16+s3+$0x0], $0xffff;
	v59 =	vor.u32 v13, v39;
	[tilespmem:v56+s19+$0x0] =	vst.idx.msk $0xffff, v0;
	v0 =	vor.u32 v5, v43  }
0xce: {  	v2 =	vld.idx.msk [tilespmem:v2+s3+$0x0], $0xffff;
	v56 =	vor.u32 v36, v59;
	[tilespmem:v20+s19+$0x0] =	vst.idx.msk $0xffff, v1;
	v1 =	vor.u32 v7, v42  }
0xcf: {  	v20 =	vor.u32 v24, v52;
	v60 =	vld.idx.msk [tilespmem:v60+s3+$0x0], $0xffff;
	v1 =	vor.u32 v49, v1  }
0xd0: {  	v63 =	vor.u32 v7, v48;
	[tilespmem:v58+s19+$0x0] =	vst.idx.msk $0xffff, v55;
	v58 =	vor.u32 v15, v37  }
0xd1: {  	v57 =	vor.u32 v25, v52;
	v53 =	vor.u32 v22, v35;
	v59 =	vor.u32 v32, v47  }
0xd2: {  	v59 =	vor.u32 v51, v59;
	[tilespmem:v61+s19+$0x0] =	vst.idx.msk $0xffff, v16;
	v61 =	vor.u32 v51, v62;
	v18 =	vld.idx.msk [tilespmem:v18+s3+$0x0], $0xffff  }
0xd3: {  	v0 =	vld.idx.msk [tilespmem:v0+s3+$0x0], $0xffff;
	[tilespmem:v56+s19+$0x0] =	vst.idx.msk $0xffff, v2;
	v2 =	vor.u32 v15, v35;
	v56 =	vor.u32 v49, v63  }
0xd4: {  	v62 =	vor.u32 v17, v45;
	v20 =	vld.idx.msk [tilespmem:v20+s3+$0x0], $0xffff;
	[tilespmem:v1+s19+$0x0] =	vst.idx.msk $0xffff, v60;
	v1 =	vor.u32 v12, v40  }
0xd5: {  	v55 =	vor.u32 v31, v42;
	v50 =	vor.u32 v25, v50;
	v58 =	vld.idx.msk [tilespmem:v58+s3+$0x0], $0xffff;
	v1 =	vor.u32 v38, v1  }
0xd6: {  	v47 =	vor.u32 v27, v48;
	v52 =	vor.u32 v22, v43;
	v16 =	vor.u32 v19, v42  }
0xd7: {  	v24 =	vmov v31;
	v51 =	vor.u32 v46, v16;
	[tilespmem:v61+s19+$0x0] =	vst.idx.msk $0xffff, v18;
	v18 =	vor.u32 v12, v39  }
0xd8: {  	v15 =	vor.u32 v17, v43;
	v17 =	vld.idx.msk [tilespmem:v2+s3+$0x0], $0xffff;
	v19 =	vor.u32 v38, v18;
	[tilespmem:v56+s19+$0x0] =	vst.idx.msk $0xffff, v0  }
0xd9: {  	v2 =	vor.u32 v6, v42;
	v18 =	vor.u32 v11, v37;
	v0 =	vld.idx.msk [tilespmem:v62+s3+$0x0], $0xffff;
	[tilespmem:v59+s19+$0x0] =	vst.idx.msk $0xffff, v20  }
0xda: {  	v60 =	vor.u32 v11, v35;
	v59 =	vld.idx.msk [tilespmem:v50+s3+$0x0], $0xffff;
	v16 =	vor.u32 v46, v2;
	[tilespmem:v1+s19+$0x0] =	vst.idx.msk $0xffff, v58  }
0xdb: {  	v31 =	vmovc v3;
	v63 =	vor.u32 v4, v40;
	v61 =	vor.u32 v21, v45;
	v56 =	vor.u32 v54, v30;
	v11 =	vld [tilespmem:$0x1FE00]  }
0xdc: {  	v20 =	vor.u32 v21, v43;
	v50 =	vor.u32 v27, v40;
	v2 =	vor.u32 v6, v48;
	v57 =	vld.idx.msk [tilespmem:v57+s3+$0x0], $0xffff  }
0xdd: {  	v30 =	vmovc v7;
	v27 =	vmovc v33;
	v33 =	vmov v25;
	v25 =	vmov v34;
	v1 =	vld.idx.msk [tilespmem:v15+s3+$0x0], $0xffff;
	v2 =	vor.u32 v46, v2  }
0xde: {  	[tilespmem:v19+s19+$0x0] =	vst.idx.msk $0xffff, v17;
	v62 =	vld.idx.msk [tilespmem:v18+s3+$0x0], $0xffff;
	v18 =	vor.u32 v36, v63;
	v19 =	vmov v29;
	v29 =	vmov v6  }
0xdf: {  	[tilespmem:v16+s19+$0x0] =	vst.idx.msk $0xffff, v0;
	v0 =	vor.u32 v4, v39;
	v16 =	vor.u32 v22, v37;
	v63 =	vld.idx.msk [tilespmem:v60+s3+$0x0], $0xffff  }
0xe0: {  	v0 =	vor.u32 v36, v0;
	v58 =	vor.u32 v54, v11;
	v54 =	vor.u32 v32, v40;
	v32 =	vmovc v5  }
.LBB2_3:
0xe1: {  	_ =	sdelay $0x1  }
0xe2: {  	v3 =	vld.idx.msk [tilespmem:v61+s3+$0x0], $0xffff;
	[tilespmem:v2+s19+$0x0] =	vst.idx.msk $0xffff, v1  }
0xe3: {  	v5 =	vor.u32 v49, v55;
	v11 =	vld [tilespmem:$0x1FEA0];
	[tilespmem:v56+s19+$0x0] =	vst.idx.msk $0xffff, v59;
	v1 =	vor.u32 v24, v48  }
0xe4: {  	v20 =	vld.idx.msk [tilespmem:v20+s3+$0x0], $0xffff;
	v2 =	vor.u32 v27, v45;
	[tilespmem:v18+s19+$0x0] =	vst.idx.msk $0xffff, v62;
	v1 =	vor.u32 v49, v1  }
0xe5: {  	v16 =	vld.idx.msk [tilespmem:v16+s3+$0x0], $0xffff  }
0xe6: {  	v15 =	vld [tilespmem:$0x1FEF0];
	[tilespmem:v58+s19+$0x0] =	vst.idx.msk $0xffff, v57  }
0xe7: {  	v7 =	vld [tilespmem:$0x1FE70];
	[tilespmem:v0+s19+$0x0] =	vst.idx.msk $0xffff, v63  }
0xe8: {  	[tilespmem:v5+s19+$0x0] =	vst.idx.msk $0xffff, v3;
	v3 =	vld.idx.msk [tilespmem:v53+s3+$0x0], $0xffff  }
0xe9: {  	v2 =	vld.idx.msk [tilespmem:v2+s3+$0x0], $0xffff;
	[tilespmem:v1+s19+$0x0] =	vst.idx.msk $0xffff, v20  }
0xea: {  	v20 =	vor.u32 v11, v40;
	[tilespmem:v44+s19+$0x0] =	vst.idx.msk $0xffff, v16;
	v16 =	vor.u32 v11, v39;
	v11 =	vld [tilespmem:$0x1FEB0];
	_ =	sdelay $0x1  }
0xeb: {  	v59 =	vmovc v38;
	v38 =	vmov v46;
	v6 =	vor.u32 v27, v43;
	v18 =	vor.u32 v7, v39  }
0xec: {  	v56 =	vmovc v37;
	v4 =	vor.u32 v15, v39;
	v5 =	vor.u32 v9, v42;
	v18 =	vor.u32 v59, v18  }
0xed: {  	v0 =	vor.u32 v28, v56;
	v57 =	vor.u32 v59, v4;
	v4 =	vor.u32 v38, v5  }
0xee: {  	v21 =	vor.u32 v11, v40;
	v63 =	vor.u32 v11, v39;
	v11 =	vld [tilespmem:$0x1FE50];
	_ =	sdelay $0x2  }
0xef: {  	v6 =	vld.idx.msk [tilespmem:v6+s3+$0x0], $0xffff;
	[tilespmem:v18+s19+$0x0] =	vst.idx.msk $0xffff, v3  }
0xf0: {  	v46 =	vor.u32 v28, v35;
	v0 =	vld.idx.msk [tilespmem:v0+s3+$0x0], $0xffff;
	[tilespmem:v4+s19+$0x0] =	vst.idx.msk $0xffff, v2  }
0xf1: {  	s28 =	sadd.s32 $0x2, s28;
	v3 =	vor.u32 v36, v63;
	v4 =	vor.u32 v11, v56;
	v63 =	vor.u32 v11, v35;
	v11 =	vld [tilespmem:$0x1FF10]  }
0xf2: {  	v34 =	vld [tilespmem:$0x1FED0];
	s30 =	sand.u32 $0x6, s28;
	v37 =	vmov v45  }
0xf3: {  	s1 =	sshll.u32 s30, $0x3;
	s31 =	sor.u32 $0x1, s30;
	v5 =	vor.u32 v25, v37;
	v1 =	vor.u32 v9, v48  }
0xf4: {  	s29 =	sadd.s32 $0x4, s29;
	v55 =	vmov s1;
	s1 =	sshll.u32 s31, $0x3;
	v1 =	vor.u32 v38, v1  }
0xf5: {  	v60 =	vmov v47;
	v62 =	vshll.u32 v55, $0x7;
	v47 =	vmov s1;
	s1 =	sand.u32 $0x30, s29;
	v18 =	vld.idx.msk [tilespmem:v46+s3+$0x0], $0xffff  }
0xf6: {  	v45 =	vor.u32 v25, v43;
	v53 =	vor.u32 v36, v21;
	v46 =	vor.u32 s1, v11;
	v11 =	vld [tilespmem:$0x1FEC0]  }
0xf7: {  	v61 =	vor.u32 v34, v40;
	v55 =	vor.u32 v24, v62;
	v40 =	vmov v42  }
0xf8: {  	v7 =	vor.u32 v7, v62;
	v44 =	vmovc v51;
	v51 =	vmov s1;
	v5 =	vld.idx.msk [tilespmem:v5+s3+$0x0], $0xffff;
	v42 =	vmovc v62;
	v2 =	vor.u32 v8, v40  }
0xf9: {  	v62 =	vshll.u32 v51, $0x7;
	v21 =	vor.u32 v8, v48;
	[tilespmem:v1+s19+$0x0] =	vst.idx.msk $0xffff, v6;
	v2 =	vor.u32 v49, v2  }
0xfa: {  	v27 =	vmovc v8;
	v1 =	vor.u32 v49, v21;
	v51 =	vor.u32 v46, v7;
	v7 =	vor.u32 v26, v37  }
0xfb: {  	s30 =	sshll.u32 s30, $0x4;
	v6 =	vmov v35;
	v8 =	vld.idx.msk [tilespmem:v45+s3+$0x0], $0xffff;
	v35 =	vmov v43;
	[tilespmem:v53+s19+$0x0] =	vst.idx.msk $0xffff, v0;
	v43 =	vor.u32 v11, v62  }
0xfc: {  	s31 =	sshll.u32 s31, $0x4;
	v21 =	vmov v28;
	[tilespmem:v3+s19+$0x0] =	vst.idx.msk $0xffff, v18;
	v62 =	vor.u32 v26, v35;
	v45 =	vor.u32 s30, v43  }
0xfd: {  	v28 =	vmovc v9;
	v0 =	vld.idx.msk [tilespmem:v4+s3+$0x0], $0xffff;
	v4 =	vor.u32 v59, v20;
	v43 =	vor.u32 s31, v43;
	v20 =	vor.u32 v14, v45  }
0xfe: {  	v9 =	vmov v36;
	v36 =	vmov v49;
	[tilespmem:v2+s19+$0x0] =	vst.idx.msk $0xffff, v5;
	v3 =	vld.idx.msk [tilespmem:v63+s3+$0x0], $0xffff;
	v49 =	vor.u32 v14, v43  }
0xff: {  	v16 =	vor.u32 v59, v16;
	v2 =	vor.u32 v19, v56;
	v5 =	vld.idx.msk [tilespmem:v7+s3+$0x0], $0xffff;
	v7 =	vor.u32 v10, v40  }
0x100: {  	v24 =	vld [tilespmem:$0x1FF00];
	v18 =	vor.u32 v19, v6;
	[tilespmem:v1+s19+$0x0] =	vst.idx.msk $0xffff, v8;
	v7 =	vor.u32 v38, v7  }
0x101: {  	v34 =	vor.u32 v34, v39;
	v39 =	vmov v48;
	v1 =	vor.u32 v10, v48;
	v48 =	vld.idx.msk [tilespmem:v62+s3+$0x0], $0xffff  }
0x102: {  	v20 =	vld.idx.msk [tilespmem:v20+s3+$0x0], $0xffff  }
0x103: {  	[tilespmem:v4+s19+$0x0] =	vst.idx.msk $0xffff, v0;
	v11 =	vld.idx.msk [tilespmem:v49+s3+$0x0], $0xffff  }
0x104: {  	[tilespmem:v16+s19+$0x0] =	vst.idx.msk $0xffff, v3;
	v2 =	vld.idx.msk [tilespmem:v2+s3+$0x0], $0xffff  }
0x105: {  	[tilespmem:v7+s19+$0x0] =	vst.idx.msk $0xffff, v5;
	v7 =	vld.idx.msk [tilespmem:v18+s3+$0x0], $0xffff  }
0x106: {  	v5 =	vor.u32 v24, v56;
	v18 =	vor.u32 v59, v54;
	v54 =	vor.u32 v24, v6;
	v24 =	vld [tilespmem:$0x1FF20];
	_ =	sdelay $0x1  }
0x107: {  	v63 =	vor.u32 v31, v42  }
0x108: {  	v8 =	vor.u32 v23, v37;
	v0 =	vor.u32 v46, v63  }
0x109: {  	v1 =	vor.u32 v38, v1;
	v63 =	vor.u32 v32, v45  }
0x10a: {  	v49 =	vor.u32 s1, v24;
	v24 =	vld [tilespmem:$0x1FE60]  }
0x10b: {  	v58 =	vshll.u32 v47, $0x7;
	v62 =	vor.u32 v9, v34;
	v34 =	vmovc v26;
	v26 =	vmovc v10;
	v10 =	vor.u32 v23, v35  }
0x10c: {  	v61 =	vor.u32 v9, v61;
	v4 =	vor.u32 v31, v58  }
0x10d: {  	v16 =	vor.u32 v13, v40;
	v4 =	vor.u32 v46, v4;
	v8 =	vld.idx.msk [tilespmem:v8+s3+$0x0], $0xffff;
	[tilespmem:v0+s19+$0x0] =	vst.idx.msk $0xffff, v20  }
0x10e: {  	v3 =	vor.u32 v32, v43;
	v16 =	vor.u32 v36, v16;
	[tilespmem:v1+s19+$0x0] =	vst.idx.msk $0xffff, v48;
	v20 =	vld.idx.msk [tilespmem:v63+s3+$0x0], $0xffff  }
0x10f: {  	v1 =	vor.u32 v13, v39;
	v0 =	vor.u32 v24, v37;
	v63 =	vor.u32 v24, v35;
	v24 =	vld [tilespmem:$0x1FEE0]  }
0x110: {  	v48 =	vor.u32 v30, v42;
	v10 =	vld.idx.msk [tilespmem:v10+s3+$0x0], $0xffff;
	v1 =	vor.u32 v36, v1  }
0x111: {  	v17 =	vld [tilespmem:$0x1FE90];
	[tilespmem:v61+s19+$0x0] =	vst.idx.msk $0xffff, v2;
	v2 =	vor.u32 v49, v48  }
0x112: {  	[tilespmem:v4+s19+$0x0] =	vst.idx.msk $0xffff, v11;
	v4 =	vor.u32 v30, v58;
	v5 =	vld.idx.msk [tilespmem:v5+s3+$0x0], $0xffff  }
0x113: {  	v3 =	vld.idx.msk [tilespmem:v3+s3+$0x0], $0xffff;
	v4 =	vor.u32 v49, v4;
	[tilespmem:v62+s19+$0x0] =	vst.idx.msk $0xffff, v7  }
0x114: {  	[tilespmem:v16+s19+$0x0] =	vst.idx.msk $0xffff, v8;
	v16 =	vld.idx.msk [tilespmem:v54+s3+$0x0], $0xffff;
	v11 =	vor.u32 v24, v45  }
0x115: {  	[tilespmem:v1+s19+$0x0] =	vst.idx.msk $0xffff, v10;
	v7 =	vor.u32 v24, v43;
	v0 =	vld.idx.msk [tilespmem:v0+s3+$0x0], $0xffff  }
0x116: {  	[tilespmem:v2+s19+$0x0] =	vst.idx.msk $0xffff, v20;
	v2 =	vld [tilespmem:$0x1FF60]  }
0x117: {  	v25 =	vor.u32 v12, v40;
	v6 =	vor.u32 v33, v6;
	v8 =	vor.u32 v33, v56;
	v63 =	vld.idx.msk [tilespmem:v63+s3+$0x0], $0xffff  }
0x118: {  	v54 =	vor.u32 v38, v25;
	v1 =	vor.u32 v12, v39;
	[tilespmem:v4+s19+$0x0] =	vst.idx.msk $0xffff, v3;
	v3 =	vld [tilespmem:$0x1FE80]  }
0x119: {  	v24 =	vmov v12;
	v12 =	vor.u32 v38, v1;
	v1 =	vor.u32 v29, v42;
	v11 =	vld.idx.msk [tilespmem:v11+s3+$0x0], $0xffff  }
0x11a: {  	v47 =	vor.u32 v17, v58;
	[tilespmem:v18+s19+$0x0] =	vst.idx.msk $0xffff, v5;
	v5 =	vor.u32 v46, v1;
	v1 =	vld.idx.msk [tilespmem:v7+s3+$0x0], $0xffff  }
0x11b: {  	v53 =	vmovc v52;
	v52 =	vor.u32 v22, v43;
	v56 =	vor.u32 v9, v50;
	v10 =	vor.u32 v2, v37;
	v7 =	vld [tilespmem:$0x1FE10]  }
0x11c: {  	v48 =	vmovc v58;
	v58 =	vor.u32 v9, v41;
	v25 =	vmov v13;
	v13 =	vor.u32 v2, v35;
	v59 =	vld.idx.msk [tilespmem:v8+s3+$0x0], $0xffff  }
0x11d: {  	p3 =	slt.u32 s28, $0x1E;
	v9 =	vmov v28;
	v50 =	vor.u32 v17, v40;
	[tilespmem:v57+s19+$0x0] =	vst.idx.msk $0xffff, v16;
	v8 =	vmov v27;
	v27 =	vld [tilespmem:$0x1FE30]  }
.Ltmp2:
0x11e: {  	v28 =	vmov v21;
	v41 =	vmov v60;
	v2 =	vor.u32 v29, v48;
	[tilespmem:v54+s19+$0x0] =	vst.idx.msk $0xffff, v0;
	v57 =	vld.idx.msk [tilespmem:v6+s3+$0x0], $0xffff;
	(pc) =	sbr.rel @p3 .LBB2_3-.Ltmp2, $4  }
0x11f: {  	v61 =	vor.u32 v3, v45;
	v20 =	vor.u32 v3, v43;
	[tilespmem:v12+s19+$0x0] =	vst.idx.msk $0xffff, v63;
	v12 =	vmov v24;
	v24 =	vld [tilespmem:$0x1FE20]  }
0x120: {  	v16 =	vor.u32 v22, v37;
	v2 =	vor.u32 v46, v2;
	v62 =	vld.idx.msk [tilespmem:v10+s3+$0x0], $0xffff;
	v0 =	vor.u32 v7, v40  }
0x121: {  	v54 =	vor.u32 v15, v40;
	v63 =	vld.idx.msk [tilespmem:v13+s3+$0x0], $0xffff;
	v18 =	vor.u32 v36, v0;
	v0 =	vor.u32 v7, v39  }
0x122: {  	v10 =	vmovc v26;
	v26 =	vmov v34;
	[tilespmem:v5+s19+$0x0] =	vst.idx.msk $0xffff, v11;
	v13 =	vmov v25;
	v25 =	vld [tilespmem:$0x1FE40];
	v0 =	vor.u32 v36, v0  }
0x123: {  	_ =	sdelay $0x3  }
0x124: {  	v3 =	vld.idx.msk [tilespmem:v61+s3+$0x0], $0xffff;
	v4 =	vor.u32 v49, v55;
	[tilespmem:v2+s19+$0x0] =	vst.idx.msk $0xffff, v1;
	v1 =	vor.u32 v24, v48  }
0x125: {  	v2 =	vor.u32 v27, v45;
	v5 =	vld.idx.msk [tilespmem:v20+s3+$0x0], $0xffff;
	v1 =	vor.u32 v49, v1  }
0x126: {  	v6 =	vor.u32 v27, v43;
	_ =	sdelay $0x2  }
0x127: {  	[tilespmem:v4+s19+$0x0] =	vst.idx.msk $0xffff, v3;
	v3 =	vor.u32 v9, v42  }
0x128: {  	v2 =	vld.idx.msk [tilespmem:v2+s3+$0x0], $0xffff;
	v3 =	vor.u32 v46, v3;
	[tilespmem:v1+s19+$0x0] =	vst.idx.msk $0xffff, v5;
	v1 =	vor.u32 v9, v48  }
0x129: {  	v60 =	vor.u32 v25, v45;
	v5 =	vld.idx.msk [tilespmem:v6+s3+$0x0], $0xffff;
	v1 =	vor.u32 v46, v1  }
0x12a: {  	v61 =	vor.u32 v25, v43;
	_ =	sdelay $0x2  }
0x12b: {  	[tilespmem:v3+s19+$0x0] =	vst.idx.msk $0xffff, v2;
	v2 =	vor.u32 v8, v42  }
0x12c: {  	v11 =	vor.u32 v8, v48;
	v3 =	vld.idx.msk [tilespmem:v60+s3+$0x0], $0xffff;
	v2 =	vor.u32 v49, v2;
	[tilespmem:v1+s19+$0x0] =	vst.idx.msk $0xffff, v5  }
0x12d: {  	v34 =	vor.u32 v26, v45;
	v1 =	vor.u32 v49, v11;
	v5 =	vld.idx.msk [tilespmem:v61+s3+$0x0], $0xffff  }
0x12e: {  	v55 =	vor.u32 v26, v43;
	_ =	sdelay $0x2  }
0x12f: {  	[tilespmem:v2+s19+$0x0] =	vst.idx.msk $0xffff, v3;
	v2 =	vor.u32 v10, v42  }
0x130: {  	v3 =	vld.idx.msk [tilespmem:v34+s3+$0x0], $0xffff;
	v2 =	vor.u32 v46, v2;
	[tilespmem:v1+s19+$0x0] =	vst.idx.msk $0xffff, v5;
	v1 =	vor.u32 v10, v48  }
0x131: {  	v5 =	vld.idx.msk [tilespmem:v55+s3+$0x0], $0xffff;
	v1 =	vor.u32 v46, v1;
	_ =	sdelay $0x2  }
0x132: {  	v60 =	vor.u32 v23, v45  }
0x133: {  	v61 =	vor.u32 v23, v43;
	[tilespmem:v2+s19+$0x0] =	vst.idx.msk $0xffff, v3  }
0x134: {  	[tilespmem:v1+s19+$0x0] =	vst.idx.msk $0xffff, v5  }
0x135: {  	v11 =	vld [tilespmem:$0x1FE60]  }
0x136: {  	v2 =	vor.u32 v13, v42  }
0x137: {  	v3 =	vld.idx.msk [tilespmem:v60+s3+$0x0], $0xffff;
	v2 =	vor.u32 v49, v2;
	v1 =	vor.u32 v13, v48  }
0x138: {  	v5 =	vld.idx.msk [tilespmem:v61+s3+$0x0], $0xffff;
	v1 =	vor.u32 v49, v1;
	_ =	sdelay $0x1  }
0x139: {  	v34 =	vor.u32 v11, v45  }
0x13a: {  	v55 =	vor.u32 v11, v43  }
0x13b: {  	[tilespmem:v2+s19+$0x0] =	vst.idx.msk $0xffff, v3  }
0x13c: {  	[tilespmem:v1+s19+$0x0] =	vst.idx.msk $0xffff, v5  }
0x13d: {  	v2 =	vor.u32 v12, v42;
	v60 =	vld [tilespmem:$0x1FF60]  }
0x13e: {  	v2 =	vor.u32 v46, v2;
	v1 =	vor.u32 v12, v48;
	v3 =	vld.idx.msk [tilespmem:v34+s3+$0x0], $0xffff  }
0x13f: {  	v1 =	vor.u32 v46, v1;
	v5 =	vld.idx.msk [tilespmem:v55+s3+$0x0], $0xffff;
	_ =	sdelay $0x2  }
0x140: {  	[tilespmem:v18+s19+$0x0] =	vst.idx.msk $0xffff, v62;
	v61 =	vor.u32 v60, v45  }
0x141: {  	v11 =	vor.u32 v60, v43;
	[tilespmem:v2+s19+$0x0] =	vst.idx.msk $0xffff, v3  }
0x142: {  	[tilespmem:v1+s19+$0x0] =	vst.idx.msk $0xffff, v5  }
0x143: {  	v21 =	vld [tilespmem:$0x1FE70]  }
0x144: {  	v2 =	vor.u32 v7, v42  }
0x145: {  	v1 =	vor.u32 v7, v48;
	v3 =	vld.idx.msk [tilespmem:v61+s3+$0x0], $0xffff;
	v2 =	vor.u32 v49, v2  }
0x146: {  	v4 =	vor.u32 v22, v45;
	v5 =	vld.idx.msk [tilespmem:v11+s3+$0x0], $0xffff;
	v1 =	vor.u32 v49, v1;
	_ =	sdelay $0x1  }
0x147: {  	v7 =	vld.idx.msk [tilespmem:v16+s3+$0x0], $0xffff;
	[tilespmem:v0+s19+$0x0] =	vst.idx.msk $0xffff, v63;
	v34 =	vor.u32 v21, v39  }
0x148: {  	v55 =	vld.idx.msk [tilespmem:v53+s3+$0x0], $0xffff;
	v0 =	vor.u32 v38, v34  }
0x149: {  	[tilespmem:v2+s19+$0x0] =	vst.idx.msk $0xffff, v3  }
0x14a: {  	[tilespmem:v1+s19+$0x0] =	vst.idx.msk $0xffff, v5;
	v4 =	vld.idx.msk [tilespmem:v4+s3+$0x0], $0xffff  }
0x14b: {  	v3 =	vor.u32 v21, v48;
	v5 =	vld.idx.msk [tilespmem:v52+s3+$0x0], $0xffff  }
0x14c: {  	v6 =	vor.u32 v28, v37;
	v1 =	vor.u32 v46, v3;
	v16 =	vld [tilespmem:$0x1FEB0];
	[tilespmem:v44+s19+$0x0] =	vst.idx.msk $0xffff, v7  }
0x14d: {  	[tilespmem:v0+s19+$0x0] =	vst.idx.msk $0xffff, v55  }
0x14e: {  	v61 =	vor.u32 v28, v43;
	v2 =	vor.u32 v28, v35;
	v3 =	vor.u32 v28, v45;
	v28 =	vld [tilespmem:$0x1FE50];
	_ =	sdelay $0x1  }
0x14f: {  	[tilespmem:v51+s19+$0x0] =	vst.idx.msk $0xffff, v4  }
0x150: {  	v6 =	vld.idx.msk [tilespmem:v6+s3+$0x0], $0xffff;
	v60 =	vor.u32 v16, v40;
	[tilespmem:v1+s19+$0x0] =	vst.idx.msk $0xffff, v5  }
0x151: {  	v18 =	vmovc v9;
	v34 =	vmovc v27;
	v27 =	vmov v26;
	v62 =	vor.u32 v16, v39;
	v9 =	vor.u32 v36, v60;
	v26 =	vld [tilespmem:$0x1FEA0]  }
0x152: {  	v0 =	vor.u32 v36, v62;
	v2 =	vld.idx.msk [tilespmem:v2+s3+$0x0], $0xffff;
	v7 =	vor.u32 v28, v37  }
0x153: {  	v44 =	vor.u32 v28, v35  }
0x154: {  	v52 =	vor.u32 v16, v48;
	v51 =	vor.u32 v16, v42  }
0x155: {  	v15 =	vmovc v10;
	v20 =	vmov v13;
	v1 =	vor.u32 v49, v52;
	v3 =	vld.idx.msk [tilespmem:v3+s3+$0x0], $0xffff;
	v4 =	vor.u32 v49, v51  }
0x156: {  	v10 =	vld.idx.msk [tilespmem:v61+s3+$0x0], $0xffff;
	v53 =	vor.u32 v28, v45;
	[tilespmem:v9+s19+$0x0] =	vst.idx.msk $0xffff, v6;
	v13 =	vor.u32 v26, v40  }
0x157: {  	[tilespmem:v0+s19+$0x0] =	vst.idx.msk $0xffff, v2;
	v55 =	vor.u32 v26, v39;
	v6 =	vld.idx.msk [tilespmem:v7+s3+$0x0], $0xffff;
	v7 =	vor.u32 v38, v13  }
0x158: {  	v61 =	vmovc v24;
	v24 =	vmov v12;
	v12 =	vor.u32 v28, v43;
	v11 =	vor.u32 v38, v55;
	v2 =	vld.idx.msk [tilespmem:v44+s3+$0x0], $0xffff;
	_ =	sdelay $0x1  }
0x159: {  	[tilespmem:v4+s19+$0x0] =	vst.idx.msk $0xffff, v3  }
0x15a: {  	v0 =	vor.u32 v19, v37;
	[tilespmem:v1+s19+$0x0] =	vst.idx.msk $0xffff, v10;
	v55 =	vor.u32 v26, v42;
	v4 =	vld.idx.msk [tilespmem:v53+s3+$0x0], $0xffff  }
0x15b: {  	v3 =	vor.u32 v26, v48;
	v5 =	vor.u32 v46, v55;
	v53 =	vld [tilespmem:$0x1FED0];
	[tilespmem:v7+s19+$0x0] =	vst.idx.msk $0xffff, v6  }
0x15c: {  	v1 =	vor.u32 v46, v3;
	v44 =	vor.u32 v19, v35;
	v60 =	vld.idx.msk [tilespmem:v12+s3+$0x0], $0xffff;
	[tilespmem:v11+s19+$0x0] =	vst.idx.msk $0xffff, v2  }
0x15d: {  	v17 =	vld [tilespmem:$0x1FF00];
	_ =	sdelay $0x1  }
0x15e: {  	v3 =	vor.u32 v19, v45  }
0x15f: {  	v12 =	vor.u32 v19, v43;
	v13 =	vor.u32 v53, v40;
	v0 =	vld.idx.msk [tilespmem:v0+s3+$0x0], $0xffff;
	[tilespmem:v5+s19+$0x0] =	vst.idx.msk $0xffff, v4  }
0x160: {  	v62 =	vor.u32 v53, v39;
	v6 =	vor.u32 v36, v13;
	v44 =	vld.idx.msk [tilespmem:v44+s3+$0x0], $0xffff;
	[tilespmem:v1+s19+$0x0] =	vst.idx.msk $0xffff, v60  }
0x161: {  	v10 =	vor.u32 v36, v62;
	v62 =	vld [tilespmem:$0x1FEF0];
	v2 =	vor.u32 v17, v37  }
0x162: {  	v63 =	vmov v8;
	v8 =	vor.u32 v17, v35  }
0x163: {  	v51 =	vor.u32 v53, v42  }
0x164: {  	v52 =	vor.u32 v53, v48;
	v5 =	vor.u32 v49, v51;
	v3 =	vld.idx.msk [tilespmem:v3+s3+$0x0], $0xffff  }
0x165: {  	v1 =	vor.u32 v49, v52;
	v9 =	vld.idx.msk [tilespmem:v12+s3+$0x0], $0xffff;
	v55 =	vor.u32 v17, v45;
	[tilespmem:v6+s19+$0x0] =	vst.idx.msk $0xffff, v0  }
0x166: {  	v0 =	vor.u32 v38, v54;
	[tilespmem:v10+s19+$0x0] =	vst.idx.msk $0xffff, v44;
	v40 =	vor.u32 v62, v39;
	v2 =	vld.idx.msk [tilespmem:v2+s3+$0x0], $0xffff  }
0x167: {  	v12 =	vor.u32 v17, v43;
	v11 =	vor.u32 v38, v40;
	v7 =	vld.idx.msk [tilespmem:v8+s3+$0x0], $0xffff;
	_ =	sdelay $0x1  }
0x168: {  	[tilespmem:v5+s19+$0x0] =	vst.idx.msk $0xffff, v3  }
0x169: {  	v51 =	vor.u32 v33, v35;
	[tilespmem:v1+s19+$0x0] =	vst.idx.msk $0xffff, v9  }
0x16a: {  	v44 =	vor.u32 v33, v37;
	v3 =	vor.u32 v62, v48;
	v4 =	vld.idx.msk [tilespmem:v55+s3+$0x0], $0xffff;
	[tilespmem:v0+s19+$0x0] =	vst.idx.msk $0xffff, v2  }
0x16b: {  	v52 =	vor.u32 v62, v42;
	v1 =	vor.u32 v46, v3;
	v9 =	vld.idx.msk [tilespmem:v12+s3+$0x0], $0xffff;
	[tilespmem:v11+s19+$0x0] =	vst.idx.msk $0xffff, v7  }
0x16c: {  	v54 =	vor.u32 v46, v52;
	v55 =	vor.u32 v33, v43;
	v60 =	vld [tilespmem:$0x1FE90]  }
0x16d: {  	v3 =	vor.u32 v33, v45;
	_ =	sdelay $0x1  }
0x16e: {  	v0 =	vor.u32 v36, v50;
	v2 =	vld.idx.msk [tilespmem:v44+s3+$0x0], $0xffff  }
0x16f: {  	v37 =	vor.u32 v36, v41;
	v35 =	vld.idx.msk [tilespmem:v51+s3+$0x0], $0xffff;
	[tilespmem:v1+s19+$0x0] =	vst.idx.msk $0xffff, v9  }
0x170: {  	v40 =	vor.u32 v49, v47;
	[tilespmem:v54+s19+$0x0] =	vst.idx.msk $0xffff, v4;
	v1 =	vld.idx.msk [tilespmem:v55+s3+$0x0], $0xffff;
	v38 =	vor.u32 v60, v42  }
0x171: {  	[tilespmem:v56+s19+$0x0] =	vst.idx.msk $0xffff, v59;
	v3 =	vld.idx.msk [tilespmem:v3+s3+$0x0], $0xffff;
	v39 =	vor.u32 v49, v38  }
0x172: {  	[tilespmem:v58+s19+$0x0] =	vst.idx.msk $0xffff, v57  }
0x173: {  	[tilespmem:v0+s19+$0x0] =	vst.idx.msk $0xffff, v2  }
0x174: {  	s1 =	sshll.u32 s25, $0x10;
	[tilespmem:v37+s19+$0x0] =	vst.idx.msk $0xffff, v35  }
0x175: {  	s28 =	sor.u32 s7, s1;
	[tilespmem:v40+s19+$0x0] =	vst.idx.msk $0xffff, v1  }
0x176: {  	s1 =	sadd.s32 s5, s28;
	[tilespmem:v39+s19+$0x0] =	vst.idx.msk $0xffff, v3  }
0x177: {  	[hbm4b:s1+s3] =	stream.linear.scatter [tilespmem:s19], [sflag:$0x3], $0x2000, $0x38;
	[tilespmem:$0x8000] =	vst v63  }
0x178: {  	s1 =	sadd.s32 s10, s26;
	_ =	swait.ge [sflag:s20], $0x2000  }
0x179: {  	p3 =	sgt.u32 s1, $0x30C;
	[sflag:s20] =	ssyncset.done $0x0  }
0x17a: {  	s1 =	sshll.u32 @!p3 s1, $0x7;
	s26 =	simm.s32 @!p3 $0x400;
	s29 =	simm.s32 @!p3 $0xC3800  }
0x17b: {  	s30 =	simm.s32 @!p3 $0x2000;
	[sflag:s20] =	ssyncadd.s32 $0xFFFFE000;
	s1 =	sadd.s32 @!p3 s0, s1  }
0x17c: {  	v43 =	vld [tilespmem:$0x1FEC0];
	[tilespmem:s30], [sflag:$0x2] =	stream.strided.gather @!p3 [hbm4b:s1+s26], $0x2000, s29, s26, $0x38  }
0x17d: {  	s30 =	simm.s32 $0x0  }
0x17e: {  	s1 =	sand.u32 $0x30, s30  }
0x17f: {  	s31 =	simm.s32 $0x0;
	v0 =	vmov s1  }
0x180: {  	s26 =	sand.u32 $0x6, s31;
	s31 =	simm.s32 @!p2 $0x4;
	v0 =	vshll.u32 v0, $0x7  }
0x181: {  	s29 =	sshll.u32 s26, $0x4;
	s30 =	sor.u32 $0x1, s26;
	_ =	swait.ge @!p2 [sflag:s31], $0x2000;
	v0 =	vor.u32 v43, v0  }
0x182: {  	v46 =	vld [tilespmem:$0x1FF10];
	v50 =	vor.u32 s29, v0;
	s29 =	sshll.u32 s30, $0x4  }
0x183: {  	v1 =	vor.u32 v14, v50;
	v52 =	vor.u32 s29, v0  }
0x184: {  	s26 =	sshll.u32 s26, $0x3;
	v2 =	vor.u32 v14, v52  }
0x185: {  	s30 =	sshll.u32 s30, $0x3;
	v0 =	vmov s26  }
0x186: {  	[sflag:s31] =	ssyncset.done @!p2 $0x0;
	v49 =	vshll.u32 v0, $0x7;
	v0 =	vmov s30  }
0x187: {  	v11 =	vld [tilespmem:$0x1FF20];
	[sflag:s31] =	ssyncadd.s32 @!p2 $0xFFFFE000;
	v51 =	vor.u32 s1, v46;
	v3 =	vor.u32 v31, v49;
	v47 =	vshll.u32 v0, $0x7  }
0x188: {  	v0 =	vld.idx.msk [tilespmem:v1+s17+$0x0], $0xffff;
	v1 =	vor.u32 v51, v3;
	v3 =	vor.u32 v31, v47  }
0x189: {  	v41 =	vor.u32 v32, v50;
	v2 =	vld.idx.msk [tilespmem:v2+s17+$0x0], $0xffff;
	v3 =	vor.u32 v51, v3;
	_ =	sdelay $0x1  }
0x18a: {  	v42 =	vor.u32 v32, v52;
	_ =	sdelay $0x1  }
0x18b: {  	[tilespmem:v1+s21+$0x0] =	vst.idx.msk $0xffff, v0  }
0x18c: {  	v54 =	vor.u32 s1, v11;
	v0 =	vor.u32 v30, v49;
	v1 =	vld.idx.msk [tilespmem:v41+s17+$0x0], $0xffff;
	[tilespmem:v3+s21+$0x0] =	vst.idx.msk $0xffff, v2  }
0x18d: {  	v0 =	vor.u32 v54, v0;
	v2 =	vor.u32 v30, v47;
	v56 =	vld [tilespmem:$0x1FEE0]  }
0x18e: {  	v44 =	vld.idx.msk [tilespmem:v42+s17+$0x0], $0xffff;
	v2 =	vor.u32 v54, v2;
	_ =	sdelay $0x3  }
0x18f: {  	[tilespmem:v0+s21+$0x0] =	vst.idx.msk $0xffff, v1  }
0x190: {  	v3 =	vor.u32 v56, v50;
	[tilespmem:v2+s21+$0x0] =	vst.idx.msk $0xffff, v44  }
0x191: {  	v45 =	vor.u32 v56, v52;
	v58 =	vld [tilespmem:$0x1FE80];
	_ =	sdelay $0x2  }
0x192: {  	v0 =	vor.u32 v29, v49  }
0x193: {  	v0 =	vor.u32 v51, v0;
	v2 =	vor.u32 v29, v47;
	v1 =	vld.idx.msk [tilespmem:v3+s17+$0x0], $0xffff  }
0x194: {  	v2 =	vor.u32 v51, v2;
	v4 =	vld.idx.msk [tilespmem:v45+s17+$0x0], $0xffff;
	v3 =	vor.u32 v58, v50  }
0x195: {  	v48 =	vor.u32 v58, v52;
	_ =	sdelay $0x2  }
0x196: {  	v55 =	vor.u32 v61, v49;
	[tilespmem:v0+s21+$0x0] =	vst.idx.msk $0xffff, v1  }
0x197: {  	v1 =	vor.u32 v54, v55;
	[tilespmem:v2+s21+$0x0] =	vst.idx.msk $0xffff, v4;
	v2 =	vor.u32 v61, v47;
	v0 =	vld.idx.msk [tilespmem:v3+s17+$0x0], $0xffff  }
0x198: {  	v3 =	vor.u32 v34, v50;
	v4 =	vld.idx.msk [tilespmem:v48+s17+$0x0], $0xffff;
	v2 =	vor.u32 v54, v2  }
0x199: {  	v57 =	vor.u32 v34, v52;
	_ =	sdelay $0x2  }
0x19a: {  	[tilespmem:v1+s21+$0x0] =	vst.idx.msk $0xffff, v0;
	v0 =	vor.u32 v18, v49  }
0x19b: {  	[tilespmem:v2+s21+$0x0] =	vst.idx.msk $0xffff, v4;
	v2 =	vor.u32 v18, v47;
	v1 =	vld.idx.msk [tilespmem:v3+s17+$0x0], $0xffff;
	v0 =	vor.u32 v51, v0  }
0x19c: {  	v3 =	vor.u32 v25, v50;
	v4 =	vld.idx.msk [tilespmem:v57+s17+$0x0], $0xffff;
	v2 =	vor.u32 v51, v2  }
0x19d: {  	v59 =	vor.u32 v25, v52;
	_ =	sdelay $0x1  }
0x19e: {  	s26 =	simm.s32 $0x4  }
0x19f: {  	s1 =	sand.u32 $0x30, s26;
	[tilespmem:v0+s21+$0x0] =	vst.idx.msk $0xffff, v1;
	v0 =	vor.u32 v63, v49  }
0x1a0: {  	s30 =	simm.s32 $0x2;
	v9 =	vor.u32 v63, v47;
	[tilespmem:v2+s21+$0x0] =	vst.idx.msk $0xffff, v4;
	v1 =	vld.idx.msk [tilespmem:v3+s17+$0x0], $0xffff;
	v0 =	vor.u32 v54, v0;
	v3 =	vmov s1  }
0x1a1: {  	s26 =	sand.u32 $0x6, s30;
	v10 =	vor.u32 v54, v9;
	v5 =	vld.idx.msk [tilespmem:v59+s17+$0x0], $0xffff;
	v2 =	vshll.u32 v3, $0x7  }
0x1a2: {  	s29 =	sshll.u32 s26, $0x4;
	v3 =	vor.u32 v27, v50;
	v2 =	vor.u32 v43, v2  }
0x1a3: {  	v44 =	vor.u32 v27, v52;
	v37 =	vor.u32 s29, v2  }
0x1a4: {  	v45 =	vor.u32 v14, v37  }
0x1a5: {  	s31 =	sor.u32 $0x1, s26;
	s26 =	sshll.u32 s26, $0x3;
	[tilespmem:v0+s21+$0x0] =	vst.idx.msk $0xffff, v1  }
0x1a6: {  	v0 =	vor.u32 v15, v49;
	v1 =	vmov s26;
	[tilespmem:v10+s21+$0x0] =	vst.idx.msk $0xffff, v5  }
0x1a7: {  	v3 =	vld.idx.msk [tilespmem:v3+s17+$0x0], $0xffff;
	v0 =	vor.u32 v51, v0;
	v40 =	vshll.u32 v1, $0x7;
	v1 =	vor.u32 v15, v47  }
0x1a8: {  	v38 =	vor.u32 s1, v46;
	v5 =	vld.idx.msk [tilespmem:v44+s17+$0x0], $0xffff;
	v1 =	vor.u32 v51, v1;
	v55 =	vor.u32 v31, v40  }
0x1a9: {  	v59 =	vor.u32 v23, v52;
	v6 =	vor.u32 v38, v55;
	v7 =	vld.idx.msk [tilespmem:v45+s17+$0x0], $0xffff  }
0x1aa: {  	s29 =	sshll.u32 s31, $0x4  }
0x1ab: {  	v35 =	vor.u32 s29, v2  }
0x1ac: {  	v2 =	vor.u32 v14, v35;
	[tilespmem:v0+s21+$0x0] =	vst.idx.msk $0xffff, v3  }
0x1ad: {  	s30 =	sshll.u32 s31, $0x3;
	v48 =	vor.u32 v23, v50;
	[tilespmem:v1+s21+$0x0] =	vst.idx.msk $0xffff, v5  }
0x1ae: {  	v57 =	vmov s30;
	v5 =	vld.idx.msk [tilespmem:v59+s17+$0x0], $0xffff;
	[tilespmem:v6+s21+$0x0] =	vst.idx.msk $0xffff, v7  }
0x1af: {  	v39 =	vshll.u32 v57, $0x7;
	v42 =	vor.u32 v32, v37;
	v59 =	vld [tilespmem:$0x1FE60]  }
0x1b0: {  	v44 =	vor.u32 v31, v39  }
0x1b1: {  	v45 =	vor.u32 v20, v49;
	v2 =	vld.idx.msk [tilespmem:v2+s17+$0x0], $0xffff;
	v0 =	vor.u32 v38, v44  }
0x1b2: {  	v10 =	vor.u32 v54, v45;
	v4 =	vld.idx.msk [tilespmem:v48+s17+$0x0], $0xffff;
	v1 =	vor.u32 v20, v47  }
0x1b3: {  	v36 =	vor.u32 s1, v11;
	v48 =	vor.u32 v30, v40;
	v1 =	vor.u32 v54, v1  }
0x1b4: {  	v6 =	vor.u32 v36, v48;
	v8 =	vld.idx.msk [tilespmem:v42+s17+$0x0], $0xffff;
	v57 =	vor.u32 v59, v50;
	_ =	sdelay $0x1  }
0x1b5: {  	v3 =	vor.u32 v32, v35;
	[tilespmem:v0+s21+$0x0] =	vst.idx.msk $0xffff, v2  }
0x1b6: {  	[tilespmem:v10+s21+$0x0] =	vst.idx.msk $0xffff, v4  }
0x1b7: {  	[tilespmem:v1+s21+$0x0] =	vst.idx.msk $0xffff, v5  }
0x1b8: {  	[tilespmem:v6+s21+$0x0] =	vst.idx.msk $0xffff, v8;
	v1 =	vld.idx.msk [tilespmem:v57+s17+$0x0], $0xffff  }
0x1b9: {  	v0 =	vor.u32 v30, v39;
	v41 =	vor.u32 v59, v52;
	v57 =	vld [tilespmem:$0x1FF60]  }
0x1ba: {  	v3 =	vld.idx.msk [tilespmem:v3+s17+$0x0], $0xffff;
	v0 =	vor.u32 v36, v0  }
0x1bb: {  	v42 =	vor.u32 v24, v49;
	v2 =	vor.u32 v56, v37  }
0x1bc: {  	v5 =	vor.u32 v51, v42  }
0x1bd: {  	v44 =	vor.u32 v24, v47  }
0x1be: {  	v7 =	vor.u32 v51, v44;
	v48 =	vld.idx.msk [tilespmem:v41+s17+$0x0], $0xffff;
	v45 =	vor.u32 v57, v50  }
0x1bf: {  	v12 =	vor.u32 v60, v47;
	[tilespmem:v0+s21+$0x0] =	vst.idx.msk $0xffff, v3  }
0x1c0: {  	v2 =	vld.idx.msk [tilespmem:v2+s17+$0x0], $0xffff;
	[tilespmem:$0x1FDF0] =	vst v12  }
0x1c1: {  	v41 =	vor.u32 v29, v40;
	[tilespmem:v5+s21+$0x0] =	vst.idx.msk $0xffff, v1  }
0x1c2: {  	v4 =	vor.u32 v56, v35;
	v9 =	vor.u32 v38, v41;
	v1 =	vld [tilespmem:$0x1FE10]  }
0x1c3: {  	v3 =	vor.u32 v58, v37;
	[tilespmem:v7+s21+$0x0] =	vst.idx.msk $0xffff, v48;
	v5 =	vld.idx.msk [tilespmem:v45+s17+$0x0], $0xffff  }
0x1c4: {  	v45 =	vld [tilespmem:$0x1FE10]  }
0x1c5: {  	v44 =	vor.u32 v57, v52  }
0x1c6: {  	v0 =	vor.u32 v29, v39  }
0x1c7: {  	v12 =	vor.u32 v61, v40;
	v0 =	vor.u32 v38, v0;
	v4 =	vld.idx.msk [tilespmem:v4+s17+$0x0], $0xffff;
	[tilespmem:v9+s21+$0x0] =	vst.idx.msk $0xffff, v2  }
0x1c8: {  	v10 =	vor.u32 v36, v12;
	v1 =	vor.u32 v1, v49;
	v3 =	vld.idx.msk [tilespmem:v3+s17+$0x0], $0xffff  }
0x1c9: {  	v1 =	vor.u32 v54, v1;
	v6 =	vor.u32 v45, v47  }
0x1ca: {  	v7 =	vld.idx.msk [tilespmem:v44+s17+$0x0], $0xffff;
	v6 =	vor.u32 v54, v6;
	_ =	sdelay $0x1  }
0x1cb: {  	[tilespmem:v0+s21+$0x0] =	vst.idx.msk $0xffff, v4  }
0x1cc: {  	v13 =	vor.u32 v58, v35;
	[tilespmem:v10+s21+$0x0] =	vst.idx.msk $0xffff, v3  }
0x1cd: {  	[tilespmem:v1+s21+$0x0] =	vst.idx.msk $0xffff, v5  }
0x1ce: {  	v2 =	vor.u32 v22, v50;
	[tilespmem:v6+s21+$0x0] =	vst.idx.msk $0xffff, v7  }
0x1cf: {  	v9 =	vor.u32 v22, v52;
	v10 =	vld [tilespmem:$0x1FF30]  }
0x1d0: {  	v48 =	vor.u32 v34, v37;
	v0 =	vor.u32 v61, v39  }
0x1d1: {  	v12 =	vld.idx.msk [tilespmem:v13+s17+$0x0], $0xffff;
	v0 =	vor.u32 v36, v0  }
0x1d2: {  	v42 =	vor.u32 v21, v49;
	v13 =	vor.u32 v34, v35  }
0x1d3: {  	v8 =	vor.u32 v51, v42;
	v1 =	vor.u32 v21, v47;
	v2 =	vld.idx.msk [tilespmem:v2+s17+$0x0], $0xffff  }
0x1d4: {  	s26 =	simm.s32 $0x4;
	v45 =	vor.u32 v18, v40;
	v1 =	vor.u32 v51, v1;
	v5 =	vld.idx.msk [tilespmem:v9+s17+$0x0], $0xffff;
	v3 =	vor.u32 v10, v50  }
0x1d5: {  	s30 =	sand.u32 $0x6, s26;
	v4 =	vld.idx.msk [tilespmem:v48+s17+$0x0], $0xffff;
	v6 =	vor.u32 v38, v45;
	v9 =	vor.u32 v10, v52  }
0x1d6: {  	s31 =	sshll.u32 s30, $0x3;
	[tilespmem:v0+s21+$0x0] =	vst.idx.msk $0xffff, v12;
	v0 =	vor.u32 v18, v39;
	v10 =	vor.u32 v25, v37  }
0x1d7: {  	v34 =	vor.u32 v16, v47;
	v48 =	vmov s31;
	v12 =	vld.idx.msk [tilespmem:v13+s17+$0x0], $0xffff;
	v0 =	vor.u32 v38, v0  }
0x1d8: {  	v42 =	vshll.u32 v48, $0x7;
	v13 =	vor.u32 v25, v35;
	[tilespmem:v8+s21+$0x0] =	vst.idx.msk $0xffff, v2;
	v2 =	vor.u32 v16, v49  }
0x1d9: {  	v45 =	vor.u32 v63, v40;
	v2 =	vor.u32 v54, v2;
	[tilespmem:v1+s21+$0x0] =	vst.idx.msk $0xffff, v5;
	v3 =	vld.idx.msk [tilespmem:v3+s17+$0x0], $0xffff  }
0x1da: {  	s29 =	simm.s32 $0x8;
	[tilespmem:v6+s21+$0x0] =	vst.idx.msk $0xffff, v4;
	v1 =	vor.u32 v54, v34;
	v5 =	vor.u32 v28, v50;
	v6 =	vld.idx.msk [tilespmem:v9+s17+$0x0], $0xffff  }
0x1db: {  	s1 =	sand.u32 $0x30, s29;
	v63 =	vor.u32 v63, v39;
	v4 =	vor.u32 v36, v45;
	v8 =	vld.idx.msk [tilespmem:v10+s17+$0x0], $0xffff;
	v9 =	vor.u32 v28, v52  }
0x1dc: {  	v48 =	vmov s1;
	v11 =	vor.u32 v36, v63;
	v18 =	vor.u32 v27, v35;
	[tilespmem:v0+s21+$0x0] =	vst.idx.msk $0xffff, v12  }
0x1dd: {  	v16 =	vor.u32 v26, v47;
	v34 =	vor.u32 v27, v37;
	v0 =	vshll.u32 v48, $0x7;
	v13 =	vld.idx.msk [tilespmem:v13+s17+$0x0], $0xffff  }
0x1de: {  	s31 =	sshll.u32 s30, $0x4;
	v12 =	vor.u32 v26, v49;
	v0 =	vor.u32 v43, v0;
	[tilespmem:v2+s21+$0x0] =	vst.idx.msk $0xffff, v3  }
0x1df: {  	s30 =	sor.u32 $0x1, s30;
	v45 =	vor.u32 s31, v0;
	[tilespmem:v1+s21+$0x0] =	vst.idx.msk $0xffff, v6;
	v3 =	vld.idx.msk [tilespmem:v5+s17+$0x0], $0xffff;
	v5 =	vor.u32 v51, v12  }
0x1e0: {  	s31 =	sshll.u32 s30, $0x3;
	s30 =	sshll.u32 s30, $0x4;
	v2 =	vor.u32 v51, v16;
	v6 =	vor.u32 v14, v45;
	[tilespmem:v4+s21+$0x0] =	vst.idx.msk $0xffff, v8;
	v4 =	vld.idx.msk [tilespmem:v9+s17+$0x0], $0xffff  }
0x1e1: {  	v43 =	vor.u32 s30, v0;
	v0 =	vor.u32 v19, v50  }
0x1e2: {  	v46 =	vor.u32 s1, v46;
	v63 =	vor.u32 v15, v39;
	v48 =	vor.u32 v15, v40;
	[tilespmem:v11+s21+$0x0] =	vst.idx.msk $0xffff, v13  }
0x1e3: {  	v7 =	vor.u32 v53, v49;
	v10 =	vor.u32 v38, v63;
	v13 =	vld.idx.msk [tilespmem:v18+s17+$0x0], $0xffff;
	v8 =	vor.u32 v38, v48  }
0x1e4: {  	v9 =	vld.idx.msk [tilespmem:v34+s17+$0x0], $0xffff;
	v12 =	vor.u32 v53, v47;
	v53 =	vor.u32 v31, v42;
	[tilespmem:v5+s21+$0x0] =	vst.idx.msk $0xffff, v3  }
0x1e5: {  	v1 =	vmov s31;
	v6 =	vld.idx.msk [tilespmem:v6+s17+$0x0], $0xffff;
	[tilespmem:v2+s21+$0x0] =	vst.idx.msk $0xffff, v4;
	v4 =	vor.u32 v46, v53  }
0x1e6: {  	v7 =	vor.u32 v54, v7;
	v48 =	vshll.u32 v1, $0x7;
	v1 =	vor.u32 v14, v43;
	v0 =	vld.idx.msk [tilespmem:v0+s17+$0x0], $0xffff;
	_ =	sdelay $0x1  }
0x1e7: {  	[tilespmem:v10+s21+$0x0] =	vst.idx.msk $0xffff, v13  }
0x1e8: {  	v34 =	vor.u32 v19, v52;
	[tilespmem:v8+s21+$0x0] =	vst.idx.msk $0xffff, v9  }
0x1e9: {  	v3 =	vor.u32 v23, v37;
	[tilespmem:v4+s21+$0x0] =	vst.idx.msk $0xffff, v6  }
0x1ea: {  	v63 =	vor.u32 v31, v48;
	v2 =	vor.u32 v23, v35;
	v1 =	vld.idx.msk [tilespmem:v1+s17+$0x0], $0xffff;
	[tilespmem:v7+s21+$0x0] =	vst.idx.msk $0xffff, v0  }
0x1eb: {  	v55 =	vmovc v20;
	v20 =	vmov v24;
	v24 =	vmov v15;
	v5 =	vor.u32 v46, v63;
	v15 =	vld [tilespmem:$0x1FF20]  }
0x1ec: {  	v9 =	vor.u32 v32, v45  }
0x1ed: {  	v25 =	vmov v55;
	v13 =	vor.u32 v60, v49;
	v8 =	vor.u32 v54, v12;
	v11 =	vld.idx.msk [tilespmem:v34+s17+$0x0], $0xffff  }
0x1ee: {  	v12 =	vor.u32 v62, v49;
	v63 =	vor.u32 v17, v52;
	v34 =	vor.u32 v55, v40;
	v3 =	vld.idx.msk [tilespmem:v3+s17+$0x0], $0xffff  }
0x1ef: {  	v55 =	vor.u32 v55, v39;
	v10 =	vor.u32 v36, v34;
	v4 =	vor.u32 v17, v50;
	v2 =	vld.idx.msk [tilespmem:v2+s17+$0x0], $0xffff  }
0x1f0: {  	v6 =	vor.u32 v36, v55;
	[tilespmem:v5+s21+$0x0] =	vst.idx.msk $0xffff, v1;
	v1 =	vor.u32 v30, v42;
	v49 =	vor.u32 s1, v15  }
0x1f1: {  	v0 =	vor.u32 v32, v43;
	v9 =	vld.idx.msk [tilespmem:v9+s17+$0x0], $0xffff;
	v1 =	vor.u32 v49, v1  }
0x1f2: {  	[tilespmem:v8+s21+$0x0] =	vst.idx.msk $0xffff, v11;
	v8 =	vor.u32 v59, v37  }
0x1f3: {  	v34 =	vor.u32 v51, v12;
	v7 =	vor.u32 v62, v47;
	v47 =	vor.u32 v30, v48  }
0x1f4: {  	v7 =	vor.u32 v51, v7;
	[tilespmem:v10+s21+$0x0] =	vst.idx.msk $0xffff, v3;
	v3 =	vor.u32 v21, v42;
	v4 =	vld.idx.msk [tilespmem:v4+s17+$0x0], $0xffff  }
0x1f5: {  	[tilespmem:v6+s21+$0x0] =	vst.idx.msk $0xffff, v2;
	v2 =	vor.u32 v59, v35;
	v51 =	vor.u32 v46, v3;
	v3 =	vld.idx.msk [tilespmem:v63+s17+$0x0], $0xffff  }
0x1f6: {  	v0 =	vld.idx.msk [tilespmem:v0+s17+$0x0], $0xffff;
	v59 =	vor.u32 v49, v47;
	[tilespmem:v1+s21+$0x0] =	vst.idx.msk $0xffff, v9;
	v1 =	vor.u32 v20, v40  }
0x1f7: {  	v55 =	vor.u32 v61, v42;
	v61 =	vor.u32 v56, v45;
	v8 =	vld.idx.msk [tilespmem:v8+s17+$0x0], $0xffff;
	v1 =	vor.u32 v38, v1;
	_ =	sdelay $0x1  }
0x1f8: {  	[tilespmem:v34+s21+$0x0] =	vst.idx.msk $0xffff, v4  }
0x1f9: {  	v63 =	vor.u32 v33, v50;
	[tilespmem:v7+s21+$0x0] =	vst.idx.msk $0xffff, v3  }
0x1fa: {  	v34 =	vor.u32 v20, v39;
	v50 =	vld.idx.msk [tilespmem:v2+s17+$0x0], $0xffff;
	v2 =	vor.u32 v29, v42;
	[tilespmem:v59+s21+$0x0] =	vst.idx.msk $0xffff, v0  }
0x1fb: {  	v4 =	vor.u32 v38, v34;
	v11 =	vor.u32 v46, v2;
	v6 =	vld.idx.msk [tilespmem:v61+s17+$0x0], $0xffff;
	[tilespmem:v1+s21+$0x0] =	vst.idx.msk $0xffff, v8  }
0x1fc: {  	v15 =	vmovc v20;
	v0 =	vor.u32 v57, v37;
	v20 =	vor.u32 v58, v43;
	v61 =	vor.u32 v58, v45;
	v58 =	vld [tilespmem:$0x1FDF0];
	_ =	sdelay $0x2  }
0x1fd: {  	v12 =	vor.u32 v33, v52;
	v59 =	vld.idx.msk [tilespmem:v63+s17+$0x0], $0xffff  }
0x1fe: {  	v5 =	vor.u32 v56, v43;
	v56 =	vor.u32 v54, v13;
	v63 =	vld [tilespmem:$0x1FE10];
	[tilespmem:v4+s21+$0x0] =	vst.idx.msk $0xffff, v50  }
0x1ff: {  	[tilespmem:v11+s21+$0x0] =	vst.idx.msk $0xffff, v6;
	v58 =	vor.u32 v54, v58;
	v54 =	vor.u32 v62, v40;
	v62 =	vld.idx.msk [tilespmem:v0+s17+$0x0], $0xffff  }
0x200: {  	v0 =	vld [tilespmem:$0x1FE10]  }
0x201: {  	v44 =	vor.u32 v21, v40;
	v3 =	vor.u32 v57, v35  }
0x202: {  	v41 =	vor.u32 v60, v39;
	v44 =	vor.u32 v38, v44  }
0x203: {  	v26 =	vmovc v27;
	v16 =	vor.u32 v22, v37;
	v53 =	vor.u32 v22, v35;
	v52 =	vor.u32 v22, v43  }
0x204: {  	v21 =	vmovc v28;
	v47 =	vor.u32 v60, v48;
	v2 =	vor.u32 v29, v48;
	v34 =	vmov v57;
	v57 =	vld.idx.msk [tilespmem:v12+s17+$0x0], $0xffff  }
0x205: {  	v2 =	vor.u32 v46, v2;
	v1 =	vld.idx.msk [tilespmem:v5+s17+$0x0], $0xffff;
	v5 =	vor.u32 v63, v40;
	v0 =	vor.u32 v0, v39  }
0x206: {  	v50 =	vor.u32 v60, v40;
	v63 =	vld.idx.msk [tilespmem:v3+s17+$0x0], $0xffff;
	v18 =	vor.u32 v36, v5;
	v0 =	vor.u32 v36, v0  }
.LBB2_5:
0x207: {  	v13 =	vld [tilespmem:$0x1FE20]  }
0x208: {  	s26 =	sadd.s32 $0x2, s26  }
0x209: {  	v3 =	vld.idx.msk [tilespmem:v61+s17+$0x0], $0xffff;
	s30 =	sand.u32 $0x6, s26  }
0x20a: {  	v28 =	vmov v34;
	v34 =	vld [tilespmem:$0x1FED0];
	s1 =	sshll.u32 s30, $0x3  }
0x20b: {  	v8 =	vld [tilespmem:$0x1FE30];
	[tilespmem:v2+s21+$0x0] =	vst.idx.msk $0xffff, v1;
	v7 =	vmov s1  }
0x20c: {  	v5 =	vor.u32 v49, v55;
	v6 =	vld.idx.msk [tilespmem:v20+s17+$0x0], $0xffff;
	v7 =	vshll.u32 v7, $0x7;
	v1 =	vor.u32 v13, v48  }
0x20d: {  	[tilespmem:v56+s21+$0x0] =	vst.idx.msk $0xffff, v59;
	s31 =	sor.u32 $0x1, s30;
	v55 =	vor.u32 v13, v7;
	v13 =	vld [tilespmem:$0x1FF40];
	v1 =	vor.u32 v49, v1  }
0x20e: {  	v12 =	vld [tilespmem:$0x1FE70];
	s1 =	sshll.u32 s31, $0x3;
	[tilespmem:v18+s21+$0x0] =	vst.idx.msk $0xffff, v62  }
0x20f: {  	[tilespmem:v58+s21+$0x0] =	vst.idx.msk $0xffff, v57;
	v10 =	vmov s1;
	v11 =	vld.idx.msk [tilespmem:v16+s17+$0x0], $0xffff  }
0x210: {  	v59 =	vmov v38;
	[tilespmem:v0+s21+$0x0] =	vst.idx.msk $0xffff, v63;
	v58 =	vshll.u32 v10, $0x7;
	v10 =	vld [tilespmem:$0x1FF30]  }
0x211: {  	v2 =	vor.u32 v8, v45;
	v8 =	vor.u32 v8, v43;
	[tilespmem:v5+s21+$0x0] =	vst.idx.msk $0xffff, v3;
	v3 =	vld.idx.msk [tilespmem:v53+s17+$0x0], $0xffff  }
0x212: {  	v38 =	vmov v46;
	v46 =	vor.u32 v13, v42;
	[tilespmem:v1+s21+$0x0] =	vst.idx.msk $0xffff, v6;
	v1 =	vor.u32 v13, v48;
	v13 =	vld [tilespmem:$0x1FE40]  }
0x213: {  	v16 =	vld [tilespmem:$0x1FEA0]  }
0x214: {  	v18 =	vld [tilespmem:$0x1FEB0];
	v9 =	vor.u32 v12, v39  }
0x215: {  	v56 =	vmov v37;
	v37 =	vmov v45;
	v63 =	vld [tilespmem:$0x1FF10];
	v9 =	vor.u32 v59, v9  }
0x216: {  	v0 =	vor.u32 v10, v56;
	v10 =	vor.u32 v10, v35;
	v6 =	vld.idx.msk [tilespmem:v8+s17+$0x0], $0xffff;
	v1 =	vor.u32 v38, v1  }
0x217: {  	v27 =	vld [tilespmem:$0x1FEF0];
	v62 =	vor.u32 v13, v37;
	v13 =	vor.u32 v13, v43  }
0x218: {  	v2 =	vld.idx.msk [tilespmem:v2+s17+$0x0], $0xffff;
	[tilespmem:v44+s21+$0x0] =	vst.idx.msk $0xffff, v11;
	v11 =	vor.u32 v16, v39  }
0x219: {  	s29 =	sadd.s32 $0x4, s29;
	v8 =	vor.u32 v16, v40;
	v16 =	vor.u32 v18, v40;
	v18 =	vor.u32 v18, v39  }
0x21a: {  	s1 =	sand.u32 $0x30, s29;
	v53 =	vor.u32 v38, v46;
	[tilespmem:v9+s21+$0x0] =	vst.idx.msk $0xffff, v3;
	v3 =	vor.u32 v36, v18;
	v18 =	vld [tilespmem:$0x1FF50]  }
0x21b: {  	v12 =	vor.u32 v12, v7;
	v46 =	vor.u32 s1, v63;
	v9 =	vld.idx.msk [tilespmem:v10+s17+$0x0], $0xffff;
	[tilespmem:v1+s21+$0x0] =	vst.idx.msk $0xffff, v6  }
0x21c: {  	v44 =	vmov v51;
	v51 =	vor.u32 v46, v12;
	v12 =	vld.idx.msk [tilespmem:v13+s17+$0x0], $0xffff  }
0x21d: {  	v61 =	vor.u32 v34, v40;
	v4 =	vor.u32 v27, v39;
	v13 =	vld [tilespmem:$0x1FEC0]  }
0x21e: {  	v57 =	vor.u32 v59, v4;
	v40 =	vmov v42;
	v16 =	vor.u32 v36, v16;
	v0 =	vld.idx.msk [tilespmem:v0+s17+$0x0], $0xffff  }
0x21f: {  	v20 =	vmov s1;
	v4 =	vor.u32 v21, v56;
	[tilespmem:v53+s21+$0x0] =	vst.idx.msk $0xffff, v2;
	v2 =	vor.u32 v18, v40  }
0x220: {  	v10 =	vor.u32 v18, v48;
	v18 =	vor.u32 v21, v35;
	v2 =	vor.u32 v49, v2;
	v5 =	vld.idx.msk [tilespmem:v62+s17+$0x0], $0xffff  }
0x221: {  	v45 =	vshll.u32 v20, $0x7;
	v1 =	vor.u32 v49, v10;
	v10 =	vor.u32 v26, v37  }
0x222: {  	s30 =	sshll.u32 s30, $0x4;
	v6 =	vmov v35;
	v35 =	vmov v43;
	v20 =	vor.u32 v13, v45  }
0x223: {  	s31 =	sshll.u32 s31, $0x4;
	v63 =	vor.u32 v59, v8;
	[tilespmem:v16+s21+$0x0] =	vst.idx.msk $0xffff, v0;
	v13 =	vor.u32 v26, v35;
	v45 =	vor.u32 s30, v20  }
0x224: {  	[tilespmem:v3+s21+$0x0] =	vst.idx.msk $0xffff, v9;
	v0 =	vld.idx.msk [tilespmem:v4+s17+$0x0], $0xffff;
	v43 =	vor.u32 s31, v20;
	v8 =	vor.u32 v14, v45  }
0x225: {  	v3 =	vld.idx.msk [tilespmem:v18+s17+$0x0], $0xffff;
	[tilespmem:v2+s21+$0x0] =	vst.idx.msk $0xffff, v5;
	v16 =	vor.u32 v14, v43  }
0x226: {  	v11 =	vor.u32 v59, v11;
	v9 =	vor.u32 v24, v40;
	v2 =	vor.u32 v19, v56;
	v5 =	vld.idx.msk [tilespmem:v10+s17+$0x0], $0xffff  }
0x227: {  	v9 =	vor.u32 v38, v9;
	[tilespmem:v1+s21+$0x0] =	vst.idx.msk $0xffff, v12;
	v10 =	vor.u32 v19, v6;
	v14 =	vld [tilespmem:$0x1FF00]  }
0x228: {  	v12 =	vor.u32 v23, v37;
	v13 =	vld.idx.msk [tilespmem:v13+s17+$0x0], $0xffff  }
0x229: {  	v8 =	vld.idx.msk [tilespmem:v8+s17+$0x0], $0xffff  }
0x22a: {  	[tilespmem:v63+s21+$0x0] =	vst.idx.msk $0xffff, v0;
	v16 =	vld.idx.msk [tilespmem:v16+s17+$0x0], $0xffff  }
0x22b: {  	[tilespmem:v11+s21+$0x0] =	vst.idx.msk $0xffff, v3;
	v2 =	vld.idx.msk [tilespmem:v2+s17+$0x0], $0xffff  }
0x22c: {  	[tilespmem:v9+s21+$0x0] =	vst.idx.msk $0xffff, v5;
	v9 =	vld.idx.msk [tilespmem:v10+s17+$0x0], $0xffff  }
0x22d: {  	v10 =	vld.idx.msk [tilespmem:v12+s17+$0x0], $0xffff  }
0x22e: {  	v5 =	vor.u32 v14, v56;
	v12 =	vor.u32 v59, v54;
	v54 =	vor.u32 v14, v6;
	v14 =	vld [tilespmem:$0x1FF20];
	_ =	sdelay $0x2  }
0x22f: {  	v42 =	vmov v7;
	v7 =	vmov v36;
	v1 =	vor.u32 v24, v48  }
0x230: {  	v36 =	vmovc v49;
	v49 =	vor.u32 v31, v58;
	v1 =	vor.u32 v38, v1;
	v20 =	vor.u32 v31, v42  }
0x231: {  	v4 =	vor.u32 v46, v49;
	v0 =	vor.u32 v46, v20;
	v49 =	vor.u32 s1, v14;
	v14 =	vld [tilespmem:$0x1FE60]  }
0x232: {  	v18 =	vor.u32 v34, v39;
	v39 =	vmov v48;
	v48 =	vor.u32 v23, v35  }
0x233: {  	v20 =	vor.u32 v7, v61;
	v61 =	vor.u32 v32, v45  }
0x234: {  	v18 =	vor.u32 v7, v18  }
0x235: {  	v3 =	vor.u32 v32, v43;
	v11 =	vor.u32 v25, v40;
	[tilespmem:v1+s21+$0x0] =	vst.idx.msk $0xffff, v13  }
0x236: {  	[tilespmem:v0+s21+$0x0] =	vst.idx.msk $0xffff, v8;
	v0 =	vor.u32 v14, v37;
	v62 =	vor.u32 v14, v35;
	v14 =	vld [tilespmem:$0x1FEE0]  }
0x237: {  	v11 =	vor.u32 v36, v11;
	v1 =	vor.u32 v25, v39;
	v8 =	vld.idx.msk [tilespmem:v48+s17+$0x0], $0xffff  }
0x238: {  	v1 =	vor.u32 v36, v1;
	[tilespmem:v4+s21+$0x0] =	vst.idx.msk $0xffff, v16;
	v13 =	vld.idx.msk [tilespmem:v61+s17+$0x0], $0xffff;
	v61 =	vor.u32 v30, v42  }
0x239: {  	v17 =	vld [tilespmem:$0x1FE90];
	v63 =	vor.u32 v30, v58;
	[tilespmem:v20+s21+$0x0] =	vst.idx.msk $0xffff, v2;
	v2 =	vor.u32 v49, v61  }
0x23a: {  	v3 =	vld.idx.msk [tilespmem:v3+s17+$0x0], $0xffff;
	v4 =	vor.u32 v49, v63  }
0x23b: {  	[tilespmem:v18+s21+$0x0] =	vst.idx.msk $0xffff, v9;
	v5 =	vld.idx.msk [tilespmem:v5+s17+$0x0], $0xffff;
	v16 =	vor.u32 v14, v45  }
0x23c: {  	[tilespmem:v11+s21+$0x0] =	vst.idx.msk $0xffff, v10;
	v10 =	vor.u32 v33, v56;
	v11 =	vld.idx.msk [tilespmem:v54+s17+$0x0], $0xffff  }
0x23d: {  	[tilespmem:v1+s21+$0x0] =	vst.idx.msk $0xffff, v8;
	v0 =	vld.idx.msk [tilespmem:v0+s17+$0x0], $0xffff  }
0x23e: {  	[tilespmem:v2+s21+$0x0] =	vst.idx.msk $0xffff, v13;
	v13 =	vld.idx.msk [tilespmem:v62+s17+$0x0], $0xffff  }
0x23f: {  	v60 =	vmov v47;
	v47 =	vor.u32 v17, v58;
	[tilespmem:v4+s21+$0x0] =	vst.idx.msk $0xffff, v3;
	v3 =	vld [tilespmem:$0x1FE80]  }
0x240: {  	v53 =	vmov v52;
	v52 =	vor.u32 v22, v43;
	v16 =	vld.idx.msk [tilespmem:v16+s17+$0x0], $0xffff;
	[tilespmem:v12+s21+$0x0] =	vst.idx.msk $0xffff, v5  }
0x241: {  	v6 =	vor.u32 v33, v6;
	v18 =	vor.u32 v15, v40;
	v9 =	vor.u32 v14, v43;
	v59 =	vld.idx.msk [tilespmem:v10+s17+$0x0], $0xffff  }
0x242: {  	v48 =	vmovc v58;
	v58 =	vor.u32 v7, v41;
	v18 =	vor.u32 v38, v18;
	v1 =	vor.u32 v15, v39;
	v10 =	vld [tilespmem:$0x1FE10]  }
0x243: {  	v8 =	vor.u32 v28, v37;
	v63 =	vor.u32 v38, v1;
	v1 =	vor.u32 v29, v42  }
0x244: {  	p2 =	slt.u32 s26, $0x1E;
	v34 =	vmovc v28;
	v56 =	vor.u32 v7, v50;
	v14 =	vor.u32 v28, v35;
	v5 =	vor.u32 v46, v1  }
.Ltmp3:
0x245: {  	v41 =	vmovc v60;
	v54 =	vor.u32 v27, v40;
	v50 =	vor.u32 v17, v40;
	v2 =	vor.u32 v29, v48;
	(pc) =	sbr.rel @p2 .LBB2_5-.Ltmp3, $4  }
0x246: {  	v2 =	vor.u32 v46, v2;
	v61 =	vor.u32 v3, v45;
	v1 =	vld.idx.msk [tilespmem:v9+s17+$0x0], $0xffff;
	[tilespmem:v57+s21+$0x0] =	vst.idx.msk $0xffff, v11  }
0x247: {  	v20 =	vor.u32 v3, v43;
	[tilespmem:v18+s21+$0x0] =	vst.idx.msk $0xffff, v0;
	v57 =	vld.idx.msk [tilespmem:v6+s17+$0x0], $0xffff;
	v0 =	vor.u32 v10, v40  }
0x248: {  	[tilespmem:v63+s21+$0x0] =	vst.idx.msk $0xffff, v13;
	v62 =	vld.idx.msk [tilespmem:v8+s17+$0x0], $0xffff;
	v18 =	vor.u32 v36, v0;
	v0 =	vor.u32 v10, v39  }
0x249: {  	v63 =	vld.idx.msk [tilespmem:v14+s17+$0x0], $0xffff;
	v14 =	vlaneseq.u32;
	[tilespmem:v5+s21+$0x0] =	vst.idx.msk $0xffff, v16;
	v16 =	vor.u32 v22, v37;
	v0 =	vor.u32 v36, v0  }
0x24a: {  	_ =	sdelay $0x3  }
0x24b: {  	v3 =	vld.idx.msk [tilespmem:v61+s17+$0x0], $0xffff;
	v4 =	vor.u32 v49, v55;
	[tilespmem:v2+s21+$0x0] =	vst.idx.msk $0xffff, v1  }
0x24c: {  	v1 =	vld [tilespmem:$0x1FE20]  }
0x24d: {  	v6 =	vld [tilespmem:$0x1FE30];
	_ =	sdelay $0x2  }
0x24e: {  	v5 =	vld.idx.msk [tilespmem:v20+s17+$0x0], $0xffff;
	[tilespmem:v4+s21+$0x0] =	vst.idx.msk $0xffff, v3  }
0x24f: {  	v20 =	vld [tilespmem:$0x1FF40]  }
0x250: {  	v1 =	vor.u32 v1, v48;
	v2 =	vor.u32 v6, v45  }
0x251: {  	v1 =	vor.u32 v49, v1;
	_ =	sdelay $0x2  }
0x252: {  	v3 =	vor.u32 v20, v42  }
0x253: {  	v2 =	vld.idx.msk [tilespmem:v2+s17+$0x0], $0xffff;
	v3 =	vor.u32 v46, v3  }
0x254: {  	[tilespmem:v1+s21+$0x0] =	vst.idx.msk $0xffff, v5  }
0x255: {  	v6 =	vor.u32 v6, v43;
	v7 =	vld [tilespmem:$0x1FE40];
	_ =	sdelay $0x2  }
0x256: {  	[tilespmem:v3+s21+$0x0] =	vst.idx.msk $0xffff, v2  }
0x257: {  	v1 =	vor.u32 v20, v48;
	v17 =	vld [tilespmem:$0x1FF50]  }
0x258: {  	v5 =	vld.idx.msk [tilespmem:v6+s17+$0x0], $0xffff;
	v1 =	vor.u32 v46, v1;
	v4 =	vor.u32 v7, v45  }
0x259: {  	v6 =	vor.u32 v7, v43;
	_ =	sdelay $0x2  }
0x25a: {  	v2 =	vor.u32 v17, v42  }
0x25b: {  	[tilespmem:v1+s21+$0x0] =	vst.idx.msk $0xffff, v5;
	v3 =	vld.idx.msk [tilespmem:v4+s17+$0x0], $0xffff;
	v2 =	vor.u32 v49, v2;
	v4 =	vor.u32 v17, v48  }
0x25c: {  	v5 =	vld.idx.msk [tilespmem:v6+s17+$0x0], $0xffff;
	v1 =	vor.u32 v49, v4;
	v4 =	vor.u32 v26, v45  }
0x25d: {  	v6 =	vor.u32 v26, v43;
	_ =	sdelay $0x2  }
0x25e: {  	[tilespmem:v2+s21+$0x0] =	vst.idx.msk $0xffff, v3;
	v2 =	vor.u32 v24, v42  }
0x25f: {  	v3 =	vld.idx.msk [tilespmem:v4+s17+$0x0], $0xffff;
	v2 =	vor.u32 v46, v2;
	[tilespmem:v1+s21+$0x0] =	vst.idx.msk $0xffff, v5;
	v1 =	vor.u32 v24, v48  }
0x260: {  	v5 =	vld.idx.msk [tilespmem:v6+s17+$0x0], $0xffff;
	v1 =	vor.u32 v46, v1;
	_ =	sdelay $0x3  }
0x261: {  	[tilespmem:v2+s21+$0x0] =	vst.idx.msk $0xffff, v3  }
0x262: {  	v4 =	vor.u32 v23, v45;
	[tilespmem:v1+s21+$0x0] =	vst.idx.msk $0xffff, v5  }
0x263: {  	v6 =	vor.u32 v23, v43;
	v7 =	vld [tilespmem:$0x1FE60];
	_ =	sdelay $0x2  }
0x264: {  	v2 =	vor.u32 v25, v42  }
0x265: {  	v3 =	vld.idx.msk [tilespmem:v4+s17+$0x0], $0xffff;
	v2 =	vor.u32 v49, v2;
	v1 =	vor.u32 v25, v48  }
0x266: {  	v5 =	vld.idx.msk [tilespmem:v6+s17+$0x0], $0xffff;
	v1 =	vor.u32 v49, v1;
	v4 =	vor.u32 v7, v45  }
0x267: {  	v6 =	vor.u32 v7, v43;
	_ =	sdelay $0x2  }
0x268: {  	[tilespmem:v2+s21+$0x0] =	vst.idx.msk $0xffff, v3;
	v2 =	vor.u32 v15, v42  }
0x269: {  	v2 =	vor.u32 v46, v2;
	[tilespmem:v1+s21+$0x0] =	vst.idx.msk $0xffff, v5;
	v1 =	vor.u32 v15, v48;
	v3 =	vld.idx.msk [tilespmem:v4+s17+$0x0], $0xffff  }
0x26a: {  	v1 =	vor.u32 v46, v1;
	v4 =	vor.u32 v34, v45;
	v5 =	vld.idx.msk [tilespmem:v6+s17+$0x0], $0xffff;
	_ =	sdelay $0x1  }
0x26b: {  	v6 =	vor.u32 v34, v43  }
0x26c: {  	[tilespmem:v18+s21+$0x0] =	vst.idx.msk $0xffff, v62  }
0x26d: {  	[tilespmem:v2+s21+$0x0] =	vst.idx.msk $0xffff, v3  }
0x26e: {  	v2 =	vor.u32 v10, v42;
	[tilespmem:v1+s21+$0x0] =	vst.idx.msk $0xffff, v5;
	v3 =	vld.idx.msk [tilespmem:v4+s17+$0x0], $0xffff  }
0x26f: {  	v1 =	vor.u32 v10, v48;
	v2 =	vor.u32 v49, v2;
	v55 =	vld [tilespmem:$0x1FE70]  }
0x270: {  	v4 =	vor.u32 v22, v45;
	v5 =	vld.idx.msk [tilespmem:v6+s17+$0x0], $0xffff;
	v1 =	vor.u32 v49, v1  }
0x271: {  	[tilespmem:v0+s21+$0x0] =	vst.idx.msk $0xffff, v63  }
0x272: {  	v28 =	vld [tilespmem:$0x1FF30]  }
0x273: {  	v7 =	vld.idx.msk [tilespmem:v16+s17+$0x0], $0xffff  }
0x274: {  	v8 =	vld.idx.msk [tilespmem:v53+s17+$0x0], $0xffff;
	v6 =	vor.u32 v55, v39;
	[tilespmem:v2+s21+$0x0] =	vst.idx.msk $0xffff, v3  }
0x275: {  	[tilespmem:v1+s21+$0x0] =	vst.idx.msk $0xffff, v5;
	v0 =	vor.u32 v38, v6;
	v4 =	vld.idx.msk [tilespmem:v4+s17+$0x0], $0xffff  }
0x276: {  	v3 =	vor.u32 v55, v48;
	v5 =	vld.idx.msk [tilespmem:v52+s17+$0x0], $0xffff  }
0x277: {  	v6 =	vor.u32 v28, v37;
	v1 =	vor.u32 v46, v3;
	v53 =	vld [tilespmem:$0x1FEB0];
	_ =	sdelay $0x1  }
0x278: {  	v2 =	vor.u32 v28, v35;
	[tilespmem:v44+s21+$0x0] =	vst.idx.msk $0xffff, v7  }
0x279: {  	[tilespmem:v0+s21+$0x0] =	vst.idx.msk $0xffff, v8  }
0x27a: {  	[tilespmem:v51+s21+$0x0] =	vst.idx.msk $0xffff, v4  }
0x27b: {  	v3 =	vor.u32 v28, v45;
	v9 =	vor.u32 v53, v40;
	v6 =	vld.idx.msk [tilespmem:v6+s17+$0x0], $0xffff;
	[tilespmem:v1+s21+$0x0] =	vst.idx.msk $0xffff, v5  }
0x27c: {  	v27 =	vmovc v10;
	v10 =	vor.u32 v28, v43;
	v7 =	vor.u32 v53, v39;
	v9 =	vor.u32 v36, v9;
	v16 =	vld [tilespmem:$0x1FEA0]  }
0x27d: {  	v0 =	vor.u32 v36, v7;
	v7 =	vor.u32 v21, v37;
	v2 =	vld.idx.msk [tilespmem:v2+s17+$0x0], $0xffff  }
0x27e: {  	v8 =	vor.u32 v21, v35  }
0x27f: {  	v4 =	vor.u32 v53, v42  }
0x280: {  	v11 =	vor.u32 v53, v48;
	v5 =	vor.u32 v21, v45;
	v3 =	vld.idx.msk [tilespmem:v3+s17+$0x0], $0xffff;
	v4 =	vor.u32 v49, v4  }
0x281: {  	v1 =	vor.u32 v49, v11;
	v10 =	vld.idx.msk [tilespmem:v10+s17+$0x0], $0xffff;
	v13 =	vor.u32 v16, v40;
	[tilespmem:v9+s21+$0x0] =	vst.idx.msk $0xffff, v6  }
0x282: {  	v11 =	vor.u32 v16, v39;
	[tilespmem:v0+s21+$0x0] =	vst.idx.msk $0xffff, v2;
	v6 =	vld.idx.msk [tilespmem:v7+s17+$0x0], $0xffff;
	v7 =	vor.u32 v38, v13  }
0x283: {  	v12 =	vor.u32 v21, v43;
	v11 =	vor.u32 v38, v11;
	v2 =	vld.idx.msk [tilespmem:v8+s17+$0x0], $0xffff;
	_ =	sdelay $0x1  }
0x284: {  	[tilespmem:v4+s21+$0x0] =	vst.idx.msk $0xffff, v3  }
0x285: {  	v0 =	vor.u32 v19, v37;
	v9 =	vor.u32 v16, v42;
	[tilespmem:v1+s21+$0x0] =	vst.idx.msk $0xffff, v10;
	v4 =	vld.idx.msk [tilespmem:v5+s17+$0x0], $0xffff  }
0x286: {  	v3 =	vor.u32 v16, v48;
	v5 =	vor.u32 v46, v9;
	v62 =	vld [tilespmem:$0x1FED0];
	[tilespmem:v7+s21+$0x0] =	vst.idx.msk $0xffff, v6  }
0x287: {  	v8 =	vor.u32 v19, v35;
	v1 =	vor.u32 v46, v3;
	v9 =	vld.idx.msk [tilespmem:v12+s17+$0x0], $0xffff;
	[tilespmem:v11+s21+$0x0] =	vst.idx.msk $0xffff, v2  }
0x288: {  	v18 =	vld [tilespmem:$0x1FF00];
	_ =	sdelay $0x1  }
0x289: {  	v3 =	vor.u32 v19, v45  }
0x28a: {  	v12 =	vor.u32 v19, v43;
	v13 =	vor.u32 v62, v40;
	v0 =	vld.idx.msk [tilespmem:v0+s17+$0x0], $0xffff;
	[tilespmem:v5+s21+$0x0] =	vst.idx.msk $0xffff, v4  }
0x28b: {  	v10 =	vor.u32 v62, v39;
	v6 =	vor.u32 v36, v13;
	v7 =	vld.idx.msk [tilespmem:v8+s17+$0x0], $0xffff;
	[tilespmem:v1+s21+$0x0] =	vst.idx.msk $0xffff, v9  }
0x28c: {  	v10 =	vor.u32 v36, v10;
	v13 =	vld [tilespmem:$0x1FEF0];
	v2 =	vor.u32 v18, v37  }
0x28d: {  	v8 =	vor.u32 v18, v35  }
0x28e: {  	v11 =	vor.u32 v62, v42  }
0x28f: {  	v4 =	vor.u32 v62, v48;
	v5 =	vor.u32 v49, v11;
	v3 =	vld.idx.msk [tilespmem:v3+s17+$0x0], $0xffff  }
0x290: {  	v1 =	vor.u32 v49, v4;
	v9 =	vld.idx.msk [tilespmem:v12+s17+$0x0], $0xffff;
	v4 =	vor.u32 v18, v45;
	[tilespmem:v6+s21+$0x0] =	vst.idx.msk $0xffff, v0  }
0x291: {  	v0 =	vor.u32 v38, v54;
	[tilespmem:v10+s21+$0x0] =	vst.idx.msk $0xffff, v7;
	v11 =	vor.u32 v13, v39;
	v2 =	vld.idx.msk [tilespmem:v2+s17+$0x0], $0xffff  }
0x292: {  	v12 =	vor.u32 v18, v43;
	v11 =	vor.u32 v38, v11;
	v7 =	vld.idx.msk [tilespmem:v8+s17+$0x0], $0xffff;
	_ =	sdelay $0x1  }
0x293: {  	[tilespmem:v5+s21+$0x0] =	vst.idx.msk $0xffff, v3  }
0x294: {  	v6 =	vor.u32 v33, v37;
	[tilespmem:v1+s21+$0x0] =	vst.idx.msk $0xffff, v9  }
0x295: {  	v10 =	vor.u32 v13, v42;
	v3 =	vor.u32 v13, v48;
	v4 =	vld.idx.msk [tilespmem:v4+s17+$0x0], $0xffff;
	[tilespmem:v0+s21+$0x0] =	vst.idx.msk $0xffff, v2  }
0x296: {  	v1 =	vor.u32 v46, v3;
	v8 =	vor.u32 v33, v35;
	v9 =	vld.idx.msk [tilespmem:v12+s17+$0x0], $0xffff;
	[tilespmem:v11+s21+$0x0] =	vst.idx.msk $0xffff, v7  }
0x297: {  	v5 =	vor.u32 v46, v10;
	v10 =	vor.u32 v33, v43;
	v48 =	vld [tilespmem:$0x1FE90]  }
0x298: {  	v3 =	vor.u32 v33, v45;
	_ =	sdelay $0x1  }
0x299: {  	v0 =	vor.u32 v36, v50;
	v2 =	vld.idx.msk [tilespmem:v6+s17+$0x0], $0xffff  }
0x29a: {  	v7 =	vor.u32 v36, v41;
	v6 =	vld.idx.msk [tilespmem:v8+s17+$0x0], $0xffff;
	[tilespmem:v1+s21+$0x0] =	vst.idx.msk $0xffff, v9  }
0x29b: {  	[tilespmem:v5+s21+$0x0] =	vst.idx.msk $0xffff, v4;
	v5 =	vor.u32 v49, v47;
	v1 =	vld.idx.msk [tilespmem:v10+s17+$0x0], $0xffff;
	v8 =	vor.u32 v48, v42  }
0x29c: {  	[tilespmem:v56+s21+$0x0] =	vst.idx.msk $0xffff, v59;
	v3 =	vld.idx.msk [tilespmem:v3+s17+$0x0], $0xffff;
	v4 =	vor.u32 v49, v8  }
0x29d: {  	[tilespmem:v58+s21+$0x0] =	vst.idx.msk $0xffff, v57  }
0x29e: {  	[tilespmem:v0+s21+$0x0] =	vst.idx.msk $0xffff, v2  }
0x29f: {  	[tilespmem:v7+s21+$0x0] =	vst.idx.msk $0xffff, v6  }
0x2a0: {  	s25 =	sadd.s32 $0x1, s25;
	[tilespmem:v5+s21+$0x0] =	vst.idx.msk $0xffff, v1  }
0x2a1: {  	p2 =	sne.s32 s25, $0xC;
	[tilespmem:v4+s21+$0x0] =	vst.idx.msk $0xffff, v3  }
.Ltmp4:
0x2a2: {  	v60 =	vld [tilespmem:$0x1FEC0];
	(pc) =	sbr.rel @p2 .LBB2_2-.Ltmp4, $4  }
0x2a3: {  	v43 =	vmov v62;
	v63 =	vld [tilespmem:$0x1FF10]  }
0x2a4: {  	v12 =	vmovc v15;
	v56 =	vmovc v13;
	v59 =	vmov v16;
	v58 =	vmov v53;
	v13 =	vmov v25;
	v57 =	vld [tilespmem:$0x1FF20]  }
0x2a5: {  	s1 =	sadd.s32 s28, s11;
	v9 =	vmovc v20;
	v25 =	vmovc v33;
	v10 =	vmov v24;
	v24 =	vmov v18;
	v8 =	vmov v17;
	v17 =	vld [tilespmem:$0x1FEE0]  }
0x2a6: {  	v6 =	vmovc v29;
	v7 =	vmovc v30;
	v29 =	vmov v19;
	v5 =	vmov v32;
	v3 =	vmov v31;
	[hbm4b:s1+s3] =	stream.linear.scatter [tilespmem:s21], [sflag:$0x4], $0x2000, $0x38;
	v21 =	vld [tilespmem:$0x1FE80]  }
.Ltmp5:
0x2a7: {  	(pc) =	sbr.rel @p0 .LBB2_11-.Ltmp5, $2  }
0x2a8: {  	_ =	sdelay $0x2  }
0x2a9: {  	v41 =	vld [tilespmem:$0x1FE60]  }
0x2aa: {  	s1 =	simm.s32 $0x0  }
0x2ab: {  	s1 =	sand.u32 $0x30, s1  }
0x2ac: {  	s25 =	simm.s32 $0x0;
	v0 =	vmov s1  }
0x2ad: {  	s25 =	sand.u32 $0x6, s25;
	v0 =	vshll.u32 v0, $0x7  }
0x2ae: {  	s26 =	sshll.u32 s25, $0x4;
	s28 =	sor.u32 $0x1, s25;
	v0 =	vor.u32 v60, v0  }
0x2af: {  	_ =	swait.ge [sflag:s18], $0x2000;
	s31 =	sshll.u32 s28, $0x4;
	v50 =	vor.u32 s26, v0  }
0x2b0: {  	[sflag:s18] =	ssyncset.done $0x0;
	v52 =	vor.u32 s31, v0;
	v1 =	vor.u32 v14, v50  }
0x2b1: {  	[sflag:s18] =	ssyncadd.s32 $0xFFFFE000;
	s25 =	sshll.u32 s25, $0x3;
	v2 =	vor.u32 v14, v52  }
0x2b2: {  	_ =	swait.ge [sflag:s22], $0x2000;
	v0 =	vmov s25;
	s26 =	sshll.u32 s28, $0x3  }
0x2b3: {  	[sflag:s22] =	ssyncset.done $0x0;
	v49 =	vshll.u32 v0, $0x7;
	v0 =	vmov s26  }
0x2b4: {  	v62 =	vmovc v3;
	v51 =	vor.u32 s1, v63;
	[sflag:s22] =	ssyncadd.s32 $0xFFFFE000;
	v3 =	vor.u32 v3, v49;
	v47 =	vshll.u32 v0, $0x7  }
0x2b5: {  	v0 =	vld.idx.msk [tilespmem:v1+s3+$0x0], $0xffff;
	v1 =	vor.u32 v51, v3;
	v3 =	vor.u32 v62, v47  }
0x2b6: {  	v4 =	vor.u32 v5, v50;
	v2 =	vld.idx.msk [tilespmem:v2+s3+$0x0], $0xffff;
	v3 =	vor.u32 v51, v3  }
0x2b7: {  	v35 =	vor.u32 v5, v52;
	_ =	sdelay $0x2  }
0x2b8: {  	v54 =	vor.u32 s1, v57;
	[tilespmem:v1+s19+$0x0] =	vst.idx.msk $0xffff, v0;
	v0 =	vor.u32 v7, v49  }
0x2b9: {  	v1 =	vld.idx.msk [tilespmem:v4+s3+$0x0], $0xffff;
	v0 =	vor.u32 v54, v0;
	[tilespmem:v3+s19+$0x0] =	vst.idx.msk $0xffff, v2;
	v2 =	vor.u32 v7, v47  }
0x2ba: {  	v3 =	vor.u32 v17, v50;
	v36 =	vld.idx.msk [tilespmem:v35+s3+$0x0], $0xffff;
	v2 =	vor.u32 v54, v2  }
0x2bb: {  	v37 =	vor.u32 v17, v52;
	_ =	sdelay $0x2  }
0x2bc: {  	[tilespmem:v0+s19+$0x0] =	vst.idx.msk $0xffff, v1  }
0x2bd: {  	v0 =	vor.u32 v6, v49;
	v1 =	vld.idx.msk [tilespmem:v3+s3+$0x0], $0xffff;
	[tilespmem:v2+s19+$0x0] =	vst.idx.msk $0xffff, v36  }
0x2be: {  	v0 =	vor.u32 v51, v0;
	v2 =	vor.u32 v6, v47;
	v4 =	vld.idx.msk [tilespmem:v37+s3+$0x0], $0xffff  }
0x2bf: {  	v3 =	vor.u32 v21, v50;
	v2 =	vor.u32 v51, v2;
	v31 =	vld [tilespmem:$0x1FE20];
	_ =	sdelay $0x1  }
0x2c0: {  	v38 =	vor.u32 v21, v52;
	_ =	sdelay $0x1  }
0x2c1: {  	[tilespmem:v0+s19+$0x0] =	vst.idx.msk $0xffff, v1  }
0x2c2: {  	v39 =	vor.u32 v31, v49;
	v0 =	vld.idx.msk [tilespmem:v3+s3+$0x0], $0xffff;
	[tilespmem:v2+s19+$0x0] =	vst.idx.msk $0xffff, v4  }
0x2c3: {  	v2 =	vor.u32 v31, v47;
	v1 =	vor.u32 v54, v39;
	v42 =	vld [tilespmem:$0x1FE30]  }
0x2c4: {  	v4 =	vld.idx.msk [tilespmem:v38+s3+$0x0], $0xffff;
	v2 =	vor.u32 v54, v2;
	_ =	sdelay $0x3  }
0x2c5: {  	[tilespmem:v1+s19+$0x0] =	vst.idx.msk $0xffff, v0  }
0x2c6: {  	v3 =	vor.u32 v42, v50;
	[tilespmem:v2+s19+$0x0] =	vst.idx.msk $0xffff, v4  }
0x2c7: {  	v32 =	vld [tilespmem:$0x1FE40]  }
0x2c8: {  	v40 =	vor.u32 v42, v52;
	_ =	sdelay $0x1  }
0x2c9: {  	v0 =	vor.u32 v9, v49  }
0x2ca: {  	v0 =	vor.u32 v51, v0;
	v1 =	vld.idx.msk [tilespmem:v3+s3+$0x0], $0xffff  }
0x2cb: {  	v2 =	vor.u32 v9, v47;
	v3 =	vor.u32 v32, v50  }
0x2cc: {  	v2 =	vor.u32 v51, v2;
	v4 =	vld.idx.msk [tilespmem:v40+s3+$0x0], $0xffff  }
0x2cd: {  	v44 =	vor.u32 v32, v52  }
0x2ce: {  	s28 =	simm.s32 $0x4  }
0x2cf: {  	s1 =	sand.u32 $0x30, s28;
	[tilespmem:v0+s19+$0x0] =	vst.idx.msk $0xffff, v1;
	v0 =	vor.u32 v8, v49  }
0x2d0: {  	v1 =	vld.idx.msk [tilespmem:v3+s3+$0x0], $0xffff;
	v0 =	vor.u32 v54, v0;
	v3 =	vmov s1  }
0x2d1: {  	s29 =	simm.s32 $0x2;
	v45 =	vor.u32 v8, v47;
	[tilespmem:v2+s19+$0x0] =	vst.idx.msk $0xffff, v4;
	v2 =	vshll.u32 v3, $0x7;
	v3 =	vor.u32 v26, v50  }
0x2d2: {  	v19 =	vmov v5;
	s25 =	sand.u32 $0x6, s29;
	v53 =	vor.u32 v54, v45;
	v5 =	vld.idx.msk [tilespmem:v44+s3+$0x0], $0xffff  }
0x2d3: {  	s30 =	sshll.u32 s25, $0x4;
	s31 =	sor.u32 $0x1, s25;
	v61 =	vor.u32 v26, v52;
	v2 =	vor.u32 v60, v2  }
0x2d4: {  	s29 =	sshll.u32 s31, $0x4;
	v37 =	vor.u32 s30, v2  }
0x2d5: {  	s25 =	sshll.u32 s25, $0x3;
	v35 =	vor.u32 s29, v2;
	v44 =	vor.u32 v14, v37;
	[tilespmem:v0+s19+$0x0] =	vst.idx.msk $0xffff, v1;
	v0 =	vor.u32 v10, v49  }
0x2d6: {  	v2 =	vor.u32 v14, v35;
	v1 =	vmov s25;
	v3 =	vld.idx.msk [tilespmem:v3+s3+$0x0], $0xffff;
	v0 =	vor.u32 v51, v0  }
0x2d7: {  	v45 =	vor.u32 v23, v50;
	s30 =	sshll.u32 s31, $0x3;
	[tilespmem:v53+s19+$0x0] =	vst.idx.msk $0xffff, v5;
	v40 =	vshll.u32 v1, $0x7;
	v1 =	vor.u32 v10, v47  }
0x2d8: {  	v38 =	vor.u32 s1, v63;
	v5 =	vld.idx.msk [tilespmem:v61+s3+$0x0], $0xffff;
	v61 =	vmov s30;
	v1 =	vor.u32 v51, v1  }
0x2d9: {  	v46 =	vmovc v63;
	v27 =	vmovc v22;
	v63 =	vor.u32 v23, v52;
	v53 =	vor.u32 v62, v40;
	v39 =	vshll.u32 v61, $0x7  }
0x2da: {  	v11 =	vmovc v6;
	v22 =	vmov v7;
	v6 =	vor.u32 v38, v53;
	v36 =	vor.u32 v62, v39;
	v7 =	vld.idx.msk [tilespmem:v44+s3+$0x0], $0xffff  }
0x2db: {  	v33 =	vor.u32 v19, v37;
	v2 =	vld.idx.msk [tilespmem:v2+s3+$0x0], $0xffff;
	[tilespmem:v0+s19+$0x0] =	vst.idx.msk $0xffff, v3;
	v0 =	vor.u32 v38, v36  }
0x2dc: {  	v44 =	vor.u32 v13, v49;
	v53 =	vmov v10;
	v3 =	vor.u32 v19, v35  }
0x2dd: {  	v10 =	vor.u32 v54, v44;
	v4 =	vld.idx.msk [tilespmem:v45+s3+$0x0], $0xffff;
	[tilespmem:v1+s19+$0x0] =	vst.idx.msk $0xffff, v5;
	v1 =	vor.u32 v13, v47  }
0x2de: {  	v61 =	vor.u32 v41, v50;
	v5 =	vld.idx.msk [tilespmem:v63+s3+$0x0], $0xffff;
	v1 =	vor.u32 v54, v1  }
0x2df: {  	v14 =	vmov v8;
	v36 =	vor.u32 s1, v57;
	v45 =	vor.u32 v22, v40;
	[tilespmem:v6+s19+$0x0] =	vst.idx.msk $0xffff, v7  }
0x2e0: {  	v6 =	vor.u32 v36, v45;
	v8 =	vld.idx.msk [tilespmem:v33+s3+$0x0], $0xffff;
	[tilespmem:v0+s19+$0x0] =	vst.idx.msk $0xffff, v2;
	v0 =	vor.u32 v22, v39  }
0x2e1: {  	v63 =	vor.u32 v41, v52;
	v3 =	vld.idx.msk [tilespmem:v3+s3+$0x0], $0xffff;
	v0 =	vor.u32 v36, v0  }
0x2e2: {  	v33 =	vor.u32 v12, v49;
	v2 =	vor.u32 v17, v37;
	[tilespmem:v10+s19+$0x0] =	vst.idx.msk $0xffff, v4  }
0x2e3: {  	[tilespmem:v1+s19+$0x0] =	vst.idx.msk $0xffff, v5;
	v1 =	vld.idx.msk [tilespmem:v61+s3+$0x0], $0xffff;
	v5 =	vor.u32 v51, v33  }
0x2e4: {  	v15 =	vmov v11  }
0x2e5: {  	v4 =	vor.u32 v17, v35;
	v33 =	vmov v57;
	v57 =	vmov v15;
	[tilespmem:v6+s19+$0x0] =	vst.idx.msk $0xffff, v8  }
0x2e6: {  	v45 =	vld.idx.msk [tilespmem:v63+s3+$0x0], $0xffff;
	[tilespmem:v0+s19+$0x0] =	vst.idx.msk $0xffff, v3;
	v0 =	vor.u32 v15, v39;
	v15 =	vor.u32 v48, v47  }
0x2e7: {  	v63 =	vor.u32 v11, v40;
	v2 =	vld.idx.msk [tilespmem:v2+s3+$0x0], $0xffff;
	[tilespmem:$0x1FDE0] =	vst v15  }
0x2e8: {  	v16 =	vmov v9;
	v9 =	vor.u32 v38, v63;
	[tilespmem:v5+s19+$0x0] =	vst.idx.msk $0xffff, v1  }
0x2e9: {  	v20 =	vmov v17;
	v44 =	vor.u32 v12, v47;
	v3 =	vor.u32 v21, v37;
	v17 =	vld [tilespmem:$0x1FE10]  }
0x2ea: {  	v7 =	vor.u32 v51, v44;
	v6 =	vor.u32 v34, v50  }
0x2eb: {  	v44 =	vor.u32 v34, v52;
	v0 =	vor.u32 v38, v0;
	v4 =	vld.idx.msk [tilespmem:v4+s3+$0x0], $0xffff  }
0x2ec: {  	v18 =	vmov v13;
	v13 =	vor.u32 v21, v35  }
0x2ed: {  	v10 =	vor.u32 v55, v49;
	v61 =	vmov v12;
	v12 =	vor.u32 v31, v40;
	[tilespmem:v9+s19+$0x0] =	vst.idx.msk $0xffff, v2  }
0x2ee: {  	v8 =	vor.u32 v51, v10;
	v10 =	vor.u32 v36, v12;
	v3 =	vld.idx.msk [tilespmem:v3+s3+$0x0], $0xffff;
	v1 =	vor.u32 v17, v49  }
0x2ef: {  	v5 =	vld.idx.msk [tilespmem:v6+s3+$0x0], $0xffff;
	[tilespmem:v7+s19+$0x0] =	vst.idx.msk $0xffff, v45;
	v45 =	vor.u32 v17, v47;
	v1 =	vor.u32 v54, v1  }
0x2f0: {  	v7 =	vld.idx.msk [tilespmem:v44+s3+$0x0], $0xffff;
	[tilespmem:v0+s19+$0x0] =	vst.idx.msk $0xffff, v4;
	v4 =	vor.u32 v42, v37;
	v6 =	vor.u32 v54, v45  }
0x2f1: {  	v12 =	vor.u32 v48, v39;
	v2 =	vor.u32 v27, v50  }
0x2f2: {  	v9 =	vor.u32 v27, v52;
	v0 =	vor.u32 v31, v39;
	[tilespmem:$0x1FDD0] =	vst v12  }
0x2f3: {  	v0 =	vor.u32 v36, v0;
	[tilespmem:v10+s19+$0x0] =	vst.idx.msk $0xffff, v3  }
0x2f4: {  	v12 =	vld.idx.msk [tilespmem:v13+s3+$0x0], $0xffff;
	v13 =	vor.u32 v42, v35;
	v42 =	vor.u32 v16, v40;
	[tilespmem:v1+s19+$0x0] =	vst.idx.msk $0xffff, v5  }
0x2f5: {  	v4 =	vld.idx.msk [tilespmem:v4+s3+$0x0], $0xffff;
	[tilespmem:v6+s19+$0x0] =	vst.idx.msk $0xffff, v7;
	v6 =	vor.u32 v38, v42  }
0x2f6: {  	v1 =	vor.u32 v55, v47;
	v2 =	vld.idx.msk [tilespmem:v2+s3+$0x0], $0xffff  }
0x2f7: {  	v1 =	vor.u32 v51, v1;
	v5 =	vld.idx.msk [tilespmem:v9+s3+$0x0], $0xffff;
	_ =	sdelay $0x1  }
0x2f8: {  	[tilespmem:v0+s19+$0x0] =	vst.idx.msk $0xffff, v12  }
0x2f9: {  	[tilespmem:v6+s19+$0x0] =	vst.idx.msk $0xffff, v4  }
0x2fa: {  	s25 =	simm.s32 $0x4;
	v3 =	vor.u32 v28, v50;
	[tilespmem:v8+s19+$0x0] =	vst.idx.msk $0xffff, v2  }
0x2fb: {  	s31 =	sand.u32 $0x6, s25;
	v63 =	vor.u32 v55, v40;
	v9 =	vor.u32 v28, v52;
	[tilespmem:v1+s19+$0x0] =	vst.idx.msk $0xffff, v5  }
0x2fc: {  	v30 =	vmovc v26;
	s29 =	sshll.u32 s31, $0x3;
	v44 =	vor.u32 v38, v63;
	v10 =	vor.u32 v32, v37;
	v0 =	vor.u32 v16, v39;
	v26 =	vld [tilespmem:$0x1FE50]  }
0x2fd: {  	v63 =	vor.u32 v58, v47;
	v45 =	vmov s29;
	v12 =	vld.idx.msk [tilespmem:v13+s3+$0x0], $0xffff;
	v0 =	vor.u32 v38, v0  }
0x2fe: {  	v7 =	vor.u32 v43, v49;
	v13 =	vor.u32 v32, v35;
	v2 =	vor.u32 v58, v49  }
0x2ff: {  	s26 =	simm.s32 $0x8;
	v42 =	vshll.u32 v45, $0x7;
	v45 =	vor.u32 v14, v40;
	v3 =	vld.idx.msk [tilespmem:v3+s3+$0x0], $0xffff;
	v2 =	vor.u32 v54, v2  }
0x300: {  	s30 =	sand.u32 $0x30, s26;
	v16 =	vor.u32 v30, v35;
	v4 =	vor.u32 v36, v45;
	v1 =	vor.u32 v54, v63;
	v6 =	vld.idx.msk [tilespmem:v9+s3+$0x0], $0xffff  }
0x301: {  	v45 =	vor.u32 v14, v39;
	v8 =	vld.idx.msk [tilespmem:v10+s3+$0x0], $0xffff;
	v63 =	vmov s30;
	v5 =	vor.u32 v26, v50  }
0x302: {  	v14 =	vor.u32 v59, v47;
	[tilespmem:v0+s19+$0x0] =	vst.idx.msk $0xffff, v12;
	v0 =	vshll.u32 v63, $0x7;
	v9 =	vor.u32 v26, v52  }
0x303: {  	s28 =	sor.u32 $0x1, s31;
	s29 =	sshll.u32 s31, $0x4;
	v10 =	vor.u32 v30, v37;
	v11 =	vor.u32 v36, v45;
	v13 =	vld.idx.msk [tilespmem:v13+s3+$0x0], $0xffff;
	v0 =	vor.u32 v60, v0  }
0x304: {  	s31 =	sshll.u32 s28, $0x3;
	s28 =	sshll.u32 s28, $0x4;
	v30 =	vmovc v43;
	v12 =	vor.u32 v59, v49;
	v63 =	vlaneseq.u32;
	v45 =	vor.u32 s29, v0;
	[tilespmem:v2+s19+$0x0] =	vst.idx.msk $0xffff, v3  }
0x305: {  	v60 =	vor.u32 v53, v40;
	v43 =	vor.u32 s28, v0;
	[tilespmem:v1+s19+$0x0] =	vst.idx.msk $0xffff, v6;
	v6 =	vor.u32 v63, v45  }
0x306: {  	v0 =	vor.u32 v29, v50;
	[tilespmem:v4+s19+$0x0] =	vst.idx.msk $0xffff, v8;
	v1 =	vmov s31;
	v3 =	vld.idx.msk [tilespmem:v5+s3+$0x0], $0xffff;
	v5 =	vor.u32 v51, v12  }
0x307: {  	v15 =	vmovc v48;
	v2 =	vor.u32 v51, v14;
	v48 =	vshll.u32 v1, $0x7;
	v1 =	vor.u32 v63, v43;
	v4 =	vld.idx.msk [tilespmem:v9+s3+$0x0], $0xffff  }
0x308: {  	v8 =	vor.u32 v38, v60;
	v60 =	vor.u32 v53, v39;
	[tilespmem:v11+s19+$0x0] =	vst.idx.msk $0xffff, v13;
	v9 =	vld.idx.msk [tilespmem:v10+s3+$0x0], $0xffff  }
0x309: {  	v46 =	vor.u32 s30, v46;
	v53 =	vor.u32 v62, v42;
	v13 =	vld.idx.msk [tilespmem:v16+s3+$0x0], $0xffff;
	v10 =	vor.u32 v38, v60  }
0x30a: {  	v7 =	vor.u32 v54, v7;
	v63 =	vor.u32 v29, v52;
	v6 =	vld.idx.msk [tilespmem:v6+s3+$0x0], $0xffff;
	v60 =	vor.u32 v46, v53  }
0x30b: {  	v62 =	vor.u32 v62, v48;
	v12 =	vor.u32 v30, v47;
	[tilespmem:v5+s19+$0x0] =	vst.idx.msk $0xffff, v3  }
0x30c: {  	v1 =	vld.idx.msk [tilespmem:v1+s3+$0x0], $0xffff;
	v3 =	vor.u32 v23, v37;
	[tilespmem:v2+s19+$0x0] =	vst.idx.msk $0xffff, v4;
	v5 =	vor.u32 v46, v62  }
0x30d: {  	v2 =	vor.u32 v23, v35;
	[tilespmem:v8+s19+$0x0] =	vst.idx.msk $0xffff, v9;
	v8 =	vor.u32 v54, v12;
	v0 =	vld.idx.msk [tilespmem:v0+s3+$0x0], $0xffff  }
0x30e: {  	v9 =	vor.u32 v19, v45;
	[tilespmem:v10+s19+$0x0] =	vst.idx.msk $0xffff, v13;
	v12 =	vor.u32 v56, v49  }
0x30f: {  	v13 =	vor.u32 v15, v49;
	[tilespmem:v60+s19+$0x0] =	vst.idx.msk $0xffff, v6;
	v49 =	vor.u32 v18, v39;
	v11 =	vld.idx.msk [tilespmem:v63+s3+$0x0], $0xffff  }
0x310: {  	v4 =	vor.u32 v24, v50;
	v63 =	vor.u32 v18, v40;
	v6 =	vor.u32 v36, v49  }
0x311: {  	v49 =	vor.u32 s30, v33;
	v10 =	vor.u32 v36, v63;
	v3 =	vld.idx.msk [tilespmem:v3+s3+$0x0], $0xffff;
	[tilespmem:v5+s19+$0x0] =	vst.idx.msk $0xffff, v1  }
0x312: {  	v2 =	vld.idx.msk [tilespmem:v2+s3+$0x0], $0xffff;
	v1 =	vor.u32 v22, v42;
	[tilespmem:v7+s19+$0x0] =	vst.idx.msk $0xffff, v0;
	v0 =	vor.u32 v19, v43  }
0x313: {  	v16 =	vor.u32 v27, v37;
	v62 =	vor.u32 v24, v52;
	v9 =	vld.idx.msk [tilespmem:v9+s3+$0x0], $0xffff;
	v1 =	vor.u32 v49, v1  }
0x314: {  	v60 =	vor.u32 v56, v47;
	[tilespmem:v8+s19+$0x0] =	vst.idx.msk $0xffff, v11;
	v8 =	vor.u32 v41, v37  }
0x315: {  	v47 =	vor.u32 v22, v48;
	v33 =	vmovc v28;
	v28 =	vmovc v23;
	v23 =	vmov v55;
	v63 =	vor.u32 v51, v12  }
0x316: {  	v7 =	vor.u32 v51, v60;
	v4 =	vld.idx.msk [tilespmem:v4+s3+$0x0], $0xffff;
	[tilespmem:v10+s19+$0x0] =	vst.idx.msk $0xffff, v3;
	v3 =	vor.u32 v23, v42  }
0x317: {  	[tilespmem:v6+s19+$0x0] =	vst.idx.msk $0xffff, v2;
	v2 =	vor.u32 v41, v35;
	v6 =	vor.u32 v49, v47;
	v0 =	vld.idx.msk [tilespmem:v0+s3+$0x0], $0xffff  }
0x318: {  	v51 =	vor.u32 v46, v3;
	v3 =	vld.idx.msk [tilespmem:v62+s3+$0x0], $0xffff;
	[tilespmem:v1+s19+$0x0] =	vst.idx.msk $0xffff, v9;
	v1 =	vor.u32 v61, v40  }
0x319: {  	v53 =	vor.u32 v27, v35;
	v60 =	vor.u32 v20, v45;
	v8 =	vld.idx.msk [tilespmem:v8+s3+$0x0], $0xffff;
	v1 =	vor.u32 v38, v1  }
0x31a: {  	v14 =	vmovc v56;
	v55 =	vor.u32 v31, v42;
	v56 =	vor.u32 v54, v13;
	v12 =	vor.u32 v25, v52  }
0x31b: {  	v52 =	vor.u32 v27, v43;
	v62 =	vor.u32 v25, v50;
	[tilespmem:v63+s19+$0x0] =	vst.idx.msk $0xffff, v4  }
0x31c: {  	v5 =	vor.u32 v20, v43;
	v63 =	vor.u32 v61, v39;
	[tilespmem:v6+s19+$0x0] =	vst.idx.msk $0xffff, v0  }
0x31d: {  	v4 =	vor.u32 v38, v63;
	v50 =	vld.idx.msk [tilespmem:v2+s3+$0x0], $0xffff;
	v2 =	vor.u32 v57, v42;
	[tilespmem:v7+s19+$0x0] =	vst.idx.msk $0xffff, v3  }
0x31e: {  	v0 =	vor.u32 v34, v37;
	v6 =	vld.idx.msk [tilespmem:v60+s3+$0x0], $0xffff;
	v11 =	vor.u32 v46, v2;
	[tilespmem:v1+s19+$0x0] =	vst.idx.msk $0xffff, v8  }
0x31f: {  	v22 =	vmovc v58;
	v20 =	vor.u32 v21, v43;
	v47 =	vor.u32 v15, v48;
	v3 =	vor.u32 v34, v35;
	v8 =	vld [tilespmem:$0x1FDE0]  }
0x320: {  	v19 =	vmovc v30;
	v9 =	vor.u32 v17, v40;
	v61 =	vor.u32 v21, v45;
	v7 =	vmov v59;
	v59 =	vld.idx.msk [tilespmem:v62+s3+$0x0], $0xffff  }
0x321: {  	v30 =	vmovc v34;
	v18 =	vor.u32 v36, v9;
	v2 =	vor.u32 v57, v48;
	v34 =	vmov v21;
	v1 =	vld.idx.msk [tilespmem:v5+s3+$0x0], $0xffff  }
0x322: {  	v2 =	vor.u32 v46, v2;
	v57 =	vld.idx.msk [tilespmem:v12+s3+$0x0], $0xffff;
	[tilespmem:v4+s19+$0x0] =	vst.idx.msk $0xffff, v50;
	v50 =	vor.u32 v15, v40  }
0x323: {  	v21 =	vmov v7;
	v62 =	vld.idx.msk [tilespmem:v0+s3+$0x0], $0xffff;
	[tilespmem:v11+s19+$0x0] =	vst.idx.msk $0xffff, v6;
	v0 =	vor.u32 v17, v39;
	v17 =	vmov v14  }
0x324: {  	v63 =	vld.idx.msk [tilespmem:v3+s3+$0x0], $0xffff;
	v0 =	vor.u32 v36, v0;
	v58 =	vor.u32 v54, v8;
	v54 =	vor.u32 v14, v40  }
.LBB2_9:
0x325: {  	v12 =	vld [tilespmem:$0x1FE20];
	_ =	sdelay $0x1  }
0x326: {  	v8 =	vld [tilespmem:$0x1FE30];
	_ =	sdelay $0x1  }
0x327: {  	v3 =	vld.idx.msk [tilespmem:v61+s3+$0x0], $0xffff  }
0x328: {  	v5 =	vor.u32 v49, v55;
	v13 =	vld [tilespmem:$0x1FF40];
	[tilespmem:v2+s19+$0x0] =	vst.idx.msk $0xffff, v1;
	v1 =	vor.u32 v12, v48  }
0x329: {  	[tilespmem:v56+s19+$0x0] =	vst.idx.msk $0xffff, v59;
	v6 =	vld.idx.msk [tilespmem:v20+s3+$0x0], $0xffff;
	v1 =	vor.u32 v49, v1  }
0x32a: {  	s25 =	sadd.s32 $0x2, s25;
	[tilespmem:v58+s19+$0x0] =	vst.idx.msk $0xffff, v57;
	v2 =	vor.u32 v8, v45;
	v8 =	vor.u32 v8, v43  }
0x32b: {  	s28 =	sand.u32 $0x6, s25;
	[tilespmem:v18+s19+$0x0] =	vst.idx.msk $0xffff, v62  }
0x32c: {  	v9 =	vor.u32 v23, v39;
	v59 =	vmov v38;
	s29 =	sor.u32 $0x1, s28;
	v20 =	vld [tilespmem:$0x1FF10];
	[tilespmem:v0+s19+$0x0] =	vst.idx.msk $0xffff, v63  }
0x32d: {  	v9 =	vor.u32 v59, v9;
	s1 =	sshll.u32 s28, $0x3;
	s30 =	sshll.u32 s29, $0x3;
	v11 =	vld.idx.msk [tilespmem:v16+s3+$0x0], $0xffff;
	[tilespmem:v5+s19+$0x0] =	vst.idx.msk $0xffff, v3  }
0x32e: {  	v38 =	vmovc v46;
	s26 =	sadd.s32 $0x4, s26;
	v7 =	vmov s1;
	v10 =	vmov s30;
	v3 =	vld.idx.msk [tilespmem:v53+s3+$0x0], $0xffff;
	[tilespmem:v1+s19+$0x0] =	vst.idx.msk $0xffff, v6;
	v1 =	vor.u32 v13, v48  }
0x32f: {  	s31 =	sand.u32 $0x30, s26;
	v58 =	vshll.u32 v10, $0x7;
	v10 =	vor.u32 v33, v35;
	v6 =	vld.idx.msk [tilespmem:v8+s3+$0x0], $0xffff;
	v1 =	vor.u32 v38, v1  }
0x330: {  	v56 =	vmovc v37;
	v18 =	vmov s31;
	v46 =	vor.u32 v13, v42;
	v13 =	vor.u32 v32, v43  }
0x331: {  	v37 =	vmovc v45;
	v7 =	vshll.u32 v7, $0x7;
	v0 =	vor.u32 v33, v56;
	v27 =	vshll.u32 v18, $0x7;
	v18 =	vld [tilespmem:$0x1FFC0]  }
0x332: {  	v62 =	vor.u32 v32, v37;
	v55 =	vor.u32 v12, v7;
	v16 =	vor.u32 v22, v39;
	v2 =	vld.idx.msk [tilespmem:v2+s3+$0x0], $0xffff  }
0x333: {  	v53 =	vor.u32 v38, v46;
	[tilespmem:v9+s19+$0x0] =	vst.idx.msk $0xffff, v3;
	v3 =	vor.u32 v36, v16;
	v16 =	vld [tilespmem:$0x1FF50]  }
0x334: {  	v12 =	vor.u32 v23, v7;
	v46 =	vor.u32 s31, v20;
	v9 =	vld.idx.msk [tilespmem:v10+s3+$0x0], $0xffff;
	[tilespmem:v1+s19+$0x0] =	vst.idx.msk $0xffff, v6  }
0x335: {  	[tilespmem:v44+s19+$0x0] =	vst.idx.msk $0xffff, v11;
	v44 =	vmov v51;
	v51 =	vor.u32 v46, v12;
	v12 =	vld.idx.msk [tilespmem:v13+s3+$0x0], $0xffff  }
0x336: {  	v14 =	vor.u32 v22, v40;
	v13 =	vld [tilespmem:$0x1FEC0]  }
0x337: {  	v61 =	vor.u32 v19, v40;
	v14 =	vor.u32 v36, v14;
	v63 =	vor.u32 v26, v56  }
0x338: {  	v0 =	vld.idx.msk [tilespmem:v0+s3+$0x0], $0xffff;
	v8 =	vor.u32 v21, v40;
	v40 =	vmov v42;
	[tilespmem:v53+s19+$0x0] =	vst.idx.msk $0xffff, v2  }
0x339: {  	v2 =	vor.u32 v16, v40;
	v10 =	vor.u32 v16, v48;
	v16 =	vor.u32 v26, v35  }
0x33a: {  	v5 =	vld.idx.msk [tilespmem:v62+s3+$0x0], $0xffff;
	v6 =	vmovc v35;
	v35 =	vmov v43;
	v2 =	vor.u32 v49, v2;
	v1 =	vor.u32 v49, v10  }
0x33b: {  	v10 =	vor.u32 v18, v37;
	v20 =	vor.u32 v13, v27;
	v13 =	vor.u32 v18, v35;
	v18 =	vld [tilespmem:$0x1FFD0]  }
0x33c: {  	v27 =	vld [tilespmem:$0x1FF70]  }
0x33d: {  	s28 =	sshll.u32 s28, $0x4;
	v11 =	vor.u32 v21, v39;
	[tilespmem:v14+s19+$0x0] =	vst.idx.msk $0xffff, v0  }
0x33e: {  	s29 =	sshll.u32 s29, $0x4;
	v62 =	vor.u32 v59, v8;
	v14 =	vlaneseq.u32;
	[tilespmem:v3+s19+$0x0] =	vst.idx.msk $0xffff, v9;
	v45 =	vor.u32 s28, v20  }
0x33f: {  	v42 =	vmov v7;
	v0 =	vld.idx.msk [tilespmem:v63+s3+$0x0], $0xffff;
	[tilespmem:v2+s19+$0x0] =	vst.idx.msk $0xffff, v5;
	v43 =	vor.u32 s29, v20;
	v8 =	vor.u32 v14, v45  }
0x340: {  	v3 =	vld.idx.msk [tilespmem:v16+s3+$0x0], $0xffff;
	[tilespmem:v1+s19+$0x0] =	vst.idx.msk $0xffff, v12;
	v14 =	vor.u32 v14, v43;
	v9 =	vor.u32 v18, v40  }
0x341: {  	v1 =	vor.u32 v18, v48;
	v18 =	vor.u32 v27, v42;
	v63 =	vor.u32 v27, v58;
	v27 =	vld [tilespmem:$0x1FF80]  }
0x342: {  	v11 =	vor.u32 v59, v11;
	v5 =	vld.idx.msk [tilespmem:v10+s3+$0x0], $0xffff  }
0x343: {  	v4 =	vor.u32 v17, v39;
	v7 =	vmov v36;
	v2 =	vor.u32 v29, v56;
	v13 =	vld.idx.msk [tilespmem:v13+s3+$0x0], $0xffff  }
0x344: {  	v16 =	vor.u32 v19, v39;
	v10 =	vor.u32 v29, v6;
	v9 =	vor.u32 v38, v9;
	v8 =	vld.idx.msk [tilespmem:v8+s3+$0x0], $0xffff  }
0x345: {  	v12 =	vor.u32 v28, v37;
	[tilespmem:v62+s19+$0x0] =	vst.idx.msk $0xffff, v0;
	v0 =	vor.u32 v46, v18;
	v14 =	vld.idx.msk [tilespmem:v14+s3+$0x0], $0xffff  }
0x346: {  	v39 =	vmovc v48;
	v1 =	vor.u32 v38, v1;
	v18 =	vor.u32 v7, v61;
	v61 =	vld [tilespmem:$0x1FFF0];
	v48 =	vor.u32 v27, v45  }
0x347: {  	[tilespmem:v11+s19+$0x0] =	vst.idx.msk $0xffff, v3;
	v3 =	vor.u32 v27, v43;
	v27 =	vld [tilespmem:$0x1FF20]  }
0x348: {  	v2 =	vld.idx.msk [tilespmem:v2+s3+$0x0], $0xffff  }
0x349: {  	[tilespmem:v9+s19+$0x0] =	vst.idx.msk $0xffff, v5;
	v9 =	vld.idx.msk [tilespmem:v10+s3+$0x0], $0xffff  }
0x34a: {  	v57 =	vor.u32 v59, v4;
	v10 =	vld.idx.msk [tilespmem:v12+s3+$0x0], $0xffff;
	[tilespmem:v0+s19+$0x0] =	vst.idx.msk $0xffff, v8  }
0x34b: {  	v20 =	vor.u32 v28, v35;
	v4 =	vor.u32 v46, v63;
	[tilespmem:v1+s19+$0x0] =	vst.idx.msk $0xffff, v13;
	v13 =	vld.idx.msk [tilespmem:v48+s3+$0x0], $0xffff  }
0x34c: {  	v36 =	vmov v49;
	v16 =	vor.u32 v7, v16;
	v49 =	vor.u32 s31, v27;
	v27 =	vld [tilespmem:$0x1FFB0]  }
0x34d: {  	[tilespmem:v18+s19+$0x0] =	vst.idx.msk $0xffff, v2;
	v18 =	vld [tilespmem:$0x1FEE0]  }
0x34e: {  	v5 =	vor.u32 v24, v56  }
0x34f: {  	v11 =	vor.u32 v61, v40;
	v12 =	vor.u32 v59, v54;
	v54 =	vor.u32 v24, v6  }
0x350: {  	v1 =	vor.u32 v61, v39;
	v0 =	vor.u32 v41, v37;
	v8 =	vld.idx.msk [tilespmem:v20+s3+$0x0], $0xffff;
	[tilespmem:v4+s19+$0x0] =	vst.idx.msk $0xffff, v14  }
0x351: {  	v11 =	vor.u32 v36, v11;
	v1 =	vor.u32 v36, v1;
	v3 =	vld.idx.msk [tilespmem:v3+s3+$0x0], $0xffff;
	[tilespmem:v16+s19+$0x0] =	vst.idx.msk $0xffff, v9  }
0x352: {  	v20 =	vor.u32 v27, v42;
	v14 =	vor.u32 v18, v45;
	v9 =	vor.u32 v18, v43;
	v18 =	vld [tilespmem:$0x1FFE0]  }
0x353: {  	v62 =	vor.u32 v41, v35;
	v2 =	vor.u32 v49, v20  }
0x354: {  	v31 =	vld [tilespmem:$0x1FF90]  }
0x355: {  	v5 =	vld.idx.msk [tilespmem:v5+s3+$0x0], $0xffff  }
0x356: {  	[tilespmem:v11+s19+$0x0] =	vst.idx.msk $0xffff, v10;
	v10 =	vor.u32 v25, v56;
	v11 =	vld.idx.msk [tilespmem:v54+s3+$0x0], $0xffff  }
0x357: {  	[tilespmem:v1+s19+$0x0] =	vst.idx.msk $0xffff, v8;
	v0 =	vld.idx.msk [tilespmem:v0+s3+$0x0], $0xffff;
	v16 =	vor.u32 v18, v40  }
0x358: {  	v16 =	vor.u32 v38, v16;
	[tilespmem:v2+s19+$0x0] =	vst.idx.msk $0xffff, v13;
	v13 =	vld.idx.msk [tilespmem:v62+s3+$0x0], $0xffff  }
0x359: {  	v60 =	vmov v47;
	v47 =	vor.u32 v15, v58;
	v63 =	vor.u32 v27, v58;
	v2 =	vld [tilespmem:$0x1FFA0]  }
0x35a: {  	v53 =	vmov v52;
	v4 =	vor.u32 v49, v63;
	v14 =	vld.idx.msk [tilespmem:v14+s3+$0x0], $0xffff;
	[tilespmem:v12+s19+$0x0] =	vst.idx.msk $0xffff, v5  }
0x35b: {  	v52 =	vor.u32 v31, v43;
	v6 =	vor.u32 v25, v6;
	v61 =	vor.u32 v34, v45;
	v59 =	vld.idx.msk [tilespmem:v10+s3+$0x0], $0xffff  }
0x35c: {  	v56 =	vor.u32 v7, v50;
	v8 =	vor.u32 v30, v37;
	v1 =	vor.u32 v18, v39;
	v10 =	vld [tilespmem:$0x1FE10]  }
0x35d: {  	v54 =	vor.u32 v17, v40;
	v27 =	vmov v25;
	v63 =	vor.u32 v38, v1;
	[tilespmem:v16+s19+$0x0] =	vst.idx.msk $0xffff, v0;
	v0 =	vld [tilespmem:$0x1FDD0]  }
0x35e: {  	v25 =	vmovc v24;
	v24 =	vmovc v29;
	v29 =	vmov v41;
	v41 =	vor.u32 v30, v35;
	v1 =	vor.u32 v2, v42  }
0x35f: {  	p2 =	slt.u32 s25, $0x1E;
	v48 =	vmov v58;
	v50 =	vor.u32 v15, v40;
	[tilespmem:v4+s19+$0x0] =	vst.idx.msk $0xffff, v3;
	v5 =	vor.u32 v46, v1  }
.Ltmp6:
0x360: {  	v20 =	vor.u32 v34, v43;
	v3 =	vmov v60;
	v2 =	vor.u32 v2, v48;
	v1 =	vld.idx.msk [tilespmem:v9+s3+$0x0], $0xffff;
	(pc) =	sbr.rel @p2 .LBB2_9-.Ltmp6, $4  }
0x361: {  	v16 =	vor.u32 v31, v37;
	v2 =	vor.u32 v46, v2;
	[tilespmem:v57+s19+$0x0] =	vst.idx.msk $0xffff, v11;
	v62 =	vld.idx.msk [tilespmem:v8+s3+$0x0], $0xffff  }
0x362: {  	v57 =	vld.idx.msk [tilespmem:v6+s3+$0x0], $0xffff;
	[tilespmem:v63+s19+$0x0] =	vst.idx.msk $0xffff, v13;
	v58 =	vor.u32 v7, v0;
	v0 =	vor.u32 v10, v40  }
0x363: {  	[tilespmem:$0x1FDD0] =	vst v3;
	v63 =	vld.idx.msk [tilespmem:v41+s3+$0x0], $0xffff;
	v41 =	vmov v29;
	v18 =	vor.u32 v36, v0;
	v0 =	vor.u32 v10, v39  }
0x364: {  	v29 =	vmovc v24;
	v24 =	vmov v25;
	v25 =	vmov v27;
	[tilespmem:v5+s19+$0x0] =	vst.idx.msk $0xffff, v14;
	v0 =	vor.u32 v36, v0  }
0x365: {  	_ =	sdelay $0x3  }
0x366: {  	v3 =	vld.idx.msk [tilespmem:v61+s3+$0x0], $0xffff;
	v4 =	vor.u32 v49, v55  }
0x367: {  	[tilespmem:v2+s19+$0x0] =	vst.idx.msk $0xffff, v1  }
0x368: {  	v6 =	vld [tilespmem:$0x1FE30];
	_ =	sdelay $0x2  }
0x369: {  	v1 =	vld [tilespmem:$0x1FE20];
	[tilespmem:v4+s19+$0x0] =	vst.idx.msk $0xffff, v3  }
0x36a: {  	v60 =	vld [tilespmem:$0x1FF40]  }
0x36b: {  	v2 =	vor.u32 v6, v45;
	_ =	sdelay $0x2  }
0x36c: {  	v1 =	vor.u32 v1, v48  }
0x36d: {  	v5 =	vld.idx.msk [tilespmem:v20+s3+$0x0], $0xffff;
	v1 =	vor.u32 v49, v1;
	v3 =	vor.u32 v60, v42  }
0x36e: {  	v2 =	vld.idx.msk [tilespmem:v2+s3+$0x0], $0xffff;
	v3 =	vor.u32 v46, v3;
	_ =	sdelay $0x2  }
0x36f: {  	v6 =	vor.u32 v6, v43  }
0x370: {  	[tilespmem:v1+s19+$0x0] =	vst.idx.msk $0xffff, v5  }
0x371: {  	[tilespmem:v3+s19+$0x0] =	vst.idx.msk $0xffff, v2  }
0x372: {  	v31 =	vld [tilespmem:$0x1FF50]  }
0x373: {  	v4 =	vor.u32 v32, v45;
	v1 =	vor.u32 v60, v48  }
0x374: {  	v5 =	vld.idx.msk [tilespmem:v6+s3+$0x0], $0xffff;
	v1 =	vor.u32 v46, v1;
	_ =	sdelay $0x2  }
0x375: {  	v2 =	vor.u32 v31, v42  }
0x376: {  	v3 =	vld.idx.msk [tilespmem:v4+s3+$0x0], $0xffff;
	v2 =	vor.u32 v49, v2  }
0x377: {  	[tilespmem:v1+s19+$0x0] =	vst.idx.msk $0xffff, v5  }
0x378: {  	v6 =	vor.u32 v32, v43;
	v32 =	vld [tilespmem:$0x1FFC0];
	_ =	sdelay $0x2  }
0x379: {  	[tilespmem:v2+s19+$0x0] =	vst.idx.msk $0xffff, v3  }
0x37a: {  	v4 =	vor.u32 v31, v48;
	v61 =	vld [tilespmem:$0x1FFD0]  }
0x37b: {  	v1 =	vor.u32 v49, v4;
	v4 =	vor.u32 v32, v45;
	_ =	sdelay $0x3  }
0x37c: {  	v5 =	vld.idx.msk [tilespmem:v6+s3+$0x0], $0xffff;
	v2 =	vor.u32 v61, v42  }
0x37d: {  	v3 =	vld.idx.msk [tilespmem:v4+s3+$0x0], $0xffff;
	v2 =	vor.u32 v46, v2;
	_ =	sdelay $0x3  }
0x37e: {  	[tilespmem:v1+s19+$0x0] =	vst.idx.msk $0xffff, v5  }
0x37f: {  	[tilespmem:v2+s19+$0x0] =	vst.idx.msk $0xffff, v3  }
0x380: {  	v6 =	vor.u32 v32, v43;
	v27 =	vld [tilespmem:$0x1FFF0]  }
0x381: {  	v4 =	vor.u32 v28, v45;
	_ =	sdelay $0x2  }
0x382: {  	v1 =	vor.u32 v61, v48  }
0x383: {  	v5 =	vld.idx.msk [tilespmem:v6+s3+$0x0], $0xffff;
	v1 =	vor.u32 v46, v1;
	v2 =	vor.u32 v27, v42  }
0x384: {  	v3 =	vld.idx.msk [tilespmem:v4+s3+$0x0], $0xffff;
	v2 =	vor.u32 v49, v2;
	_ =	sdelay $0x1  }
0x385: {  	v6 =	vor.u32 v28, v43;
	_ =	sdelay $0x1  }
0x386: {  	[tilespmem:v1+s19+$0x0] =	vst.idx.msk $0xffff, v5  }
0x387: {  	[tilespmem:v2+s19+$0x0] =	vst.idx.msk $0xffff, v3  }
0x388: {  	v1 =	vor.u32 v27, v48;
	v20 =	vld [tilespmem:$0x1FFE0]  }
0x389: {  	v4 =	vor.u32 v41, v45;
	v5 =	vld.idx.msk [tilespmem:v6+s3+$0x0], $0xffff;
	v1 =	vor.u32 v49, v1  }
0x38a: {  	v6 =	vor.u32 v41, v43;
	_ =	sdelay $0x2  }
0x38b: {  	v2 =	vor.u32 v20, v42  }
0x38c: {  	v3 =	vld.idx.msk [tilespmem:v4+s3+$0x0], $0xffff;
	[tilespmem:v1+s19+$0x0] =	vst.idx.msk $0xffff, v5;
	v1 =	vor.u32 v20, v48;
	v2 =	vor.u32 v46, v2  }
0x38d: {  	v4 =	vor.u32 v30, v45;
	v5 =	vld.idx.msk [tilespmem:v6+s3+$0x0], $0xffff;
	v1 =	vor.u32 v46, v1;
	_ =	sdelay $0x2  }
0x38e: {  	v6 =	vor.u32 v30, v43  }
0x38f: {  	[tilespmem:v2+s19+$0x0] =	vst.idx.msk $0xffff, v3  }
0x390: {  	[tilespmem:v1+s19+$0x0] =	vst.idx.msk $0xffff, v5;
	v3 =	vld.idx.msk [tilespmem:v4+s3+$0x0], $0xffff  }
0x391: {  	v2 =	vor.u32 v10, v42;
	v4 =	vld [tilespmem:$0x1FF90]  }
0x392: {  	v1 =	vor.u32 v10, v48;
	v2 =	vor.u32 v49, v2  }
0x393: {  	v5 =	vld.idx.msk [tilespmem:v6+s3+$0x0], $0xffff;
	v1 =	vor.u32 v49, v1;
	[tilespmem:v18+s19+$0x0] =	vst.idx.msk $0xffff, v62  }
0x394: {  	v6 =	vor.u32 v23, v39;
	v7 =	vld.idx.msk [tilespmem:v16+s3+$0x0], $0xffff  }
0x395: {  	[tilespmem:v0+s19+$0x0] =	vst.idx.msk $0xffff, v63;
	v0 =	vor.u32 v38, v6;
	v6 =	vor.u32 v33, v37  }
0x396: {  	v8 =	vld.idx.msk [tilespmem:v53+s3+$0x0], $0xffff;
	v4 =	vor.u32 v4, v45  }
0x397: {  	[tilespmem:v2+s19+$0x0] =	vst.idx.msk $0xffff, v3;
	v2 =	vor.u32 v33, v35  }
0x398: {  	v3 =	vor.u32 v23, v48;
	[tilespmem:v1+s19+$0x0] =	vst.idx.msk $0xffff, v5  }
0x399: {  	v9 =	vor.u32 v22, v40;
	v1 =	vor.u32 v46, v3;
	v5 =	vld.idx.msk [tilespmem:v52+s3+$0x0], $0xffff;
	[tilespmem:v44+s19+$0x0] =	vst.idx.msk $0xffff, v7  }
0x39a: {  	v9 =	vor.u32 v36, v9;
	v10 =	vor.u32 v33, v43;
	v7 =	vor.u32 v22, v39;
	v6 =	vld.idx.msk [tilespmem:v6+s3+$0x0], $0xffff  }
0x39b: {  	[tilespmem:v0+s19+$0x0] =	vst.idx.msk $0xffff, v8;
	v0 =	vor.u32 v36, v7;
	v7 =	vor.u32 v26, v37;
	v4 =	vld.idx.msk [tilespmem:v4+s3+$0x0], $0xffff  }
0x39c: {  	v3 =	vor.u32 v33, v45;
	v2 =	vld.idx.msk [tilespmem:v2+s3+$0x0], $0xffff  }
0x39d: {  	v8 =	vor.u32 v26, v35  }
0x39e: {  	v11 =	vor.u32 v22, v48;
	v13 =	vor.u32 v21, v40;
	[tilespmem:v1+s19+$0x0] =	vst.idx.msk $0xffff, v5  }
0x39f: {  	v1 =	vor.u32 v49, v11;
	v11 =	vor.u32 v21, v39;
	v10 =	vld.idx.msk [tilespmem:v10+s3+$0x0], $0xffff;
	[tilespmem:v9+s19+$0x0] =	vst.idx.msk $0xffff, v6  }
0x3a0: {  	v6 =	vld.idx.msk [tilespmem:v7+s3+$0x0], $0xffff;
	v7 =	vor.u32 v38, v13;
	[tilespmem:v51+s19+$0x0] =	vst.idx.msk $0xffff, v4;
	v4 =	vor.u32 v22, v42  }
0x3a1: {  	[tilespmem:v0+s19+$0x0] =	vst.idx.msk $0xffff, v2;
	v0 =	vor.u32 v29, v37;
	v3 =	vld.idx.msk [tilespmem:v3+s3+$0x0], $0xffff;
	v4 =	vor.u32 v49, v4  }
0x3a2: {  	v5 =	vor.u32 v26, v45;
	v11 =	vor.u32 v38, v11;
	v2 =	vld.idx.msk [tilespmem:v8+s3+$0x0], $0xffff  }
0x3a3: {  	v12 =	vor.u32 v26, v43  }
0x3a4: {  	v8 =	vor.u32 v29, v35;
	[tilespmem:v1+s19+$0x0] =	vst.idx.msk $0xffff, v10  }
0x3a5: {  	v9 =	vor.u32 v21, v42;
	v13 =	vor.u32 v19, v40;
	[tilespmem:v7+s19+$0x0] =	vst.idx.msk $0xffff, v6  }
0x3a6: {  	v6 =	vor.u32 v36, v13;
	v0 =	vld.idx.msk [tilespmem:v0+s3+$0x0], $0xffff;
	[tilespmem:v4+s19+$0x0] =	vst.idx.msk $0xffff, v3;
	v3 =	vor.u32 v21, v48  }
0x3a7: {  	[tilespmem:v11+s19+$0x0] =	vst.idx.msk $0xffff, v2;
	v2 =	vor.u32 v24, v37;
	v4 =	vld.idx.msk [tilespmem:v5+s3+$0x0], $0xffff;
	v5 =	vor.u32 v46, v9  }
0x3a8: {  	v10 =	vor.u32 v19, v39;
	v1 =	vor.u32 v46, v3;
	v3 =	vor.u32 v29, v45;
	v9 =	vld.idx.msk [tilespmem:v12+s3+$0x0], $0xffff  }
0x3a9: {  	v10 =	vor.u32 v36, v10;
	v12 =	vor.u32 v29, v43;
	v7 =	vld.idx.msk [tilespmem:v8+s3+$0x0], $0xffff  }
0x3aa: {  	v8 =	vor.u32 v24, v35  }
0x3ab: {  	[tilespmem:v6+s19+$0x0] =	vst.idx.msk $0xffff, v0  }
0x3ac: {  	v11 =	vor.u32 v19, v42;
	v0 =	vor.u32 v38, v54;
	v2 =	vld.idx.msk [tilespmem:v2+s3+$0x0], $0xffff;
	[tilespmem:v5+s19+$0x0] =	vst.idx.msk $0xffff, v4  }
0x3ad: {  	v4 =	vor.u32 v19, v48;
	v5 =	vor.u32 v49, v11;
	[tilespmem:v1+s19+$0x0] =	vst.idx.msk $0xffff, v9;
	v3 =	vld.idx.msk [tilespmem:v3+s3+$0x0], $0xffff  }
0x3ae: {  	v11 =	vor.u32 v17, v39;
	[tilespmem:v10+s19+$0x0] =	vst.idx.msk $0xffff, v7;
	v1 =	vor.u32 v49, v4;
	v9 =	vld.idx.msk [tilespmem:v12+s3+$0x0], $0xffff  }
0x3af: {  	v4 =	vor.u32 v24, v45;
	v11 =	vor.u32 v38, v11;
	v7 =	vld.idx.msk [tilespmem:v8+s3+$0x0], $0xffff;
	_ =	sdelay $0x1  }
0x3b0: {  	v12 =	vor.u32 v24, v43;
	[tilespmem:v0+s19+$0x0] =	vst.idx.msk $0xffff, v2  }
0x3b1: {  	[tilespmem:v5+s19+$0x0] =	vst.idx.msk $0xffff, v3  }
0x3b2: {  	[tilespmem:v1+s19+$0x0] =	vst.idx.msk $0xffff, v9  }
0x3b3: {  	v6 =	vor.u32 v25, v37;
	v10 =	vor.u32 v17, v42;
	[tilespmem:v11+s19+$0x0] =	vst.idx.msk $0xffff, v7;
	v4 =	vld.idx.msk [tilespmem:v4+s3+$0x0], $0xffff  }
0x3b4: {  	v8 =	vor.u32 v25, v35;
	v3 =	vor.u32 v17, v48;
	v5 =	vor.u32 v46, v10;
	v7 =	vld [tilespmem:$0x1FDD0]  }
0x3b5: {  	v1 =	vor.u32 v46, v3;
	v3 =	vor.u32 v25, v45;
	v9 =	vld.idx.msk [tilespmem:v12+s3+$0x0], $0xffff  }
0x3b6: {  	v10 =	vor.u32 v25, v43;
	_ =	sdelay $0x1  }
0x3b7: {  	v0 =	vor.u32 v36, v50;
	v2 =	vld.idx.msk [tilespmem:v6+s3+$0x0], $0xffff  }
0x3b8: {  	v6 =	vld.idx.msk [tilespmem:v8+s3+$0x0], $0xffff;
	v8 =	vor.u32 v15, v42;
	v7 =	vor.u32 v36, v7;
	[tilespmem:v5+s19+$0x0] =	vst.idx.msk $0xffff, v4  }
0x3b9: {  	v4 =	vor.u32 v49, v8;
	[tilespmem:v1+s19+$0x0] =	vst.idx.msk $0xffff, v9;
	v3 =	vld.idx.msk [tilespmem:v3+s3+$0x0], $0xffff  }
0x3ba: {  	[tilespmem:v56+s19+$0x0] =	vst.idx.msk $0xffff, v59;
	v5 =	vor.u32 v49, v47;
	v1 =	vld.idx.msk [tilespmem:v10+s3+$0x0], $0xffff  }
0x3bb: {  	[tilespmem:v58+s19+$0x0] =	vst.idx.msk $0xffff, v57  }
0x3bc: {  	[tilespmem:v0+s19+$0x0] =	vst.idx.msk $0xffff, v2  }
0x3bd: {  	[tilespmem:v7+s19+$0x0] =	vst.idx.msk $0xffff, v6  }
0x3be: {  	[tilespmem:v4+s19+$0x0] =	vst.idx.msk $0xffff, v3  }
0x3bf: {  	[tilespmem:v5+s19+$0x0] =	vst.idx.msk $0xffff, v1  }
0x3c0: {  	v6 =	vld [tilespmem:$0x1FFA0]  }
0x3c1: {  	v7 =	vld [tilespmem:$0x1FFB0]  }
0x3c2: {  	v9 =	vmov v60;
	v60 =	vld [tilespmem:$0x1FEC0]  }
0x3c3: {  	v3 =	vld [tilespmem:$0x1FF70]  }
.Ltmp7:
0x3c4: {  	v63 =	vld [tilespmem:$0x1FF10];
	(pc) =	sbr.rel .LBB2_11-.Ltmp7, $4  }
0x3c5: {  	v14 =	vlaneseq.u32;
	v5 =	vld [tilespmem:$0x1FF80]  }
0x3c6: {  	v55 =	vmovc v23;
	v23 =	vmovc v28;
	v28 =	vmov v33;
	v26 =	vmov v32;
	v13 =	vmov v27;
	v57 =	vld [tilespmem:$0x1FF20]  }
0x3c7: {  	v48 =	vmovc v15;
	v43 =	vmovc v19;
	v56 =	vmov v17;
	v59 =	vmov v21;
	v58 =	vmov v22;
	v17 =	vld [tilespmem:$0x1FEE0]  }
0x3c8: {  	v12 =	vmovc v20;
	v21 =	vmovc v34;
	v34 =	vmov v30;
	v8 =	vmov v31;
	v10 =	vmov v61;
	[hbm4b:s12+s3] =	stream.linear.scatter [tilespmem:s19], [sflag:$0x3], $0x2000, $0x38;
	v22 =	vld [tilespmem:$0x1FF90]  }
.LBB2_12:
0x3c9: {  	_ =	sfence.sel $0x180000  }
0x3ca: {  	[bflag:$0x0] =	sbarrier.arrive $0xFFFF  }
0x3cb: {  	_ =	strace $0x90000047  }
0x3cc: {  	[bflag:$0x2] =	sbarrier.arrive $0xFFFF  }
0x3cd: {  	p0 =	sne.s32 s2, $0x0;
	s0 =	rddreg [dreg:$0x2]  }
0x3ce: {  	s0 =	sadd.s32 @!p0 $0x100000, s0  }
0x3cf: {  	[sflag:s0] =	ssyncadd.tile.s32 @!p0 $0x1;
	_ =	shalt  }
.Lfunc_end2:
_tile_overlayer_lowered:
.L_overlay_start_2:
0x3d0: {  	(tag) =	ssettag $0x2  }
0x3d1: {  	s0 =	rddreg [dreg:$0x0];
	s2 =	stileid.u32  }
0x3d2: {  	s1 =	rddreg [dreg:$0x1];
	p0 =	sne.s32 s2, $0x0  }
0x3d3: {  	s3 =	rddreg [dreg:$0x2];
	[bflag:$0x3] =	sbarrier.arrive $0xFFFF;
	s2 =	simm.s32 @!p0 $0x1C05  }
0x3d4: {  	[timem:s3], [sflag:s2] =	dma.local @!p0 [hbm:s0], s1  }
0x3d5: {  	s0 =	simm.s32 @!p0 $0x5  }
0x3d6: {  	_ =	swait.ge @!p0 [sflag:s0], s1  }
0x3d7: {  	s1 =	ssub.s32 @!p0 $0x0, s1;
	[sflag:s0] =	ssyncset.done @!p0 $0x0  }
0x3d8: {  	[sflag:s0] =	ssyncadd.s32 @!p0 s1  }
0x3d9: {  	[bflag:$0x3] =	sbarrier.arrive $0xFFFF  }
0x3da: {  	_ =	shalt  }

// kernel: kernel.7.cloned.1.call-start
scs
__scs_entry_jumppad:
0x0: {  	(pc) =	sbr.rel $0x88, $3  }
0x1: {  	(tag) =	ssettag $0x0;
	lr =	simm.s32 $0x1  }
0x2: {  	[smem:$0x3F9E] =	sst lr;
	_ =	strace $0xD0000000  }
0x3: {  	_ = 	snop  }
0x4: {  	_ = 	snop  }
0x5: {  	_ = 	snop  }
0x6: {  	_ = 	snop  }
0x7: {  	_ = 	snop  }
__scs_overlays_trampoline_lowered:
0x8: {  	[smem:$0x3FAD] =	sst s0  }
0x9: {  	[smem:$0x3FAE] =	sst s1  }
0xa: {  	[smem:$0x3FAF] =	sst s2  }
0xb: {  	[smem:$0x3FB0] =	sst s3  }
0xc: {  	[smem:$0x3FB1] =	sst s4  }
0xd: {  	[smem:$0x3FB2] =	sst s5  }
0xe: {  	[smem:$0x3FB3] =	sst s6  }
0xf: {  	[smem:$0x3FB4] =	sst s7  }
0x10: {  	[smem:$0x3FB5] =	sst s8  }
0x11: {  	[smem:$0x3FB6] =	sst s9;
	s0 =	simm.s32 @!p0 $0x0  }
0x12: {  	s1 =	sld [smem:$0x3F9C];
	s0 =	simm.s32 @p0 $0x1  }
0x13: {  	[smem:$0x3FB7] =	sst s0;
	s0 =	simm.s32 @!p1 $0x0  }
0x14: {  	s2 =	sld [smem:$0x3F9B];
	s0 =	simm.s32 @p1 $0x1  }
0x15: {  	[smem:$0x3FB8] =	sst s0;
	s0 =	simm.s32 @!p2 $0x0  }
0x16: {  	s3 =	sld [smem:$0x3FDB];
	s0 =	simm.s32 @p2 $0x1  }
0x17: {  	s4 =	simm.s32 $0x1BF5;
	[smem:$0x3FBA] =	sst s0  }
0x18: {  	s0 =	sld [smem:$0x3F9D];
	_ =	swait.ge [sflag:s4], $0x0  }
0x19: {  	s7 =	sld [smem:$0x3F9E]  }
0x1a: {  	s8 =	sadd.s32 $0xFFFFE003, lr  }
0x1b: {  	s9 =	sadd.s32 $0xFFFFFEF7, lr;
	s5 =	simm.s32 $0xFFFFFFFF;
	p2 =	slt.u32 s8, $0xFFFFF086  }
0x1c: {  	p1 =	slt.u32 s9, $0xF7A;
	s5 =	simm.s32 @!p2 $0x0  }
0x1d: {  	s5 =	simm.s32 @p1 $0x1;
	p0 =	seq.s32 s7, s2  }
0x1e: {  	s7 =	smul.u32 @!p0 $0xF7A, s2;
	p2 =	seq.s32 @!p0 s5, $0x0  }
0x1f: {  	s9 =	smul.u32 $0xF7A, s1;
	s8 =	simm.s32 @!p0 $0x1BF5;
	p2 =	por !p2, p0  }
0x20: {  	[sflag:s8] =	ssyncset.s32 @!p0 $0xFFFFF086;
	s6 =	sadd.s32 @!p0 s3, s7;
	s7 =	simm.s32 @!p0 $0x108  }
0x21: {  	s3 =	sadd.s32 s3, s9;
	s6 =	sadd.s32 @!p0 $0x88, s6;
	s7 =	simm.s32 @p2 $0x1082  }
0x22: {  	[simem:s7], [sflag:s8] =	dma.local @!p0 [hbm:s6], $0xF7A  }
0x23: {  	s9 =	sor.u32 $0xD0000000, s2;
	s6 =	simm.s32 $0x108;
	_ =	swait.ge @!p0 [sflag:s8], $0x0  }
0x24: {  	s3 =	sadd.s32 $0x88, s3;
	s6 =	simm.s32 @!p1 $0x1082;
	[sflag:s4] =	ssyncset.s32 $0xFFFFF086  }
0x25: {  	[simem:s6], [sflag:s4] =	dma.local [hbm:s3], $0xF7A  }
0x26: {  	[smem:$0x3F9E] =	sst s1;
	(tag) =	ssettag s2;
	_ =	strace s9  }
0x27: {  	s1 =	sld [smem:$0x3FAE]  }
0x28: {  	s2 =	sld [smem:$0x3FAF]  }
0x29: {  	s4 =	sld [smem:$0x3FB1]  }
0x2a: {  	p0 =	seq.s32 s5, $0x0;
	s5 =	sld [smem:$0x3FB2]  }
0x2b: {  	s6 =	sld [smem:$0x3FB3]  }
0x2c: {  	s7 =	sld [smem:$0x3FB4]  }
0x2d: {  	s3 =	simm.s32 $0x108;
	s8 =	sld [smem:$0x3FB5]  }
0x2e: {  	s3 =	simm.s32 @!p0 $0x1082;
	s9 =	sld [smem:$0x3FB6]  }
0x2f: {  	lr =	sadd.s32 s0, s3;
	s0 =	sld [smem:$0x3FAD]  }
0x30: {  	s3 =	sld [smem:$0x3FB0]  }
0x31: {  	[smem:$0x3FB9] =	sst s10  }
0x32: {  	s10 =	sld [smem:$0x3FB7];
	_ =	sdelay $0x3  }
0x33: {  	p0 =	seq.s32 s10, $0x1;
	s10 =	sld [smem:$0x3FB9];
	_ =	sdelay $0x3  }
0x34: {  	[smem:$0x3FB9] =	sst s10  }
0x35: {  	s10 =	sld [smem:$0x3FB8];
	_ =	sdelay $0x3  }
0x36: {  	p1 =	seq.s32 s10, $0x1;
	s10 =	sld [smem:$0x3FB9];
	_ =	sdelay $0x3  }
0x37: {  	[smem:$0x3FB9] =	sst s10  }
0x38: {  	s10 =	sld [smem:$0x3FBA]  }
0x39: {  	_ = 	snop;
	(pc) =	sbr.ind lr, $3  }
0x3a: {  	_ = 	snop  }
0x3b: {  	_ = 	snop  }
0x3c: {  	p2 =	seq.s32 s10, $0x1;
	s10 =	sld [smem:$0x3FB9]  }
0x3d: {  	_ =	shalt  }
0x3e: {  	_ =	shalt  }
0x3f: {  	_ =	shalt  }
0x40: {  	_ =	shalt  }
0x41: {  	_ =	shalt  }
0x42: {  	_ =	shalt  }
0x43: {  	_ =	shalt  }
0x44: {  	_ =	shalt  }
0x45: {  	_ =	shalt  }
0x46: {  	_ =	shalt  }
0x47: {  	_ =	shalt  }
0x48: {  	_ =	shalt  }
0x49: {  	_ =	shalt  }
0x4a: {  	_ =	shalt  }
0x4b: {  	_ =	shalt  }
0x4c: {  	_ =	shalt  }
0x4d: {  	_ =	shalt  }
0x4e: {  	_ =	shalt  }
0x4f: {  	_ =	shalt  }
0x50: {  	_ =	shalt  }
0x51: {  	_ =	shalt  }
0x52: {  	_ =	shalt  }
0x53: {  	_ =	shalt  }
0x54: {  	_ =	shalt  }
0x55: {  	_ =	shalt  }
0x56: {  	_ =	shalt  }
0x57: {  	_ =	shalt  }
0x58: {  	_ =	shalt  }
0x59: {  	_ =	shalt  }
0x5a: {  	_ =	shalt  }
0x5b: {  	_ =	shalt  }
0x5c: {  	_ =	shalt  }
0x5d: {  	_ =	shalt  }
0x5e: {  	_ =	shalt  }
0x5f: {  	_ =	shalt  }
0x60: {  	_ =	shalt  }
0x61: {  	_ =	shalt  }
0x62: {  	_ =	shalt  }
0x63: {  	_ =	shalt  }
0x64: {  	_ =	shalt  }
0x65: {  	_ =	shalt  }
0x66: {  	_ =	shalt  }
0x67: {  	_ =	shalt  }
0x68: {  	_ =	shalt  }
0x69: {  	_ =	shalt  }
0x6a: {  	_ =	shalt  }
0x6b: {  	_ =	shalt  }
0x6c: {  	_ =	shalt  }
0x6d: {  	_ =	shalt  }
0x6e: {  	_ =	shalt  }
0x6f: {  	_ =	shalt  }
0x70: {  	_ =	shalt  }
0x71: {  	_ =	shalt  }
0x72: {  	_ =	shalt  }
0x73: {  	_ =	shalt  }
0x74: {  	_ =	shalt  }
0x75: {  	_ =	shalt  }
0x76: {  	_ =	shalt  }
0x77: {  	_ =	shalt  }
0x78: {  	_ =	shalt  }
0x79: {  	_ =	shalt  }
0x7a: {  	_ =	shalt  }
0x7b: {  	_ =	shalt  }
0x7c: {  	_ =	shalt  }
0x7d: {  	_ =	shalt  }
0x7e: {  	_ =	shalt  }
0x7f: {  	_ =	shalt  }
0x80: {  	_ =	shalt  }
0x81: {  	_ =	shalt  }
0x82: {  	_ =	shalt  }
0x83: {  	_ =	shalt  }
0x84: {  	_ =	shalt  }
0x85: {  	_ =	shalt  }
0x86: {  	_ =	shalt  }
0x87: {  	_ =	shalt  }
.Lfunc_end0:
.L_simem_size_0:
called_computation.1_lowered:
.L_overlay_start_0:
0x88: {  	s2 =	sld [smem:$0x3FD9]  }
0x89: {  	s3 =	sld [smem:$0x3FFE];
	_ =	sdelay $0x1  }
0x8a: {  	s1 =	srdreg.scid  }
0x8b: {  	s0 =	sand.u32 $0x1, s1  }
0x8c: {  	s17 =	sshll.u32 s0, $0xA;
	s2 =	sadd.s32 s3, s2  }
0x8d: {  	s2 =	sadd.s32 s2, s17  }
0x8e: {  	[smem:$0x3FC5] =	sst s2  }
0x8f: {  	_ = 	snop  }
0x90: {  	s2 =	sld [smem:$0x3FC8];
	(tm) =	ssettm $0x1  }
0x91: {  	s18 =	sld [smem:$0x3FFB];
	_ =	sdelay $0x3  }
0x92: {  	_ =	strace s18  }
0x93: {  	s3 =	sld [smem:$0x3FFC];
	_ =	sdelay $0x3  }
0x94: {  	_ =	strace s3  }
0x95: {  	s3 =	sld [smem:$0x3FFD];
	_ =	sdelay $0x3  }
0x96: {  	_ =	strace s3  }
0x97: {  	_ =	strace $0x8FFFFFFF  }
0x98: {  	s19 =	sld [smem:$0x3FDB];
	_ =	sdelay $0x1  }
0x99: {  	s4 =	simm.s32 $_scs_section_size  }
0x9a: {  	s5 =	simm.s32 $_size__tile_overlayer_lowered;
	s6 =	simm.s32 $_tile_overlayer_lowered  }
0x9b: {  	s22 =	simm.s32 $0x1BFF;
	s21 =	sshll.u32 s6, $0x1;
	s3 =	sadd.s32 s4, s19  }
0x9c: {  	s7 =	simm.s32 $0x0;
	s20 =	sshll.u32 s5, $0x1;
	s5 =	sadd.s32 s21, s3  }
0x9d: {  	[timem:s7], [sflag:s22] =	dma.local [hbm:s5], s20  }
0x9e: {  	_ =	swait.ge [sflag:s22], s20  }
0x9f: {  	s4 =	ssub.s32 $0x0, s20;
	[sflag:s22] =	ssyncset.done $0x0  }
0xa0: {  	[sflag:s22] =	ssyncadd.s32 s4;
	_ =	sdelay $0x1  }
0xa1: {  	s23 =	simm.s32 $0x1B8B  }
0xa2: {  	_ =	swait.ge [sflag:s23], $0x1  }
0xa3: {  	[sflag:s23] =	ssyncset.done $0x0  }
0xa4: {  	s25 =	simm.s32 $0x1B8E;
	s24 =	sld [smem:$0x3FFE];
	[sflag:s23] =	ssyncadd.s32 $0xFFFFFFFF  }
0xa5: {  	s26 =	simm.s32 $execute0_lowered;
	[smem:$0x3FD2] =	sst s25  }
0xa6: {  	s5 =	sshll.u32 s26, $0x1;
	_ =	strace $0x80000049;
	[dreg:$0x1] =	wrdreg $0xFFFFFFFF  }
0xa7: {  	s28 =	simm.s32 $_size_execute0_lowered;
	s3 =	sadd.s32 s3, s5;
	[dreg:$0x0] =	wrdreg $0x0  }
0xa8: {  	s5 =	sshll.u32 s28, $0x1;
	[dreg:$0x2] =	wrdreg s3  }
0xa9: {  	[dreg:$0x3] =	wrdreg s5  }
0xaa: {  	[dreg:$0x4] =	wrdreg $0xC0  }
0xab: {  	_ =	task [dreg:s7], $0x5FFFF  }
0xac: {  	[dreg:$0x1] =	wrdreg $0xFFFFFFFF  }
0xad: {  	[dreg:$0x0] =	wrdreg $0x60  }
0xae: {  	[dreg:$0x2] =	wrdreg s24  }
0xaf: {  	[dreg:$0x3] =	wrdreg s2  }
0xb0: {  	[dreg:$0x4] =	wrdreg $0x9  }
0xb1: {  	_ =	task.clear_ibuf [dreg:s7], $0x5FFFF;
	_ =	strace $0x90000049  }
0xb2: {  	s29 =	simm.s32 $0x9;
	_ =	strace $0x8000004B  }
0xb3: {  	_ =	swait.ge [sflag:s29], $0x1  }
0xb4: {  	[sflag:s29] =	ssyncadd.s32 $0xFFFFFFFF  }
0xb5: {  	_ =	strace $0x9000004B  }
0xb6: {  	_ =	sfence  }
0xb7: {  	s30 =	sld [smem:$0x0];
	_ =	sdelay $0x2  }
0xb8: {  	s31 =	sshll.u32 s1, $0xD;
	s1 =	sshrl.u32 s1, $0x2  }
0xb9: {  	s3 =	sand.u32 $0x4000, s31;
	s1 =	sadd.s32 s1, s30  }
0xba: {  	s0 =	sor.u32 s3, s0;
	s1 =	sshll.u32 s1, $0x11  }
0xbb: {  	s0 =	sor.u32 s1, s0  }
0xbc: {  	s0 =	sadd.s32 $0x8F2B, s0  }
0xbd: {  	[sflag:s0] =	ssyncadd.remote.s32 $0x1  }
0xbe: {  	_ =	sfence.sel $0xFFFF  }
0xbf: {  	[dreg:$0x0] =	wrdreg $0xFFFFFFFF;
	(pc) =	sbr.abs _section_cstart, $3  }
0xc0: {  	[dreg:$0x1] =	wrdreg $0xFFFFFFFF  }
0xc1: {  	_ =	task.clear_ibuf [dreg:s7], $0x2FFFF;
	_ =	strace $0x9FFFFFFF  }
0xc2: {  	(tm) =	ssettm $0x7FFFFFFF  }
0xc3: {  	_ =	shalt  }
tec
execute0_lowered:
.L_overlay_start_1:
0x0: {  	(tag) =	ssettag $0x1  }
0x1: {  	s4 =	rddreg [dreg:$0x0]  }
0x2: {  	s5 =	rddreg [dreg:$0x1]  }
0x3: {  	s0 =	rddreg [dreg:$0x2]  }
0x4: {  	s3 =	srdreg.scid;
	s1 =	stileid.u32;
	s2 =	simm.s32 $0x0  }
0x5: {  	s10 =	simm.s32 $0x80;
	s11 =	simm.s32 $0x200;
	s12 =	simm.s32 $0x10600  }
0x6: {  	s13 =	simm.s32 $0x3;
	s14 =	simm.s32 $0x1;
	s15 =	simm.s32 $0x280  }
0x7: {  	s16 =	simm.s32 $0x14600;
	s17 =	simm.s32 $0x400;
	s18 =	simm.s32 $0x2  }
0x8: {  	s19 =	simm.s32 $0x300;
	s20 =	simm.s32 $0x380;
	s21 =	simm.s32 $0x18600  }
0x9: {  	s3 =	sand.u32 $0x1, s3;
	s6 =	sshll.u32 s1, $0x1;
	[smem:$0x7FF] =	sst s2  }
0xa: {  	s22 =	simm.s32 $0x0;
	s6 =	sor.u32 s3, s6;
	_ =	strace $0x8000004A  }
0xb: {  	s9 =	ssub.s32 $0x2, s3;
	s3 =	sadd.s32 $0x800, s4;
	s7 =	sshll.u32 s6, $0xD  }
0xc: {  	s8 =	sshll.u32 s6, $0x4;
	s31 =	sshrl.u32 s9, $0x1;
	s6 =	sshll.u32 s6, $0x6  }
0xd: {  	s7 =	sadd.s32 s7, s4;
	s8 =	sadd.s32 s8, s4;
	s9 =	ssub.s32 s9, s31  }
0xe: {  	v0 =	vlaneseq.u32;
	s5 =	sadd.s32 s5, s6;
	s4 =	sadd.s32 $0xC4000, s7;
	s6 =	sadd.s32 $0x104000, s8  }
0xf: {  	v1 =	vor.u32 $0x10, v0;
	v2 =	vor.u32 $0x20, v0;
	v3 =	vor.u32 $0x30, v0;
	s7 =	smax.u32 s9, $0x1;
	s8 =	simm.s32 $0x600;
	s9 =	simm.s32 $0x4  }
.LBB2_1:
0x10: {  	[tilespmem:s8], [sflag:$0x3] =	stream.linear.gather [hbm4b:s4+s2], $0x10000, $0x38;
	[tilespmem:$0x18680] =	vst v63  }
0x11: {  	_ = 	snop  }
0x12: {  	[tilespmem:s2], [sflag:$0x4] =	stream.linear.gather [hbm4b:s5+s2], $0x200, $0x38;
	[tilespmem:$0x18680] =	vst v63  }
0x13: {  	_ =	swait.ge [sflag:s9], $0x200  }
0x14: {  	[sflag:s9] =	ssyncset.done $0x0  }
0x15: {  	s23 =	simm.s32 $0x0;
	[sflag:s9] =	ssyncadd.s32 $0xFFFFFE00  }
0x16: {  	v4 =	vld [tilespmem:s23+$0x0]  }
0x17: {  	s24 =	simm.s32 $0x40  }
.LBB2_2:
0x18: {  	p0 =	sne.s32 s24, $0x7C0  }
.Ltmp0:
0x19: {  	_ = 	snop;
	(pc) =	sbr.rel @p0 .LBB2_2-.Ltmp0, $4  }
0x1a: {  	_ = 	snop  }
0x1b: {  	s25 =	sshra.s32 s24, $0x2;
	s24 =	sadd.s32 $0x40, s24;
	v5 =	vshra.s32 v4, $0x1;
	v6 =	vshll.u32 v4, $0x6  }
0x1c: {  	v4 =	vld [tilespmem:s25+$0x0];
	[tilespmem:s23+$0x200] =	vst v5;
	v5 =	vand.u32 $0x40, v6  }
0x1d: {  	[tilespmem:s23+$0x400] =	vst v5;
	s23 =	smov.u32 s25  }
0x1e: {  	_ =	sdelay $0x2  }
0x1f: {  	v5 =	vshra.s32 v4, $0x1;
	v4 =	vshll.u32 v4, $0x6  }
0x20: {  	[tilespmem:s23+$0x200] =	vst v5;
	v4 =	vand.u32 $0x40, v4  }
0x21: {  	[tilespmem:s23+$0x400] =	vst v4  }
0x22: {  	[tilespmem:s12], [sflag:$0x1] =	stream.indirect.gather [hbm4b:s3+s10], $0x80, s11, s10, $0xb8;
	[tilespmem:$0x18680] =	vst v63  }
0x23: {  	_ =	swait.ge [sflag:s13], $0x10000  }
0x24: {  	s29 =	simm.s32 $0x1;
	[sflag:s13] =	ssyncset.done $0x0  }
0x25: {  	v4 =	vmov s29;
	[sflag:s13] =	ssyncadd.s32 $0xFFFF0000  }
0x26: {  	_ =	swait.ge [sflag:s14], $0x4000  }
0x27: {  	[sflag:s14] =	ssyncset.done $0x0  }
0x28: {  	[sflag:s14] =	ssyncadd.s32 $0xFFFFC000  }
0x29: {  	[tilespmem:s16], [sflag:$0x2] =	stream.indirect.gather [hbm4b:s3+s10], $0x80, s15, s10, $0xb8;
	[tilespmem:$0x18680] =	vst v63  }
0x2a: {  	v5 =	vld.idx.msk [tilespmem:v4+s17+$0x0], $0xffff  }
0x2b: {  	s30 =	simm.s32 $0x0  }
0x2c: {  	v6 =	vmov s30;
	_ =	sdelay $0x1  }
0x2d: {  	v4 =	vshll.u32 v4, $0x7  }
0x2e: {  	v7 =	vadd.s32 v0, v5;
	v8 =	vadd.s32 v1, v5;
	v9 =	vadd.s32 v3, v5  }
0x2f: {  	v5 =	vadd.s32 v2, v5;
	v10 =	vand.u32 $0xFFFFFF80, v7;
	v7 =	vand.u32 $0x7F, v7  }
0x30: {  	v12 =	vld.idx.msk [tilespmem:v6+s17+$0x0], $0xffff;
	v11 =	vand.u32 $0xFFFFFF80, v8;
	v8 =	vand.u32 $0x7F, v8;
	v10 =	vadd.s32 v4, v10  }
0x31: {  	v11 =	vadd.s32 v4, v11;
	v7 =	vor.u32 v7, v10;
	v10 =	vand.u32 $0xFFFFFF80, v9  }
0x32: {  	s24 =	simm.s32 $0x3;
	s23 =	simm.s32 $0x680;
	v8 =	vor.u32 v8, v11;
	v9 =	vand.u32 $0x7F, v9;
	v10 =	vadd.s32 v4, v10  }
0x33: {  	v13 =	vld [tilespmem:s23+$0x30];
	v11 =	vmov s24;
	v9 =	vor.u32 v9, v10;
	v10 =	vand.u32 $0xFFFFFF80, v5  }
0x34: {  	v19 =	vld [tilespmem:s23+$0x0];
	v5 =	vand.u32 $0x7F, v5;
	v4 =	vadd.s32 v4, v10  }
0x35: {  	v10 =	vld [tilespmem:s23+$0x10];
	v4 =	vor.u32 v5, v4;
	v5 =	vadd.s32 v0, v12  }
0x36: {  	v6 =	vshll.u32 v6, $0x7;
	v16 =	vadd.s32 v2, v12;
	v15 =	vld.idx.msk [tilespmem:v7+s12+$0x0], $0xffff;
	v14 =	vand.u32 $0xFFFFFF80, v5  }
0x37: {  	v7 =	vadd.s32 v1, v12;
	v8 =	vld.idx.msk [tilespmem:v8+s12+$0x0], $0xffff;
	v5 =	vand.u32 $0x7F, v5;
	v14 =	vadd.s32 v6, v14  }
0x38: {  	v12 =	vadd.s32 v3, v12;
	v17 =	vld.idx.msk [tilespmem:v11+s17+$0x0], $0xffff;
	v5 =	vor.u32 v5, v14;
	v14 =	vand.u32 $0xFFFFFF80, v7  }
0x39: {  	v18 =	vand.u32 $0xFFFFFF80, v12;
	v9 =	vld.idx.msk [tilespmem:v9+s12+$0x0], $0xffff;
	v7 =	vand.u32 $0x7F, v7;
	v14 =	vadd.s32 v6, v14  }
0x3a: {  	v20 =	vld [tilespmem:s23+$0xFFFFFFB0];
	v14 =	vor.u32 v7, v14;
	v7 =	vand.u32 $0x7F, v12;
	v12 =	vadd.s32 v6, v18  }
0x3b: {  	v21 =	vld [tilespmem:s23+$0x20];
	v18 =	vand.u32 $0xFFFFFF80, v16;
	v12 =	vor.u32 v7, v12  }
0x3c: {  	v22 =	vld [tilespmem:s23+$0xFFFFFF80];
	v16 =	vand.u32 $0x7F, v16;
	v6 =	vadd.s32 v6, v18  }
0x3d: {  	v18 =	vld.idx.msk [tilespmem:v4+s12+$0x0], $0xffff;
	v4 =	vimm.f32 $0.0e+00;
	v7 =	vsub.f32 v10, v8;
	v10 =	vadd.s32 v1, v17  }
0x3e: {  	v6 =	vor.u32 v16, v6;
	v8 =	vld.idx.msk [tilespmem:v5+s12+$0x0], $0xffff;
	v5 =	vsub.f32 v13, v9;
	v9 =	vadd.s32 v0, v17  }
0x3f: {  	v23 =	vadd.s32 v3, v17;
	v16 =	vshll.u32 v11, $0x7;
	v11 =	vand.u32 $0xFFFFFF80, v9;
	v24 =	vld.idx.msk [tilespmem:v14+s12+$0x0], $0xffff  }
0x40: {  	v13 =	vand.u32 $0xFFFFFF80, v10;
	v9 =	vand.u32 $0x7F, v9;
	v11 =	vadd.s32 v16, v11;
	v25 =	vld.idx.msk [tilespmem:v12+s12+$0x0], $0xffff  }
0x41: {  	v10 =	vand.u32 $0x7F, v10;
	v14 =	vadd.s32 v16, v13;
	v12 =	vor.u32 v9, v11;
	v9 =	vld [tilespmem:s23+$0xFFFFFF90]  }
0x42: {  	s31 =	simm.s32 $0x2;
	v15 =	vsub.f32 v19, v15;
	v11 =	vor.u32 v10, v14;
	v10 =	vsub.f32 v21, v18;
	v18 =	vld [tilespmem:s23+$0xFFFFFFA0]  }
0x43: {  	v17 =	vadd.s32 v2, v17;
	v13 =	vmov s31;
	v14 =	vand.u32 $0xFFFFFF80, v23;
	v6 =	vld.idx.msk [tilespmem:v6+s12+$0x0], $0xffff  }
0x44: {  	v21 =	vand.u32 $0x7F, v23;
	v14 =	vadd.s32 v16, v14;
	v8 =	vsub.f32 v22, v8  }
0x45: {  	v22 =	vand.u32 $0xFFFFFF80, v17;
	v14 =	vor.u32 v21, v14;
	v17 =	vand.u32 $0x7F, v17  }
0x46: {  	v16 =	vadd.s32 v16, v22;
	v8 =	vmul.f32 v8, v8;
	v21 =	vsub.f32 v9, v24  }
0x47: {  	v9 =	vor.u32 v17, v16;
	v16 =	vsub.f32 v20, v25;
	v20 =	vmul.f32 v15, v15  }
0x48: {  	v19 =	vadd.f32 v8, v4;
	v17 =	vsub.f32 v18, v6;
	v6 =	vimm.f32 $0.0e+00  }
0x49: {  	s26 =	simm.s32 $0x4;
	v18 =	vld.idx.msk [tilespmem:v13+s17+$0x0], $0xffff;
	v8 =	vimm.f32 $0.0e+00;
	v15 =	vmul.f32 v21, v21;
	v16 =	vmul.f32 v16, v16  }
.LBB2_4:
0x4a: {  	s28 =	sadd.s32 $0x1, s26  }
0x4b: {  	v19 =	vadd.f32 v20, v19;
	v7 =	vmul.f32 v7, v7;
	v10 =	vmul.f32 v10, v10;
	s23 =	sadd.s32 $0x100, s23;
	s25 =	smov.u32 s26;
	s24 =	sadd.s32 $0x2, s26  }
0x4c: {  	p0 =	slt.u32 s26, $0x7E;
	v20 =	vmov s28;
	v21 =	vld [tilespmem:s23+$0x30];
	v17 =	vmul.f32 v17, v17;
	v4 =	vadd.f32 v16, v4  }
0x4d: {  	v13 =	vshll.u32 v13, $0x7;
	v5 =	vmul.f32 v5, v5;
	v6 =	vadd.f32 v15, v6;
	v16 =	vld [tilespmem:s23+$0x10]  }
0x4e: {  	v15 =	vadd.s32 v0, v18;
	v22 =	vadd.s32 v1, v18;
	v23 =	vadd.s32 v2, v18;
	v24 =	vld.idx.msk [tilespmem:v12+s12+$0x0], $0xffff  }
0x4f: {  	v18 =	vadd.s32 v3, v18;
	v12 =	vand.u32 $0xFFFFFF80, v15;
	v6 =	vadd.f32 v7, v6;
	v11 =	vld.idx.msk [tilespmem:v11+s12+$0x0], $0xffff  }
0x50: {  	v7 =	vand.u32 $0x7F, v15;
	v8 =	vadd.f32 v17, v8;
	v12 =	vadd.s32 v13, v12;
	v14 =	vld.idx.msk [tilespmem:v14+s12+$0x0], $0xffff  }
0x51: {  	v4 =	vadd.f32 v5, v4;
	v12 =	vor.u32 v7, v12;
	v7 =	vand.u32 $0xFFFFFF80, v22;
	v15 =	vld.idx.msk [tilespmem:v20+s17+$0x0], $0xffff  }
0x52: {  	v5 =	vand.u32 $0x7F, v22;
	v17 =	vand.u32 $0xFFFFFF80, v18;
	v7 =	vadd.s32 v13, v7;
	v22 =	vld [tilespmem:s23+$0x0]  }
0x53: {  	v25 =	vor.u32 v5, v7;
	v5 =	vand.u32 $0x7F, v18;
	v7 =	vadd.s32 v13, v17;
	v26 =	vld [tilespmem:s23+$0xFFFFFFB0]  }
0x54: {  	v8 =	vadd.f32 v10, v8;
	v17 =	vand.u32 $0xFFFFFF80, v23;
	v18 =	vor.u32 v5, v7;
	v27 =	vld [tilespmem:s23+$0x20]  }
0x55: {  	v5 =	vand.u32 $0x7F, v23;
	v10 =	vadd.s32 v13, v17;
	v7 =	vsub.f32 v16, v11;
	v9 =	vld.idx.msk [tilespmem:v9+s12+$0x0], $0xffff  }
0x56: {  	v16 =	vshll.u32 v20, $0x7;
	v10 =	vor.u32 v5, v10;
	v5 =	vsub.f32 v21, v14;
	v17 =	vld.idx.msk [tilespmem:v12+s12+$0x0], $0xffff  }
0x57: {  	v11 =	vadd.s32 v0, v15;
	v12 =	vadd.s32 v1, v15;
	v14 =	vadd.s32 v3, v15;
	v20 =	vld [tilespmem:s23+$0xFFFFFF80]  }
0x58: {  	v13 =	vand.u32 $0xFFFFFF80, v11;
	v11 =	vand.u32 $0x7F, v11;
	v21 =	vand.u32 $0xFFFFFF80, v12;
	v23 =	vld.idx.msk [tilespmem:v25+s12+$0x0], $0xffff  }
0x59: {  	v28 =	vand.u32 $0x7F, v12;
	v25 =	vadd.s32 v16, v13;
	v21 =	vadd.s32 v16, v21;
	v29 =	vld.idx.msk [tilespmem:v18+s12+$0x0], $0xffff  }
0x5a: {  	v13 =	vmov s25;
	v12 =	vor.u32 v11, v25;
	v11 =	vor.u32 v28, v21;
	v21 =	vld [tilespmem:s23+$0xFFFFFF90]  }
0x5b: {  	v15 =	vadd.s32 v2, v15;
	v18 =	vand.u32 $0xFFFFFF80, v14;
	v25 =	vld.idx.msk [tilespmem:v10+s12+$0x0], $0xffff;
	v10 =	vsub.f32 v27, v9  }
0x5c: {  	v9 =	vand.u32 $0x7F, v14;
	v14 =	vadd.s32 v16, v18;
	v17 =	vsub.f32 v20, v17;
	v27 =	vld [tilespmem:s23+$0xFFFFFFA0]  }
.Ltmp1:
0x5d: {  	v18 =	vand.u32 $0xFFFFFF80, v15;
	v14 =	vor.u32 v9, v14;
	v20 =	vsub.f32 v22, v24;
	(pc) =	sbr.rel @p0 .LBB2_4-.Ltmp1, $4  }
0x5e: {  	v9 =	vand.u32 $0x7F, v15;
	v15 =	vadd.s32 v16, v18;
	v16 =	vmul.f32 v17, v17  }
0x5f: {  	v9 =	vor.u32 v9, v15;
	v18 =	vld.idx.msk [tilespmem:v13+s17+$0x0], $0xffff;
	v15 =	vsub.f32 v21, v23;
	v21 =	vsub.f32 v26, v29  }
0x60: {  	v20 =	vmul.f32 v20, v20;
	v19 =	vadd.f32 v16, v19  }
0x61: {  	s26 =	smov.u32 s24;
	v15 =	vmul.f32 v15, v15;
	v17 =	vsub.f32 v27, v25;
	v16 =	vmul.f32 v21, v21  }
0x62: {  	_ =	sdelay $0x3  }
0x63: {  	v12 =	vld.idx.msk [tilespmem:v12+s12+$0x0], $0xffff  }
0x64: {  	v11 =	vld.idx.msk [tilespmem:v11+s12+$0x0], $0xffff  }
0x65: {  	v14 =	vld.idx.msk [tilespmem:v14+s12+$0x0], $0xffff  }
0x66: {  	s23 =	sadd.s32 $0x100, s23;
	v13 =	vshll.u32 v13, $0x7;
	v9 =	vld.idx.msk [tilespmem:v9+s12+$0x0], $0xffff;
	v4 =	vadd.f32 v16, v4;
	v23 =	vadd.s32 v0, v18  }
0x67: {  	v21 =	vld [tilespmem:s23+$0x30];
	v24 =	vadd.s32 v1, v18;
	v26 =	vadd.s32 v2, v18;
	v18 =	vadd.s32 v3, v18  }
0x68: {  	v22 =	vld [tilespmem:s23+$0x10];
	v25 =	vand.u32 $0xFFFFFF80, v23;
	v23 =	vand.u32 $0x7F, v23;
	v27 =	vand.u32 $0xFFFFFF80, v18  }
0x69: {  	v28 =	vld [tilespmem:s23+$0x0];
	v18 =	vand.u32 $0x7F, v18;
	v29 =	vand.u32 $0xFFFFFF80, v26;
	v25 =	vadd.s32 v13, v25  }
0x6a: {  	v61 =	vld [tilespmem:s23+$0xFFFFFF90];
	v27 =	vadd.s32 v13, v27;
	v23 =	vor.u32 v23, v25;
	v25 =	vand.u32 $0xFFFFFF80, v24  }
0x6b: {  	v16 =	vld [tilespmem:s23+$0xFFFFFFA0];
	v24 =	vand.u32 $0x7F, v24;
	v18 =	vor.u32 v18, v27;
	v25 =	vadd.s32 v13, v25  }
0x6c: {  	v26 =	vand.u32 $0x7F, v26;
	v27 =	vld [tilespmem:s23+$0x20];
	v13 =	vadd.s32 v13, v29;
	v24 =	vor.u32 v24, v25  }
0x6d: {  	s24 =	simm.s32 $0x80;
	v25 =	vld [tilespmem:s23+$0xFFFFFFB0];
	v13 =	vor.u32 v26, v13  }
0x6e: {  	v19 =	vadd.f32 v20, v19;
	v20 =	vmov s24;
	v26 =	vld [tilespmem:s23+$0xFFFFFF80]  }
0x6f: {  	v20 =	vand.u32 $0xFFFFFFFE, v20;
	v23 =	vld.idx.msk [tilespmem:v23+s12+$0x0], $0xffff  }
0x70: {  	v17 =	vmul.f32 v17, v17;
	v6 =	vadd.f32 v15, v6;
	v15 =	vbroadcast v20, $0x0;
	v18 =	vld.idx.msk [tilespmem:v18+s12+$0x0], $0xffff  }
0x71: {  	v7 =	vmul.f32 v7, v7;
	v5 =	vmul.f32 v5, v5;
	v24 =	vld.idx.msk [tilespmem:v24+s12+$0x0], $0xffff  }
0x72: {  	v10 =	vmul.f32 v10, v10;
	v8 =	vadd.f32 v17, v8;
	v13 =	vld.idx.msk [tilespmem:v13+s12+$0x0], $0xffff;
	_ =	swait.ge [sflag:s18], $0x4000  }
0x73: {  	v6 =	vadd.f32 v7, v6;
	v4 =	vadd.f32 v5, v4;
	[sflag:s18] =	ssyncset.done $0x0  }
0x74: {  	v5 =	vadd.f32 v10, v8;
	v8 =	vsub.f32 v22, v11;
	[sflag:s18] =	ssyncadd.s32 $0xFFFFC000  }
0x75: {  	v10 =	vsub.f32 v28, v12;
	v11 =	vsub.f32 v21, v14;
	[tilespmem:s12], [sflag:$0x1] =	stream.indirect.gather [hbm4b:s3+s10], $0x80, s19, s10, $0xb8;
	[tilespmem:$0x18680] =	vst v63  }
0x76: {  	v7 =	vsub.f32 v26, v23;
	v15 =	vld.idx.msk [tilespmem:v15+s17+$0x0], $0xffff;
	v12 =	vsub.f32 v61, v24  }
0x77: {  	v10 =	vmul.f32 v10, v10;
	v8 =	vmul.f32 v8, v8;
	v14 =	vsub.f32 v25, v18  }
0x78: {  	v9 =	vsub.f32 v27, v9;
	v7 =	vmul.f32 v7, v7;
	v12 =	vmul.f32 v12, v12  }
0x79: {  	v11 =	vmul.f32 v11, v11;
	v13 =	vsub.f32 v16, v13;
	v14 =	vmul.f32 v14, v14  }
0x7a: {  	v9 =	vmul.f32 v9, v9;
	v7 =	vadd.f32 v7, v19;
	v6 =	vadd.f32 v12, v6  }
0x7b: {  	s25 =	simm.s32 $0x81;
	v12 =	vmul.f32 v13, v13;
	v13 =	vadd.f32 v14, v4;
	v14 =	vadd.s32 v1, v15  }
0x7c: {  	v7 =	vadd.f32 v10, v7;
	v10 =	vmov s25;
	v18 =	vand.u32 $0xFFFFFF80, v14  }
0x7d: {  	v14 =	vand.u32 $0x7F, v14;
	v4 =	vadd.f32 v8, v6;
	v6 =	vadd.s32 v0, v15  }
0x7e: {  	s26 =	simm.s32 $0x0;
	v8 =	vadd.s32 v3, v15;
	v5 =	vadd.f32 v12, v5;
	v16 =	vand.u32 $0xFFFFFF80, v6  }
0x7f: {  	v19 =	vadd.f32 v11, v13;
	v6 =	vand.u32 $0x7F, v6;
	v16 =	vadd.s32 s26, v16  }
0x80: {  	v11 =	vadd.s32 v2, v15;
	v17 =	vand.u32 $0xFFFFFF80, v8;
	v6 =	vor.u32 v6, v16  }
0x81: {  	s25 =	simm.s32 $0x82;
	v8 =	vand.u32 $0x7F, v8;
	v17 =	vadd.s32 s26, v17;
	v10 =	vld.idx.msk [tilespmem:v10+s17+$0x0], $0xffff;
	v16 =	vadd.s32 s26, v18  }
0x82: {  	s29 =	simm.s32 $0x4600;
	v8 =	vor.u32 v8, v17;
	v12 =	vor.u32 v14, v16;
	v14 =	vmov s25  }
0x83: {  	s30 =	simm.s32 $0x83;
	v22 =	vld [tilespmem:s29+$0x10];
	v15 =	vand.u32 $0xFFFFFF80, v11;
	v11 =	vand.u32 $0x7F, v11;
	v13 =	vand.u32 $0xFFFFFFFE, v14  }
0x84: {  	v15 =	vadd.s32 s26, v15;
	v17 =	vld [tilespmem:s29+$0x0];
	v16 =	vmov s30;
	v13 =	vbroadcast v13, $0x0  }
0x85: {  	v5 =	vadd.f32 v9, v5;
	v9 =	vor.u32 v11, v15;
	v18 =	vld.idx.msk [tilespmem:v6+s16+$0x0], $0xffff  }
0x86: {  	v14 =	vld [tilespmem:s29+$0x30];
	v6 =	vadd.s32 v1, v10;
	v15 =	vadd.s32 v2, v10;
	v21 =	vadd.s32 v0, v10  }
0x87: {  	s31 =	simm.s32 $0x80;
	v8 =	vld.idx.msk [tilespmem:v8+s16+$0x0], $0xffff;
	v10 =	vadd.s32 v3, v10;
	v11 =	vand.u32 $0xFFFFFF80, v6;
	v6 =	vand.u32 $0x7F, v6  }
0x88: {  	v12 =	vld.idx.msk [tilespmem:v12+s16+$0x0], $0xffff;
	v20 =	vand.u32 $0x7F, v15;
	v15 =	vand.u32 $0xFFFFFF80, v15;
	v11 =	vadd.s32 s31, v11  }
0x89: {  	v23 =	vand.u32 $0xFFFFFF80, v21;
	v15 =	vadd.s32 s31, v15;
	v11 =	vor.u32 v6, v11;
	v6 =	vld.idx.msk [tilespmem:v16+s17+$0x0], $0xffff  }
0x8a: {  	v16 =	vand.u32 $0x7F, v21;
	v21 =	vld.idx.msk [tilespmem:v13+s17+$0x0], $0xffff;
	v13 =	vand.u32 $0xFFFFFF80, v10;
	v17 =	vsub.f32 v17, v18  }
0x8b: {  	v9 =	vld.idx.msk [tilespmem:v9+s16+$0x0], $0xffff;
	v15 =	vor.u32 v20, v15;
	v10 =	vand.u32 $0x7F, v10;
	v13 =	vadd.s32 s31, v13  }
0x8c: {  	v20 =	vld [tilespmem:s29+$0x90];
	v18 =	vadd.s32 s31, v23;
	v24 =	vor.u32 v10, v13;
	v10 =	vmul.f32 v17, v17  }
0x8d: {  	v23 =	vld [tilespmem:s29+$0x20];
	v12 =	vsub.f32 v22, v12;
	v16 =	vor.u32 v16, v18  }
0x8e: {  	v17 =	vld.idx.msk [tilespmem:v11+s16+$0x0], $0xffff;
	v11 =	vsub.f32 v14, v8;
	v13 =	vadd.s32 v2, v6;
	v7 =	vadd.f32 v10, v7  }
0x8f: {  	v10 =	vmul.f32 v12, v12;
	v22 =	vadd.s32 v0, v21;
	v25 =	vadd.s32 v1, v21  }
0x90: {  	v26 =	vld [tilespmem:s29+$0xB0];
	v8 =	vand.u32 $0x7F, v13;
	v62 =	vadd.s32 v3, v21;
	v18 =	vadd.s32 v2, v21  }
0x91: {  	v27 =	vand.u32 $0xFFFFFF80, v22;
	v63 =	vmul.f32 v11, v11;
	v21 =	vand.u32 $0xFFFFFF80, v62;
	v30 =	vld.idx.msk [tilespmem:v24+s16+$0x0], $0xffff  }
0x92: {  	v14 =	vld.idx.msk [tilespmem:v15+s16+$0x0], $0xffff;
	v11 =	vsub.f32 v23, v9;
	v9 =	vand.u32 $0xFFFFFF80, v25;
	v23 =	vand.u32 $0xFFFFFF80, v18  }
0x93: {  	s26 =	simm.s32 $0x100;
	v15 =	vand.u32 $0x7F, v22;
	v25 =	vand.u32 $0x7F, v25;
	v12 =	vsub.f32 v20, v17;
	v17 =	vld [tilespmem:s29+$0xA0]  }
0x94: {  	v24 =	vadd.s32 s26, v21;
	v16 =	vld.idx.msk [tilespmem:v16+s16+$0x0], $0xffff;
	v21 =	vadd.s32 s26, v27;
	v27 =	vadd.s32 s26, v9  }
0x95: {  	v9 =	vadd.f32 v63, v19;
	v19 =	vld [tilespmem:s29+$0x80];
	v22 =	vor.u32 v15, v21;
	v21 =	vor.u32 v25, v27  }
0x96: {  	s28 =	simm.s32 $0x4;
	s23 =	simm.s32 $0x4700;
	v20 =	vadd.s32 s26, v23;
	v23 =	vand.u32 $0x7F, v62;
	v15 =	vsub.f32 v26, v30  }
.LBB2_6:
0x97: {  	s29 =	sadd.s32 $0x80, s28  }
0x98: {  	s30 =	sadd.s32 $0x81, s28;
	v23 =	vor.u32 v23, v24;
	v13 =	vand.u32 $0xFFFFFF80, v13;
	v14 =	vsub.f32 v17, v14;
	s25 =	smov.u32 s28;
	s24 =	sadd.s32 $0x2, s28  }
0x99: {  	p0 =	slt.u32 s28, $0x7E;
	v4 =	vadd.f32 v10, v4;
	v17 =	vmov s29;
	v24 =	vmov s30  }
0x9a: {  	v10 =	vand.u32 $0xFFFFFFFE, v17;
	v17 =	vand.u32 $0x7F, v18;
	v18 =	vld [tilespmem:s23+$0x30];
	v16 =	vsub.f32 v19, v16  }
0x9b: {  	v14 =	vmul.f32 v14, v14;
	v10 =	vbroadcast v10, $0x0;
	v19 =	vld [tilespmem:s23+$0x0];
	v17 =	vor.u32 v17, v20  }
0x9c: {  	v12 =	vmul.f32 v12, v12;
	v15 =	vmul.f32 v15, v15;
	v20 =	vld.idx.msk [tilespmem:v22+s16+$0x0], $0xffff;
	v22 =	vadd.s32 v1, v6  }
0x9d: {  	s26 =	sadd.s32 $0x80, s26;
	v16 =	vmul.f32 v16, v16;
	v23 =	vld.idx.msk [tilespmem:v23+s16+$0x0], $0xffff;
	v25 =	vand.u32 $0xFFFFFF80, v22;
	v22 =	vand.u32 $0x7F, v22  }
0x9e: {  	v26 =	vadd.s32 v0, v6;
	v11 =	vmul.f32 v11, v11;
	v21 =	vld.idx.msk [tilespmem:v21+s16+$0x0], $0xffff;
	v25 =	vadd.s32 s26, v25  }
0x9f: {  	v28 =	vand.u32 $0xFFFFFF80, v26;
	v7 =	vadd.f32 v16, v7;
	v27 =	vld [tilespmem:s23+$0x10];
	v22 =	vor.u32 v22, v25  }
0xa0: {  	v4 =	vadd.f32 v12, v4;
	v16 =	vand.u32 $0x7F, v26;
	v25 =	vadd.s32 v3, v6;
	v6 =	vld.idx.msk [tilespmem:v24+s17+$0x0], $0xffff  }
0xa1: {  	v5 =	vadd.f32 v11, v5;
	v24 =	vand.u32 $0xFFFFFF80, v25;
	v12 =	vld.idx.msk [tilespmem:v10+s17+$0x0], $0xffff;
	v10 =	vadd.s32 s26, v28  }
0xa2: {  	v11 =	vsub.f32 v19, v20;
	v19 =	vand.u32 $0x7F, v25;
	v20 =	vadd.s32 s26, v24;
	v17 =	vld.idx.msk [tilespmem:v17+s16+$0x0], $0xffff  }
0xa3: {  	v13 =	vadd.s32 s26, v13;
	v5 =	vadd.f32 v14, v5;
	v19 =	vor.u32 v19, v20;
	v24 =	vld [tilespmem:s23+$0x20]  }
0xa4: {  	v11 =	vmul.f32 v11, v11;
	v14 =	vsub.f32 v27, v21;
	v20 =	vld.idx.msk [tilespmem:v22+s16+$0x0], $0xffff;
	v21 =	vor.u32 v8, v13  }
0xa5: {  	v9 =	vadd.f32 v15, v9;
	v18 =	vsub.f32 v18, v23;
	v16 =	vor.u32 v16, v10;
	v22 =	vld [tilespmem:s23+$0x90]  }
0xa6: {  	v13 =	vadd.s32 v2, v6;
	v7 =	vadd.f32 v11, v7;
	v10 =	vmul.f32 v14, v14  }
0xa7: {  	v15 =	vadd.s32 v0, v12;
	v25 =	vadd.s32 v1, v12;
	v8 =	vand.u32 $0x7F, v13;
	v26 =	vld [tilespmem:s23+$0xB0]  }
0xa8: {  	v28 =	vmul.f32 v18, v18;
	v23 =	vadd.s32 v3, v12;
	v27 =	vand.u32 $0xFFFFFF80, v15;
	v29 =	vld.idx.msk [tilespmem:v19+s16+$0x0], $0xffff  }
0xa9: {  	v18 =	vadd.s32 v2, v12;
	v19 =	vand.u32 $0xFFFFFF80, v23;
	v11 =	vsub.f32 v24, v17;
	v14 =	vld.idx.msk [tilespmem:v21+s16+$0x0], $0xffff  }
.Ltmp2:
0xaa: {  	s26 =	sshll.u32 s25, $0x7;
	v24 =	vand.u32 $0xFFFFFF80, v18;
	v21 =	vand.u32 $0xFFFFFF80, v25;
	v12 =	vsub.f32 v22, v20;
	v17 =	vld [tilespmem:s23+$0xA0];
	(pc) =	sbr.rel @p0 .LBB2_6-.Ltmp2, $4  }
0xab: {  	v15 =	vand.u32 $0x7F, v15;
	v23 =	vand.u32 $0x7F, v23;
	v20 =	vadd.s32 s26, v24;
	v16 =	vld.idx.msk [tilespmem:v16+s16+$0x0], $0xffff  }
0xac: {  	v25 =	vand.u32 $0x7F, v25;
	v24 =	vadd.s32 s26, v19;
	v19 =	vld [tilespmem:s23+$0x80]  }
0xad: {  	v9 =	vadd.f32 v28, v9;
	v22 =	vadd.s32 s26, v27;
	v21 =	vadd.s32 s26, v21  }
0xae: {  	s28 =	smov.u32 s24;
	v22 =	vor.u32 v15, v22;
	v21 =	vor.u32 v25, v21;
	s23 =	sadd.s32 $0x100, s23;
	v15 =	vsub.f32 v26, v29  }
0xaf: {  	_ = 	snop  }
0xb0: {  	v23 =	vor.u32 v23, v24  }
0xb1: {  	v18 =	vand.u32 $0x7F, v18;
	v24 =	vld [tilespmem:s23+$0x30];
	v25 =	vadd.s32 v1, v6;
	v13 =	vand.u32 $0xFFFFFF80, v13  }
0xb2: {  	v26 =	vld [tilespmem:s23+$0x0];
	s24 =	sadd.s32 $0x80, s26;
	v14 =	vsub.f32 v17, v14;
	v4 =	vadd.f32 v10, v4;
	v18 =	vor.u32 v18, v20  }
0xb3: {  	v22 =	vld.idx.msk [tilespmem:v22+s16+$0x0], $0xffff;
	s31 =	simm.s32 $0x100;
	v20 =	vand.u32 $0xFFFFFF80, v25;
	v25 =	vand.u32 $0x7F, v25;
	v13 =	vadd.s32 s24, v13  }
0xb4: {  	v21 =	vld.idx.msk [tilespmem:v21+s16+$0x0], $0xffff;
	v17 =	vmov s31;
	v20 =	vadd.s32 s24, v20;
	v8 =	vor.u32 v8, v13  }
0xb5: {  	v28 =	vld [tilespmem:s23+$0x10];
	v16 =	vsub.f32 v19, v16;
	v20 =	vor.u32 v25, v20;
	v25 =	vadd.s32 v3, v6  }
0xb6: {  	v29 =	vld [tilespmem:s23+$0x20];
	v17 =	vand.u32 $0xFFFFFFFE, v17;
	v6 =	vadd.s32 v0, v6;
	v27 =	vand.u32 $0xFFFFFF80, v25  }
0xb7: {  	v19 =	vld [tilespmem:s23+$0xA0];
	v25 =	vand.u32 $0x7F, v25;
	v10 =	vmul.f32 v16, v16;
	v27 =	vadd.s32 s24, v27  }
0xb8: {  	v16 =	vbroadcast v17, $0x0;
	v17 =	vld [tilespmem:s23+$0x80];
	v25 =	vor.u32 v25, v27;
	v27 =	vand.u32 $0xFFFFFF80, v6  }
0xb9: {  	v23 =	vld.idx.msk [tilespmem:v23+s16+$0x0], $0xffff;
	v6 =	vand.u32 $0x7F, v6;
	v13 =	vadd.s32 s24, v27  }
0xba: {  	v18 =	vld.idx.msk [tilespmem:v18+s16+$0x0], $0xffff;
	v6 =	vor.u32 v6, v13  }
0xbb: {  	v27 =	vld [tilespmem:s23+$0xB0]  }
0xbc: {  	v8 =	vld.idx.msk [tilespmem:v8+s16+$0x0], $0xffff  }
0xbd: {  	v20 =	vld.idx.msk [tilespmem:v20+s16+$0x0], $0xffff  }
0xbe: {  	v11 =	vmul.f32 v11, v11;
	v13 =	vld [tilespmem:s23+$0x90]  }
0xbf: {  	v12 =	vmul.f32 v12, v12;
	v6 =	vld.idx.msk [tilespmem:v6+s16+$0x0], $0xffff  }
0xc0: {  	v15 =	vmul.f32 v15, v15;
	v5 =	vadd.f32 v11, v5;
	v11 =	vsub.f32 v26, v22;
	v25 =	vld.idx.msk [tilespmem:v25+s16+$0x0], $0xffff;
	_ =	swait.ge [sflag:s14], $0x4000  }
0xc1: {  	v14 =	vmul.f32 v14, v14;
	v4 =	vadd.f32 v12, v4;
	v12 =	vsub.f32 v28, v21;
	[sflag:s14] =	ssyncset.done $0x0  }
0xc2: {  	v9 =	vadd.f32 v15, v9;
	v7 =	vadd.f32 v10, v7;
	v10 =	vmul.f32 v11, v11;
	[sflag:s14] =	ssyncadd.s32 $0xFFFFC000  }
0xc3: {  	v5 =	vadd.f32 v14, v5;
	v12 =	vmul.f32 v12, v12;
	v11 =	vsub.f32 v24, v23;
	[tilespmem:s16], [sflag:$0x2] =	stream.indirect.gather [hbm4b:s3+s10], $0x80, s20, s10, $0xb8;
	[tilespmem:$0x18680] =	vst v63  }
0xc4: {  	v7 =	vadd.f32 v10, v7;
	v14 =	vld.idx.msk [tilespmem:v16+s17+$0x0], $0xffff;
	v6 =	vsub.f32 v17, v6  }
0xc5: {  	v4 =	vadd.f32 v12, v4;
	v10 =	vmul.f32 v11, v11;
	v11 =	vsub.f32 v29, v18  }
0xc6: {  	s25 =	simm.s32 $0x101;
	v8 =	vsub.f32 v19, v8;
	v13 =	vsub.f32 v13, v20;
	v6 =	vmul.f32 v6, v6  }
0xc7: {  	v12 =	vmov s25;
	v9 =	vadd.f32 v10, v9;
	v11 =	vmul.f32 v11, v11  }
0xc8: {  	v8 =	vmul.f32 v8, v8;
	v13 =	vmul.f32 v13, v13;
	v7 =	vadd.f32 v6, v7  }
0xc9: {  	v6 =	vadd.f32 v11, v5;
	v5 =	vadd.s32 v0, v14;
	v11 =	vadd.s32 v3, v14  }
0xca: {  	v15 =	vadd.s32 v1, v14;
	v16 =	vand.u32 $0xFFFFFF80, v5;
	v17 =	vand.u32 $0xFFFFFF80, v11  }
0xcb: {  	s26 =	simm.s32 $0x0;
	v18 =	vand.u32 $0xFFFFFF80, v15;
	v5 =	vand.u32 $0x7F, v5;
	v11 =	vand.u32 $0x7F, v11  }
0xcc: {  	v15 =	vand.u32 $0x7F, v15;
	v16 =	vadd.s32 s26, v16;
	v17 =	vadd.s32 s26, v17  }
0xcd: {  	s25 =	simm.s32 $0x102;
	v12 =	vld.idx.msk [tilespmem:v12+s17+$0x0], $0xffff;
	v18 =	vadd.s32 s26, v18;
	v16 =	vor.u32 v5, v16;
	v11 =	vor.u32 v11, v17  }
0xce: {  	s29 =	simm.s32 $0x8600;
	v5 =	vadd.f32 v13, v4;
	v13 =	vor.u32 v15, v18;
	v15 =	vmov s25  }
0xcf: {  	s30 =	simm.s32 $0x103;
	v10 =	vsub.f32 v27, v25;
	v22 =	vld [tilespmem:s29+$0x10];
	v4 =	vadd.f32 v8, v6;
	v8 =	vand.u32 $0xFFFFFFFE, v15  }
0xd0: {  	v6 =	vadd.s32 v2, v14;
	v14 =	vld [tilespmem:s29+$0x30];
	v17 =	vmov s30;
	v8 =	vbroadcast v8, $0x0  }
0xd1: {  	v10 =	vmul.f32 v10, v10;
	v18 =	vld [tilespmem:s29+$0x0];
	v15 =	vand.u32 $0xFFFFFF80, v6  }
0xd2: {  	v19 =	vadd.s32 v1, v12;
	v6 =	vand.u32 $0x7F, v6;
	v15 =	vadd.s32 s26, v15;
	v16 =	vld.idx.msk [tilespmem:v16+s12+$0x0], $0xffff  }
0xd3: {  	s31 =	simm.s32 $0x80;
	v9 =	vadd.f32 v10, v9;
	v10 =	vor.u32 v6, v15;
	v6 =	vand.u32 $0xFFFFFF80, v19;
	v11 =	vld.idx.msk [tilespmem:v11+s12+$0x0], $0xffff  }
0xd4: {  	v21 =	vadd.s32 v0, v12;
	v19 =	vand.u32 $0x7F, v19;
	v6 =	vadd.s32 s31, v6;
	v13 =	vld.idx.msk [tilespmem:v13+s12+$0x0], $0xffff  }
0xd5: {  	v15 =	vadd.s32 v2, v12;
	v12 =	vadd.s32 v3, v12;
	v19 =	vor.u32 v19, v6;
	v6 =	vld.idx.msk [tilespmem:v17+s17+$0x0], $0xffff  }
0xd6: {  	v23 =	vand.u32 $0xFFFFFF80, v21;
	v17 =	vand.u32 $0x7F, v21;
	v21 =	vld.idx.msk [tilespmem:v8+s17+$0x0], $0xffff;
	v8 =	vand.u32 $0xFFFFFF80, v12  }
0xd7: {  	v20 =	vand.u32 $0x7F, v15;
	v15 =	vand.u32 $0xFFFFFF80, v15;
	v8 =	vadd.s32 s31, v8  }
0xd8: {  	v16 =	vsub.f32 v18, v16;
	v18 =	vadd.s32 s31, v23;
	v23 =	vld.idx.msk [tilespmem:v10+s12+$0x0], $0xffff;
	v10 =	vand.u32 $0x7F, v12  }
0xd9: {  	v15 =	vadd.s32 s31, v15;
	v12 =	vld [tilespmem:s29+$0x20];
	v11 =	vsub.f32 v14, v11;
	v24 =	vor.u32 v10, v8  }
0xda: {  	v15 =	vor.u32 v20, v15;
	v10 =	vsub.f32 v22, v13;
	v8 =	vmul.f32 v16, v16;
	v16 =	vld.idx.msk [tilespmem:v19+s12+$0x0], $0xffff  }
0xdb: {  	v13 =	vadd.s32 v2, v6;
	v19 =	vor.u32 v17, v18;
	v17 =	vld [tilespmem:s29+$0x90];
	v62 =	vmul.f32 v11, v11  }
0xdc: {  	v10 =	vmul.f32 v10, v10;
	v20 =	vadd.s32 v0, v21;
	v22 =	vadd.s32 v1, v21  }
0xdd: {  	v25 =	vld [tilespmem:s29+$0xB0];
	v27 =	vadd.s32 v3, v21;
	v18 =	vadd.s32 v2, v21;
	v7 =	vadd.f32 v8, v7  }
0xde: {  	v8 =	vand.u32 $0x7F, v13;
	v26 =	vand.u32 $0xFFFFFF80, v20;
	v21 =	vand.u32 $0xFFFFFF80, v27;
	v63 =	vld.idx.msk [tilespmem:v24+s12+$0x0], $0xffff  }
0xdf: {  	v14 =	vld.idx.msk [tilespmem:v15+s12+$0x0], $0xffff;
	v30 =	vand.u32 $0xFFFFFF80, v22;
	v15 =	vand.u32 $0x7F, v20;
	v9 =	vadd.f32 v62, v9  }
0xe0: {  	s26 =	simm.s32 $0x100;
	v11 =	vsub.f32 v12, v23;
	v23 =	vand.u32 $0xFFFFFF80, v18;
	v12 =	vsub.f32 v17, v16;
	v17 =	vld [tilespmem:s29+$0xA0]  }
0xe1: {  	v20 =	vadd.s32 s26, v23;
	v23 =	vand.u32 $0x7F, v27;
	v27 =	vand.u32 $0x7F, v22;
	v16 =	vld.idx.msk [tilespmem:v19+s12+$0x0], $0xffff  }
0xe2: {  	v24 =	vadd.s32 s26, v21;
	v21 =	vadd.s32 s26, v26;
	v26 =	vadd.s32 s26, v30;
	v19 =	vld [tilespmem:s29+$0x80]  }
0xe3: {  	s28 =	simm.s32 $0x4;
	s23 =	simm.s32 $0x8700;
	v22 =	vor.u32 v15, v21;
	v21 =	vor.u32 v27, v26;
	v15 =	vsub.f32 v25, v63  }
.LBB2_8:
0xe4: {  	s29 =	sadd.s32 $0x100, s28  }
0xe5: {  	s30 =	sadd.s32 $0x101, s28;
	v23 =	vor.u32 v23, v24;
	v13 =	vand.u32 $0xFFFFFF80, v13;
	v14 =	vsub.f32 v17, v14;
	s25 =	smov.u32 s28;
	s24 =	sadd.s32 $0x2, s28  }
0xe6: {  	p0 =	slt.u32 s28, $0x7E;
	v5 =	vadd.f32 v10, v5;
	v17 =	vmov s29;
	v24 =	vmov s30  }
0xe7: {  	v10 =	vand.u32 $0xFFFFFFFE, v17;
	v17 =	vand.u32 $0x7F, v18;
	v18 =	vld [tilespmem:s23+$0x30];
	v16 =	vsub.f32 v19, v16  }
0xe8: {  	v14 =	vmul.f32 v14, v14;
	v10 =	vbroadcast v10, $0x0;
	v19 =	vld [tilespmem:s23+$0x0];
	v17 =	vor.u32 v17, v20  }
0xe9: {  	v12 =	vmul.f32 v12, v12;
	v15 =	vmul.f32 v15, v15;
	v20 =	vld.idx.msk [tilespmem:v22+s12+$0x0], $0xffff;
	v22 =	vadd.s32 v1, v6  }
0xea: {  	s26 =	sadd.s32 $0x80, s26;
	v16 =	vmul.f32 v16, v16;
	v23 =	vld.idx.msk [tilespmem:v23+s12+$0x0], $0xffff;
	v25 =	vand.u32 $0xFFFFFF80, v22;
	v22 =	vand.u32 $0x7F, v22  }
0xeb: {  	v26 =	vadd.s32 v0, v6;
	v11 =	vmul.f32 v11, v11;
	v21 =	vld.idx.msk [tilespmem:v21+s12+$0x0], $0xffff;
	v25 =	vadd.s32 s26, v25  }
0xec: {  	v28 =	vand.u32 $0xFFFFFF80, v26;
	v7 =	vadd.f32 v16, v7;
	v27 =	vld [tilespmem:s23+$0x10];
	v22 =	vor.u32 v22, v25  }
0xed: {  	v5 =	vadd.f32 v12, v5;
	v16 =	vand.u32 $0x7F, v26;
	v25 =	vadd.s32 v3, v6;
	v6 =	vld.idx.msk [tilespmem:v24+s17+$0x0], $0xffff  }
0xee: {  	v4 =	vadd.f32 v11, v4;
	v24 =	vand.u32 $0xFFFFFF80, v25;
	v12 =	vld.idx.msk [tilespmem:v10+s17+$0x0], $0xffff;
	v10 =	vadd.s32 s26, v28  }
0xef: {  	v11 =	vsub.f32 v19, v20;
	v19 =	vand.u32 $0x7F, v25;
	v20 =	vadd.s32 s26, v24;
	v17 =	vld.idx.msk [tilespmem:v17+s12+$0x0], $0xffff  }
0xf0: {  	v13 =	vadd.s32 s26, v13;
	v4 =	vadd.f32 v14, v4;
	v19 =	vor.u32 v19, v20;
	v24 =	vld [tilespmem:s23+$0x20]  }
0xf1: {  	v11 =	vmul.f32 v11, v11;
	v14 =	vsub.f32 v27, v21;
	v20 =	vld.idx.msk [tilespmem:v22+s12+$0x0], $0xffff;
	v21 =	vor.u32 v8, v13  }
0xf2: {  	v9 =	vadd.f32 v15, v9;
	v18 =	vsub.f32 v18, v23;
	v16 =	vor.u32 v16, v10;
	v22 =	vld [tilespmem:s23+$0x90]  }
0xf3: {  	v13 =	vadd.s32 v2, v6;
	v7 =	vadd.f32 v11, v7;
	v10 =	vmul.f32 v14, v14  }
0xf4: {  	v15 =	vadd.s32 v0, v12;
	v25 =	vadd.s32 v1, v12;
	v8 =	vand.u32 $0x7F, v13;
	v26 =	vld [tilespmem:s23+$0xB0]  }
0xf5: {  	v28 =	vmul.f32 v18, v18;
	v23 =	vadd.s32 v3, v12;
	v27 =	vand.u32 $0xFFFFFF80, v15;
	v29 =	vld.idx.msk [tilespmem:v19+s12+$0x0], $0xffff  }
0xf6: {  	v18 =	vadd.s32 v2, v12;
	v19 =	vand.u32 $0xFFFFFF80, v23;
	v11 =	vsub.f32 v24, v17;
	v14 =	vld.idx.msk [tilespmem:v21+s12+$0x0], $0xffff  }
.Ltmp3:
0xf7: {  	s26 =	sshll.u32 s25, $0x7;
	v24 =	vand.u32 $0xFFFFFF80, v18;
	v21 =	vand.u32 $0xFFFFFF80, v25;
	v12 =	vsub.f32 v22, v20;
	v17 =	vld [tilespmem:s23+$0xA0];
	(pc) =	sbr.rel @p0 .LBB2_8-.Ltmp3, $4  }
0xf8: {  	v15 =	vand.u32 $0x7F, v15;
	v23 =	vand.u32 $0x7F, v23;
	v20 =	vadd.s32 s26, v24;
	v16 =	vld.idx.msk [tilespmem:v16+s12+$0x0], $0xffff  }
0xf9: {  	v25 =	vand.u32 $0x7F, v25;
	v24 =	vadd.s32 s26, v19;
	v19 =	vld [tilespmem:s23+$0x80]  }
0xfa: {  	v9 =	vadd.f32 v28, v9;
	v22 =	vadd.s32 s26, v27;
	v21 =	vadd.s32 s26, v21  }
0xfb: {  	s28 =	smov.u32 s24;
	v22 =	vor.u32 v15, v22;
	v21 =	vor.u32 v25, v21;
	s23 =	sadd.s32 $0x100, s23;
	v15 =	vsub.f32 v26, v29  }
0xfc: {  	_ = 	snop  }
0xfd: {  	v23 =	vor.u32 v23, v24  }
0xfe: {  	v18 =	vand.u32 $0x7F, v18;
	v24 =	vld [tilespmem:s23+$0x30];
	v25 =	vadd.s32 v1, v6;
	v13 =	vand.u32 $0xFFFFFF80, v13  }
0xff: {  	v26 =	vld [tilespmem:s23+$0x0];
	s24 =	sadd.s32 $0x80, s26;
	v14 =	vsub.f32 v17, v14;
	v11 =	vmul.f32 v11, v11;
	v5 =	vadd.f32 v10, v5  }
0x100: {  	v22 =	vld.idx.msk [tilespmem:v22+s12+$0x0], $0xffff;
	v18 =	vor.u32 v18, v20;
	v20 =	vand.u32 $0xFFFFFF80, v25;
	v13 =	vadd.s32 s24, v13  }
0x101: {  	v21 =	vld.idx.msk [tilespmem:v21+s12+$0x0], $0xffff;
	s31 =	simm.s32 $0x180;
	v25 =	vand.u32 $0x7F, v25;
	v20 =	vadd.s32 s24, v20;
	v8 =	vor.u32 v8, v13  }
0x102: {  	v28 =	vld [tilespmem:s23+$0x10];
	v16 =	vsub.f32 v19, v16;
	v19 =	vmov s31;
	v20 =	vor.u32 v25, v20  }
0x103: {  	v61 =	vld [tilespmem:s23+$0x20];
	v25 =	vadd.s32 v3, v6;
	v6 =	vadd.s32 v0, v6;
	v19 =	vand.u32 $0xFFFFFFFE, v19  }
0x104: {  	v27 =	vand.u32 $0xFFFFFF80, v25;
	v10 =	vmul.f32 v16, v16;
	v16 =	vbroadcast v19, $0x0;
	v19 =	vld [tilespmem:s23+$0x80]  }
0x105: {  	v25 =	vand.u32 $0x7F, v25;
	v29 =	vand.u32 $0xFFFFFF80, v6;
	v23 =	vld.idx.msk [tilespmem:v23+s12+$0x0], $0xffff;
	v27 =	vadd.s32 s24, v27  }
0x106: {  	v6 =	vand.u32 $0x7F, v6;
	v18 =	vld.idx.msk [tilespmem:v18+s12+$0x0], $0xffff;
	v25 =	vor.u32 v25, v27;
	v27 =	vadd.s32 s24, v29  }
0x107: {  	v7 =	vadd.f32 v10, v7;
	v10 =	vld [tilespmem:s23+$0xA0];
	v6 =	vor.u32 v6, v27  }
0x108: {  	v14 =	vmul.f32 v14, v14;
	v4 =	vadd.f32 v11, v4;
	v27 =	vld [tilespmem:s23+$0xB0]  }
0x109: {  	v8 =	vld.idx.msk [tilespmem:v8+s12+$0x0], $0xffff  }
0x10a: {  	v4 =	vadd.f32 v14, v4;
	v13 =	vld.idx.msk [tilespmem:v20+s12+$0x0], $0xffff  }
0x10b: {  	v12 =	vmul.f32 v12, v12;
	v11 =	vsub.f32 v26, v22;
	v14 =	vsub.f32 v28, v21;
	v20 =	vld [tilespmem:s23+$0x90]  }
0x10c: {  	v15 =	vmul.f32 v15, v15;
	v6 =	vld.idx.msk [tilespmem:v6+s12+$0x0], $0xffff  }
0x10d: {  	v5 =	vadd.f32 v12, v5;
	v11 =	vmul.f32 v11, v11;
	v14 =	vmul.f32 v14, v14;
	v17 =	vld.idx.msk [tilespmem:v25+s12+$0x0], $0xffff;
	_ =	swait.ge [sflag:s18], $0x4000  }
0x10e: {  	v9 =	vadd.f32 v15, v9;
	v12 =	vsub.f32 v24, v23;
	[sflag:s18] =	ssyncset.done $0x0  }
0x10f: {  	v7 =	vadd.f32 v11, v7;
	v5 =	vadd.f32 v14, v5;
	[sflag:s18] =	ssyncadd.s32 $0xFFFFC000  }
0x110: {  	v11 =	vmul.f32 v12, v12;
	v12 =	vsub.f32 v61, v18;
	v13 =	vsub.f32 v20, v13;
	v15 =	vld.idx.msk [tilespmem:v16+s17+$0x0], $0xffff  }
0x111: {  	v8 =	vsub.f32 v10, v8;
	v6 =	vsub.f32 v19, v6  }
0x112: {  	s25 =	simm.s32 $0x181;
	v9 =	vadd.f32 v11, v9;
	v11 =	vmul.f32 v12, v12;
	v13 =	vmul.f32 v13, v13  }
0x113: {  	v12 =	vmov s25;
	v10 =	vsub.f32 v27, v17;
	v6 =	vmul.f32 v6, v6  }
0x114: {  	v8 =	vmul.f32 v8, v8;
	v4 =	vadd.f32 v11, v4;
	v5 =	vadd.f32 v13, v5  }
0x115: {  	v11 =	vadd.s32 v3, v15;
	v7 =	vadd.f32 v6, v7;
	v6 =	vadd.s32 v0, v15  }
0x116: {  	s26 =	simm.s32 $0x0;
	v14 =	vadd.s32 v1, v15;
	v17 =	vand.u32 $0xFFFFFF80, v11;
	v16 =	vand.u32 $0xFFFFFF80, v6  }
0x117: {  	v18 =	vand.u32 $0xFFFFFF80, v14;
	v6 =	vand.u32 $0x7F, v6;
	v16 =	vadd.s32 s26, v16  }
0x118: {  	v12 =	vld.idx.msk [tilespmem:v12+s17+$0x0], $0xffff;
	v11 =	vand.u32 $0x7F, v11;
	v17 =	vadd.s32 s26, v17;
	v6 =	vor.u32 v6, v16  }
0x119: {  	s25 =	simm.s32 $0x182;
	v14 =	vand.u32 $0x7F, v14;
	v11 =	vor.u32 v11, v17;
	v16 =	vadd.s32 s26, v18  }
0x11a: {  	s29 =	simm.s32 $0xC600;
	v10 =	vmul.f32 v10, v10;
	v13 =	vor.u32 v14, v16;
	v14 =	vmov s25  }
0x11b: {  	s30 =	simm.s32 $0x183;
	v22 =	vld [tilespmem:s29+$0x10];
	v4 =	vadd.f32 v8, v4;
	v8 =	vadd.s32 v2, v15;
	v14 =	vand.u32 $0xFFFFFFFE, v14  }
0x11c: {  	v17 =	vmov s30;
	v18 =	vld [tilespmem:s29+$0x0];
	v16 =	vand.u32 $0xFFFFFF80, v8;
	v14 =	vbroadcast v14, $0x0  }
0x11d: {  	v8 =	vand.u32 $0x7F, v8;
	v16 =	vadd.s32 s26, v16;
	v19 =	vld.idx.msk [tilespmem:v6+s16+$0x0], $0xffff;
	v6 =	vadd.s32 v1, v12  }
0x11e: {  	s31 =	simm.s32 $0x80;
	v9 =	vadd.f32 v10, v9;
	v8 =	vor.u32 v8, v16;
	v10 =	vld.idx.msk [tilespmem:v11+s16+$0x0], $0xffff;
	v11 =	vand.u32 $0xFFFFFF80, v6  }
0x11f: {  	v15 =	vld [tilespmem:s29+$0x30];
	v21 =	vadd.s32 v0, v12;
	v6 =	vand.u32 $0x7F, v6;
	v11 =	vadd.s32 s31, v11  }
0x120: {  	v23 =	vand.u32 $0xFFFFFF80, v21;
	v16 =	vadd.s32 v2, v12;
	v13 =	vld.idx.msk [tilespmem:v13+s16+$0x0], $0xffff;
	v11 =	vor.u32 v6, v11  }
0x121: {  	v20 =	vand.u32 $0x7F, v16;
	v16 =	vand.u32 $0xFFFFFF80, v16;
	v12 =	vadd.s32 v3, v12;
	v6 =	vld.idx.msk [tilespmem:v17+s17+$0x0], $0xffff  }
0x122: {  	v17 =	vand.u32 $0x7F, v21;
	v21 =	vand.u32 $0xFFFFFF80, v12;
	v14 =	vld.idx.msk [tilespmem:v14+s17+$0x0], $0xffff;
	v18 =	vsub.f32 v18, v19  }
0x123: {  	v19 =	vadd.s32 s31, v23;
	v23 =	vld.idx.msk [tilespmem:v8+s16+$0x0], $0xffff;
	v8 =	vand.u32 $0x7F, v12;
	v12 =	vadd.s32 s31, v21  }
0x124: {  	v16 =	vadd.s32 s31, v16;
	v21 =	vld [tilespmem:s29+$0x20];
	v12 =	vor.u32 v8, v12;
	v8 =	vmul.f32 v18, v18  }
0x125: {  	v16 =	vor.u32 v20, v16;
	v18 =	vsub.f32 v22, v13;
	v22 =	vld.idx.msk [tilespmem:v11+s16+$0x0], $0xffff;
	v11 =	vsub.f32 v15, v10  }
0x126: {  	v15 =	vor.u32 v17, v19;
	v13 =	vadd.s32 v2, v6;
	v7 =	vadd.f32 v8, v7  }
0x127: {  	v17 =	vld [tilespmem:s29+$0x90];
	v10 =	vmul.f32 v18, v18;
	v19 =	vadd.s32 v0, v14;
	v24 =	vadd.s32 v1, v14  }
0x128: {  	v25 =	vld [tilespmem:s29+$0xB0];
	v8 =	vand.u32 $0x7F, v13;
	v27 =	vadd.s32 v3, v14;
	v18 =	vadd.s32 v2, v14  }
0x129: {  	v26 =	vand.u32 $0xFFFFFF80, v19;
	v62 =	vmul.f32 v11, v11;
	v30 =	vand.u32 $0xFFFFFF80, v27;
	v63 =	vld.idx.msk [tilespmem:v12+s16+$0x0], $0xffff  }
0x12a: {  	s26 =	simm.s32 $0x100;
	v14 =	vld.idx.msk [tilespmem:v16+s16+$0x0], $0xffff;
	v11 =	vsub.f32 v21, v23;
	v21 =	vand.u32 $0xFFFFFF80, v24;
	v20 =	vand.u32 $0xFFFFFF80, v18  }
0x12b: {  	v16 =	vld [tilespmem:s29+$0xA0];
	v23 =	vand.u32 $0x7F, v27;
	v27 =	vand.u32 $0x7F, v24;
	v20 =	vadd.s32 s26, v20  }
0x12c: {  	v24 =	vadd.s32 s26, v30;
	v21 =	vadd.s32 s26, v21;
	v12 =	vsub.f32 v17, v22;
	v17 =	vld.idx.msk [tilespmem:v15+s16+$0x0], $0xffff  }
0x12d: {  	v9 =	vadd.f32 v62, v9;
	v22 =	vand.u32 $0x7F, v19;
	v15 =	vadd.s32 s26, v26;
	v19 =	vld [tilespmem:s29+$0x80]  }
0x12e: {  	s28 =	simm.s32 $0x4;
	s23 =	simm.s32 $0xC700;
	v21 =	vor.u32 v27, v21;
	v22 =	vor.u32 v22, v15;
	v15 =	vsub.f32 v25, v63  }
.LBB2_10:
0x12f: {  	s29 =	sadd.s32 $0x180, s28  }
0x130: {  	s30 =	sadd.s32 $0x181, s28;
	v23 =	vor.u32 v23, v24;
	v13 =	vand.u32 $0xFFFFFF80, v13;
	v14 =	vsub.f32 v16, v14;
	s25 =	smov.u32 s28;
	s24 =	sadd.s32 $0x2, s28  }
0x131: {  	p0 =	slt.u32 s28, $0x7E;
	v5 =	vadd.f32 v10, v5;
	v16 =	vmov s29;
	v24 =	vmov s30  }
0x132: {  	v10 =	vand.u32 $0xFFFFFFFE, v16;
	v16 =	vand.u32 $0x7F, v18;
	v18 =	vld [tilespmem:s23+$0x30];
	v17 =	vsub.f32 v19, v17  }
0x133: {  	v14 =	vmul.f32 v14, v14;
	v10 =	vbroadcast v10, $0x0;
	v19 =	vld [tilespmem:s23+$0x0];
	v16 =	vor.u32 v16, v20  }
0x134: {  	v12 =	vmul.f32 v12, v12;
	v15 =	vmul.f32 v15, v15;
	v20 =	vld.idx.msk [tilespmem:v22+s16+$0x0], $0xffff;
	v22 =	vadd.s32 v1, v6  }
0x135: {  	s26 =	sadd.s32 $0x80, s26;
	v17 =	vmul.f32 v17, v17;
	v23 =	vld.idx.msk [tilespmem:v23+s16+$0x0], $0xffff;
	v25 =	vand.u32 $0xFFFFFF80, v22;
	v22 =	vand.u32 $0x7F, v22  }
0x136: {  	v26 =	vadd.s32 v0, v6;
	v11 =	vmul.f32 v11, v11;
	v21 =	vld.idx.msk [tilespmem:v21+s16+$0x0], $0xffff;
	v25 =	vadd.s32 s26, v25  }
0x137: {  	v28 =	vand.u32 $0xFFFFFF80, v26;
	v7 =	vadd.f32 v17, v7;
	v27 =	vld [tilespmem:s23+$0x10];
	v22 =	vor.u32 v22, v25  }
0x138: {  	v5 =	vadd.f32 v12, v5;
	v17 =	vand.u32 $0x7F, v26;
	v25 =	vadd.s32 v3, v6;
	v6 =	vld.idx.msk [tilespmem:v24+s17+$0x0], $0xffff  }
0x139: {  	v4 =	vadd.f32 v11, v4;
	v24 =	vand.u32 $0xFFFFFF80, v25;
	v12 =	vld.idx.msk [tilespmem:v10+s17+$0x0], $0xffff;
	v10 =	vadd.s32 s26, v28  }
0x13a: {  	v11 =	vsub.f32 v19, v20;
	v19 =	vand.u32 $0x7F, v25;
	v20 =	vadd.s32 s26, v24;
	v16 =	vld.idx.msk [tilespmem:v16+s16+$0x0], $0xffff  }
0x13b: {  	v13 =	vadd.s32 s26, v13;
	v4 =	vadd.f32 v14, v4;
	v19 =	vor.u32 v19, v20;
	v24 =	vld [tilespmem:s23+$0x20]  }
0x13c: {  	v11 =	vmul.f32 v11, v11;
	v14 =	vsub.f32 v27, v21;
	v20 =	vld.idx.msk [tilespmem:v22+s16+$0x0], $0xffff;
	v21 =	vor.u32 v8, v13  }
0x13d: {  	v9 =	vadd.f32 v15, v9;
	v18 =	vsub.f32 v18, v23;
	v17 =	vor.u32 v17, v10;
	v22 =	vld [tilespmem:s23+$0x90]  }
0x13e: {  	v13 =	vadd.s32 v2, v6;
	v7 =	vadd.f32 v11, v7;
	v10 =	vmul.f32 v14, v14  }
0x13f: {  	v15 =	vadd.s32 v0, v12;
	v25 =	vadd.s32 v1, v12;
	v8 =	vand.u32 $0x7F, v13;
	v26 =	vld [tilespmem:s23+$0xB0]  }
0x140: {  	v28 =	vmul.f32 v18, v18;
	v23 =	vadd.s32 v3, v12;
	v27 =	vand.u32 $0xFFFFFF80, v15;
	v29 =	vld.idx.msk [tilespmem:v19+s16+$0x0], $0xffff  }
0x141: {  	v18 =	vadd.s32 v2, v12;
	v19 =	vand.u32 $0xFFFFFF80, v23;
	v11 =	vsub.f32 v24, v16;
	v14 =	vld.idx.msk [tilespmem:v21+s16+$0x0], $0xffff  }
.Ltmp4:
0x142: {  	s26 =	sshll.u32 s25, $0x7;
	v24 =	vand.u32 $0xFFFFFF80, v18;
	v21 =	vand.u32 $0xFFFFFF80, v25;
	v12 =	vsub.f32 v22, v20;
	v16 =	vld [tilespmem:s23+$0xA0];
	(pc) =	sbr.rel @p0 .LBB2_10-.Ltmp4, $4  }
0x143: {  	v15 =	vand.u32 $0x7F, v15;
	v23 =	vand.u32 $0x7F, v23;
	v20 =	vadd.s32 s26, v24;
	v17 =	vld.idx.msk [tilespmem:v17+s16+$0x0], $0xffff  }
0x144: {  	v25 =	vand.u32 $0x7F, v25;
	v24 =	vadd.s32 s26, v19;
	v19 =	vld [tilespmem:s23+$0x80]  }
0x145: {  	v9 =	vadd.f32 v28, v9;
	v22 =	vadd.s32 s26, v27;
	v21 =	vadd.s32 s26, v21  }
0x146: {  	s28 =	smov.u32 s24;
	v22 =	vor.u32 v15, v22;
	v21 =	vor.u32 v25, v21;
	s23 =	sadd.s32 $0x100, s23;
	v15 =	vsub.f32 v26, v29  }
0x147: {  	_ =	sdelay $0x1  }
0x148: {  	v37 =	vld [tilespmem:s23+$0x30]  }
0x149: {  	v26 =	vld [tilespmem:s23+$0x0]  }
0x14a: {  	v22 =	vld.idx.msk [tilespmem:v22+s16+$0x0], $0xffff  }
0x14b: {  	v18 =	vand.u32 $0x7F, v18;
	v25 =	vadd.s32 v1, v6;
	v21 =	vld.idx.msk [tilespmem:v21+s16+$0x0], $0xffff  }
0x14c: {  	s24 =	sadd.s32 $0x80, s26;
	v27 =	vadd.s32 v0, v6;
	v41 =	vld [tilespmem:s23+$0x10];
	v18 =	vor.u32 v18, v20;
	v38 =	vand.u32 $0xFFFFFF80, v25  }
0x14d: {  	v43 =	vld [tilespmem:s23+$0x20];
	v25 =	vand.u32 $0x7F, v25;
	v28 =	vand.u32 $0xFFFFFF80, v27;
	v20 =	vadd.s32 s24, v38  }
0x14e: {  	v45 =	vld [tilespmem:s23+$0x90];
	v39 =	vand.u32 $0x7F, v27;
	v40 =	vadd.s32 s24, v28;
	v20 =	vor.u32 v25, v20  }
0x14f: {  	v13 =	vand.u32 $0xFFFFFF80, v13;
	v42 =	vadd.s32 v3, v6;
	v49 =	vld [tilespmem:s23+$0x80];
	v25 =	vor.u32 v39, v40  }
0x150: {  	v23 =	vor.u32 v23, v24;
	v50 =	vld [tilespmem:s23+$0xA0];
	v13 =	vadd.s32 s24, v13;
	v44 =	vand.u32 $0xFFFFFF80, v42  }
0x151: {  	v53 =	vld [tilespmem:s23+$0xB0];
	v6 =	vand.u32 $0x7F, v42;
	v8 =	vor.u32 v8, v13;
	v13 =	vadd.s32 s24, v44  }
0x152: {  	v14 =	vsub.f32 v16, v14;
	v17 =	vsub.f32 v19, v17;
	v6 =	vor.u32 v6, v13;
	v18 =	vld.idx.msk [tilespmem:v18+s16+$0x0], $0xffff  }
0x153: {  	v11 =	vmul.f32 v11, v11;
	v5 =	vadd.f32 v10, v5;
	v47 =	vmul.f32 v12, v12;
	v20 =	vld.idx.msk [tilespmem:v20+s16+$0x0], $0xffff  }
0x154: {  	v51 =	vmul.f32 v15, v15;
	v48 =	vmul.f32 v17, v17;
	v52 =	vsub.f32 v26, v22;
	v46 =	vld.idx.msk [tilespmem:v25+s16+$0x0], $0xffff  }
0x155: {  	v14 =	vmul.f32 v14, v14;
	v4 =	vadd.f32 v11, v4;
	v5 =	vadd.f32 v47, v5;
	v23 =	vld.idx.msk [tilespmem:v23+s16+$0x0], $0xffff  }
0x156: {  	v54 =	vsub.f32 v41, v21;
	v7 =	vadd.f32 v48, v7;
	v8 =	vld.idx.msk [tilespmem:v8+s16+$0x0], $0xffff;
	v12 =	vmul.f32 v52, v52  }
0x157: {  	v9 =	vadd.f32 v51, v9;
	v4 =	vadd.f32 v14, v4;
	v6 =	vld.idx.msk [tilespmem:v6+s16+$0x0], $0xffff  }
0x158: {  	v57 =	vmul.f32 v54, v54;
	v7 =	vadd.f32 v12, v7;
	v58 =	vsub.f32 v43, v18  }
0x159: {  	v56 =	vsub.f32 v49, v46;
	v59 =	vsub.f32 v45, v20  }
0x15a: {  	v5 =	vadd.f32 v57, v5;
	v55 =	vsub.f32 v37, v23;
	v62 =	vmul.f32 v58, v58  }
0x15b: {  	v8 =	vsub.f32 v50, v8;
	v60 =	vmul.f32 v56, v56;
	v61 =	vmul.f32 v59, v59  }
0x15c: {  	v63 =	vmul.f32 v55, v55;
	v6 =	vsub.f32 v53, v6;
	v4 =	vadd.f32 v62, v4  }
0x15d: {  	v8 =	vmul.f32 v8, v8;
	v7 =	vadd.f32 v60, v7;
	v5 =	vadd.f32 v61, v5  }
0x15e: {  	v9 =	vadd.f32 v63, v9  }
0x15f: {  	v6 =	vmul.f32 v6, v6;
	v4 =	vadd.f32 v8, v4;
	v5 =	vadd.f32 v5, v7;
	_ =	sdelay $0x1  }
0x160: {  	v6 =	vadd.f32 v6, v9;
	v4 =	vadd.f32 v4, v5;
	_ =	sdelay $0x1  }
0x161: {  	s22 =	sadd.s32 $0x1, s22;
	v4 =	vadd.f32 v6, v4  }
0x162: {  	p0 =	sne.s32 s22, s7  }
.Ltmp5:
0x163: {  	[tilespmem:$0x18600] =	vst v4;
	(pc) =	sbr.rel @p0 .LBB2_1-.Ltmp5, $4  }
0x164: {  	[hbm4b:s6+s2] =	stream.linear.scatter [tilespmem:s21], [sflag:$0x4], $0x80, $0x38;
	[tilespmem:$0x18680] =	vst v63  }
0x165: {  	_ =	swait.ge [sflag:s9], $0x80  }
0x166: {  	[sflag:s9] =	ssyncset.done $0x0  }
0x167: {  	[sflag:s9] =	ssyncadd.s32 $0xFFFFFF80  }
0x168: {  	_ =	sfence.sel $0x180000  }
0x169: {  	[bflag:$0x0] =	sbarrier.arrive $0xFFFF  }
0x16a: {  	p0 =	sne.s32 s1, $0x0;
	_ =	strace $0x9000004A  }
0x16b: {  	s0 =	sadd.s32 @!p0 $0x100000, s0;
	[bflag:$0x2] =	sbarrier.arrive $0xFFFF  }
0x16c: {  	[sflag:s0] =	ssyncadd.tile.s32 @!p0 $0x1;
	_ =	shalt  }
.Lfunc_end2:
_tile_overlayer_lowered:
.L_overlay_start_2:
0x16d: {  	(tag) =	ssettag $0x2  }
0x16e: {  	s0 =	rddreg [dreg:$0x0];
	s2 =	stileid.u32  }
0x16f: {  	s1 =	rddreg [dreg:$0x1];
	p0 =	sne.s32 s2, $0x0  }
0x170: {  	s3 =	rddreg [dreg:$0x2];
	[bflag:$0x3] =	sbarrier.arrive $0xFFFF;
	s2 =	simm.s32 @!p0 $0x1C04  }
0x171: {  	[timem:s3], [sflag:s2] =	dma.local @!p0 [hbm:s0], s1  }
0x172: {  	s0 =	simm.s32 @!p0 $0x4  }
0x173: {  	_ =	swait.ge @!p0 [sflag:s0], s1  }
0x174: {  	s1 =	ssub.s32 @!p0 $0x0, s1;
	[sflag:s0] =	ssyncset.done @!p0 $0x0  }
0x175: {  	[sflag:s0] =	ssyncadd.s32 @!p0 s1  }
0x176: {  	[bflag:$0x3] =	sbarrier.arrive $0xFFFF  }
0x177: {  	_ =	shalt  }

</sc_bundles>
